<compile_context>
chip_gen: v7x
topology: tpu7x:2x2x1
jax: 0.10.2.dev20260603
libtpu: 0.0.44.dev20260713+nightly
codegen_flags: <defaults>
</compile_context>

<pallas_src>
import functools

import jax
import jax.numpy as jnp
from jax import lax
from jax.experimental import pallas as pl
from jax.experimental.pallas import tpu as pltpu
from jax.experimental.pallas import tpu_sc as plsc

N_NODES = 10000
NPAD = 10112
ROWS_PER_SUB = NPAD // 16
N_EDGES = 320000
NW = 32
CHUNK = 128
NCH = 80
NE_PAD = NW * NCH * CHUNK
PAD_DST = 10008
RSW = 16
BATCH = 4096

_mesh = plsc.VectorSubcoreMesh(core_axis_name="c", subcore_axis_name="s")
_sc_params = pltpu.CompilerParams(use_tc_tiling_on_sc=False)


def _worker_id():
    return lax.axis_index("c") * 16 + lax.axis_index("s")


@functools.partial(
    pl.kernel,
    out_type=jax.ShapeDtypeStruct((2, NPAD, RSW), jnp.float32),
    mesh=_mesh,
    compiler_params=_sc_params,
    scratch_types=[
        pltpu.VMEM((NCH, CHUNK), jnp.int32),
        pltpu.VMEM((CHUNK, RSW), jnp.float32),
        pltpu.VMEM_SHARED((NPAD, RSW), jnp.float32),
    ],
)
def _deg_kernel(dst_hbm, ones_hbm, zeros_hbm, out_hbm, idx_v, ones_v, acc):
    c = lax.axis_index("c")
    s = lax.axis_index("s")
    w = c * 16 + s
    pltpu.sync_copy(zeros_hbm, acc.at[pl.ds(s * ROWS_PER_SUB, ROWS_PER_SUB)])
    pltpu.sync_copy(ones_hbm, ones_v)
    pltpu.sync_copy(dst_hbm.at[w], idx_v)
    plsc.subcore_barrier()

    def step(j, carry):
        pltpu.sync_copy(ones_v, acc.at[idx_v.at[j]], add=True)
        return carry

    lax.fori_loop(0, NCH, step, 0)
    plsc.subcore_barrier()
    r0 = s * ROWS_PER_SUB
    pltpu.sync_copy(acc.at[pl.ds(r0, ROWS_PER_SUB)],
                    out_hbm.at[c, pl.ds(r0, ROWS_PER_SUB)])


NBUF = 8


def _make_agg_kernel(feat):
    @functools.partial(
        pl.kernel,
        out_type=jax.ShapeDtypeStruct((2, NPAD, feat), jnp.float32),
        mesh=_mesh,
        compiler_params=_sc_params,
        scratch_types=[
            pltpu.VMEM((NCH, CHUNK), jnp.int32),
            pltpu.VMEM((NCH, CHUNK), jnp.int32),
            [pltpu.VMEM((CHUNK, feat), jnp.float32) for _ in range(NBUF)],
            pltpu.VMEM_SHARED((NPAD, feat), jnp.float32),
            [pltpu.SemaphoreType.DMA for _ in range(NBUF)],
            [pltpu.SemaphoreType.DMA for _ in range(NBUF)],
        ],
    )
    def _agg(src_hbm, dst_hbm, g_hbm, zeros_hbm, out_hbm,
             srcv, dstv, rows, acc, gsem, ssem):
        c = lax.axis_index("c")
        s = lax.axis_index("s")
        w = c * 16 + s
        pltpu.sync_copy(zeros_hbm, acc.at[pl.ds(s * ROWS_PER_SUB, ROWS_PER_SUB)])
        pltpu.sync_copy(src_hbm.at[w], srcv)
        pltpu.sync_copy(dst_hbm.at[w], dstv)
        plsc.subcore_barrier()

        for k in range(NBUF):
            pltpu.async_copy(g_hbm.at[srcv.at[k]], rows[k], gsem[k])

        def step(j, carry):
            c0 = j * NBUF
            for k in range(NBUF):
                pltpu.make_async_copy(g_hbm.at[srcv.at[0]], rows[k], gsem[k]).wait()
                pltpu.async_copy(rows[k], acc.at[dstv.at[c0 + k]], ssem[k],
                                 add=True)
            for k in range(NBUF):
                pltpu.make_async_copy(rows[k], acc.at[dstv.at[0]], ssem[k]).wait()
                pltpu.async_copy(g_hbm.at[srcv.at[c0 + NBUF + k]], rows[k],
                                 gsem[k])
            return carry

        lax.fori_loop(0, NCH // NBUF - 1, step, 0)
        c0 = NCH - NBUF
        for k in range(NBUF):
            pltpu.make_async_copy(g_hbm.at[srcv.at[0]], rows[k], gsem[k]).wait()
            pltpu.async_copy(rows[k], acc.at[dstv.at[c0 + k]], ssem[k], add=True)
        for k in range(NBUF):
            pltpu.make_async_copy(rows[k], acc.at[dstv.at[0]], ssem[k]).wait()
        plsc.subcore_barrier()
        r0 = s * ROWS_PER_SUB
        pltpu.sync_copy(acc.at[pl.ds(r0, ROWS_PER_SUB)],
                        out_hbm.at[c, pl.ds(r0, ROWS_PER_SUB)])

    return _agg


_agg64 = _make_agg_kernel(64)
_agg32 = _make_agg_kernel(32)


PBATCH = 2 * BATCH
PW = PBATCH // NW
PCH = PW // CHUNK
P2CH = 2 * PCH


@functools.partial(
    pl.kernel,
    out_type=[
        jax.ShapeDtypeStruct((2 * PBATCH, 32), jnp.float32),
        jax.ShapeDtypeStruct((PBATCH, 32), jnp.float32),
        jax.ShapeDtypeStruct((PBATCH, RSW), jnp.float32),
    ],
    mesh=_mesh,
    compiler_params=_sc_params,
    scratch_types=[
        pltpu.VMEM((P2CH, CHUNK), jnp.int32),
        pltpu.VMEM((PCH, CHUNK), jnp.int32),
        pltpu.VMEM((CHUNK, 32), jnp.float32),
        pltpu.VMEM((CHUNK, 32), jnp.float32),
        pltpu.VMEM((CHUNK, RSW), jnp.float32),
        pltpu.SemaphoreType.DMA,
    ],
)
def _pair_gather(pc2_hbm, pc_hbm, t2_hbm, g2_hbm, rs_hbm,
                 gt_out, gg2_out, grs_out, idx4, idx2, bt, bg, br, sem):
    w = _worker_id()
    pltpu.sync_copy(pc2_hbm.at[w], idx4)
    pltpu.sync_copy(pc_hbm.at[w], idx2)
    for j in range(P2CH):
        pltpu.async_copy(t2_hbm.at[idx4.at[j]], bt, sem).wait()
        base = w * (P2CH * CHUNK) + j * CHUNK
        pltpu.sync_copy(bt, gt_out.at[pl.ds(base, CHUNK)])
    for j in range(PCH):
        base = w * (PCH * CHUNK) + j * CHUNK
        pltpu.async_copy(g2_hbm.at[idx2.at[j]], bg, sem).wait()
        pltpu.sync_copy(bg, gg2_out.at[pl.ds(base, CHUNK)])
        pltpu.async_copy(rs_hbm.at[idx2.at[j]], br, sem).wait()
        pltpu.sync_copy(br, grs_out.at[pl.ds(base, CHUNK)])


_BLK = 1024
_GRID = (NPAD + _BLK - 1) // _BLK


def _mm1_body(x_ref, w_ref, cnt_ref, g1_ref, rs_ref):
    rs = lax.rsqrt(1.0 + cnt_ref[0] + cnt_ref[1])
    rs_ref[...] = rs
    h = jnp.dot(x_ref[...], w_ref[...], preferred_element_type=jnp.float32)
    g1_ref[...] = h * rs[:, :1]


def _mm1(xp, Wpe, cnt):
    return pl.pallas_call(
        _mm1_body,
        grid=(_GRID,),
        in_specs=[
            pl.BlockSpec((_BLK, 128), lambda i: (i, 0)),
            pl.BlockSpec((128, 64), lambda i: (0, 0)),
            pl.BlockSpec((2, _BLK, RSW), lambda i: (0, i, 0)),
        ],
        out_specs=[
            pl.BlockSpec((_BLK, 64), lambda i: (i, 0)),
            pl.BlockSpec((_BLK, RSW), lambda i: (i, 0)),
        ],
        out_shape=[
            jax.ShapeDtypeStruct((NPAD, 64), jnp.float32),
            jax.ShapeDtypeStruct((NPAD, RSW), jnp.float32),
        ],
    )(xp, Wpe, cnt)


def _mm2_body(t1_ref, g1_ref, rs_ref, w_ref, b_ref, g2_ref):
    rs1 = rs_ref[:, :1]
    h0 = jnp.maximum((t1_ref[0] + t1_ref[1] + g1_ref[...]) * rs1 + b_ref[...], 0.0)
    g2_ref[...] = jnp.dot(h0, w_ref[...], preferred_element_type=jnp.float32) * rs1


def _mm2(t1, g1, rs, Wse, bpe):
    return pl.pallas_call(
        _mm2_body,
        grid=(_GRID,),
        in_specs=[
            pl.BlockSpec((2, _BLK, 64), lambda i: (0, i, 0)),
            pl.BlockSpec((_BLK, 64), lambda i: (i, 0)),
            pl.BlockSpec((_BLK, RSW), lambda i: (i, 0)),
            pl.BlockSpec((64, 32), lambda i: (0, 0)),
            pl.BlockSpec((1, 64), lambda i: (0, 0)),
        ],
        out_specs=pl.BlockSpec((_BLK, 32), lambda i: (i, 0)),
        out_shape=jax.ShapeDtypeStruct((NPAD, 32), jnp.float32),
    )(t1, g1, rs, Wse, bpe)


def _softmax2(z):
    m = jnp.max(z, axis=-1, keepdims=True)
    e = jnp.exp(z - m)
    return e / jnp.sum(e, axis=-1, keepdims=True)


def _dec_body(gt_ref, gg2_ref, grs_ref, eps_ref, bse_ref,
              wm_ref, bm_ref, wls_ref, bls_ref, wsd_ref, bsd_ref,
              wpd1_ref, bpd1_ref, wpd2_ref, bpd2_ref,
              wa1_ref, ba1_ref, wa2_ref, ba2_ref,
              wd1_ref, bd1_ref, wd2_ref, bd2_ref,
              xrec_ref, ap_ref, dp_ref, mean_ref, logstd_ref):
    gt = gt_ref[...]
    ssum = gt[:PBATCH] + gt[PBATCH:] + gg2_ref[...]
    h = jnp.maximum(ssum * grs_ref[:, :1] + bse_ref[...], 0.0)
    hadd = h[:BATCH] + h[BATCH:]

    def mm(a, w_ref, b_ref):
        return jnp.dot(a, w_ref[...], preferred_element_type=jnp.float32) + b_ref[...]

    mean = mm(hadd, wm_ref, bm_ref)
    logstd = mm(hadd, wls_ref, bls_ref)
    mean_ref[...] = mean
    logstd_ref[...] = logstd
    nz = mean + eps_ref[...] * jnp.exp(logstd)
    xr = jnp.maximum(mm(nz, wsd_ref, bsd_ref), 0.0)
    xr = jnp.maximum(mm(xr, wpd1_ref, bpd1_ref), 0.0)
    xrec_ref[...] = mm(xr, wpd2_ref, bpd2_ref)
    ap_ref[...] = _softmax2(mm(jnp.maximum(mm(nz, wa1_ref, ba1_ref), 0.0),
                               wa2_ref, ba2_ref))
    dp_ref[...] = _softmax2(mm(jnp.maximum(mm(nz, wd1_ref, bd1_ref), 0.0),
                               wd2_ref, bd2_ref))


def _decoder(gt, gg2, grs, eps, bse, Wm, bm, Wls, bls, Wsd, bsd,
             Wpd1, bpd1, Wpd2, bpd2, Wa1, ba1, Wa2, ba2, Wd1, bd1, Wd2, bd2):
    return pl.pallas_call(
        _dec_body,
        out_shape=[
            jax.ShapeDtypeStruct((BATCH, 128), jnp.float32),
            jax.ShapeDtypeStruct((BATCH, 2), jnp.float32),
            jax.ShapeDtypeStruct((BATCH, 2), jnp.float32),
            jax.ShapeDtypeStruct((BATCH, 16), jnp.float32),
            jax.ShapeDtypeStruct((BATCH, 16), jnp.float32),
        ],
    )(gt, gg2, grs, eps, bse, Wm, bm, Wls, bls, Wsd, bsd,
      Wpd1, bpd1, Wpd2, bpd2, Wa1, ba1, Wa2, ba2, Wd1, bd1, Wd2, bd2)


def kernel(x, edge_index, node_pair, rate, Wpe, bpe, Wse, bse, Wm, bm, Wls,
           bls, Wsd, bsd, Wpd1, bpd1, Wpd2, bpd2, Wa1, ba1, Wa2, ba2, Wd1,
           bd1, Wd2, bd2):
    f32 = jnp.float32
    src = edge_index[0]
    dst = edge_index[1]
    npade = NE_PAD - N_EDGES
    pad_src = jnp.arange(npade, dtype=jnp.int32) % N_NODES
    src_r = jnp.concatenate([src, pad_src]).reshape(NW, NCH, CHUNK)
    pad_dst = N_NODES + (jnp.arange(npade, dtype=jnp.int32) % (NPAD - N_NODES))
    dst_r = jnp.concatenate([dst, pad_dst]).reshape(NW, NCH, CHUNK)
    xp = jnp.concatenate([x, jnp.zeros((NPAD - N_NODES, 128), f32)])

    ones16 = jnp.ones((CHUNK, RSW), f32)
    zeros16 = jnp.zeros((ROWS_PER_SUB, RSW), f32)
    zeros64 = jnp.zeros((ROWS_PER_SUB, 64), f32)
    zeros32 = jnp.zeros((ROWS_PER_SUB, 32), f32)

    cnt = _deg_kernel(dst_r, ones16, zeros16)
    g1, rs = _mm1(xp, Wpe, cnt)
    t1 = _agg64(src_r, dst_r, g1, zeros64)
    g2 = _mm2(t1, g1, rs, Wse, bpe.reshape(1, 64))
    t2 = _agg32(src_r, dst_r, g2, zeros32)

    pcat = jnp.concatenate([node_pair[:, 0], node_pair[:, 1]])
    pc2 = jnp.concatenate([pcat, pcat + NPAD]).reshape(NW, P2CH, CHUNK)
    pc = pcat.reshape(NW, PCH, CHUNK)
    gt, gg2, grs = _pair_gather(pc2, pc, t2.reshape(2 * NPAD, 32), g2, rs)

    eps = jax.random.normal(jax.random.key(42), (BATCH, 16), f32)
    xrec, ap, dp, mean, logstd = _decoder(
        gt, gg2, grs, eps, bse.reshape(1, 32), Wm, bm.reshape(1, 16),
        Wls, bls.reshape(1, 16), Wsd, bsd.reshape(1, 32),
        Wpd1, bpd1.reshape(1, 64), Wpd2, bpd2.reshape(1, 128),
        Wa1, ba1.reshape(1, 8), Wa2, ba2.reshape(1, 2),
        Wd1, bd1.reshape(1, 8), Wd2, bd2.reshape(1, 2))
    return (xrec, ap, dp, mean, logstd)

# --- scband reference (transcript-rebuilt; emitter-appended) ---
"""Pipeline reference for scband-mrvaeda-19421842112793 (READ-ONLY COPY).

The authoritative reference and input builder live on the scoring server;
editing this copy changes nothing except your own understanding.
"""

import jax, jax.numpy as jnp
import numpy as np

N_NODES = 10000
N_EDGES = 320000
IN_DIM = 128
H0, H1, H2, H3, H4 = 64, 32, 16, 32, 64
CAT = 2
BATCH = 4096


def _w(k, fi, fo):
    return jax.random.normal(k, (fi, fo), jnp.float32) * (1.0 / np.sqrt(fi))


def setup_inputs(seed: int = 0):
    key = jax.random.key(seed)
    ks = jax.random.split(key, 16)
    inp = {}
    inp["x"] = jax.random.normal(ks[0], (N_NODES, IN_DIM), jnp.float32)
    inp["edge_index"] = jax.random.randint(ks[1], (2, N_EDGES), 0, N_NODES, dtype=jnp.int32)
    inp["node_pair"] = jax.random.randint(ks[2], (BATCH, 2), 0, N_NODES, dtype=jnp.int32)
    inp["rate"] = 1.0
    inp["Wpe"] = _w(ks[3], IN_DIM, H0); inp["bpe"] = jnp.zeros((H0,), jnp.float32)
    inp["Wse"] = _w(ks[4], H0, H1); inp["bse"] = jnp.zeros((H1,), jnp.float32)
    inp["Wm"] = _w(ks[5], H1, H2); inp["bm"] = jnp.zeros((H2,), jnp.float32)
    inp["Wls"] = _w(ks[6], H1, H2); inp["bls"] = jnp.zeros((H2,), jnp.float32)
    inp["Wsd"] = _w(ks[7], H2, H3); inp["bsd"] = jnp.zeros((H3,), jnp.float32)
    inp["Wpd1"] = _w(ks[8], H3, H4); inp["bpd1"] = jnp.zeros((H4,), jnp.float32)
    inp["Wpd2"] = _w(ks[9], H4, IN_DIM); inp["bpd2"] = jnp.zeros((IN_DIM,), jnp.float32)
    inp["Wa1"] = _w(ks[10], H2, H2 // 2); inp["ba1"] = jnp.zeros((H2 // 2,), jnp.float32)
    inp["Wa2"] = _w(ks[11], H2 // 2, CAT); inp["ba2"] = jnp.zeros((CAT,), jnp.float32)
    inp["Wd1"] = _w(ks[12], H2, H2 // 2); inp["bd1"] = jnp.zeros((H2 // 2,), jnp.float32)
    inp["Wd2"] = _w(ks[13], H2 // 2, CAT); inp["bd2"] = jnp.zeros((CAT,), jnp.float32)
    return inp


def _gcn(x, edge_index, W, b):
    # GCNConv with self-loops and symmetric normalization
    n = x.shape[0]
    loops = jnp.arange(n, dtype=edge_index.dtype)
    src = jnp.concatenate([edge_index[0], loops])
    dst = jnp.concatenate([edge_index[1], loops])
    deg = jax.ops.segment_sum(jnp.ones(src.shape[0], x.dtype), dst, n)
    norm = jax.lax.rsqrt(deg[src]) * jax.lax.rsqrt(deg[dst])
    h = x @ W
    out = jax.ops.segment_sum(h[src] * norm[:, None], dst, n)
    return out + b


def reference(x, edge_index, node_pair, rate, Wpe, bpe, Wse, bse, Wm, bm, Wls, bls,
              Wsd, bsd, Wpd1, bpd1, Wpd2, bpd2, Wa1, ba1, Wa2, ba2, Wd1, bd1, Wd2, bd2):
    # domain == 'source' branch
    h0 = jax.nn.relu(_gcn(x, edge_index, Wpe, bpe))          # private_encoder_source
    h = jax.nn.relu(_gcn(h0, edge_index, Wse, bse))          # shared_encoder
    hadd = h[node_pair[:, 0]] + h[node_pair[:, 1]]
    mean = hadd @ Wm + bm                                     # VI (Norm)
    logstd = hadd @ Wls + bls
    eps = jax.random.normal(jax.random.key(42), mean.shape, mean.dtype)
    Nz = mean + eps * jnp.exp(logstd)
    xr = jax.nn.relu(Nz @ Wsd + bsd)                          # shared_decoder
    xr = jax.nn.relu(xr @ Wpd1 + bpd1)                        # private_decoder_source
    x_recon = xr @ Wpd2 + bpd2
    A_pred = jax.nn.softmax(jax.nn.relu(Nz @ Wa1 + ba1) @ Wa2 + ba2, axis=-1)
    # discriminator: gradient reversal (rate) is identity in the forward pass
    d = Nz
    domain_pred = jax.nn.softmax(jax.nn.relu(d @ Wd1 + bd1) @ Wd2 + bd2, axis=-1)
    return (x_recon, A_pred, domain_pred, mean, logstd)

if __name__ == "__main__":
    import jax
    _d = setup_inputs()
    print(jax.jit(kernel)(*tuple(_d.values())))

</pallas_src>

<mosaic_0001>
#map = affine_map<(d0, d1) -> (0, 0, 0)>
#map1 = affine_map<(d0, d1) -> (0, 0)>
module attributes {stable_mosaic.version = 14 : i64} {
  func.func @_deg_kernel(%arg0: i32, %arg1: i32, %arg2: memref<32x80x128xi32, #tpu.memory_space<hbm>>, %arg3: memref<128x16xf32, #tpu.memory_space<hbm>>, %arg4: memref<632x16xf32, #tpu.memory_space<hbm>>, %arg5: memref<2x10112x16xf32, #tpu.memory_space<hbm>>, %arg6: memref<80x128xi32, #tpu.memory_space<vmem>>, %arg7: memref<128x16xf32, #tpu.memory_space<vmem>>, %arg8: memref<10112x16xf32, #tpu.memory_space<vmem_shared>>) attributes {dimension_semantics = [#tpu.dimension_semantics<core_parallel>, #tpu.dimension_semantics<subcore_parallel>], iteration_bounds = array<i64: 2, 16>, scalar_prefetch = 0 : i64, scratch_operands = 3 : i64, tpu.core_type = #tpu.core_type<sc_vector_subcore>, window_params = [{transform_indices = #map}, {transform_indices = #map1}, {transform_indices = #map1}, {transform_indices = #map}]} {
    %mul3A = arith.constant 16 : i32
    %mul3A_0 = arith.muli %arg0, %mul3A : i32
    %add3A = arith.addi %mul3A_0, %arg1 : i32
    %mul3A_1 = arith.constant 632 : i32
    %mul3A_2 = arith.muli %arg1, %mul3A_1 : i32
    "tpu.region"() ({
      %run_scoped3A = tpu.sem_alloc : memref<!tpu.dma_semaphore, #tpu.memory_space<semaphore_mem>>
      %dma_start3A = arith.constant 0 : i32
      %dma_start3A_11 = tpu.memref_slice %arg8[%mul3A_2, %dma_start3A] : memref<10112x16xf32, #tpu.memory_space<vmem_shared>> -> memref<632x16xf32, #tpu.memory_space<vmem_shared>>
      tpu.enqueue_dma source(%arg4 : memref<632x16xf32, #tpu.memory_space<hbm>>) target(%dma_start3A_11 : memref<632x16xf32, #tpu.memory_space<vmem_shared>>) target_semaphore(%run_scoped3A : memref<!tpu.dma_semaphore, #tpu.memory_space<semaphore_mem>>)
      %dma_wait3A = arith.constant 0 : i32
      %dma_wait3A_12 = tpu.memref_slice %arg8[%mul3A_2, %dma_wait3A] : memref<10112x16xf32, #tpu.memory_space<vmem_shared>> -> memref<632x16xf32, #tpu.memory_space<vmem_shared>>
      tpu.wait_dma2 semaphore(%run_scoped3A : memref<!tpu.dma_semaphore, #tpu.memory_space<semaphore_mem>>) src(%arg4 : memref<632x16xf32, #tpu.memory_space<hbm>>) dst(%dma_wait3A_12 : memref<632x16xf32, #tpu.memory_space<vmem_shared>>)
      tpu.yield
    }) : () -> ()
    "tpu.region"() ({
      %run_scoped3A = tpu.sem_alloc : memref<!tpu.dma_semaphore, #tpu.memory_space<semaphore_mem>>
      tpu.enqueue_dma source(%arg3 : memref<128x16xf32, #tpu.memory_space<hbm>>) target(%arg7 : memref<128x16xf32, #tpu.memory_space<vmem>>) target_semaphore(%run_scoped3A : memref<!tpu.dma_semaphore, #tpu.memory_space<semaphore_mem>>)
      tpu.wait_dma2 semaphore(%run_scoped3A : memref<!tpu.dma_semaphore, #tpu.memory_space<semaphore_mem>>) src(%arg3 : memref<128x16xf32, #tpu.memory_space<hbm>>) dst(%arg7 : memref<128x16xf32, #tpu.memory_space<vmem>>)
      tpu.yield
    }) : () -> ()
    "tpu.region"() ({
      %run_scoped3A = tpu.sem_alloc : memref<!tpu.dma_semaphore, #tpu.memory_space<semaphore_mem>>
      %dma_start3A = arith.constant 0 : i32
      %dma_start3A_11 = arith.constant 0 : i32
      %dma_start3A_12 = tpu.memref_slice %arg2[%add3A, %dma_start3A, %dma_start3A_11] : memref<32x80x128xi32, #tpu.memory_space<hbm>> -> memref<1x80x128xi32, #tpu.memory_space<hbm>>
      %dma_start3A_13 = tpu.memref_squeeze %dma_start3A_12 : memref<1x80x128xi32, #tpu.memory_space<hbm>> -> memref<80x128xi32, #tpu.memory_space<hbm>>
      %dma_start3A_14 = arith.constant 0 : i32
      %dma_start3A_15 = arith.constant 0 : i32
      %dma_start3A_16 = tpu.memref_slice %arg2[%add3A, %dma_start3A_14, %dma_start3A_15] : memref<32x80x128xi32, #tpu.memory_space<hbm>> -> memref<1x80x128xi32, #tpu.memory_space<hbm>>
      %dma_start3A_17 = tpu.memref_squeeze %dma_start3A_16 : memref<1x80x128xi32, #tpu.memory_space<hbm>> -> memref<80x128xi32, #tpu.memory_space<hbm>>
      tpu.enqueue_dma source(%dma_start3A_17 : memref<80x128xi32, #tpu.memory_space<hbm>>) target(%arg6 : memref<80x128xi32, #tpu.memory_space<vmem>>) target_semaphore(%run_scoped3A : memref<!tpu.dma_semaphore, #tpu.memory_space<semaphore_mem>>)
      %dma_wait3A = arith.constant 0 : i32
      %dma_wait3A_18 = arith.constant 0 : i32
      %dma_wait3A_19 = tpu.memref_slice %arg2[%add3A, %dma_wait3A, %dma_wait3A_18] : memref<32x80x128xi32, #tpu.memory_space<hbm>> -> memref<1x80x128xi32, #tpu.memory_space<hbm>>
      %dma_wait3A_20 = tpu.memref_squeeze %dma_wait3A_19 : memref<1x80x128xi32, #tpu.memory_space<hbm>> -> memref<80x128xi32, #tpu.memory_space<hbm>>
      %dma_wait3A_21 = arith.constant 0 : i32
      %dma_wait3A_22 = arith.constant 0 : i32
      %dma_wait3A_23 = tpu.memref_slice %arg2[%add3A, %dma_wait3A_21, %dma_wait3A_22] : memref<32x80x128xi32, #tpu.memory_space<hbm>> -> memref<1x80x128xi32, #tpu.memory_space<hbm>>
      %dma_wait3A_24 = tpu.memref_squeeze %dma_wait3A_23 : memref<1x80x128xi32, #tpu.memory_space<hbm>> -> memref<80x128xi32, #tpu.memory_space<hbm>>
      tpu.wait_dma2 semaphore(%run_scoped3A : memref<!tpu.dma_semaphore, #tpu.memory_space<semaphore_mem>>) src(%dma_wait3A_24 : memref<80x128xi32, #tpu.memory_space<hbm>>) dst(%arg6 : memref<80x128xi32, #tpu.memory_space<vmem>>)
      tpu.yield
    }) : () -> ()
    %barrier3A = arith.constant 0 : index
    tpu.barrier barrier_id(%barrier3A)
    %scan3A = arith.constant 0 : i32
    %scan3A_3 = arith.constant 0 : i32
    %scan3A_4 = arith.constant 80 : i32
    %scan3A_5 = arith.addi %scan3A_3, %scan3A_4 : i32
    %scan3A_6 = arith.constant 1 : i32
    scf.for %scan3A_11 = %scan3A_3 to %scan3A_5 step %scan3A_6  : i32 {
      "tpu.region"() ({
        %run_scoped3A = tpu.sem_alloc : memref<!tpu.dma_semaphore, #tpu.memory_space<semaphore_mem>>
        %dma_start3A = arith.constant 0 : i32
        %dma_start3A_12 = tpu.memref_slice %arg6[%scan3A_11, %dma_start3A] : memref<80x128xi32, #tpu.memory_space<vmem>> -> memref<1x128xi32, #tpu.memory_space<vmem>>
        %dma_start3A_13 = tpu.memref_squeeze %dma_start3A_12 : memref<1x128xi32, #tpu.memory_space<vmem>> -> memref<128xi32, #tpu.memory_space<vmem>>
        %dma_start3A_14 = arith.constant 0 : i32
        %dma_start3A_15 = arith.constant 0 : i32
        %dma_start3A_16 = tpu.memref_slice %arg8[%dma_start3A_14, %dma_start3A_15] : memref<10112x16xf32, #tpu.memory_space<vmem_shared>> -> memref<10112x16xf32, #tpu.memory_space<vmem_shared>>
        tpu.enqueue_indirect_dma source(%arg7 : memref<128x16xf32, #tpu.memory_space<vmem>>) target(%dma_start3A_16 : memref<10112x16xf32, #tpu.memory_space<vmem_shared>>) offsets(%dma_start3A_13 : memref<128xi32, #tpu.memory_space<vmem>>) semaphore(%run_scoped3A : memref<!tpu.dma_semaphore, #tpu.memory_space<semaphore_mem>>) {add = true}
        %dma_wait3A = arith.constant 0 : i32
        %dma_wait3A_17 = tpu.memref_slice %arg6[%scan3A_11, %dma_wait3A] : memref<80x128xi32, #tpu.memory_space<vmem>> -> memref<1x128xi32, #tpu.memory_space<vmem>>
        %dma_wait3A_18 = tpu.memref_squeeze %dma_wait3A_17 : memref<1x128xi32, #tpu.memory_space<vmem>> -> memref<128xi32, #tpu.memory_space<vmem>>
        %dma_wait3A_19 = arith.constant 0 : i32
        %dma_wait3A_20 = arith.constant 0 : i32
        %dma_wait3A_21 = tpu.memref_slice %arg8[%dma_wait3A_19, %dma_wait3A_20] : memref<10112x16xf32, #tpu.memory_space<vmem_shared>> -> memref<10112x16xf32, #tpu.memory_space<vmem_shared>>
        tpu.wait_indirect_dma semaphore(%run_scoped3A : memref<!tpu.dma_semaphore, #tpu.memory_space<semaphore_mem>>) src(%arg7 : memref<128x16xf32, #tpu.memory_space<vmem>>) dst(%dma_wait3A_21 : memref<10112x16xf32, #tpu.memory_space<vmem_shared>>)
        tpu.yield
      }) : () -> ()
    }
    %scan3A_7 = arith.constant 80 : i32
    %barrier3A_8 = arith.constant 0 : index
    tpu.barrier barrier_id(%barrier3A_8)
    %mul3A_9 = arith.constant 632 : i32
    %mul3A_10 = arith.muli %arg1, %mul3A_9 : i32
    "tpu.region"() ({
      %run_scoped3A = tpu.sem_alloc : memref<!tpu.dma_semaphore, #tpu.memory_space<semaphore_mem>>
      %dma_start3A = arith.constant 0 : i32
      %dma_start3A_11 = tpu.memref_slice %arg5[%arg0, %mul3A_10, %dma_start3A] : memref<2x10112x16xf32, #tpu.memory_space<hbm>> -> memref<1x632x16xf32, #tpu.memory_space<hbm>>
      %dma_start3A_12 = tpu.memref_squeeze %dma_start3A_11 : memref<1x632x16xf32, #tpu.memory_space<hbm>> -> memref<632x16xf32, #tpu.memory_space<hbm>>
      %dma_start3A_13 = arith.constant 0 : i32
      %dma_start3A_14 = tpu.memref_slice %arg8[%mul3A_10, %dma_start3A_13] : memref<10112x16xf32, #tpu.memory_space<vmem_shared>> -> memref<632x16xf32, #tpu.memory_space<vmem_shared>>
      tpu.enqueue_dma source(%dma_start3A_14 : memref<632x16xf32, #tpu.memory_space<vmem_shared>>) target(%dma_start3A_12 : memref<632x16xf32, #tpu.memory_space<hbm>>) target_semaphore(%run_scoped3A : memref<!tpu.dma_semaphore, #tpu.memory_space<semaphore_mem>>)
      %dma_wait3A = arith.constant 0 : i32
      %dma_wait3A_15 = tpu.memref_slice %arg5[%arg0, %mul3A_10, %dma_wait3A] : memref<2x10112x16xf32, #tpu.memory_space<hbm>> -> memref<1x632x16xf32, #tpu.memory_space<hbm>>
      %dma_wait3A_16 = tpu.memref_squeeze %dma_wait3A_15 : memref<1x632x16xf32, #tpu.memory_space<hbm>> -> memref<632x16xf32, #tpu.memory_space<hbm>>
      %dma_wait3A_17 = arith.constant 0 : i32
      %dma_wait3A_18 = tpu.memref_slice %arg8[%mul3A_10, %dma_wait3A_17] : memref<10112x16xf32, #tpu.memory_space<vmem_shared>> -> memref<632x16xf32, #tpu.memory_space<vmem_shared>>
      tpu.wait_dma2 semaphore(%run_scoped3A : memref<!tpu.dma_semaphore, #tpu.memory_space<semaphore_mem>>) src(%dma_wait3A_18 : memref<632x16xf32, #tpu.memory_space<vmem_shared>>) dst(%dma_wait3A_16 : memref<632x16xf32, #tpu.memory_space<hbm>>)
      tpu.yield
    }) : () -> ()
    return
  }
}

#map = affine_map<(d0, d1) -> (0, 0, 0)>
#map1 = affine_map<(d0, d1) -> (0, 0)>
module attributes {stable_mosaic.version = 14 : i64} {
  func.func @_agg(%arg0: i32, %arg1: i32, %arg2: memref<32x80x128xi32, #tpu.memory_space<hbm>>, %arg3: memref<32x80x128xi32, #tpu.memory_space<hbm>>, %arg4: memref<10112x32xf32, #tpu.memory_space<hbm>>, %arg5: memref<632x32xf32, #tpu.memory_space<hbm>>, %arg6: memref<2x10112x32xf32, #tpu.memory_space<hbm>>, %arg7: memref<80x128xi32, #tpu.memory_space<vmem>>, %arg8: memref<80x128xi32, #tpu.memory_space<vmem>>, %arg9: memref<128x32xf32, #tpu.memory_space<vmem>>, %arg10: memref<128x32xf32, #tpu.memory_space<vmem>>, %arg11: memref<128x32xf32, #tpu.memory_space<vmem>>, %arg12: memref<128x32xf32, #tpu.memory_space<vmem>>, %arg13: memref<128x32xf32, #tpu.memory_space<vmem>>, %arg14: memref<128x32xf32, #tpu.memory_space<vmem>>, %arg15: memref<128x32xf32, #tpu.memory_space<vmem>>, %arg16: memref<128x32xf32, #tpu.memory_space<vmem>>, %arg17: memref<10112x32xf32, #tpu.memory_space<vmem_shared>>, %arg18: memref<!tpu.dma_semaphore, #tpu.memory_space<semaphore_mem>>, %arg19: memref<!tpu.dma_semaphore, #tpu.memory_space<semaphore_mem>>, %arg20: memref<!tpu.dma_semaphore, #tpu.memory_space<semaphore_mem>>, %arg21: memref<!tpu.dma_semaphore, #tpu.memory_space<semaphore_mem>>, %arg22: memref<!tpu.dma_semaphore, #tpu.memory_space<semaphore_mem>>, %arg23: memref<!tpu.dma_semaphore, #tpu.memory_space<semaphore_mem>>, %arg24: memref<!tpu.dma_semaphore, #tpu.memory_space<semaphore_mem>>, %arg25: memref<!tpu.dma_semaphore, #tpu.memory_space<semaphore_mem>>, %arg26: memref<!tpu.dma_semaphore, #tpu.memory_space<semaphore_mem>>, %arg27: memref<!tpu.dma_semaphore, #tpu.memory_space<semaphore_mem>>, %arg28: memref<!tpu.dma_semaphore, #tpu.memory_space<semaphore_mem>>, %arg29: memref<!tpu.dma_semaphore, #tpu.memory_space<semaphore_mem>>, %arg30: memref<!tpu.dma_semaphore, #tpu.memory_space<semaphore_mem>>, %arg31: memref<!tpu.dma_semaphore, #tpu.memory_space<semaphore_mem>>, %arg32: memref<!tpu.dma_semaphore, #tpu.memory_space<semaphore_mem>>, %arg33: memref<!tpu.dma_semaphore, #tpu.memory_space<semaphore_mem>>) attributes {dimension_semantics = [#tpu.dimension_semantics<core_parallel>, #tpu.dimension_semantics<subcore_parallel>], iteration_bounds = array<i64: 2, 16>, scalar_prefetch = 0 : i64, scratch_operands = 27 : i64, tpu.core_type = #tpu.core_type<sc_vector_subcore>, window_params = [{transform_indices = #map}, {transform_indices = #map}, {transform_indices = #map1}, {transform_indices = #map1}, {transform_indices = #map}]} {
    %mul3A = arith.constant 16 : i32
    %mul3A_0 = arith.muli %arg0, %mul3A : i32
    %add3A = arith.addi %mul3A_0, %arg1 : i32
    %mul3A_1 = arith.constant 632 : i32
    %mul3A_2 = arith.muli %arg1, %mul3A_1 : i32
    "tpu.region"() ({
      %run_scoped3A = tpu.sem_alloc : memref<!tpu.dma_semaphore, #tpu.memory_space<semaphore_mem>>
      %dma_start3A_233 = arith.constant 0 : i32
      %dma_start3A_234 = tpu.memref_slice %arg17[%mul3A_2, %dma_start3A_233] : memref<10112x32xf32, #tpu.memory_space<vmem_shared>> -> memref<632x32xf32, #tpu.memory_space<vmem_shared>>
      tpu.enqueue_dma source(%arg5 : memref<632x32xf32, #tpu.memory_space<hbm>>) target(%dma_start3A_234 : memref<632x32xf32, #tpu.memory_space<vmem_shared>>) target_semaphore(%run_scoped3A : memref<!tpu.dma_semaphore, #tpu.memory_space<semaphore_mem>>)
      %dma_wait3A_235 = arith.constant 0 : i32
      %dma_wait3A_236 = tpu.memref_slice %arg17[%mul3A_2, %dma_wait3A_235] : memref<10112x32xf32, #tpu.memory_space<vmem_shared>> -> memref<632x32xf32, #tpu.memory_space<vmem_shared>>
      tpu.wait_dma2 semaphore(%run_scoped3A : memref<!tpu.dma_semaphore, #tpu.memory_space<semaphore_mem>>) src(%arg5 : memref<632x32xf32, #tpu.memory_space<hbm>>) dst(%dma_wait3A_236 : memref<632x32xf32, #tpu.memory_space<vmem_shared>>)
      tpu.yield
    }) : () -> ()
    "tpu.region"() ({
      %run_scoped3A = tpu.sem_alloc : memref<!tpu.dma_semaphore, #tpu.memory_space<semaphore_mem>>
      %dma_start3A_233 = arith.constant 0 : i32
      %dma_start3A_234 = arith.constant 0 : i32
      %dma_start3A_235 = tpu.memref_slice %arg2[%add3A, %dma_start3A_233, %dma_start3A_234] : memref<32x80x128xi32, #tpu.memory_space<hbm>> -> memref<1x80x128xi32, #tpu.memory_space<hbm>>
      %dma_start3A_236 = tpu.memref_squeeze %dma_start3A_235 : memref<1x80x128xi32, #tpu.memory_space<hbm>> -> memref<80x128xi32, #tpu.memory_space<hbm>>
      %dma_start3A_237 = arith.constant 0 : i32
      %dma_start3A_238 = arith.constant 0 : i32
      %dma_start3A_239 = tpu.memref_slice %arg2[%add3A, %dma_start3A_237, %dma_start3A_238] : memref<32x80x128xi32, #tpu.memory_space<hbm>> -> memref<1x80x128xi32, #tpu.memory_space<hbm>>
      %dma_start3A_240 = tpu.memref_squeeze %dma_start3A_239 : memref<1x80x128xi32, #tpu.memory_space<hbm>> -> memref<80x128xi32, #tpu.memory_space<hbm>>
      tpu.enqueue_dma source(%dma_start3A_240 : memref<80x128xi32, #tpu.memory_space<hbm>>) target(%arg7 : memref<80x128xi32, #tpu.memory_space<vmem>>) target_semaphore(%run_scoped3A : memref<!tpu.dma_semaphore, #tpu.memory_space<semaphore_mem>>)
      %dma_wait3A_241 = arith.constant 0 : i32
      %dma_wait3A_242 = arith.constant 0 : i32
      %dma_wait3A_243 = tpu.memref_slice %arg2[%add3A, %dma_wait3A_241, %dma_wait3A_242] : memref<32x80x128xi32, #tpu.memory_space<hbm>> -> memref<1x80x128xi32, #tpu.memory_space<hbm>>
      %dma_wait3A_244 = tpu.memref_squeeze %dma_wait3A_243 : memref<1x80x128xi32, #tpu.memory_space<hbm>> -> memref<80x128xi32, #tpu.memory_space<hbm>>
      %dma_wait3A_245 = arith.constant 0 : i32
      %dma_wait3A_246 = arith.constant 0 : i32
      %dma_wait3A_247 = tpu.memref_slice %arg2[%add3A, %dma_wait3A_245, %dma_wait3A_246] : memref<32x80x128xi32, #tpu.memory_space<hbm>> -> memref<1x80x128xi32, #tpu.memory_space<hbm>>
      %dma_wait3A_248 = tpu.memref_squeeze %dma_wait3A_247 : memref<1x80x128xi32, #tpu.memory_space<hbm>> -> memref<80x128xi32, #tpu.memory_space<hbm>>
      tpu.wait_dma2 semaphore(%run_scoped3A : memref<!tpu.dma_semaphore, #tpu.memory_space<semaphore_mem>>) src(%dma_wait3A_248 : memref<80x128xi32, #tpu.memory_space<hbm>>) dst(%arg7 : memref<80x128xi32, #tpu.memory_space<vmem>>)
      tpu.yield
    }) : () -> ()
    "tpu.region"() ({
      %run_scoped3A = tpu.sem_alloc : memref<!tpu.dma_semaphore, #tpu.memory_space<semaphore_mem>>
      %dma_start3A_233 = arith.constant 0 : i32
      %dma_start3A_234 = arith.constant 0 : i32
      %dma_start3A_235 = tpu.memref_slice %arg3[%add3A, %dma_start3A_233, %dma_start3A_234] : memref<32x80x128xi32, #tpu.memory_space<hbm>> -> memref<1x80x128xi32, #tpu.memory_space<hbm>>
      %dma_start3A_236 = tpu.memref_squeeze %dma_start3A_235 : memref<1x80x128xi32, #tpu.memory_space<hbm>> -> memref<80x128xi32, #tpu.memory_space<hbm>>
      %dma_start3A_237 = arith.constant 0 : i32
      %dma_start3A_238 = arith.constant 0 : i32
      %dma_start3A_239 = tpu.memref_slice %arg3[%add3A, %dma_start3A_237, %dma_start3A_238] : memref<32x80x128xi32, #tpu.memory_space<hbm>> -> memref<1x80x128xi32, #tpu.memory_space<hbm>>
      %dma_start3A_240 = tpu.memref_squeeze %dma_start3A_239 : memref<1x80x128xi32, #tpu.memory_space<hbm>> -> memref<80x128xi32, #tpu.memory_space<hbm>>
      tpu.enqueue_dma source(%dma_start3A_240 : memref<80x128xi32, #tpu.memory_space<hbm>>) target(%arg8 : memref<80x128xi32, #tpu.memory_space<vmem>>) target_semaphore(%run_scoped3A : memref<!tpu.dma_semaphore, #tpu.memory_space<semaphore_mem>>)
      %dma_wait3A_241 = arith.constant 0 : i32
      %dma_wait3A_242 = arith.constant 0 : i32
      %dma_wait3A_243 = tpu.memref_slice %arg3[%add3A, %dma_wait3A_241, %dma_wait3A_242] : memref<32x80x128xi32, #tpu.memory_space<hbm>> -> memref<1x80x128xi32, #tpu.memory_space<hbm>>
      %dma_wait3A_244 = tpu.memref_squeeze %dma_wait3A_243 : memref<1x80x128xi32, #tpu.memory_space<hbm>> -> memref<80x128xi32, #tpu.memory_space<hbm>>
      %dma_wait3A_245 = arith.constant 0 : i32
      %dma_wait3A_246 = arith.constant 0 : i32
      %dma_wait3A_247 = tpu.memref_slice %arg3[%add3A, %dma_wait3A_245, %dma_wait3A_246] : memref<32x80x128xi32, #tpu.memory_space<hbm>> -> memref<1x80x128xi32, #tpu.memory_space<hbm>>
      %dma_wait3A_248 = tpu.memref_squeeze %dma_wait3A_247 : memref<1x80x128xi32, #tpu.memory_space<hbm>> -> memref<80x128xi32, #tpu.memory_space<hbm>>
      tpu.wait_dma2 semaphore(%run_scoped3A : memref<!tpu.dma_semaphore, #tpu.memory_space<semaphore_mem>>) src(%dma_wait3A_248 : memref<80x128xi32, #tpu.memory_space<hbm>>) dst(%arg8 : memref<80x128xi32, #tpu.memory_space<vmem>>)
      tpu.yield
    }) : () -> ()
    %barrier3A = arith.constant 0 : index
    tpu.barrier barrier_id(%barrier3A)
    %dma_start3A = arith.constant 0 : i32
    %dma_start3A_3 = arith.constant 0 : i32
    %dma_start3A_4 = tpu.memref_slice %arg7[%dma_start3A, %dma_start3A_3] : memref<80x128xi32, #tpu.memory_space<vmem>> -> memref<1x128xi32, #tpu.memory_space<vmem>>
    %dma_start3A_5 = tpu.memref_squeeze %dma_start3A_4 : memref<1x128xi32, #tpu.memory_space<vmem>> -> memref<128xi32, #tpu.memory_space<vmem>>
    %dma_start3A_6 = arith.constant 0 : i32
    %dma_start3A_7 = arith.constant 0 : i32
    %dma_start3A_8 = tpu.memref_slice %arg4[%dma_start3A_6, %dma_start3A_7] : memref<10112x32xf32, #tpu.memory_space<hbm>> -> memref<10112x32xf32, #tpu.memory_space<hbm>>
    tpu.enqueue_indirect_dma source(%dma_start3A_8 : memref<10112x32xf32, #tpu.memory_space<hbm>>) target(%arg9 : memref<128x32xf32, #tpu.memory_space<vmem>>) offsets(%dma_start3A_5 : memref<128xi32, #tpu.memory_space<vmem>>) semaphore(%arg18 : memref<!tpu.dma_semaphore, #tpu.memory_space<semaphore_mem>>)
    %dma_start3A_9 = arith.constant 1 : i32
    %dma_start3A_10 = arith.constant 0 : i32
    %dma_start3A_11 = tpu.memref_slice %arg7[%dma_start3A_9, %dma_start3A_10] : memref<80x128xi32, #tpu.memory_space<vmem>> -> memref<1x128xi32, #tpu.memory_space<vmem>>
    %dma_start3A_12 = tpu.memref_squeeze %dma_start3A_11 : memref<1x128xi32, #tpu.memory_space<vmem>> -> memref<128xi32, #tpu.memory_space<vmem>>
    %dma_start3A_13 = arith.constant 0 : i32
    %dma_start3A_14 = arith.constant 0 : i32
    %dma_start3A_15 = tpu.memref_slice %arg4[%dma_start3A_13, %dma_start3A_14] : memref<10112x32xf32, #tpu.memory_space<hbm>> -> memref<10112x32xf32, #tpu.memory_space<hbm>>
    tpu.enqueue_indirect_dma source(%dma_start3A_15 : memref<10112x32xf32, #tpu.memory_space<hbm>>) target(%arg10 : memref<128x32xf32, #tpu.memory_space<vmem>>) offsets(%dma_start3A_12 : memref<128xi32, #tpu.memory_space<vmem>>) semaphore(%arg19 : memref<!tpu.dma_semaphore, #tpu.memory_space<semaphore_mem>>)
    %dma_start3A_16 = arith.constant 2 : i32
    %dma_start3A_17 = arith.constant 0 : i32
    %dma_start3A_18 = tpu.memref_slice %arg7[%dma_start3A_16, %dma_start3A_17] : memref<80x128xi32, #tpu.memory_space<vmem>> -> memref<1x128xi32, #tpu.memory_space<vmem>>
    %dma_start3A_19 = tpu.memref_squeeze %dma_start3A_18 : memref<1x128xi32, #tpu.memory_space<vmem>> -> memref<128xi32, #tpu.memory_space<vmem>>
    %dma_start3A_20 = arith.constant 0 : i32
    %dma_start3A_21 = arith.constant 0 : i32
    %dma_start3A_22 = tpu.memref_slice %arg4[%dma_start3A_20, %dma_start3A_21] : memref<10112x32xf32, #tpu.memory_space<hbm>> -> memref<10112x32xf32, #tpu.memory_space<hbm>>
    tpu.enqueue_indirect_dma source(%dma_start3A_22 : memref<10112x32xf32, #tpu.memory_space<hbm>>) target(%arg11 : memref<128x32xf32, #tpu.memory_space<vmem>>) offsets(%dma_start3A_19 : memref<128xi32, #tpu.memory_space<vmem>>) semaphore(%arg20 : memref<!tpu.dma_semaphore, #tpu.memory_space<semaphore_mem>>)
    %dma_start3A_23 = arith.constant 3 : i32
    %dma_start3A_24 = arith.constant 0 : i32
    %dma_start3A_25 = tpu.memref_slice %arg7[%dma_start3A_23, %dma_start3A_24] : memref<80x128xi32, #tpu.memory_space<vmem>> -> memref<1x128xi32, #tpu.memory_space<vmem>>
    %dma_start3A_26 = tpu.memref_squeeze %dma_start3A_25 : memref<1x128xi32, #tpu.memory_space<vmem>> -> memref<128xi32, #tpu.memory_space<vmem>>
    %dma_start3A_27 = arith.constant 0 : i32
    %dma_start3A_28 = arith.constant 0 : i32
    %dma_start3A_29 = tpu.memref_slice %arg4[%dma_start3A_27, %dma_start3A_28] : memref<10112x32xf32, #tpu.memory_space<hbm>> -> memref<10112x32xf32, #tpu.memory_space<hbm>>
    tpu.enqueue_indirect_dma source(%dma_start3A_29 : memref<10112x32xf32, #tpu.memory_space<hbm>>) target(%arg12 : memref<128x32xf32, #tpu.memory_space<vmem>>) offsets(%dma_start3A_26 : memref<128xi32, #tpu.memory_space<vmem>>) semaphore(%arg21 : memref<!tpu.dma_semaphore, #tpu.memory_space<semaphore_mem>>)
    %dma_start3A_30 = arith.constant 4 : i32
    %dma_start3A_31 = arith.constant 0 : i32
    %dma_start3A_32 = tpu.memref_slice %arg7[%dma_start3A_30, %dma_start3A_31] : memref<80x128xi32, #tpu.memory_space<vmem>> -> memref<1x128xi32, #tpu.memory_space<vmem>>
    %dma_start3A_33 = tpu.memref_squeeze %dma_start3A_32 : memref<1x128xi32, #tpu.memory_space<vmem>> -> memref<128xi32, #tpu.memory_space<vmem>>
    %dma_start3A_34 = arith.constant 0 : i32
    %dma_start3A_35 = arith.constant 0 : i32
    %dma_start3A_36 = tpu.memref_slice %arg4[%dma_start3A_34, %dma_start3A_35] : memref<10112x32xf32, #tpu.memory_space<hbm>> -> memref<10112x32xf32, #tpu.memory_space<hbm>>
    tpu.enqueue_indirect_dma source(%dma_start3A_36 : memref<10112x32xf32, #tpu.memory_space<hbm>>) target(%arg13 : memref<128x32xf32, #tpu.memory_space<vmem>>) offsets(%dma_start3A_33 : memref<128xi32, #tpu.memory_space<vmem>>) semaphore(%arg22 : memref<!tpu.dma_semaphore, #tpu.memory_space<semaphore_mem>>)
    %dma_start3A_37 = arith.constant 5 : i32
    %dma_start3A_38 = arith.constant 0 : i32
    %dma_start3A_39 = tpu.memref_slice %arg7[%dma_start3A_37, %dma_start3A_38] : memref<80x128xi32, #tpu.memory_space<vmem>> -> memref<1x128xi32, #tpu.memory_space<vmem>>
    %dma_start3A_40 = tpu.memref_squeeze %dma_start3A_39 : memref<1x128xi32, #tpu.memory_space<vmem>> -> memref<128xi32, #tpu.memory_space<vmem>>
    %dma_start3A_41 = arith.constant 0 : i32
    %dma_start3A_42 = arith.constant 0 : i32
    %dma_start3A_43 = tpu.memref_slice %arg4[%dma_start3A_41, %dma_start3A_42] : memref<10112x32xf32, #tpu.memory_space<hbm>> -> memref<10112x32xf32, #tpu.memory_space<hbm>>
    tpu.enqueue_indirect_dma source(%dma_start3A_43 : memref<10112x32xf32, #tpu.memory_space<hbm>>) target(%arg14 : memref<128x32xf32, #tpu.memory_space<vmem>>) offsets(%dma_start3A_40 : memref<128xi32, #tpu.memory_space<vmem>>) semaphore(%arg23 : memref<!tpu.dma_semaphore, #tpu.memory_space<semaphore_mem>>)
    %dma_start3A_44 = arith.constant 6 : i32
    %dma_start3A_45 = arith.constant 0 : i32
    %dma_start3A_46 = tpu.memref_slice %arg7[%dma_start3A_44, %dma_start3A_45] : memref<80x128xi32, #tpu.memory_space<vmem>> -> memref<1x128xi32, #tpu.memory_space<vmem>>
    %dma_start3A_47 = tpu.memref_squeeze %dma_start3A_46 : memref<1x128xi32, #tpu.memory_space<vmem>> -> memref<128xi32, #tpu.memory_space<vmem>>
    %dma_start3A_48 = arith.constant 0 : i32
    %dma_start3A_49 = arith.constant 0 : i32
    %dma_start3A_50 = tpu.memref_slice %arg4[%dma_start3A_48, %dma_start3A_49] : memref<10112x32xf32, #tpu.memory_space<hbm>> -> memref<10112x32xf32, #tpu.memory_space<hbm>>
    tpu.enqueue_indirect_dma source(%dma_start3A_50 : memref<10112x32xf32, #tpu.memory_space<hbm>>) target(%arg15 : memref<128x32xf32, #tpu.memory_space<vmem>>) offsets(%dma_start3A_47 : memref<128xi32, #tpu.memory_space<vmem>>) semaphore(%arg24 : memref<!tpu.dma_semaphore, #tpu.memory_space<semaphore_mem>>)
    %dma_start3A_51 = arith.constant 7 : i32
    %dma_start3A_52 = arith.constant 0 : i32
    %dma_start3A_53 = tpu.memref_slice %arg7[%dma_start3A_51, %dma_start3A_52] : memref<80x128xi32, #tpu.memory_space<vmem>> -> memref<1x128xi32, #tpu.memory_space<vmem>>
    %dma_start3A_54 = tpu.memref_squeeze %dma_start3A_53 : memref<1x128xi32, #tpu.memory_space<vmem>> -> memref<128xi32, #tpu.memory_space<vmem>>
    %dma_start3A_55 = arith.constant 0 : i32
    %dma_start3A_56 = arith.constant 0 : i32
    %dma_start3A_57 = tpu.memref_slice %arg4[%dma_start3A_55, %dma_start3A_56] : memref<10112x32xf32, #tpu.memory_space<hbm>> -> memref<10112x32xf32, #tpu.memory_space<hbm>>
    tpu.enqueue_indirect_dma source(%dma_start3A_57 : memref<10112x32xf32, #tpu.memory_space<hbm>>) target(%arg16 : memref<128x32xf32, #tpu.memory_space<vmem>>) offsets(%dma_start3A_54 : memref<128xi32, #tpu.memory_space<vmem>>) semaphore(%arg25 : memref<!tpu.dma_semaphore, #tpu.memory_space<semaphore_mem>>)
    %scan3A = arith.constant 0 : i32
    %scan3A_58 = arith.constant 0 : i32
    %scan3A_59 = arith.constant 9 : i32
    %scan3A_60 = arith.addi %scan3A_58, %scan3A_59 : i32
    %scan3A_61 = arith.constant 1 : i32
    scf.for %scan3A_233 = %scan3A_58 to %scan3A_60 step %scan3A_61  : i32 {
      %mul3A_234 = arith.constant 8 : i32
      %mul3A_235 = arith.muli %scan3A_233, %mul3A_234 : i32
      %dma_wait3A_236 = arith.constant 0 : i32
      %dma_wait3A_237 = arith.constant 0 : i32
      %dma_wait3A_238 = tpu.memref_slice %arg7[%dma_wait3A_236, %dma_wait3A_237] : memref<80x128xi32, #tpu.memory_space<vmem>> -> memref<1x128xi32, #tpu.memory_space<vmem>>
      %dma_wait3A_239 = tpu.memref_squeeze %dma_wait3A_238 : memref<1x128xi32, #tpu.memory_space<vmem>> -> memref<128xi32, #tpu.memory_space<vmem>>
      %dma_wait3A_240 = arith.constant 0 : i32
      %dma_wait3A_241 = arith.constant 0 : i32
      %dma_wait3A_242 = tpu.memref_slice %arg4[%dma_wait3A_240, %dma_wait3A_241] : memref<10112x32xf32, #tpu.memory_space<hbm>> -> memref<10112x32xf32, #tpu.memory_space<hbm>>
      tpu.wait_indirect_dma semaphore(%arg18 : memref<!tpu.dma_semaphore, #tpu.memory_space<semaphore_mem>>) src(%dma_wait3A_242 : memref<10112x32xf32, #tpu.memory_space<hbm>>) dst(%arg9 : memref<128x32xf32, #tpu.memory_space<vmem>>)
      %add3A_243 = arith.constant 0 : i32
      %add3A_244 = arith.addi %mul3A_235, %add3A_243 : i32
      %dma_start3A_245 = arith.constant 0 : i32
      %dma_start3A_246 = tpu.memref_slice %arg8[%add3A_244, %dma_start3A_245] : memref<80x128xi32, #tpu.memory_space<vmem>> -> memref<1x128xi32, #tpu.memory_space<vmem>>
      %dma_start3A_247 = tpu.memref_squeeze %dma_start3A_246 : memref<1x128xi32, #tpu.memory_space<vmem>> -> memref<128xi32, #tpu.memory_space<vmem>>
      %dma_start3A_248 = arith.constant 0 : i32
      %dma_start3A_249 = arith.constant 0 : i32
      %dma_start3A_250 = tpu.memref_slice %arg17[%dma_start3A_248, %dma_start3A_249] : memref<10112x32xf32, #tpu.memory_space<vmem_shared>> -> memref<10112x32xf32, #tpu.memory_space<vmem_shared>>
      tpu.enqueue_indirect_dma source(%arg9 : memref<128x32xf32, #tpu.memory_space<vmem>>) target(%dma_start3A_250 : memref<10112x32xf32, #tpu.memory_space<vmem_shared>>) offsets(%dma_start3A_247 : memref<128xi32, #tpu.memory_space<vmem>>) semaphore(%arg26 : memref<!tpu.dma_semaphore, #tpu.memory_space<semaphore_mem>>) {add = true}
      %dma_wait3A_251 = arith.constant 0 : i32
      %dma_wait3A_252 = arith.constant 0 : i32
      %dma_wait3A_253 = tpu.memref_slice %arg7[%dma_wait3A_251, %dma_wait3A_252] : memref<80x128xi32, #tpu.memory_space<vmem>> -> memref<1x128xi32, #tpu.memory_space<vmem>>
      %dma_wait3A_254 = tpu.memref_squeeze %dma_wait3A_253 : memref<1x128xi32, #tpu.memory_space<vmem>> -> memref<128xi32, #tpu.memory_space<vmem>>
      %dma_wait3A_255 = arith.constant 0 : i32
      %dma_wait3A_256 = arith.constant 0 : i32
      %dma_wait3A_257 = tpu.memref_slice %arg4[%dma_wait3A_255, %dma_wait3A_256] : memref<10112x32xf32, #tpu.memory_space<hbm>> -> memref<10112x32xf32, #tpu.memory_space<hbm>>
      tpu.wait_indirect_dma semaphore(%arg19 : memref<!tpu.dma_semaphore, #tpu.memory_space<semaphore_mem>>) src(%dma_wait3A_257 : memref<10112x32xf32, #tpu.memory_space<hbm>>) dst(%arg10 : memref<128x32xf32, #tpu.memory_space<vmem>>)
      %add3A_258 = arith.constant 1 : i32
      %add3A_259 = arith.addi %mul3A_235, %add3A_258 : i32
      %dma_start3A_260 = arith.constant 0 : i32
      %dma_start3A_261 = tpu.memref_slice %arg8[%add3A_259, %dma_start3A_260] : memref<80x128xi32, #tpu.memory_space<vmem>> -> memref<1x128xi32, #tpu.memory_space<vmem>>
      %dma_start3A_262 = tpu.memref_squeeze %dma_start3A_261 : memref<1x128xi32, #tpu.memory_space<vmem>> -> memref<128xi32, #tpu.memory_space<vmem>>
      %dma_start3A_263 = arith.constant 0 : i32
      %dma_start3A_264 = arith.constant 0 : i32
      %dma_start3A_265 = tpu.memref_slice %arg17[%dma_start3A_263, %dma_start3A_264] : memref<10112x32xf32, #tpu.memory_space<vmem_shared>> -> memref<10112x32xf32, #tpu.memory_space<vmem_shared>>
      tpu.enqueue_indirect_dma source(%arg10 : memref<128x32xf32, #tpu.memory_space<vmem>>) target(%dma_start3A_265 : memref<10112x32xf32, #tpu.memory_space<vmem_shared>>) offsets(%dma_start3A_262 : memref<128xi32, #tpu.memory_space<vmem>>) semaphore(%arg27 : memref<!tpu.dma_semaphore, #tpu.memory_space<semaphore_mem>>) {add = true}
      %dma_wait3A_266 = arith.constant 0 : i32
      %dma_wait3A_267 = arith.constant 0 : i32
      %dma_wait3A_268 = tpu.memref_slice %arg7[%dma_wait3A_266, %dma_wait3A_267] : memref<80x128xi32, #tpu.memory_space<vmem>> -> memref<1x128xi32, #tpu.memory_space<vmem>>
      %dma_wait3A_269 = tpu.memref_squeeze %dma_wait3A_268 : memref<1x128xi32, #tpu.memory_space<vmem>> -> memref<128xi32, #tpu.memory_space<vmem>>
      %dma_wait3A_270 = arith.constant 0 : i32
      %dma_wait3A_271 = arith.constant 0 : i32
      %dma_wait3A_272 = tpu.memref_slice %arg4[%dma_wait3A_270, %dma_wait3A_271] : memref<10112x32xf32, #tpu.memory_space<hbm>> -> memref<10112x32xf32, #tpu.memory_space<hbm>>
      tpu.wait_indirect_dma semaphore(%arg20 : memref<!tpu.dma_semaphore, #tpu.memory_space<semaphore_mem>>) src(%dma_wait3A_272 : memref<10112x32xf32, #tpu.memory_space<hbm>>) dst(%arg11 : memref<128x32xf32, #tpu.memory_space<vmem>>)
      %add3A_273 = arith.constant 2 : i32
      %add3A_274 = arith.addi %mul3A_235, %add3A_273 : i32
      %dma_start3A_275 = arith.constant 0 : i32
      %dma_start3A_276 = tpu.memref_slice %arg8[%add3A_274, %dma_start3A_275] : memref<80x128xi32, #tpu.memory_space<vmem>> -> memref<1x128xi32, #tpu.memory_space<vmem>>
      %dma_start3A_277 = tpu.memref_squeeze %dma_start3A_276 : memref<1x128xi32, #tpu.memory_space<vmem>> -> memref<128xi32, #tpu.memory_space<vmem>>
      %dma_start3A_278 = arith.constant 0 : i32
      %dma_start3A_279 = arith.constant 0 : i32
      %dma_start3A_280 = tpu.memref_slice %arg17[%dma_start3A_278, %dma_start3A_279] : memref<10112x32xf32, #tpu.memory_space<vmem_shared>> -> memref<10112x32xf32, #tpu.memory_space<vmem_shared>>
      tpu.enqueue_indirect_dma source(%arg11 : memref<128x32xf32, #tpu.memory_space<vmem>>) target(%dma_start3A_280 : memref<10112x32xf32, #tpu.memory_space<vmem_shared>>) offsets(%dma_start3A_277 : memref<128xi32, #tpu.memory_space<vmem>>) semaphore(%arg28 : memref<!tpu.dma_semaphore, #tpu.memory_space<semaphore_mem>>) {add = true}
      %dma_wait3A_281 = arith.constant 0 : i32
      %dma_wait3A_282 = arith.constant 0 : i32
      %dma_wait3A_283 = tpu.memref_slice %arg7[%dma_wait3A_281, %dma_wait3A_282] : memref<80x128xi32, #tpu.memory_space<vmem>> -> memref<1x128xi32, #tpu.memory_space<vmem>>
      %dma_wait3A_284 = tpu.memref_squeeze %dma_wait3A_283 : memref<1x128xi32, #tpu.memory_space<vmem>> -> memref<128xi32, #tpu.memory_space<vmem>>
      %dma_wait3A_285 = arith.constant 0 : i32
      %dma_wait3A_286 = arith.constant 0 : i32
      %dma_wait3A_287 = tpu.memref_slice %arg4[%dma_wait3A_285, %dma_wait3A_286] : memref<10112x32xf32, #tpu.memory_space<hbm>> -> memref<10112x32xf32, #tpu.memory_space<hbm>>
      tpu.wait_indirect_dma semaphore(%arg21 : memref<!tpu.dma_semaphore, #tpu.memory_space<semaphore_mem>>) src(%dma_wait3A_287 : memref<10112x32xf32, #tpu.memory_space<hbm>>) dst(%arg12 : memref<128x32xf32, #tpu.memory_space<vmem>>)
      %add3A_288 = arith.constant 3 : i32
      %add3A_289 = arith.addi %mul3A_235, %add3A_288 : i32
      %dma_start3A_290 = arith.constant 0 : i32
      %dma_start3A_291 = tpu.memref_slice %arg8[%add3A_289, %dma_start3A_290] : memref<80x128xi32, #tpu.memory_space<vmem>> -> memref<1x128xi32, #tpu.memory_space<vmem>>
      %dma_start3A_292 = tpu.memref_squeeze %dma_start3A_291 : memref<1x128xi32, #tpu.memory_space<vmem>> -> memref<128xi32, #tpu.memory_space<vmem>>
      %dma_start3A_293 = arith.constant 0 : i32
      %dma_start3A_294 = arith.constant 0 : i32
      %dma_start3A_295 = tpu.memref_slice %arg17[%dma_start3A_293, %dma_start3A_294] : memref<10112x32xf32, #tpu.memory_space<vmem_shared>> -> memref<10112x32xf32, #tpu.memory_space<vmem_shared>>
      tpu.enqueue_indirect_dma source(%arg12 : memref<128x32xf32, #tpu.memory_space<vmem>>) target(%dma_start3A_295 : memref<10112x32xf32, #tpu.memory_space<vmem_shared>>) offsets(%dma_start3A_292 : memref<128xi32, #tpu.memory_space<vmem>>) semaphore(%arg29 : memref<!tpu.dma_semaphore, #tpu.memory_space<semaphore_mem>>) {add = true}
      %dma_wait3A_296 = arith.constant 0 : i32
      %dma_wait3A_297 = arith.constant 0 : i32
      %dma_wait3A_298 = tpu.memref_slice %arg7[%dma_wait3A_296, %dma_wait3A_297] : memref<80x128xi32, #tpu.memory_space<vmem>> -> memref<1x128xi32, #tpu.memory_space<vmem>>
      %dma_wait3A_299 = tpu.memref_squeeze %dma_wait3A_298 : memref<1x128xi32, #tpu.memory_space<vmem>> -> memref<128xi32, #tpu.memory_space<vmem>>
      %dma_wait3A_300 = arith.constant 0 : i32
      %dma_wait3A_301 = arith.constant 0 : i32
      %dma_wait3A_302 = tpu.memref_slice %arg4[%dma_wait3A_300, %dma_wait3A_301] : memref<10112x32xf32, #tpu.memory_space<hbm>> -> memref<10112x32xf32, #tpu.memory_space<hbm>>
      tpu.wait_indirect_dma semaphore(%arg22 : memref<!tpu.dma_semaphore, #tpu.memory_space<semaphore_mem>>) src(%dma_wait3A_302 : memref<10112x32xf32, #tpu.memory_space<hbm>>) dst(%arg13 : memref<128x32xf32, #tpu.memory_space<vmem>>)
      %add3A_303 = arith.constant 4 : i32
      %add3A_304 = arith.addi %mul3A_235, %add3A_303 : i32
      %dma_start3A_305 = arith.constant 0 : i32
      %dma_start3A_306 = tpu.memref_slice %arg8[%add3A_304, %dma_start3A_305] : memref<80x128xi32, #tpu.memory_space<vmem>> -> memref<1x128xi32, #tpu.memory_space<vmem>>
      %dma_start3A_307 = tpu.memref_squeeze %dma_start3A_306 : memref<1x128xi32, #tpu.memory_space<vmem>> -> memref<128xi32, #tpu.memory_space<vmem>>
      %dma_start3A_308 = arith.constant 0 : i32
      %dma_start3A_309 = arith.constant 0 : i32
      %dma_start3A_310 = tpu.memref_slice %arg17[%dma_start3A_308, %dma_start3A_309] : memref<10112x32xf32, #tpu.memory_space<vmem_shared>> -> memref<10112x32xf32, #tpu.memory_space<vmem_shared>>
      tpu.enqueue_indirect_dma source(%arg13 : memref<128x32xf32, #tpu.memory_space<vmem>>) target(%dma_start3A_310 : memref<10112x32xf32, #tpu.memory_space<vmem_shared>>) offsets(%dma_start3A_307 : memref<128xi32, #tpu.memory_space<vmem>>) semaphore(%arg30 : memref<!tpu.dma_semaphore, #tpu.memory_space<semaphore_mem>>) {add = true}
      %dma_wait3A_311 = arith.constant 0 : i32
      %dma_wait3A_312 = arith.constant 0 : i32
      %dma_wait3A_313 = tpu.memref_slice %arg7[%dma_wait3A_311, %dma_wait3A_312] : memref<80x128xi32, #tpu.memory_space<vmem>> -> memref<1x128xi32, #tpu.memory_space<vmem>>
      %dma_wait3A_314 = tpu.memref_squeeze %dma_wait3A_313 : memref<1x128xi32, #tpu.memory_space<vmem>> -> memref<128xi32, #tpu.memory_space<vmem>>
      %dma_wait3A_315 = arith.constant 0 : i32
      %dma_wait3A_316 = arith.constant 0 : i32
      %dma_wait3A_317 = tpu.memref_slice %arg4[%dma_wait3A_315, %dma_wait3A_316] : memref<10112x32xf32, #tpu.memory_space<hbm>> -> memref<10112x32xf32, #tpu.memory_space<hbm>>
      tpu.wait_indirect_dma semaphore(%arg23 : memref<!tpu.dma_semaphore, #tpu.memory_space<semaphore_mem>>) src(%dma_wait3A_317 : memref<10112x32xf32, #tpu.memory_space<hbm>>) dst(%arg14 : memref<128x32xf32, #tpu.memory_space<vmem>>)
      %add3A_318 = arith.constant 5 : i32
      %add3A_319 = arith.addi %mul3A_235, %add3A_318 : i32
      %dma_start3A_320 = arith.constant 0 : i32
      %dma_start3A_321 = tpu.memref_slice %arg8[%add3A_319, %dma_start3A_320] : memref<80x128xi32, #tpu.memory_space<vmem>> -> memref<1x128xi32, #tpu.memory_space<vmem>>
      %dma_start3A_322 = tpu.memref_squeeze %dma_start3A_321 : memref<1x128xi32, #tpu.memory_space<vmem>> -> memref<128xi32, #tpu.memory_space<vmem>>
      %dma_start3A_323 = arith.constant 0 : i32
      %dma_start3A_324 = arith.constant 0 : i32
      %dma_start3A_325 = tpu.memref_slice %arg17[%dma_start3A_323, %dma_start3A_324] : memref<10112x32xf32, #tpu.memory_space<vmem_shared>> -> memref<10112x32xf32, #tpu.memory_space<vmem_shared>>
      tpu.enqueue_indirect_dma source(%arg14 : memref<128x32xf32, #tpu.memory_space<vmem>>) target(%dma_start3A_325 : memref<10112x32xf32, #tpu.memory_space<vmem_shared>>) offsets(%dma_start3A_322 : memref<128xi32, #tpu.memory_space<vmem>>) semaphore(%arg31 : memref<!tpu.dma_semaphore, #tpu.memory_space<semaphore_mem>>) {add = true}
      %dma_wait3A_326 = arith.constant 0 : i32
      %dma_wait3A_327 = arith.constant 0 : i32
      %dma_wait3A_328 = tpu.memref_slice %arg7[%dma_wait3A_326, %dma_wait3A_327] : memref<80x128xi32, #tpu.memory_space<vmem>> -> memref<1x128xi32, #tpu.memory_space<vmem>>
      %dma_wait3A_329 = tpu.memref_squeeze %dma_wait3A_328 : memref<1x128xi32, #tpu.memory_space<vmem>> -> memref<128xi32, #tpu.memory_space<vmem>>
      %dma_wait3A_330 = arith.constant 0 : i32
      %dma_wait3A_331 = arith.constant 0 : i32
      %dma_wait3A_332 = tpu.memref_slice %arg4[%dma_wait3A_330, %dma_wait3A_331] : memref<10112x32xf32, #tpu.memory_space<hbm>> -> memref<10112x32xf32, #tpu.memory_space<hbm>>
      tpu.wait_indirect_dma semaphore(%arg24 : memref<!tpu.dma_semaphore, #tpu.memory_space<semaphore_mem>>) src(%dma_wait3A_332 : memref<10112x32xf32, #tpu.memory_space<hbm>>) dst(%arg15 : memref<128x32xf32, #tpu.memory_space<vmem>>)
      %add3A_333 = arith.constant 6 : i32
      %add3A_334 = arith.addi %mul3A_235, %add3A_333 : i32
      %dma_start3A_335 = arith.constant 0 : i32
      %dma_start3A_336 = tpu.memref_slice %arg8[%add3A_334, %dma_start3A_335] : memref<80x128xi32, #tpu.memory_space<vmem>> -> memref<1x128xi32, #tpu.memory_space<vmem>>
      %dma_start3A_337 = tpu.memref_squeeze %dma_start3A_336 : memref<1x128xi32, #tpu.memory_space<vmem>> -> memref<128xi32, #tpu.memory_space<vmem>>
      %dma_start3A_338 = arith.constant 0 : i32
      %dma_start3A_339 = arith.constant 0 : i32
      %dma_start3A_340 = tpu.memref_slice %arg17[%dma_start3A_338, %dma_start3A_339] : memref<10112x32xf32, #tpu.memory_space<vmem_shared>> -> memref<10112x32xf32, #tpu.memory_space<vmem_shared>>
      tpu.enqueue_indirect_dma source(%arg15 : memref<128x32xf32, #tpu.memory_space<vmem>>) target(%dma_start3A_340 : memref<10112x32xf32, #tpu.memory_space<vmem_shared>>) offsets(%dma_start3A_337 : memref<128xi32, #tpu.memory_space<vmem>>) semaphore(%arg32 : memref<!tpu.dma_semaphore, #tpu.memory_space<semaphore_mem>>) {add = true}
      %dma_wait3A_341 = arith.constant 0 : i32
      %dma_wait3A_342 = arith.constant 0 : i32
      %dma_wait3A_343 = tpu.memref_slice %arg7[%dma_wait3A_341, %dma_wait3A_342] : memref<80x128xi32, #tpu.memory_space<vmem>> -> memref<1x128xi32, #tpu.memory_space<vmem>>
      %dma_wait3A_344 = tpu.memref_squeeze %dma_wait3A_343 : memref<1x128xi32, #tpu.memory_space<vmem>> -> memref<128xi32, #tpu.memory_space<vmem>>
      %dma_wait3A_345 = arith.constant 0 : i32
      %dma_wait3A_346 = arith.constant 0 : i32
      %dma_wait3A_347 = tpu.memref_slice %arg4[%dma_wait3A_345, %dma_wait3A_346] : memref<10112x32xf32, #tpu.memory_space<hbm>> -> memref<10112x32xf32, #tpu.memory_space<hbm>>
      tpu.wait_indirect_dma semaphore(%arg25 : memref<!tpu.dma_semaphore, #tpu.memory_space<semaphore_mem>>) src(%dma_wait3A_347 : memref<10112x32xf32, #tpu.memory_space<hbm>>) dst(%arg16 : memref<128x32xf32, #tpu.memory_space<vmem>>)
      %add3A_348 = arith.constant 7 : i32
      %add3A_349 = arith.addi %mul3A_235, %add3A_348 : i32
      %dma_start3A_350 = arith.constant 0 : i32
      %dma_start3A_351 = tpu.memref_slice %arg8[%add3A_349, %dma_start3A_350] : memref<80x128xi32, #tpu.memory_space<vmem>> -> memref<1x128xi32, #tpu.memory_space<vmem>>
      %dma_start3A_352 = tpu.memref_squeeze %dma_start3A_351 : memref<1x128xi32, #tpu.memory_space<vmem>> -> memref<128xi32, #tpu.memory_space<vmem>>
      %dma_start3A_353 = arith.constant 0 : i32
      %dma_start3A_354 = arith.constant 0 : i32
      %dma_start3A_355 = tpu.memref_slice %arg17[%dma_start3A_353, %dma_start3A_354] : memref<10112x32xf32, #tpu.memory_space<vmem_shared>> -> memref<10112x32xf32, #tpu.memory_space<vmem_shared>>
      tpu.enqueue_indirect_dma source(%arg16 : memref<128x32xf32, #tpu.memory_space<vmem>>) target(%dma_start3A_355 : memref<10112x32xf32, #tpu.memory_space<vmem_shared>>) offsets(%dma_start3A_352 : memref<128xi32, #tpu.memory_space<vmem>>) semaphore(%arg33 : memref<!tpu.dma_semaphore, #tpu.memory_space<semaphore_mem>>) {add = true}
      %dma_wait3A_356 = arith.constant 0 : i32
      %dma_wait3A_357 = arith.constant 0 : i32
      %dma_wait3A_358 = tpu.memref_slice %arg8[%dma_wait3A_356, %dma_wait3A_357] : memref<80x128xi32, #tpu.memory_space<vmem>> -> memref<1x128xi32, #tpu.memory_space<vmem>>
      %dma_wait3A_359 = tpu.memref_squeeze %dma_wait3A_358 : memref<1x128xi32, #tpu.memory_space<vmem>> -> memref<128xi32, #tpu.memory_space<vmem>>
      %dma_wait3A_360 = arith.constant 0 : i32
      %dma_wait3A_361 = arith.constant 0 : i32
      %dma_wait3A_362 = tpu.memref_slice %arg17[%dma_wait3A_360, %dma_wait3A_361] : memref<10112x32xf32, #tpu.memory_space<vmem_shared>> -> memref<10112x32xf32, #tpu.memory_space<vmem_shared>>
      tpu.wait_indirect_dma semaphore(%arg26 : memref<!tpu.dma_semaphore, #tpu.memory_space<semaphore_mem>>) src(%arg9 : memref<128x32xf32, #tpu.memory_space<vmem>>) dst(%dma_wait3A_362 : memref<10112x32xf32, #tpu.memory_space<vmem_shared>>)
      %add3A_363 = arith.constant 8 : i32
      %add3A_364 = arith.addi %mul3A_235, %add3A_363 : i32
      %add3A_365 = arith.constant 0 : i32
      %add3A_366 = arith.addi %add3A_364, %add3A_365 : i32
      %dma_start3A_367 = arith.constant 0 : i32
      %dma_start3A_368 = tpu.memref_slice %arg7[%add3A_366, %dma_start3A_367] : memref<80x128xi32, #tpu.memory_space<vmem>> -> memref<1x128xi32, #tpu.memory_space<vmem>>
      %dma_start3A_369 = tpu.memref_squeeze %dma_start3A_368 : memref<1x128xi32, #tpu.memory_space<vmem>> -> memref<128xi32, #tpu.memory_space<vmem>>
      %dma_start3A_370 = arith.constant 0 : i32
      %dma_start3A_371 = arith.constant 0 : i32
      %dma_start3A_372 = tpu.memref_slice %arg4[%dma_start3A_370, %dma_start3A_371] : memref<10112x32xf32, #tpu.memory_space<hbm>> -> memref<10112x32xf32, #tpu.memory_space<hbm>>
      tpu.enqueue_indirect_dma source(%dma_start3A_372 : memref<10112x32xf32, #tpu.memory_space<hbm>>) target(%arg9 : memref<128x32xf32, #tpu.memory_space<vmem>>) offsets(%dma_start3A_369 : memref<128xi32, #tpu.memory_space<vmem>>) semaphore(%arg18 : memref<!tpu.dma_semaphore, #tpu.memory_space<semaphore_mem>>)
      %dma_wait3A_373 = arith.constant 0 : i32
      %dma_wait3A_374 = arith.constant 0 : i32
      %dma_wait3A_375 = tpu.memref_slice %arg8[%dma_wait3A_373, %dma_wait3A_374] : memref<80x128xi32, #tpu.memory_space<vmem>> -> memref<1x128xi32, #tpu.memory_space<vmem>>
      %dma_wait3A_376 = tpu.memref_squeeze %dma_wait3A_375 : memref<1x128xi32, #tpu.memory_space<vmem>> -> memref<128xi32, #tpu.memory_space<vmem>>
      %dma_wait3A_377 = arith.constant 0 : i32
      %dma_wait3A_378 = arith.constant 0 : i32
      %dma_wait3A_379 = tpu.memref_slice %arg17[%dma_wait3A_377, %dma_wait3A_378] : memref<10112x32xf32, #tpu.memory_space<vmem_shared>> -> memref<10112x32xf32, #tpu.memory_space<vmem_shared>>
      tpu.wait_indirect_dma semaphore(%arg27 : memref<!tpu.dma_semaphore, #tpu.memory_space<semaphore_mem>>) src(%arg10 : memref<128x32xf32, #tpu.memory_space<vmem>>) dst(%dma_wait3A_379 : memref<10112x32xf32, #tpu.memory_space<vmem_shared>>)
      %add3A_380 = arith.constant 8 : i32
      %add3A_381 = arith.addi %mul3A_235, %add3A_380 : i32
      %add3A_382 = arith.constant 1 : i32
      %add3A_383 = arith.addi %add3A_381, %add3A_382 : i32
      %dma_start3A_384 = arith.constant 0 : i32
      %dma_start3A_385 = tpu.memref_slice %arg7[%add3A_383, %dma_start3A_384] : memref<80x128xi32, #tpu.memory_space<vmem>> -> memref<1x128xi32, #tpu.memory_space<vmem>>
      %dma_start3A_386 = tpu.memref_squeeze %dma_start3A_385 : memref<1x128xi32, #tpu.memory_space<vmem>> -> memref<128xi32, #tpu.memory_space<vmem>>
      %dma_start3A_387 = arith.constant 0 : i32
      %dma_start3A_388 = arith.constant 0 : i32
      %dma_start3A_389 = tpu.memref_slice %arg4[%dma_start3A_387, %dma_start3A_388] : memref<10112x32xf32, #tpu.memory_space<hbm>> -> memref<10112x32xf32, #tpu.memory_space<hbm>>
      tpu.enqueue_indirect_dma source(%dma_start3A_389 : memref<10112x32xf32, #tpu.memory_space<hbm>>) target(%arg10 : memref<128x32xf32, #tpu.memory_space<vmem>>) offsets(%dma_start3A_386 : memref<128xi32, #tpu.memory_space<vmem>>) semaphore(%arg19 : memref<!tpu.dma_semaphore, #tpu.memory_space<semaphore_mem>>)
      %dma_wait3A_390 = arith.constant 0 : i32
      %dma_wait3A_391 = arith.constant 0 : i32
      %dma_wait3A_392 = tpu.memref_slice %arg8[%dma_wait3A_390, %dma_wait3A_391] : memref<80x128xi32, #tpu.memory_space<vmem>> -> memref<1x128xi32, #tpu.memory_space<vmem>>
      %dma_wait3A_393 = tpu.memref_squeeze %dma_wait3A_392 : memref<1x128xi32, #tpu.memory_space<vmem>> -> memref<128xi32, #tpu.memory_space<vmem>>
      %dma_wait3A_394 = arith.constant 0 : i32
      %dma_wait3A_395 = arith.constant 0 : i32
      %dma_wait3A_396 = tpu.memref_slice %arg17[%dma_wait3A_394, %dma_wait3A_395] : memref<10112x32xf32, #tpu.memory_space<vmem_shared>> -> memref<10112x32xf32, #tpu.memory_space<vmem_shared>>
      tpu.wait_indirect_dma semaphore(%arg28 : memref<!tpu.dma_semaphore, #tpu.memory_space<semaphore_mem>>) src(%arg11 : memref<128x32xf32, #tpu.memory_space<vmem>>) dst(%dma_wait3A_396 : memref<10112x32xf32, #tpu.memory_space<vmem_shared>>)
      %add3A_397 = arith.constant 8 : i32
      %add3A_398 = arith.addi %mul3A_235, %add3A_397 : i32
      %add3A_399 = arith.constant 2 : i32
      %add3A_400 = arith.addi %add3A_398, %add3A_399 : i32
      %dma_start3A_401 = arith.constant 0 : i32
      %dma_start3A_402 = tpu.memref_slice %arg7[%add3A_400, %dma_start3A_401] : memref<80x128xi32, #tpu.memory_space<vmem>> -> memref<1x128xi32, #tpu.memory_space<vmem>>
      %dma_start3A_403 = tpu.memref_squeeze %dma_start3A_402 : memref<1x128xi32, #tpu.memory_space<vmem>> -> memref<128xi32, #tpu.memory_space<vmem>>
      %dma_start3A_404 = arith.constant 0 : i32
      %dma_start3A_405 = arith.constant 0 : i32
      %dma_start3A_406 = tpu.memref_slice %arg4[%dma_start3A_404, %dma_start3A_405] : memref<10112x32xf32, #tpu.memory_space<hbm>> -> memref<10112x32xf32, #tpu.memory_space<hbm>>
      tpu.enqueue_indirect_dma source(%dma_start3A_406 : memref<10112x32xf32, #tpu.memory_space<hbm>>) target(%arg11 : memref<128x32xf32, #tpu.memory_space<vmem>>) offsets(%dma_start3A_403 : memref<128xi32, #tpu.memory_space<vmem>>) semaphore(%arg20 : memref<!tpu.dma_semaphore, #tpu.memory_space<semaphore_mem>>)
      %dma_wait3A_407 = arith.constant 0 : i32
      %dma_wait3A_408 = arith.constant 0 : i32
      %dma_wait3A_409 = tpu.memref_slice %arg8[%dma_wait3A_407, %dma_wait3A_408] : memref<80x128xi32, #tpu.memory_space<vmem>> -> memref<1x128xi32, #tpu.memory_space<vmem>>
      %dma_wait3A_410 = tpu.memref_squeeze %dma_wait3A_409 : memref<1x128xi32, #tpu.memory_space<vmem>> -> memref<128xi32, #tpu.memory_space<vmem>>
      %dma_wait3A_411 = arith.constant 0 : i32
      %dma_wait3A_412 = arith.constant 0 : i32
      %dma_wait3A_413 = tpu.memref_slice %arg17[%dma_wait3A_411, %dma_wait3A_412] : memref<10112x32xf32, #tpu.memory_space<vmem_shared>> -> memref<10112x32xf32, #tpu.memory_space<vmem_shared>>
      tpu.wait_indirect_dma semaphore(%arg29 : memref<!tpu.dma_semaphore, #tpu.memory_space<semaphore_mem>>) src(%arg12 : memref<128x32xf32, #tpu.memory_space<vmem>>) dst(%dma_wait3A_413 : memref<10112x32xf32, #tpu.memory_space<vmem_shared>>)
      %add3A_414 = arith.constant 8 : i32
      %add3A_415 = arith.addi %mul3A_235, %add3A_414 : i32
      %add3A_416 = arith.constant 3 : i32
      %add3A_417 = arith.addi %add3A_415, %add3A_416 : i32
      %dma_start3A_418 = arith.constant 0 : i32
      %dma_start3A_419 = tpu.memref_slice %arg7[%add3A_417, %dma_start3A_418] : memref<80x128xi32, #tpu.memory_space<vmem>> -> memref<1x128xi32, #tpu.memory_space<vmem>>
      %dma_start3A_420 = tpu.memref_squeeze %dma_start3A_419 : memref<1x128xi32, #tpu.memory_space<vmem>> -> memref<128xi32, #tpu.memory_space<vmem>>
      %dma_start3A_421 = arith.constant 0 : i32
      %dma_start3A_422 = arith.constant 0 : i32
      %dma_start3A_423 = tpu.memref_slice %arg4[%dma_start3A_421, %dma_start3A_422] : memref<10112x32xf32, #tpu.memory_space<hbm>> -> memref<10112x32xf32, #tpu.memory_space<hbm>>
      tpu.enqueue_indirect_dma source(%dma_start3A_423 : memref<10112x32xf32, #tpu.memory_space<hbm>>) target(%arg12 : memref<128x32xf32, #tpu.memory_space<vmem>>) offsets(%dma_start3A_420 : memref<128xi32, #tpu.memory_space<vmem>>) semaphore(%arg21 : memref<!tpu.dma_semaphore, #tpu.memory_space<semaphore_mem>>)
      %dma_wait3A_424 = arith.constant 0 : i32
      %dma_wait3A_425 = arith.constant 0 : i32
      %dma_wait3A_426 = tpu.memref_slice %arg8[%dma_wait3A_424, %dma_wait3A_425] : memref<80x128xi32, #tpu.memory_space<vmem>> -> memref<1x128xi32, #tpu.memory_space<vmem>>
      %dma_wait3A_427 = tpu.memref_squeeze %dma_wait3A_426 : memref<1x128xi32, #tpu.memory_space<vmem>> -> memref<128xi32, #tpu.memory_space<vmem>>
      %dma_wait3A_428 = arith.constant 0 : i32
      %dma_wait3A_429 = arith.constant 0 : i32
      %dma_wait3A_430 = tpu.memref_slice %arg17[%dma_wait3A_428, %dma_wait3A_429] : memref<10112x32xf32, #tpu.memory_space<vmem_shared>> -> memref<10112x32xf32, #tpu.memory_space<vmem_shared>>
      tpu.wait_indirect_dma semaphore(%arg30 : memref<!tpu.dma_semaphore, #tpu.memory_space<semaphore_mem>>) src(%arg13 : memref<128x32xf32, #tpu.memory_space<vmem>>) dst(%dma_wait3A_430 : memref<10112x32xf32, #tpu.memory_space<vmem_shared>>)
      %add3A_431 = arith.constant 8 : i32
      %add3A_432 = arith.addi %mul3A_235, %add3A_431 : i32
      %add3A_433 = arith.constant 4 : i32
      %add3A_434 = arith.addi %add3A_432, %add3A_433 : i32
      %dma_start3A_435 = arith.constant 0 : i32
      %dma_start3A_436 = tpu.memref_slice %arg7[%add3A_434, %dma_start3A_435] : memref<80x128xi32, #tpu.memory_space<vmem>> -> memref<1x128xi32, #tpu.memory_space<vmem>>
      %dma_start3A_437 = tpu.memref_squeeze %dma_start3A_436 : memref<1x128xi32, #tpu.memory_space<vmem>> -> memref<128xi32, #tpu.memory_space<vmem>>
      %dma_start3A_438 = arith.constant 0 : i32
      %dma_start3A_439 = arith.constant 0 : i32
      %dma_start3A_440 = tpu.memref_slice %arg4[%dma_start3A_438, %dma_start3A_439] : memref<10112x32xf32, #tpu.memory_space<hbm>> -> memref<10112x32xf32, #tpu.memory_space<hbm>>
      tpu.enqueue_indirect_dma source(%dma_start3A_440 : memref<10112x32xf32, #tpu.memory_space<hbm>>) target(%arg13 : memref<128x32xf32, #tpu.memory_space<vmem>>) offsets(%dma_start3A_437 : memref<128xi32, #tpu.memory_space<vmem>>) semaphore(%arg22 : memref<!tpu.dma_semaphore, #tpu.memory_space<semaphore_mem>>)
      %dma_wait3A_441 = arith.constant 0 : i32
      %dma_wait3A_442 = arith.constant 0 : i32
      %dma_wait3A_443 = tpu.memref_slice %arg8[%dma_wait3A_441, %dma_wait3A_442] : memref<80x128xi32, #tpu.memory_space<vmem>> -> memref<1x128xi32, #tpu.memory_space<vmem>>
      %dma_wait3A_444 = tpu.memref_squeeze %dma_wait3A_443 : memref<1x128xi32, #tpu.memory_space<vmem>> -> memref<128xi32, #tpu.memory_space<vmem>>
      %dma_wait3A_445 = arith.constant 0 : i32
      %dma_wait3A_446 = arith.constant 0 : i32
      %dma_wait3A_447 = tpu.memref_slice %arg17[%dma_wait3A_445, %dma_wait3A_446] : memref<10112x32xf32, #tpu.memory_space<vmem_shared>> -> memref<10112x32xf32, #tpu.memory_space<vmem_shared>>
      tpu.wait_indirect_dma semaphore(%arg31 : memref<!tpu.dma_semaphore, #tpu.memory_space<semaphore_mem>>) src(%arg14 : memref<128x32xf32, #tpu.memory_space<vmem>>) dst(%dma_wait3A_447 : memref<10112x32xf32, #tpu.memory_space<vmem_shared>>)
      %add3A_448 = arith.constant 8 : i32
      %add3A_449 = arith.addi %mul3A_235, %add3A_448 : i32
      %add3A_450 = arith.constant 5 : i32
      %add3A_451 = arith.addi %add3A_449, %add3A_450 : i32
      %dma_start3A_452 = arith.constant 0 : i32
      %dma_start3A_453 = tpu.memref_slice %arg7[%add3A_451, %dma_start3A_452] : memref<80x128xi32, #tpu.memory_space<vmem>> -> memref<1x128xi32, #tpu.memory_space<vmem>>
      %dma_start3A_454 = tpu.memref_squeeze %dma_start3A_453 : memref<1x128xi32, #tpu.memory_space<vmem>> -> memref<128xi32, #tpu.memory_space<vmem>>
      %dma_start3A_455 = arith.constant 0 : i32
      %dma_start3A_456 = arith.constant 0 : i32
      %dma_start3A_457 = tpu.memref_slice %arg4[%dma_start3A_455, %dma_start3A_456] : memref<10112x32xf32, #tpu.memory_space<hbm>> -> memref<10112x32xf32, #tpu.memory_space<hbm>>
      tpu.enqueue_indirect_dma source(%dma_start3A_457 : memref<10112x32xf32, #tpu.memory_space<hbm>>) target(%arg14 : memref<128x32xf32, #tpu.memory_space<vmem>>) offsets(%dma_start3A_454 : memref<128xi32, #tpu.memory_space<vmem>>) semaphore(%arg23 : memref<!tpu.dma_semaphore, #tpu.memory_space<semaphore_mem>>)
      %dma_wait3A_458 = arith.constant 0 : i32
      %dma_wait3A_459 = arith.constant 0 : i32
      %dma_wait3A_460 = tpu.memref_slice %arg8[%dma_wait3A_458, %dma_wait3A_459] : memref<80x128xi32, #tpu.memory_space<vmem>> -> memref<1x128xi32, #tpu.memory_space<vmem>>
      %dma_wait3A_461 = tpu.memref_squeeze %dma_wait3A_460 : memref<1x128xi32, #tpu.memory_space<vmem>> -> memref<128xi32, #tpu.memory_space<vmem>>
      %dma_wait3A_462 = arith.constant 0 : i32
      %dma_wait3A_463 = arith.constant 0 : i32
      %dma_wait3A_464 = tpu.memref_slice %arg17[%dma_wait3A_462, %dma_wait3A_463] : memref<10112x32xf32, #tpu.memory_space<vmem_shared>> -> memref<10112x32xf32, #tpu.memory_space<vmem_shared>>
      tpu.wait_indirect_dma semaphore(%arg32 : memref<!tpu.dma_semaphore, #tpu.memory_space<semaphore_mem>>) src(%arg15 : memref<128x32xf32, #tpu.memory_space<vmem>>) dst(%dma_wait3A_464 : memref<10112x32xf32, #tpu.memory_space<vmem_shared>>)
      %add3A_465 = arith.constant 8 : i32
      %add3A_466 = arith.addi %mul3A_235, %add3A_465 : i32
      %add3A_467 = arith.constant 6 : i32
      %add3A_468 = arith.addi %add3A_466, %add3A_467 : i32
      %dma_start3A_469 = arith.constant 0 : i32
      %dma_start3A_470 = tpu.memref_slice %arg7[%add3A_468, %dma_start3A_469] : memref<80x128xi32, #tpu.memory_space<vmem>> -> memref<1x128xi32, #tpu.memory_space<vmem>>
      %dma_start3A_471 = tpu.memref_squeeze %dma_start3A_470 : memref<1x128xi32, #tpu.memory_space<vmem>> -> memref<128xi32, #tpu.memory_space<vmem>>
      %dma_start3A_472 = arith.constant 0 : i32
      %dma_start3A_473 = arith.constant 0 : i32
      %dma_start3A_474 = tpu.memref_slice %arg4[%dma_start3A_472, %dma_start3A_473] : memref<10112x32xf32, #tpu.memory_space<hbm>> -> memref<10112x32xf32, #tpu.memory_space<hbm>>
      tpu.enqueue_indirect_dma source(%dma_start3A_474 : memref<10112x32xf32, #tpu.memory_space<hbm>>) target(%arg15 : memref<128x32xf32, #tpu.memory_space<vmem>>) offsets(%dma_start3A_471 : memref<128xi32, #tpu.memory_space<vmem>>) semaphore(%arg24 : memref<!tpu.dma_semaphore, #tpu.memory_space<semaphore_mem>>)
      %dma_wait3A_475 = arith.constant 0 : i32
      %dma_wait3A_476 = arith.constant 0 : i32
      %dma_wait3A_477 = tpu.memref_slice %arg8[%dma_wait3A_475, %dma_wait3A_476] : memref<80x128xi32, #tpu.memory_space<vmem>> -> memref<1x128xi32, #tpu.memory_space<vmem>>
      %dma_wait3A_478 = tpu.memref_squeeze %dma_wait3A_477 : memref<1x128xi32, #tpu.memory_space<vmem>> -> memref<128xi32, #tpu.memory_space<vmem>>
      %dma_wait3A_479 = arith.constant 0 : i32
      %dma_wait3A_480 = arith.constant 0 : i32
      %dma_wait3A_481 = tpu.memref_slice %arg17[%dma_wait3A_479, %dma_wait3A_480] : memref<10112x32xf32, #tpu.memory_space<vmem_shared>> -> memref<10112x32xf32, #tpu.memory_space<vmem_shared>>
      tpu.wait_indirect_dma semaphore(%arg33 : memref<!tpu.dma_semaphore, #tpu.memory_space<semaphore_mem>>) src(%arg16 : memref<128x32xf32, #tpu.memory_space<vmem>>) dst(%dma_wait3A_481 : memref<10112x32xf32, #tpu.memory_space<vmem_shared>>)
      %add3A_482 = arith.constant 8 : i32
      %add3A_483 = arith.addi %mul3A_235, %add3A_482 : i32
      %add3A_484 = arith.constant 7 : i32
      %add3A_485 = arith.addi %add3A_483, %add3A_484 : i32
      %dma_start3A_486 = arith.constant 0 : i32
      %dma_start3A_487 = tpu.memref_slice %arg7[%add3A_485, %dma_start3A_486] : memref<80x128xi32, #tpu.memory_space<vmem>> -> memref<1x128xi32, #tpu.memory_space<vmem>>
      %dma_start3A_488 = tpu.memref_squeeze %dma_start3A_487 : memref<1x128xi32, #tpu.memory_space<vmem>> -> memref<128xi32, #tpu.memory_space<vmem>>
      %dma_start3A_489 = arith.constant 0 : i32
      %dma_start3A_490 = arith.constant 0 : i32
      %dma_start3A_491 = tpu.memref_slice %arg4[%dma_start3A_489, %dma_start3A_490] : memref<10112x32xf32, #tpu.memory_space<hbm>> -> memref<10112x32xf32, #tpu.memory_space<hbm>>
      tpu.enqueue_indirect_dma source(%dma_start3A_491 : memref<10112x32xf32, #tpu.memory_space<hbm>>) target(%arg16 : memref<128x32xf32, #tpu.memory_space<vmem>>) offsets(%dma_start3A_488 : memref<128xi32, #tpu.memory_space<vmem>>) semaphore(%arg25 : memref<!tpu.dma_semaphore, #tpu.memory_space<semaphore_mem>>)
    }
    %scan3A_62 = arith.constant 9 : i32
    %dma_wait3A = arith.constant 0 : i32
    %dma_wait3A_63 = arith.constant 0 : i32
    %dma_wait3A_64 = tpu.memref_slice %arg7[%dma_wait3A, %dma_wait3A_63] : memref<80x128xi32, #tpu.memory_space<vmem>> -> memref<1x128xi32, #tpu.memory_space<vmem>>
    %dma_wait3A_65 = tpu.memref_squeeze %dma_wait3A_64 : memref<1x128xi32, #tpu.memory_space<vmem>> -> memref<128xi32, #tpu.memory_space<vmem>>
    %dma_wait3A_66 = arith.constant 0 : i32
    %dma_wait3A_67 = arith.constant 0 : i32
    %dma_wait3A_68 = tpu.memref_slice %arg4[%dma_wait3A_66, %dma_wait3A_67] : memref<10112x32xf32, #tpu.memory_space<hbm>> -> memref<10112x32xf32, #tpu.memory_space<hbm>>
    tpu.wait_indirect_dma semaphore(%arg18 : memref<!tpu.dma_semaphore, #tpu.memory_space<semaphore_mem>>) src(%dma_wait3A_68 : memref<10112x32xf32, #tpu.memory_space<hbm>>) dst(%arg9 : memref<128x32xf32, #tpu.memory_space<vmem>>)
    %dma_start3A_69 = arith.constant 72 : i32
    %dma_start3A_70 = arith.constant 0 : i32
    %dma_start3A_71 = tpu.memref_slice %arg8[%dma_start3A_69, %dma_start3A_70] : memref<80x128xi32, #tpu.memory_space<vmem>> -> memref<1x128xi32, #tpu.memory_space<vmem>>
    %dma_start3A_72 = tpu.memref_squeeze %dma_start3A_71 : memref<1x128xi32, #tpu.memory_space<vmem>> -> memref<128xi32, #tpu.memory_space<vmem>>
    %dma_start3A_73 = arith.constant 0 : i32
    %dma_start3A_74 = arith.constant 0 : i32
    %dma_start3A_75 = tpu.memref_slice %arg17[%dma_start3A_73, %dma_start3A_74] : memref<10112x32xf32, #tpu.memory_space<vmem_shared>> -> memref<10112x32xf32, #tpu.memory_space<vmem_shared>>
    tpu.enqueue_indirect_dma source(%arg9 : memref<128x32xf32, #tpu.memory_space<vmem>>) target(%dma_start3A_75 : memref<10112x32xf32, #tpu.memory_space<vmem_shared>>) offsets(%dma_start3A_72 : memref<128xi32, #tpu.memory_space<vmem>>) semaphore(%arg26 : memref<!tpu.dma_semaphore, #tpu.memory_space<semaphore_mem>>) {add = true}
    %dma_wait3A_76 = arith.constant 0 : i32
    %dma_wait3A_77 = arith.constant 0 : i32
    %dma_wait3A_78 = tpu.memref_slice %arg7[%dma_wait3A_76, %dma_wait3A_77] : memref<80x128xi32, #tpu.memory_space<vmem>> -> memref<1x128xi32, #tpu.memory_space<vmem>>
    %dma_wait3A_79 = tpu.memref_squeeze %dma_wait3A_78 : memref<1x128xi32, #tpu.memory_space<vmem>> -> memref<128xi32, #tpu.memory_space<vmem>>
    %dma_wait3A_80 = arith.constant 0 : i32
    %dma_wait3A_81 = arith.constant 0 : i32
    %dma_wait3A_82 = tpu.memref_slice %arg4[%dma_wait3A_80, %dma_wait3A_81] : memref<10112x32xf32, #tpu.memory_space<hbm>> -> memref<10112x32xf32, #tpu.memory_space<hbm>>
    tpu.wait_indirect_dma semaphore(%arg19 : memref<!tpu.dma_semaphore, #tpu.memory_space<semaphore_mem>>) src(%dma_wait3A_82 : memref<10112x32xf32, #tpu.memory_space<hbm>>) dst(%arg10 : memref<128x32xf32, #tpu.memory_space<vmem>>)
    %dma_start3A_83 = arith.constant 73 : i32
    %dma_start3A_84 = arith.constant 0 : i32
    %dma_start3A_85 = tpu.memref_slice %arg8[%dma_start3A_83, %dma_start3A_84] : memref<80x128xi32, #tpu.memory_space<vmem>> -> memref<1x128xi32, #tpu.memory_space<vmem>>
    %dma_start3A_86 = tpu.memref_squeeze %dma_start3A_85 : memref<1x128xi32, #tpu.memory_space<vmem>> -> memref<128xi32, #tpu.memory_space<vmem>>
    %dma_start3A_87 = arith.constant 0 : i32
    %dma_start3A_88 = arith.constant 0 : i32
    %dma_start3A_89 = tpu.memref_slice %arg17[%dma_start3A_87, %dma_start3A_88] : memref<10112x32xf32, #tpu.memory_space<vmem_shared>> -> memref<10112x32xf32, #tpu.memory_space<vmem_shared>>
    tpu.enqueue_indirect_dma source(%arg10 : memref<128x32xf32, #tpu.memory_space<vmem>>) target(%dma_start3A_89 : memref<10112x32xf32, #tpu.memory_space<vmem_shared>>) offsets(%dma_start3A_86 : memref<128xi32, #tpu.memory_space<vmem>>) semaphore(%arg27 : memref<!tpu.dma_semaphore, #tpu.memory_space<semaphore_mem>>) {add = true}
    %dma_wait3A_90 = arith.constant 0 : i32
    %dma_wait3A_91 = arith.constant 0 : i32
    %dma_wait3A_92 = tpu.memref_slice %arg7[%dma_wait3A_90, %dma_wait3A_91] : memref<80x128xi32, #tpu.memory_space<vmem>> -> memref<1x128xi32, #tpu.memory_space<vmem>>
    %dma_wait3A_93 = tpu.memref_squeeze %dma_wait3A_92 : memref<1x128xi32, #tpu.memory_space<vmem>> -> memref<128xi32, #tpu.memory_space<vmem>>
    %dma_wait3A_94 = arith.constant 0 : i32
    %dma_wait3A_95 = arith.constant 0 : i32
    %dma_wait3A_96 = tpu.memref_slice %arg4[%dma_wait3A_94, %dma_wait3A_95] : memref<10112x32xf32, #tpu.memory_space<hbm>> -> memref<10112x32xf32, #tpu.memory_space<hbm>>
    tpu.wait_indirect_dma semaphore(%arg20 : memref<!tpu.dma_semaphore, #tpu.memory_space<semaphore_mem>>) src(%dma_wait3A_96 : memref<10112x32xf32, #tpu.memory_space<hbm>>) dst(%arg11 : memref<128x32xf32, #tpu.memory_space<vmem>>)
    %dma_start3A_97 = arith.constant 74 : i32
    %dma_start3A_98 = arith.constant 0 : i32
    %dma_start3A_99 = tpu.memref_slice %arg8[%dma_start3A_97, %dma_start3A_98] : memref<80x128xi32, #tpu.memory_space<vmem>> -> memref<1x128xi32, #tpu.memory_space<vmem>>
    %dma_start3A_100 = tpu.memref_squeeze %dma_start3A_99 : memref<1x128xi32, #tpu.memory_space<vmem>> -> memref<128xi32, #tpu.memory_space<vmem>>
    %dma_start3A_101 = arith.constant 0 : i32
    %dma_start3A_102 = arith.constant 0 : i32
    %dma_start3A_103 = tpu.memref_slice %arg17[%dma_start3A_101, %dma_start3A_102] : memref<10112x32xf32, #tpu.memory_space<vmem_shared>> -> memref<10112x32xf32, #tpu.memory_space<vmem_shared>>
    tpu.enqueue_indirect_dma source(%arg11 : memref<128x32xf32, #tpu.memory_space<vmem>>) target(%dma_start3A_103 : memref<10112x32xf32, #tpu.memory_space<vmem_shared>>) offsets(%dma_start3A_100 : memref<128xi32, #tpu.memory_space<vmem>>) semaphore(%arg28 : memref<!tpu.dma_semaphore, #tpu.memory_space<semaphore_mem>>) {add = true}
    %dma_wait3A_104 = arith.constant 0 : i32
    %dma_wait3A_105 = arith.constant 0 : i32
    %dma_wait3A_106 = tpu.memref_slice %arg7[%dma_wait3A_104, %dma_wait3A_105] : memref<80x128xi32, #tpu.memory_space<vmem>> -> memref<1x128xi32, #tpu.memory_space<vmem>>
    %dma_wait3A_107 = tpu.memref_squeeze %dma_wait3A_106 : memref<1x128xi32, #tpu.memory_space<vmem>> -> memref<128xi32, #tpu.memory_space<vmem>>
    %dma_wait3A_108 = arith.constant 0 : i32
    %dma_wait3A_109 = arith.constant 0 : i32
    %dma_wait3A_110 = tpu.memref_slice %arg4[%dma_wait3A_108, %dma_wait3A_109] : memref<10112x32xf32, #tpu.memory_space<hbm>> -> memref<10112x32xf32, #tpu.memory_space<hbm>>
    tpu.wait_indirect_dma semaphore(%arg21 : memref<!tpu.dma_semaphore, #tpu.memory_space<semaphore_mem>>) src(%dma_wait3A_110 : memref<10112x32xf32, #tpu.memory_space<hbm>>) dst(%arg12 : memref<128x32xf32, #tpu.memory_space<vmem>>)
    %dma_start3A_111 = arith.constant 75 : i32
    %dma_start3A_112 = arith.constant 0 : i32
    %dma_start3A_113 = tpu.memref_slice %arg8[%dma_start3A_111, %dma_start3A_112] : memref<80x128xi32, #tpu.memory_space<vmem>> -> memref<1x128xi32, #tpu.memory_space<vmem>>
    %dma_start3A_114 = tpu.memref_squeeze %dma_start3A_113 : memref<1x128xi32, #tpu.memory_space<vmem>> -> memref<128xi32, #tpu.memory_space<vmem>>
    %dma_start3A_115 = arith.constant 0 : i32
    %dma_start3A_116 = arith.constant 0 : i32
    %dma_start3A_117 = tpu.memref_slice %arg17[%dma_start3A_115, %dma_start3A_116] : memref<10112x32xf32, #tpu.memory_space<vmem_shared>> -> memref<10112x32xf32, #tpu.memory_space<vmem_shared>>
    tpu.enqueue_indirect_dma source(%arg12 : memref<128x32xf32, #tpu.memory_space<vmem>>) target(%dma_start3A_117 : memref<10112x32xf32, #tpu.memory_space<vmem_shared>>) offsets(%dma_start3A_114 : memref<128xi32, #tpu.memory_space<vmem>>) semaphore(%arg29 : memref<!tpu.dma_semaphore, #tpu.memory_space<semaphore_mem>>) {add = true}
    %dma_wait3A_118 = arith.constant 0 : i32
    %dma_wait3A_119 = arith.constant 0 : i32
    %dma_wait3A_120 = tpu.memref_slice %arg7[%dma_wait3A_118, %dma_wait3A_119] : memref<80x128xi32, #tpu.memory_space<vmem>> -> memref<1x128xi32, #tpu.memory_space<vmem>>
    %dma_wait3A_121 = tpu.memref_squeeze %dma_wait3A_120 : memref<1x128xi32, #tpu.memory_space<vmem>> -> memref<128xi32, #tpu.memory_space<vmem>>
    %dma_wait3A_122 = arith.constant 0 : i32
    %dma_wait3A_123 = arith.constant 0 : i32
    %dma_wait3A_124 = tpu.memref_slice %arg4[%dma_wait3A_122, %dma_wait3A_123] : memref<10112x32xf32, #tpu.memory_space<hbm>> -> memref<10112x32xf32, #tpu.memory_space<hbm>>
    tpu.wait_indirect_dma semaphore(%arg22 : memref<!tpu.dma_semaphore, #tpu.memory_space<semaphore_mem>>) src(%dma_wait3A_124 : memref<10112x32xf32, #tpu.memory_space<hbm>>) dst(%arg13 : memref<128x32xf32, #tpu.memory_space<vmem>>)
    %dma_start3A_125 = arith.constant 76 : i32
    %dma_start3A_126 = arith.constant 0 : i32
    %dma_start3A_127 = tpu.memref_slice %arg8[%dma_start3A_125, %dma_start3A_126] : memref<80x128xi32, #tpu.memory_space<vmem>> -> memref<1x128xi32, #tpu.memory_space<vmem>>
    %dma_start3A_128 = tpu.memref_squeeze %dma_start3A_127 : memref<1x128xi32, #tpu.memory_space<vmem>> -> memref<128xi32, #tpu.memory_space<vmem>>
    %dma_start3A_129 = arith.constant 0 : i32
    %dma_start3A_130 = arith.constant 0 : i32
    %dma_start3A_131 = tpu.memref_slice %arg17[%dma_start3A_129, %dma_start3A_130] : memref<10112x32xf32, #tpu.memory_space<vmem_shared>> -> memref<10112x32xf32, #tpu.memory_space<vmem_shared>>
    tpu.enqueue_indirect_dma source(%arg13 : memref<128x32xf32, #tpu.memory_space<vmem>>) target(%dma_start3A_131 : memref<10112x32xf32, #tpu.memory_space<vmem_shared>>) offsets(%dma_start3A_128 : memref<128xi32, #tpu.memory_space<vmem>>) semaphore(%arg30 : memref<!tpu.dma_semaphore, #tpu.memory_space<semaphore_mem>>) {add = true}
    %dma_wait3A_132 = arith.constant 0 : i32
    %dma_wait3A_133 = arith.constant 0 : i32
    %dma_wait3A_134 = tpu.memref_slice %arg7[%dma_wait3A_132, %dma_wait3A_133] : memref<80x128xi32, #tpu.memory_space<vmem>> -> memref<1x128xi32, #tpu.memory_space<vmem>>
    %dma_wait3A_135 = tpu.memref_squeeze %dma_wait3A_134 : memref<1x128xi32, #tpu.memory_space<vmem>> -> memref<128xi32, #tpu.memory_space<vmem>>
    %dma_wait3A_136 = arith.constant 0 : i32
    %dma_wait3A_137 = arith.constant 0 : i32
    %dma_wait3A_138 = tpu.memref_slice %arg4[%dma_wait3A_136, %dma_wait3A_137] : memref<10112x32xf32, #tpu.memory_space<hbm>> -> memref<10112x32xf32, #tpu.memory_space<hbm>>
    tpu.wait_indirect_dma semaphore(%arg23 : memref<!tpu.dma_semaphore, #tpu.memory_space<semaphore_mem>>) src(%dma_wait3A_138 : memref<10112x32xf32, #tpu.memory_space<hbm>>) dst(%arg14 : memref<128x32xf32, #tpu.memory_space<vmem>>)
    %dma_start3A_139 = arith.constant 77 : i32
    %dma_start3A_140 = arith.constant 0 : i32
    %dma_start3A_141 = tpu.memref_slice %arg8[%dma_start3A_139, %dma_start3A_140] : memref<80x128xi32, #tpu.memory_space<vmem>> -> memref<1x128xi32, #tpu.memory_space<vmem>>
    %dma_start3A_142 = tpu.memref_squeeze %dma_start3A_141 : memref<1x128xi32, #tpu.memory_space<vmem>> -> memref<128xi32, #tpu.memory_space<vmem>>
    %dma_start3A_143 = arith.constant 0 : i32
    %dma_start3A_144 = arith.constant 0 : i32
    %dma_start3A_145 = tpu.memref_slice %arg17[%dma_start3A_143, %dma_start3A_144] : memref<10112x32xf32, #tpu.memory_space<vmem_shared>> -> memref<10112x32xf32, #tpu.memory_space<vmem_shared>>
    tpu.enqueue_indirect_dma source(%arg14 : memref<128x32xf32, #tpu.memory_space<vmem>>) target(%dma_start3A_145 : memref<10112x32xf32, #tpu.memory_space<vmem_shared>>) offsets(%dma_start3A_142 : memref<128xi32, #tpu.memory_space<vmem>>) semaphore(%arg31 : memref<!tpu.dma_semaphore, #tpu.memory_space<semaphore_mem>>) {add = true}
    %dma_wait3A_146 = arith.constant 0 : i32
    %dma_wait3A_147 = arith.constant 0 : i32
    %dma_wait3A_148 = tpu.memref_slice %arg7[%dma_wait3A_146, %dma_wait3A_147] : memref<80x128xi32, #tpu.memory_space<vmem>> -> memref<1x128xi32, #tpu.memory_space<vmem>>
    %dma_wait3A_149 = tpu.memref_squeeze %dma_wait3A_148 : memref<1x128xi32, #tpu.memory_space<vmem>> -> memref<128xi32, #tpu.memory_space<vmem>>
    %dma_wait3A_150 = arith.constant 0 : i32
    %dma_wait3A_151 = arith.constant 0 : i32
    %dma_wait3A_152 = tpu.memref_slice %arg4[%dma_wait3A_150, %dma_wait3A_151] : memref<10112x32xf32, #tpu.memory_space<hbm>> -> memref<10112x32xf32, #tpu.memory_space<hbm>>
    tpu.wait_indirect_dma semaphore(%arg24 : memref<!tpu.dma_semaphore, #tpu.memory_space<semaphore_mem>>) src(%dma_wait3A_152 : memref<10112x32xf32, #tpu.memory_space<hbm>>) dst(%arg15 : memref<128x32xf32, #tpu.memory_space<vmem>>)
    %dma_start3A_153 = arith.constant 78 : i32
    %dma_start3A_154 = arith.constant 0 : i32
    %dma_start3A_155 = tpu.memref_slice %arg8[%dma_start3A_153, %dma_start3A_154] : memref<80x128xi32, #tpu.memory_space<vmem>> -> memref<1x128xi32, #tpu.memory_space<vmem>>
    %dma_start3A_156 = tpu.memref_squeeze %dma_start3A_155 : memref<1x128xi32, #tpu.memory_space<vmem>> -> memref<128xi32, #tpu.memory_space<vmem>>
    %dma_start3A_157 = arith.constant 0 : i32
    %dma_start3A_158 = arith.constant 0 : i32
    %dma_start3A_159 = tpu.memref_slice %arg17[%dma_start3A_157, %dma_start3A_158] : memref<10112x32xf32, #tpu.memory_space<vmem_shared>> -> memref<10112x32xf32, #tpu.memory_space<vmem_shared>>
    tpu.enqueue_indirect_dma source(%arg15 : memref<128x32xf32, #tpu.memory_space<vmem>>) target(%dma_start3A_159 : memref<10112x32xf32, #tpu.memory_space<vmem_shared>>) offsets(%dma_start3A_156 : memref<128xi32, #tpu.memory_space<vmem>>) semaphore(%arg32 : memref<!tpu.dma_semaphore, #tpu.memory_space<semaphore_mem>>) {add = true}
    %dma_wait3A_160 = arith.constant 0 : i32
    %dma_wait3A_161 = arith.constant 0 : i32
    %dma_wait3A_162 = tpu.memref_slice %arg7[%dma_wait3A_160, %dma_wait3A_161] : memref<80x128xi32, #tpu.memory_space<vmem>> -> memref<1x128xi32, #tpu.memory_space<vmem>>
    %dma_wait3A_163 = tpu.memref_squeeze %dma_wait3A_162 : memref<1x128xi32, #tpu.memory_space<vmem>> -> memref<128xi32, #tpu.memory_space<vmem>>
    %dma_wait3A_164 = arith.constant 0 : i32
    %dma_wait3A_165 = arith.constant 0 : i32
    %dma_wait3A_166 = tpu.memref_slice %arg4[%dma_wait3A_164, %dma_wait3A_165] : memref<10112x32xf32, #tpu.memory_space<hbm>> -> memref<10112x32xf32, #tpu.memory_space<hbm>>
    tpu.wait_indirect_dma semaphore(%arg25 : memref<!tpu.dma_semaphore, #tpu.memory_space<semaphore_mem>>) src(%dma_wait3A_166 : memref<10112x32xf32, #tpu.memory_space<hbm>>) dst(%arg16 : memref<128x32xf32, #tpu.memory_space<vmem>>)
    %dma_start3A_167 = arith.constant 79 : i32
    %dma_start3A_168 = arith.constant 0 : i32
    %dma_start3A_169 = tpu.memref_slice %arg8[%dma_start3A_167, %dma_start3A_168] : memref<80x128xi32, #tpu.memory_space<vmem>> -> memref<1x128xi32, #tpu.memory_space<vmem>>
    %dma_start3A_170 = tpu.memref_squeeze %dma_start3A_169 : memref<1x128xi32, #tpu.memory_space<vmem>> -> memref<128xi32, #tpu.memory_space<vmem>>
    %dma_start3A_171 = arith.constant 0 : i32
    %dma_start3A_172 = arith.constant 0 : i32
    %dma_start3A_173 = tpu.memref_slice %arg17[%dma_start3A_171, %dma_start3A_172] : memref<10112x32xf32, #tpu.memory_space<vmem_shared>> -> memref<10112x32xf32, #tpu.memory_space<vmem_shared>>
    tpu.enqueue_indirect_dma source(%arg16 : memref<128x32xf32, #tpu.memory_space<vmem>>) target(%dma_start3A_173 : memref<10112x32xf32, #tpu.memory_space<vmem_shared>>) offsets(%dma_start3A_170 : memref<128xi32, #tpu.memory_space<vmem>>) semaphore(%arg33 : memref<!tpu.dma_semaphore, #tpu.memory_space<semaphore_mem>>) {add = true}
    %dma_wait3A_174 = arith.constant 0 : i32
    %dma_wait3A_175 = arith.constant 0 : i32
    %dma_wait3A_176 = tpu.memref_slice %arg8[%dma_wait3A_174, %dma_wait3A_175] : memref<80x128xi32, #tpu.memory_space<vmem>> -> memref<1x128xi32, #tpu.memory_space<vmem>>
    %dma_wait3A_177 = tpu.memref_squeeze %dma_wait3A_176 : memref<1x128xi32, #tpu.memory_space<vmem>> -> memref<128xi32, #tpu.memory_space<vmem>>
    %dma_wait3A_178 = arith.constant 0 : i32
    %dma_wait3A_179 = arith.constant 0 : i32
    %dma_wait3A_180 = tpu.memref_slice %arg17[%dma_wait3A_178, %dma_wait3A_179] : memref<10112x32xf32, #tpu.memory_space<vmem_shared>> -> memref<10112x32xf32, #tpu.memory_space<vmem_shared>>
    tpu.wait_indirect_dma semaphore(%arg26 : memref<!tpu.dma_semaphore, #tpu.memory_space<semaphore_mem>>) src(%arg9 : memref<128x32xf32, #tpu.memory_space<vmem>>) dst(%dma_wait3A_180 : memref<10112x32xf32, #tpu.memory_space<vmem_shared>>)
    %dma_wait3A_181 = arith.constant 0 : i32
    %dma_wait3A_182 = arith.constant 0 : i32
    %dma_wait3A_183 = tpu.memref_slice %arg8[%dma_wait3A_181, %dma_wait3A_182] : memref<80x128xi32, #tpu.memory_space<vmem>> -> memref<1x128xi32, #tpu.memory_space<vmem>>
    %dma_wait3A_184 = tpu.memref_squeeze %dma_wait3A_183 : memref<1x128xi32, #tpu.memory_space<vmem>> -> memref<128xi32, #tpu.memory_space<vmem>>
    %dma_wait3A_185 = arith.constant 0 : i32
    %dma_wait3A_186 = arith.constant 0 : i32
    %dma_wait3A_187 = tpu.memref_slice %arg17[%dma_wait3A_185, %dma_wait3A_186] : memref<10112x32xf32, #tpu.memory_space<vmem_shared>> -> memref<10112x32xf32, #tpu.memory_space<vmem_shared>>
    tpu.wait_indirect_dma semaphore(%arg27 : memref<!tpu.dma_semaphore, #tpu.memory_space<semaphore_mem>>) src(%arg10 : memref<128x32xf32, #tpu.memory_space<vmem>>) dst(%dma_wait3A_187 : memref<10112x32xf32, #tpu.memory_space<vmem_shared>>)
    %dma_wait3A_188 = arith.constant 0 : i32
    %dma_wait3A_189 = arith.constant 0 : i32
    %dma_wait3A_190 = tpu.memref_slice %arg8[%dma_wait3A_188, %dma_wait3A_189] : memref<80x128xi32, #tpu.memory_space<vmem>> -> memref<1x128xi32, #tpu.memory_space<vmem>>
    %dma_wait3A_191 = tpu.memref_squeeze %dma_wait3A_190 : memref<1x128xi32, #tpu.memory_space<vmem>> -> memref<128xi32, #tpu.memory_space<vmem>>
    %dma_wait3A_192 = arith.constant 0 : i32
    %dma_wait3A_193 = arith.constant 0 : i32
    %dma_wait3A_194 = tpu.memref_slice %arg17[%dma_wait3A_192, %dma_wait3A_193] : memref<10112x32xf32, #tpu.memory_space<vmem_shared>> -> memref<10112x32xf32, #tpu.memory_space<vmem_shared>>
    tpu.wait_indirect_dma semaphore(%arg28 : memref<!tpu.dma_semaphore, #tpu.memory_space<semaphore_mem>>) src(%arg11 : memref<128x32xf32, #tpu.memory_space<vmem>>) dst(%dma_wait3A_194 : memref<10112x32xf32, #tpu.memory_space<vmem_shared>>)
    %dma_wait3A_195 = arith.constant 0 : i32
    %dma_wait3A_196 = arith.constant 0 : i32
    %dma_wait3A_197 = tpu.memref_slice %arg8[%dma_wait3A_195, %dma_wait3A_196] : memref<80x128xi32, #tpu.memory_space<vmem>> -> memref<1x128xi32, #tpu.memory_space<vmem>>
    %dma_wait3A_198 = tpu.memref_squeeze %dma_wait3A_197 : memref<1x128xi32, #tpu.memory_space<vmem>> -> memref<128xi32, #tpu.memory_space<vmem>>
    %dma_wait3A_199 = arith.constant 0 : i32
    %dma_wait3A_200 = arith.constant 0 : i32
    %dma_wait3A_201 = tpu.memref_slice %arg17[%dma_wait3A_199, %dma_wait3A_200] : memref<10112x32xf32, #tpu.memory_space<vmem_shared>> -> memref<10112x32xf32, #tpu.memory_space<vmem_shared>>
    tpu.wait_indirect_dma semaphore(%arg29 : memref<!tpu.dma_semaphore, #tpu.memory_space<semaphore_mem>>) src(%arg12 : memref<128x32xf32, #tpu.memory_space<vmem>>) dst(%dma_wait3A_201 : memref<10112x32xf32, #tpu.memory_space<vmem_shared>>)
    %dma_wait3A_202 = arith.constant 0 : i32
    %dma_wait3A_203 = arith.constant 0 : i32
    %dma_wait3A_204 = tpu.memref_slice %arg8[%dma_wait3A_202, %dma_wait3A_203] : memref<80x128xi32, #tpu.memory_space<vmem>> -> memref<1x128xi32, #tpu.memory_space<vmem>>
    %dma_wait3A_205 = tpu.memref_squeeze %dma_wait3A_204 : memref<1x128xi32, #tpu.memory_space<vmem>> -> memref<128xi32, #tpu.memory_space<vmem>>
    %dma_wait3A_206 = arith.constant 0 : i32
    %dma_wait3A_207 = arith.constant 0 : i32
    %dma_wait3A_208 = tpu.memref_slice %arg17[%dma_wait3A_206, %dma_wait3A_207] : memref<10112x32xf32, #tpu.memory_space<vmem_shared>> -> memref<10112x32xf32, #tpu.memory_space<vmem_shared>>
    tpu.wait_indirect_dma semaphore(%arg30 : memref<!tpu.dma_semaphore, #tpu.memory_space<semaphore_mem>>) src(%arg13 : memref<128x32xf32, #tpu.memory_space<vmem>>) dst(%dma_wait3A_208 : memref<10112x32xf32, #tpu.memory_space<vmem_shared>>)
    %dma_wait3A_209 = arith.constant 0 : i32
    %dma_wait3A_210 = arith.constant 0 : i32
    %dma_wait3A_211 = tpu.memref_slice %arg8[%dma_wait3A_209, %dma_wait3A_210] : memref<80x128xi32, #tpu.memory_space<vmem>> -> memref<1x128xi32, #tpu.memory_space<vmem>>
    %dma_wait3A_212 = tpu.memref_squeeze %dma_wait3A_211 : memref<1x128xi32, #tpu.memory_space<vmem>> -> memref<128xi32, #tpu.memory_space<vmem>>
    %dma_wait3A_213 = arith.constant 0 : i32
    %dma_wait3A_214 = arith.constant 0 : i32
    %dma_wait3A_215 = tpu.memref_slice %arg17[%dma_wait3A_213, %dma_wait3A_214] : memref<10112x32xf32, #tpu.memory_space<vmem_shared>> -> memref<10112x32xf32, #tpu.memory_space<vmem_shared>>
    tpu.wait_indirect_dma semaphore(%arg31 : memref<!tpu.dma_semaphore, #tpu.memory_space<semaphore_mem>>) src(%arg14 : memref<128x32xf32, #tpu.memory_space<vmem>>) dst(%dma_wait3A_215 : memref<10112x32xf32, #tpu.memory_space<vmem_shared>>)
    %dma_wait3A_216 = arith.constant 0 : i32
    %dma_wait3A_217 = arith.constant 0 : i32
    %dma_wait3A_218 = tpu.memref_slice %arg8[%dma_wait3A_216, %dma_wait3A_217] : memref<80x128xi32, #tpu.memory_space<vmem>> -> memref<1x128xi32, #tpu.memory_space<vmem>>
    %dma_wait3A_219 = tpu.memref_squeeze %dma_wait3A_218 : memref<1x128xi32, #tpu.memory_space<vmem>> -> memref<128xi32, #tpu.memory_space<vmem>>
    %dma_wait3A_220 = arith.constant 0 : i32
    %dma_wait3A_221 = arith.constant 0 : i32
    %dma_wait3A_222 = tpu.memref_slice %arg17[%dma_wait3A_220, %dma_wait3A_221] : memref<10112x32xf32, #tpu.memory_space<vmem_shared>> -> memref<10112x32xf32, #tpu.memory_space<vmem_shared>>
    tpu.wait_indirect_dma semaphore(%arg32 : memref<!tpu.dma_semaphore, #tpu.memory_space<semaphore_mem>>) src(%arg15 : memref<128x32xf32, #tpu.memory_space<vmem>>) dst(%dma_wait3A_222 : memref<10112x32xf32, #tpu.memory_space<vmem_shared>>)
    %dma_wait3A_223 = arith.constant 0 : i32
    %dma_wait3A_224 = arith.constant 0 : i32
    %dma_wait3A_225 = tpu.memref_slice %arg8[%dma_wait3A_223, %dma_wait3A_224] : memref<80x128xi32, #tpu.memory_space<vmem>> -> memref<1x128xi32, #tpu.memory_space<vmem>>
    %dma_wait3A_226 = tpu.memref_squeeze %dma_wait3A_225 : memref<1x128xi32, #tpu.memory_space<vmem>> -> memref<128xi32, #tpu.memory_space<vmem>>
    %dma_wait3A_227 = arith.constant 0 : i32
    %dma_wait3A_228 = arith.constant 0 : i32
    %dma_wait3A_229 = tpu.memref_slice %arg17[%dma_wait3A_227, %dma_wait3A_228] : memref<10112x32xf32, #tpu.memory_space<vmem_shared>> -> memref<10112x32xf32, #tpu.memory_space<vmem_shared>>
    tpu.wait_indirect_dma semaphore(%arg33 : memref<!tpu.dma_semaphore, #tpu.memory_space<semaphore_mem>>) src(%arg16 : memref<128x32xf32, #tpu.memory_space<vmem>>) dst(%dma_wait3A_229 : memref<10112x32xf32, #tpu.memory_space<vmem_shared>>)
    %barrier3A_230 = arith.constant 0 : index
    tpu.barrier barrier_id(%barrier3A_230)
    %mul3A_231 = arith.constant 632 : i32
    %mul3A_232 = arith.muli %arg1, %mul3A_231 : i32
    "tpu.region"() ({
      %run_scoped3A = tpu.sem_alloc : memref<!tpu.dma_semaphore, #tpu.memory_space<semaphore_mem>>
      %dma_start3A_233 = arith.constant 0 : i32
      %dma_start3A_234 = tpu.memref_slice %arg6[%arg0, %mul3A_232, %dma_start3A_233] : memref<2x10112x32xf32, #tpu.memory_space<hbm>> -> memref<1x632x32xf32, #tpu.memory_space<hbm>>
      %dma_start3A_235 = tpu.memref_squeeze %dma_start3A_234 : memref<1x632x32xf32, #tpu.memory_space<hbm>> -> memref<632x32xf32, #tpu.memory_space<hbm>>
      %dma_start3A_236 = arith.constant 0 : i32
      %dma_start3A_237 = tpu.memref_slice %arg17[%mul3A_232, %dma_start3A_236] : memref<10112x32xf32, #tpu.memory_space<vmem_shared>> -> memref<632x32xf32, #tpu.memory_space<vmem_shared>>
      tpu.enqueue_dma source(%dma_start3A_237 : memref<632x32xf32, #tpu.memory_space<vmem_shared>>) target(%dma_start3A_235 : memref<632x32xf32, #tpu.memory_space<hbm>>) target_semaphore(%run_scoped3A : memref<!tpu.dma_semaphore, #tpu.memory_space<semaphore_mem>>)
      %dma_wait3A_238 = arith.constant 0 : i32
      %dma_wait3A_239 = tpu.memref_slice %arg6[%arg0, %mul3A_232, %dma_wait3A_238] : memref<2x10112x32xf32, #tpu.memory_space<hbm>> -> memref<1x632x32xf32, #tpu.memory_space<hbm>>
      %dma_wait3A_240 = tpu.memref_squeeze %dma_wait3A_239 : memref<1x632x32xf32, #tpu.memory_space<hbm>> -> memref<632x32xf32, #tpu.memory_space<hbm>>
      %dma_wait3A_241 = arith.constant 0 : i32
      %dma_wait3A_242 = tpu.memref_slice %arg17[%mul3A_232, %dma_wait3A_241] : memref<10112x32xf32, #tpu.memory_space<vmem_shared>> -> memref<632x32xf32, #tpu.memory_space<vmem_shared>>
      tpu.wait_dma2 semaphore(%run_scoped3A : memref<!tpu.dma_semaphore, #tpu.memory_space<semaphore_mem>>) src(%dma_wait3A_242 : memref<632x32xf32, #tpu.memory_space<vmem_shared>>) dst(%dma_wait3A_240 : memref<632x32xf32, #tpu.memory_space<hbm>>)
      tpu.yield
    }) : () -> ()
    return
  }
}

#map = affine_map<(d0, d1) -> (0, 0, 0)>
#map1 = affine_map<(d0, d1) -> (0, 0)>
module attributes {stable_mosaic.version = 14 : i64} {
  func.func @_pair_gather(%arg0: i32, %arg1: i32, %arg2: memref<32x4x128xi32, #tpu.memory_space<hbm>>, %arg3: memref<32x2x128xi32, #tpu.memory_space<hbm>>, %arg4: memref<20224x32xf32, #tpu.memory_space<hbm>>, %arg5: memref<10112x32xf32, #tpu.memory_space<hbm>>, %arg6: memref<10112x16xf32, #tpu.memory_space<hbm>>, %arg7: memref<16384x32xf32, #tpu.memory_space<hbm>>, %arg8: memref<8192x32xf32, #tpu.memory_space<hbm>>, %arg9: memref<8192x16xf32, #tpu.memory_space<hbm>>, %arg10: memref<4x128xi32, #tpu.memory_space<vmem>>, %arg11: memref<2x128xi32, #tpu.memory_space<vmem>>, %arg12: memref<128x32xf32, #tpu.memory_space<vmem>>, %arg13: memref<128x32xf32, #tpu.memory_space<vmem>>, %arg14: memref<128x16xf32, #tpu.memory_space<vmem>>, %arg15: memref<!tpu.dma_semaphore, #tpu.memory_space<semaphore_mem>>) attributes {dimension_semantics = [#tpu.dimension_semantics<core_parallel>, #tpu.dimension_semantics<subcore_parallel>], iteration_bounds = array<i64: 2, 16>, scalar_prefetch = 0 : i64, scratch_operands = 6 : i64, tpu.core_type = #tpu.core_type<sc_vector_subcore>, window_params = [{transform_indices = #map}, {transform_indices = #map}, {transform_indices = #map1}, {transform_indices = #map1}, {transform_indices = #map1}, {transform_indices = #map1}, {transform_indices = #map1}, {transform_indices = #map1}]} {
    %mul3A = arith.constant 16 : i32
    %mul3A_0 = arith.muli %arg0, %mul3A : i32
    %add3A = arith.addi %mul3A_0, %arg1 : i32
    "tpu.region"() ({
      %run_scoped3A = tpu.sem_alloc : memref<!tpu.dma_semaphore, #tpu.memory_space<semaphore_mem>>
      %dma_start3A_135 = arith.constant 0 : i32
      %dma_start3A_136 = arith.constant 0 : i32
      %dma_start3A_137 = tpu.memref_slice %arg2[%add3A, %dma_start3A_135, %dma_start3A_136] : memref<32x4x128xi32, #tpu.memory_space<hbm>> -> memref<1x4x128xi32, #tpu.memory_space<hbm>>
      %dma_start3A_138 = tpu.memref_squeeze %dma_start3A_137 : memref<1x4x128xi32, #tpu.memory_space<hbm>> -> memref<4x128xi32, #tpu.memory_space<hbm>>
      %dma_start3A_139 = arith.constant 0 : i32
      %dma_start3A_140 = arith.constant 0 : i32
      %dma_start3A_141 = tpu.memref_slice %arg2[%add3A, %dma_start3A_139, %dma_start3A_140] : memref<32x4x128xi32, #tpu.memory_space<hbm>> -> memref<1x4x128xi32, #tpu.memory_space<hbm>>
      %dma_start3A_142 = tpu.memref_squeeze %dma_start3A_141 : memref<1x4x128xi32, #tpu.memory_space<hbm>> -> memref<4x128xi32, #tpu.memory_space<hbm>>
      tpu.enqueue_dma source(%dma_start3A_142 : memref<4x128xi32, #tpu.memory_space<hbm>>) target(%arg10 : memref<4x128xi32, #tpu.memory_space<vmem>>) target_semaphore(%run_scoped3A : memref<!tpu.dma_semaphore, #tpu.memory_space<semaphore_mem>>)
      %dma_wait3A_143 = arith.constant 0 : i32
      %dma_wait3A_144 = arith.constant 0 : i32
      %dma_wait3A_145 = tpu.memref_slice %arg2[%add3A, %dma_wait3A_143, %dma_wait3A_144] : memref<32x4x128xi32, #tpu.memory_space<hbm>> -> memref<1x4x128xi32, #tpu.memory_space<hbm>>
      %dma_wait3A_146 = tpu.memref_squeeze %dma_wait3A_145 : memref<1x4x128xi32, #tpu.memory_space<hbm>> -> memref<4x128xi32, #tpu.memory_space<hbm>>
      %dma_wait3A_147 = arith.constant 0 : i32
      %dma_wait3A_148 = arith.constant 0 : i32
      %dma_wait3A_149 = tpu.memref_slice %arg2[%add3A, %dma_wait3A_147, %dma_wait3A_148] : memref<32x4x128xi32, #tpu.memory_space<hbm>> -> memref<1x4x128xi32, #tpu.memory_space<hbm>>
      %dma_wait3A_150 = tpu.memref_squeeze %dma_wait3A_149 : memref<1x4x128xi32, #tpu.memory_space<hbm>> -> memref<4x128xi32, #tpu.memory_space<hbm>>
      tpu.wait_dma2 semaphore(%run_scoped3A : memref<!tpu.dma_semaphore, #tpu.memory_space<semaphore_mem>>) src(%dma_wait3A_150 : memref<4x128xi32, #tpu.memory_space<hbm>>) dst(%arg10 : memref<4x128xi32, #tpu.memory_space<vmem>>)
      tpu.yield
    }) : () -> ()
    "tpu.region"() ({
      %run_scoped3A = tpu.sem_alloc : memref<!tpu.dma_semaphore, #tpu.memory_space<semaphore_mem>>
      %dma_start3A_135 = arith.constant 0 : i32
      %dma_start3A_136 = arith.constant 0 : i32
      %dma_start3A_137 = tpu.memref_slice %arg3[%add3A, %dma_start3A_135, %dma_start3A_136] : memref<32x2x128xi32, #tpu.memory_space<hbm>> -> memref<1x2x128xi32, #tpu.memory_space<hbm>>
      %dma_start3A_138 = tpu.memref_squeeze %dma_start3A_137 : memref<1x2x128xi32, #tpu.memory_space<hbm>> -> memref<2x128xi32, #tpu.memory_space<hbm>>
      %dma_start3A_139 = arith.constant 0 : i32
      %dma_start3A_140 = arith.constant 0 : i32
      %dma_start3A_141 = tpu.memref_slice %arg3[%add3A, %dma_start3A_139, %dma_start3A_140] : memref<32x2x128xi32, #tpu.memory_space<hbm>> -> memref<1x2x128xi32, #tpu.memory_space<hbm>>
      %dma_start3A_142 = tpu.memref_squeeze %dma_start3A_141 : memref<1x2x128xi32, #tpu.memory_space<hbm>> -> memref<2x128xi32, #tpu.memory_space<hbm>>
      tpu.enqueue_dma source(%dma_start3A_142 : memref<2x128xi32, #tpu.memory_space<hbm>>) target(%arg11 : memref<2x128xi32, #tpu.memory_space<vmem>>) target_semaphore(%run_scoped3A : memref<!tpu.dma_semaphore, #tpu.memory_space<semaphore_mem>>)
      %dma_wait3A_143 = arith.constant 0 : i32
      %dma_wait3A_144 = arith.constant 0 : i32
      %dma_wait3A_145 = tpu.memref_slice %arg3[%add3A, %dma_wait3A_143, %dma_wait3A_144] : memref<32x2x128xi32, #tpu.memory_space<hbm>> -> memref<1x2x128xi32, #tpu.memory_space<hbm>>
      %dma_wait3A_146 = tpu.memref_squeeze %dma_wait3A_145 : memref<1x2x128xi32, #tpu.memory_space<hbm>> -> memref<2x128xi32, #tpu.memory_space<hbm>>
      %dma_wait3A_147 = arith.constant 0 : i32
      %dma_wait3A_148 = arith.constant 0 : i32
      %dma_wait3A_149 = tpu.memref_slice %arg3[%add3A, %dma_wait3A_147, %dma_wait3A_148] : memref<32x2x128xi32, #tpu.memory_space<hbm>> -> memref<1x2x128xi32, #tpu.memory_space<hbm>>
      %dma_wait3A_150 = tpu.memref_squeeze %dma_wait3A_149 : memref<1x2x128xi32, #tpu.memory_space<hbm>> -> memref<2x128xi32, #tpu.memory_space<hbm>>
      tpu.wait_dma2 semaphore(%run_scoped3A : memref<!tpu.dma_semaphore, #tpu.memory_space<semaphore_mem>>) src(%dma_wait3A_150 : memref<2x128xi32, #tpu.memory_space<hbm>>) dst(%arg11 : memref<2x128xi32, #tpu.memory_space<vmem>>)
      tpu.yield
    }) : () -> ()
    %dma_start3A = arith.constant 0 : i32
    %dma_start3A_1 = arith.constant 0 : i32
    %dma_start3A_2 = tpu.memref_slice %arg10[%dma_start3A, %dma_start3A_1] : memref<4x128xi32, #tpu.memory_space<vmem>> -> memref<1x128xi32, #tpu.memory_space<vmem>>
    %dma_start3A_3 = tpu.memref_squeeze %dma_start3A_2 : memref<1x128xi32, #tpu.memory_space<vmem>> -> memref<128xi32, #tpu.memory_space<vmem>>
    %dma_start3A_4 = arith.constant 0 : i32
    %dma_start3A_5 = arith.constant 0 : i32
    %dma_start3A_6 = tpu.memref_slice %arg4[%dma_start3A_4, %dma_start3A_5] : memref<20224x32xf32, #tpu.memory_space<hbm>> -> memref<20224x32xf32, #tpu.memory_space<hbm>>
    tpu.enqueue_indirect_dma source(%dma_start3A_6 : memref<20224x32xf32, #tpu.memory_space<hbm>>) target(%arg12 : memref<128x32xf32, #tpu.memory_space<vmem>>) offsets(%dma_start3A_3 : memref<128xi32, #tpu.memory_space<vmem>>) semaphore(%arg15 : memref<!tpu.dma_semaphore, #tpu.memory_space<semaphore_mem>>)
    %dma_wait3A = arith.constant 0 : i32
    %dma_wait3A_7 = arith.constant 0 : i32
    %dma_wait3A_8 = tpu.memref_slice %arg10[%dma_wait3A, %dma_wait3A_7] : memref<4x128xi32, #tpu.memory_space<vmem>> -> memref<1x128xi32, #tpu.memory_space<vmem>>
    %dma_wait3A_9 = tpu.memref_squeeze %dma_wait3A_8 : memref<1x128xi32, #tpu.memory_space<vmem>> -> memref<128xi32, #tpu.memory_space<vmem>>
    %dma_wait3A_10 = arith.constant 0 : i32
    %dma_wait3A_11 = arith.constant 0 : i32
    %dma_wait3A_12 = tpu.memref_slice %arg4[%dma_wait3A_10, %dma_wait3A_11] : memref<20224x32xf32, #tpu.memory_space<hbm>> -> memref<20224x32xf32, #tpu.memory_space<hbm>>
    tpu.wait_indirect_dma semaphore(%arg15 : memref<!tpu.dma_semaphore, #tpu.memory_space<semaphore_mem>>) src(%dma_wait3A_12 : memref<20224x32xf32, #tpu.memory_space<hbm>>) dst(%arg12 : memref<128x32xf32, #tpu.memory_space<vmem>>)
    %mul3A_13 = arith.constant 512 : i32
    %mul3A_14 = arith.muli %add3A, %mul3A_13 : i32
    %add3A_15 = arith.constant 0 : i32
    %add3A_16 = arith.addi %mul3A_14, %add3A_15 : i32
    "tpu.region"() ({
      %run_scoped3A = tpu.sem_alloc : memref<!tpu.dma_semaphore, #tpu.memory_space<semaphore_mem>>
      %dma_start3A_135 = arith.constant 0 : i32
      %dma_start3A_136 = tpu.memref_slice %arg7[%add3A_16, %dma_start3A_135] : memref<16384x32xf32, #tpu.memory_space<hbm>> -> memref<128x32xf32, #tpu.memory_space<hbm>>
      %dma_start3A_137 = arith.constant 0 : i32
      %dma_start3A_138 = tpu.memref_slice %arg7[%add3A_16, %dma_start3A_137] : memref<16384x32xf32, #tpu.memory_space<hbm>> -> memref<128x32xf32, #tpu.memory_space<hbm>>
      tpu.enqueue_dma source(%arg12 : memref<128x32xf32, #tpu.memory_space<vmem>>) target(%dma_start3A_138 : memref<128x32xf32, #tpu.memory_space<hbm>>) target_semaphore(%run_scoped3A : memref<!tpu.dma_semaphore, #tpu.memory_space<semaphore_mem>>)
      %dma_wait3A_139 = arith.constant 0 : i32
      %dma_wait3A_140 = tpu.memref_slice %arg7[%add3A_16, %dma_wait3A_139] : memref<16384x32xf32, #tpu.memory_space<hbm>> -> memref<128x32xf32, #tpu.memory_space<hbm>>
      %dma_wait3A_141 = arith.constant 0 : i32
      %dma_wait3A_142 = tpu.memref_slice %arg7[%add3A_16, %dma_wait3A_141] : memref<16384x32xf32, #tpu.memory_space<hbm>> -> memref<128x32xf32, #tpu.memory_space<hbm>>
      tpu.wait_dma2 semaphore(%run_scoped3A : memref<!tpu.dma_semaphore, #tpu.memory_space<semaphore_mem>>) src(%arg12 : memref<128x32xf32, #tpu.memory_space<vmem>>) dst(%dma_wait3A_142 : memref<128x32xf32, #tpu.memory_space<hbm>>)
      tpu.yield
    }) : () -> ()
    %dma_start3A_17 = arith.constant 1 : i32
    %dma_start3A_18 = arith.constant 0 : i32
    %dma_start3A_19 = tpu.memref_slice %arg10[%dma_start3A_17, %dma_start3A_18] : memref<4x128xi32, #tpu.memory_space<vmem>> -> memref<1x128xi32, #tpu.memory_space<vmem>>
    %dma_start3A_20 = tpu.memref_squeeze %dma_start3A_19 : memref<1x128xi32, #tpu.memory_space<vmem>> -> memref<128xi32, #tpu.memory_space<vmem>>
    %dma_start3A_21 = arith.constant 0 : i32
    %dma_start3A_22 = arith.constant 0 : i32
    %dma_start3A_23 = tpu.memref_slice %arg4[%dma_start3A_21, %dma_start3A_22] : memref<20224x32xf32, #tpu.memory_space<hbm>> -> memref<20224x32xf32, #tpu.memory_space<hbm>>
    tpu.enqueue_indirect_dma source(%dma_start3A_23 : memref<20224x32xf32, #tpu.memory_space<hbm>>) target(%arg12 : memref<128x32xf32, #tpu.memory_space<vmem>>) offsets(%dma_start3A_20 : memref<128xi32, #tpu.memory_space<vmem>>) semaphore(%arg15 : memref<!tpu.dma_semaphore, #tpu.memory_space<semaphore_mem>>)
    %dma_wait3A_24 = arith.constant 1 : i32
    %dma_wait3A_25 = arith.constant 0 : i32
    %dma_wait3A_26 = tpu.memref_slice %arg10[%dma_wait3A_24, %dma_wait3A_25] : memref<4x128xi32, #tpu.memory_space<vmem>> -> memref<1x128xi32, #tpu.memory_space<vmem>>
    %dma_wait3A_27 = tpu.memref_squeeze %dma_wait3A_26 : memref<1x128xi32, #tpu.memory_space<vmem>> -> memref<128xi32, #tpu.memory_space<vmem>>
    %dma_wait3A_28 = arith.constant 0 : i32
    %dma_wait3A_29 = arith.constant 0 : i32
    %dma_wait3A_30 = tpu.memref_slice %arg4[%dma_wait3A_28, %dma_wait3A_29] : memref<20224x32xf32, #tpu.memory_space<hbm>> -> memref<20224x32xf32, #tpu.memory_space<hbm>>
    tpu.wait_indirect_dma semaphore(%arg15 : memref<!tpu.dma_semaphore, #tpu.memory_space<semaphore_mem>>) src(%dma_wait3A_30 : memref<20224x32xf32, #tpu.memory_space<hbm>>) dst(%arg12 : memref<128x32xf32, #tpu.memory_space<vmem>>)
    %mul3A_31 = arith.constant 512 : i32
    %mul3A_32 = arith.muli %add3A, %mul3A_31 : i32
    %add3A_33 = arith.constant 128 : i32
    %add3A_34 = arith.addi %mul3A_32, %add3A_33 : i32
    "tpu.region"() ({
      %run_scoped3A = tpu.sem_alloc : memref<!tpu.dma_semaphore, #tpu.memory_space<semaphore_mem>>
      %dma_start3A_135 = arith.constant 0 : i32
      %dma_start3A_136 = tpu.memref_slice %arg7[%add3A_34, %dma_start3A_135] : memref<16384x32xf32, #tpu.memory_space<hbm>> -> memref<128x32xf32, #tpu.memory_space<hbm>>
      %dma_start3A_137 = arith.constant 0 : i32
      %dma_start3A_138 = tpu.memref_slice %arg7[%add3A_34, %dma_start3A_137] : memref<16384x32xf32, #tpu.memory_space<hbm>> -> memref<128x32xf32, #tpu.memory_space<hbm>>
      tpu.enqueue_dma source(%arg12 : memref<128x32xf32, #tpu.memory_space<vmem>>) target(%dma_start3A_138 : memref<128x32xf32, #tpu.memory_space<hbm>>) target_semaphore(%run_scoped3A : memref<!tpu.dma_semaphore, #tpu.memory_space<semaphore_mem>>)
      %dma_wait3A_139 = arith.constant 0 : i32
      %dma_wait3A_140 = tpu.memref_slice %arg7[%add3A_34, %dma_wait3A_139] : memref<16384x32xf32, #tpu.memory_space<hbm>> -> memref<128x32xf32, #tpu.memory_space<hbm>>
      %dma_wait3A_141 = arith.constant 0 : i32
      %dma_wait3A_142 = tpu.memref_slice %arg7[%add3A_34, %dma_wait3A_141] : memref<16384x32xf32, #tpu.memory_space<hbm>> -> memref<128x32xf32, #tpu.memory_space<hbm>>
      tpu.wait_dma2 semaphore(%run_scoped3A : memref<!tpu.dma_semaphore, #tpu.memory_space<semaphore_mem>>) src(%arg12 : memref<128x32xf32, #tpu.memory_space<vmem>>) dst(%dma_wait3A_142 : memref<128x32xf32, #tpu.memory_space<hbm>>)
      tpu.yield
    }) : () -> ()
    %dma_start3A_35 = arith.constant 2 : i32
    %dma_start3A_36 = arith.constant 0 : i32
    %dma_start3A_37 = tpu.memref_slice %arg10[%dma_start3A_35, %dma_start3A_36] : memref<4x128xi32, #tpu.memory_space<vmem>> -> memref<1x128xi32, #tpu.memory_space<vmem>>
    %dma_start3A_38 = tpu.memref_squeeze %dma_start3A_37 : memref<1x128xi32, #tpu.memory_space<vmem>> -> memref<128xi32, #tpu.memory_space<vmem>>
    %dma_start3A_39 = arith.constant 0 : i32
    %dma_start3A_40 = arith.constant 0 : i32
    %dma_start3A_41 = tpu.memref_slice %arg4[%dma_start3A_39, %dma_start3A_40] : memref<20224x32xf32, #tpu.memory_space<hbm>> -> memref<20224x32xf32, #tpu.memory_space<hbm>>
    tpu.enqueue_indirect_dma source(%dma_start3A_41 : memref<20224x32xf32, #tpu.memory_space<hbm>>) target(%arg12 : memref<128x32xf32, #tpu.memory_space<vmem>>) offsets(%dma_start3A_38 : memref<128xi32, #tpu.memory_space<vmem>>) semaphore(%arg15 : memref<!tpu.dma_semaphore, #tpu.memory_space<semaphore_mem>>)
    %dma_wait3A_42 = arith.constant 2 : i32
    %dma_wait3A_43 = arith.constant 0 : i32
    %dma_wait3A_44 = tpu.memref_slice %arg10[%dma_wait3A_42, %dma_wait3A_43] : memref<4x128xi32, #tpu.memory_space<vmem>> -> memref<1x128xi32, #tpu.memory_space<vmem>>
    %dma_wait3A_45 = tpu.memref_squeeze %dma_wait3A_44 : memref<1x128xi32, #tpu.memory_space<vmem>> -> memref<128xi32, #tpu.memory_space<vmem>>
    %dma_wait3A_46 = arith.constant 0 : i32
    %dma_wait3A_47 = arith.constant 0 : i32
    %dma_wait3A_48 = tpu.memref_slice %arg4[%dma_wait3A_46, %dma_wait3A_47] : memref<20224x32xf32, #tpu.memory_space<hbm>> -> memref<20224x32xf32, #tpu.memory_space<hbm>>
    tpu.wait_indirect_dma semaphore(%arg15 : memref<!tpu.dma_semaphore, #tpu.memory_space<semaphore_mem>>) src(%dma_wait3A_48 : memref<20224x32xf32, #tpu.memory_space<hbm>>) dst(%arg12 : memref<128x32xf32, #tpu.memory_space<vmem>>)
    %mul3A_49 = arith.constant 512 : i32
    %mul3A_50 = arith.muli %add3A, %mul3A_49 : i32
    %add3A_51 = arith.constant 256 : i32
    %add3A_52 = arith.addi %mul3A_50, %add3A_51 : i32
    "tpu.region"() ({
      %run_scoped3A = tpu.sem_alloc : memref<!tpu.dma_semaphore, #tpu.memory_space<semaphore_mem>>
      %dma_start3A_135 = arith.constant 0 : i32
      %dma_start3A_136 = tpu.memref_slice %arg7[%add3A_52, %dma_start3A_135] : memref<16384x32xf32, #tpu.memory_space<hbm>> -> memref<128x32xf32, #tpu.memory_space<hbm>>
      %dma_start3A_137 = arith.constant 0 : i32
      %dma_start3A_138 = tpu.memref_slice %arg7[%add3A_52, %dma_start3A_137] : memref<16384x32xf32, #tpu.memory_space<hbm>> -> memref<128x32xf32, #tpu.memory_space<hbm>>
      tpu.enqueue_dma source(%arg12 : memref<128x32xf32, #tpu.memory_space<vmem>>) target(%dma_start3A_138 : memref<128x32xf32, #tpu.memory_space<hbm>>) target_semaphore(%run_scoped3A : memref<!tpu.dma_semaphore, #tpu.memory_space<semaphore_mem>>)
      %dma_wait3A_139 = arith.constant 0 : i32
      %dma_wait3A_140 = tpu.memref_slice %arg7[%add3A_52, %dma_wait3A_139] : memref<16384x32xf32, #tpu.memory_space<hbm>> -> memref<128x32xf32, #tpu.memory_space<hbm>>
      %dma_wait3A_141 = arith.constant 0 : i32
      %dma_wait3A_142 = tpu.memref_slice %arg7[%add3A_52, %dma_wait3A_141] : memref<16384x32xf32, #tpu.memory_space<hbm>> -> memref<128x32xf32, #tpu.memory_space<hbm>>
      tpu.wait_dma2 semaphore(%run_scoped3A : memref<!tpu.dma_semaphore, #tpu.memory_space<semaphore_mem>>) src(%arg12 : memref<128x32xf32, #tpu.memory_space<vmem>>) dst(%dma_wait3A_142 : memref<128x32xf32, #tpu.memory_space<hbm>>)
      tpu.yield
    }) : () -> ()
    %dma_start3A_53 = arith.constant 3 : i32
    %dma_start3A_54 = arith.constant 0 : i32
    %dma_start3A_55 = tpu.memref_slice %arg10[%dma_start3A_53, %dma_start3A_54] : memref<4x128xi32, #tpu.memory_space<vmem>> -> memref<1x128xi32, #tpu.memory_space<vmem>>
    %dma_start3A_56 = tpu.memref_squeeze %dma_start3A_55 : memref<1x128xi32, #tpu.memory_space<vmem>> -> memref<128xi32, #tpu.memory_space<vmem>>
    %dma_start3A_57 = arith.constant 0 : i32
    %dma_start3A_58 = arith.constant 0 : i32
    %dma_start3A_59 = tpu.memref_slice %arg4[%dma_start3A_57, %dma_start3A_58] : memref<20224x32xf32, #tpu.memory_space<hbm>> -> memref<20224x32xf32, #tpu.memory_space<hbm>>
    tpu.enqueue_indirect_dma source(%dma_start3A_59 : memref<20224x32xf32, #tpu.memory_space<hbm>>) target(%arg12 : memref<128x32xf32, #tpu.memory_space<vmem>>) offsets(%dma_start3A_56 : memref<128xi32, #tpu.memory_space<vmem>>) semaphore(%arg15 : memref<!tpu.dma_semaphore, #tpu.memory_space<semaphore_mem>>)
    %dma_wait3A_60 = arith.constant 3 : i32
    %dma_wait3A_61 = arith.constant 0 : i32
    %dma_wait3A_62 = tpu.memref_slice %arg10[%dma_wait3A_60, %dma_wait3A_61] : memref<4x128xi32, #tpu.memory_space<vmem>> -> memref<1x128xi32, #tpu.memory_space<vmem>>
    %dma_wait3A_63 = tpu.memref_squeeze %dma_wait3A_62 : memref<1x128xi32, #tpu.memory_space<vmem>> -> memref<128xi32, #tpu.memory_space<vmem>>
    %dma_wait3A_64 = arith.constant 0 : i32
    %dma_wait3A_65 = arith.constant 0 : i32
    %dma_wait3A_66 = tpu.memref_slice %arg4[%dma_wait3A_64, %dma_wait3A_65] : memref<20224x32xf32, #tpu.memory_space<hbm>> -> memref<20224x32xf32, #tpu.memory_space<hbm>>
    tpu.wait_indirect_dma semaphore(%arg15 : memref<!tpu.dma_semaphore, #tpu.memory_space<semaphore_mem>>) src(%dma_wait3A_66 : memref<20224x32xf32, #tpu.memory_space<hbm>>) dst(%arg12 : memref<128x32xf32, #tpu.memory_space<vmem>>)
    %mul3A_67 = arith.constant 512 : i32
    %mul3A_68 = arith.muli %add3A, %mul3A_67 : i32
    %add3A_69 = arith.constant 384 : i32
    %add3A_70 = arith.addi %mul3A_68, %add3A_69 : i32
    "tpu.region"() ({
      %run_scoped3A = tpu.sem_alloc : memref<!tpu.dma_semaphore, #tpu.memory_space<semaphore_mem>>
      %dma_start3A_135 = arith.constant 0 : i32
      %dma_start3A_136 = tpu.memref_slice %arg7[%add3A_70, %dma_start3A_135] : memref<16384x32xf32, #tpu.memory_space<hbm>> -> memref<128x32xf32, #tpu.memory_space<hbm>>
      %dma_start3A_137 = arith.constant 0 : i32
      %dma_start3A_138 = tpu.memref_slice %arg7[%add3A_70, %dma_start3A_137] : memref<16384x32xf32, #tpu.memory_space<hbm>> -> memref<128x32xf32, #tpu.memory_space<hbm>>
      tpu.enqueue_dma source(%arg12 : memref<128x32xf32, #tpu.memory_space<vmem>>) target(%dma_start3A_138 : memref<128x32xf32, #tpu.memory_space<hbm>>) target_semaphore(%run_scoped3A : memref<!tpu.dma_semaphore, #tpu.memory_space<semaphore_mem>>)
      %dma_wait3A_139 = arith.constant 0 : i32
      %dma_wait3A_140 = tpu.memref_slice %arg7[%add3A_70, %dma_wait3A_139] : memref<16384x32xf32, #tpu.memory_space<hbm>> -> memref<128x32xf32, #tpu.memory_space<hbm>>
      %dma_wait3A_141 = arith.constant 0 : i32
      %dma_wait3A_142 = tpu.memref_slice %arg7[%add3A_70, %dma_wait3A_141] : memref<16384x32xf32, #tpu.memory_space<hbm>> -> memref<128x32xf32, #tpu.memory_space<hbm>>
      tpu.wait_dma2 semaphore(%run_scoped3A : memref<!tpu.dma_semaphore, #tpu.memory_space<semaphore_mem>>) src(%arg12 : memref<128x32xf32, #tpu.memory_space<vmem>>) dst(%dma_wait3A_142 : memref<128x32xf32, #tpu.memory_space<hbm>>)
      tpu.yield
    }) : () -> ()
    %mul3A_71 = arith.constant 256 : i32
    %mul3A_72 = arith.muli %add3A, %mul3A_71 : i32
    %add3A_73 = arith.constant 0 : i32
    %add3A_74 = arith.addi %mul3A_72, %add3A_73 : i32
    %dma_start3A_75 = arith.constant 0 : i32
    %dma_start3A_76 = arith.constant 0 : i32
    %dma_start3A_77 = tpu.memref_slice %arg11[%dma_start3A_75, %dma_start3A_76] : memref<2x128xi32, #tpu.memory_space<vmem>> -> memref<1x128xi32, #tpu.memory_space<vmem>>
    %dma_start3A_78 = tpu.memref_squeeze %dma_start3A_77 : memref<1x128xi32, #tpu.memory_space<vmem>> -> memref<128xi32, #tpu.memory_space<vmem>>
    %dma_start3A_79 = arith.constant 0 : i32
    %dma_start3A_80 = arith.constant 0 : i32
    %dma_start3A_81 = tpu.memref_slice %arg5[%dma_start3A_79, %dma_start3A_80] : memref<10112x32xf32, #tpu.memory_space<hbm>> -> memref<10112x32xf32, #tpu.memory_space<hbm>>
    tpu.enqueue_indirect_dma source(%dma_start3A_81 : memref<10112x32xf32, #tpu.memory_space<hbm>>) target(%arg13 : memref<128x32xf32, #tpu.memory_space<vmem>>) offsets(%dma_start3A_78 : memref<128xi32, #tpu.memory_space<vmem>>) semaphore(%arg15 : memref<!tpu.dma_semaphore, #tpu.memory_space<semaphore_mem>>)
    %dma_wait3A_82 = arith.constant 0 : i32
    %dma_wait3A_83 = arith.constant 0 : i32
    %dma_wait3A_84 = tpu.memref_slice %arg11[%dma_wait3A_82, %dma_wait3A_83] : memref<2x128xi32, #tpu.memory_space<vmem>> -> memref<1x128xi32, #tpu.memory_space<vmem>>
    %dma_wait3A_85 = tpu.memref_squeeze %dma_wait3A_84 : memref<1x128xi32, #tpu.memory_space<vmem>> -> memref<128xi32, #tpu.memory_space<vmem>>
    %dma_wait3A_86 = arith.constant 0 : i32
    %dma_wait3A_87 = arith.constant 0 : i32
    %dma_wait3A_88 = tpu.memref_slice %arg5[%dma_wait3A_86, %dma_wait3A_87] : memref<10112x32xf32, #tpu.memory_space<hbm>> -> memref<10112x32xf32, #tpu.memory_space<hbm>>
    tpu.wait_indirect_dma semaphore(%arg15 : memref<!tpu.dma_semaphore, #tpu.memory_space<semaphore_mem>>) src(%dma_wait3A_88 : memref<10112x32xf32, #tpu.memory_space<hbm>>) dst(%arg13 : memref<128x32xf32, #tpu.memory_space<vmem>>)
    "tpu.region"() ({
      %run_scoped3A = tpu.sem_alloc : memref<!tpu.dma_semaphore, #tpu.memory_space<semaphore_mem>>
      %dma_start3A_135 = arith.constant 0 : i32
      %dma_start3A_136 = tpu.memref_slice %arg8[%add3A_74, %dma_start3A_135] : memref<8192x32xf32, #tpu.memory_space<hbm>> -> memref<128x32xf32, #tpu.memory_space<hbm>>
      %dma_start3A_137 = arith.constant 0 : i32
      %dma_start3A_138 = tpu.memref_slice %arg8[%add3A_74, %dma_start3A_137] : memref<8192x32xf32, #tpu.memory_space<hbm>> -> memref<128x32xf32, #tpu.memory_space<hbm>>
      tpu.enqueue_dma source(%arg13 : memref<128x32xf32, #tpu.memory_space<vmem>>) target(%dma_start3A_138 : memref<128x32xf32, #tpu.memory_space<hbm>>) target_semaphore(%run_scoped3A : memref<!tpu.dma_semaphore, #tpu.memory_space<semaphore_mem>>)
      %dma_wait3A_139 = arith.constant 0 : i32
      %dma_wait3A_140 = tpu.memref_slice %arg8[%add3A_74, %dma_wait3A_139] : memref<8192x32xf32, #tpu.memory_space<hbm>> -> memref<128x32xf32, #tpu.memory_space<hbm>>
      %dma_wait3A_141 = arith.constant 0 : i32
      %dma_wait3A_142 = tpu.memref_slice %arg8[%add3A_74, %dma_wait3A_141] : memref<8192x32xf32, #tpu.memory_space<hbm>> -> memref<128x32xf32, #tpu.memory_space<hbm>>
      tpu.wait_dma2 semaphore(%run_scoped3A : memref<!tpu.dma_semaphore, #tpu.memory_space<semaphore_mem>>) src(%arg13 : memref<128x32xf32, #tpu.memory_space<vmem>>) dst(%dma_wait3A_142 : memref<128x32xf32, #tpu.memory_space<hbm>>)
      tpu.yield
    }) : () -> ()
    %dma_start3A_89 = arith.constant 0 : i32
    %dma_start3A_90 = arith.constant 0 : i32
    %dma_start3A_91 = tpu.memref_slice %arg11[%dma_start3A_89, %dma_start3A_90] : memref<2x128xi32, #tpu.memory_space<vmem>> -> memref<1x128xi32, #tpu.memory_space<vmem>>
    %dma_start3A_92 = tpu.memref_squeeze %dma_start3A_91 : memref<1x128xi32, #tpu.memory_space<vmem>> -> memref<128xi32, #tpu.memory_space<vmem>>
    %dma_start3A_93 = arith.constant 0 : i32
    %dma_start3A_94 = arith.constant 0 : i32
    %dma_start3A_95 = tpu.memref_slice %arg6[%dma_start3A_93, %dma_start3A_94] : memref<10112x16xf32, #tpu.memory_space<hbm>> -> memref<10112x16xf32, #tpu.memory_space<hbm>>
    tpu.enqueue_indirect_dma source(%dma_start3A_95 : memref<10112x16xf32, #tpu.memory_space<hbm>>) target(%arg14 : memref<128x16xf32, #tpu.memory_space<vmem>>) offsets(%dma_start3A_92 : memref<128xi32, #tpu.memory_space<vmem>>) semaphore(%arg15 : memref<!tpu.dma_semaphore, #tpu.memory_space<semaphore_mem>>)
    %dma_wait3A_96 = arith.constant 0 : i32
    %dma_wait3A_97 = arith.constant 0 : i32
    %dma_wait3A_98 = tpu.memref_slice %arg11[%dma_wait3A_96, %dma_wait3A_97] : memref<2x128xi32, #tpu.memory_space<vmem>> -> memref<1x128xi32, #tpu.memory_space<vmem>>
    %dma_wait3A_99 = tpu.memref_squeeze %dma_wait3A_98 : memref<1x128xi32, #tpu.memory_space<vmem>> -> memref<128xi32, #tpu.memory_space<vmem>>
    %dma_wait3A_100 = arith.constant 0 : i32
    %dma_wait3A_101 = arith.constant 0 : i32
    %dma_wait3A_102 = tpu.memref_slice %arg6[%dma_wait3A_100, %dma_wait3A_101] : memref<10112x16xf32, #tpu.memory_space<hbm>> -> memref<10112x16xf32, #tpu.memory_space<hbm>>
    tpu.wait_indirect_dma semaphore(%arg15 : memref<!tpu.dma_semaphore, #tpu.memory_space<semaphore_mem>>) src(%dma_wait3A_102 : memref<10112x16xf32, #tpu.memory_space<hbm>>) dst(%arg14 : memref<128x16xf32, #tpu.memory_space<vmem>>)
    "tpu.region"() ({
      %run_scoped3A = tpu.sem_alloc : memref<!tpu.dma_semaphore, #tpu.memory_space<semaphore_mem>>
      %dma_start3A_135 = arith.constant 0 : i32
      %dma_start3A_136 = tpu.memref_slice %arg9[%add3A_74, %dma_start3A_135] : memref<8192x16xf32, #tpu.memory_space<hbm>> -> memref<128x16xf32, #tpu.memory_space<hbm>>
      %dma_start3A_137 = arith.constant 0 : i32
      %dma_start3A_138 = tpu.memref_slice %arg9[%add3A_74, %dma_start3A_137] : memref<8192x16xf32, #tpu.memory_space<hbm>> -> memref<128x16xf32, #tpu.memory_space<hbm>>
      tpu.enqueue_dma source(%arg14 : memref<128x16xf32, #tpu.memory_space<vmem>>) target(%dma_start3A_138 : memref<128x16xf32, #tpu.memory_space<hbm>>) target_semaphore(%run_scoped3A : memref<!tpu.dma_semaphore, #tpu.memory_space<semaphore_mem>>)
      %dma_wait3A_139 = arith.constant 0 : i32
      %dma_wait3A_140 = tpu.memref_slice %arg9[%add3A_74, %dma_wait3A_139] : memref<8192x16xf32, #tpu.memory_space<hbm>> -> memref<128x16xf32, #tpu.memory_space<hbm>>
      %dma_wait3A_141 = arith.constant 0 : i32
      %dma_wait3A_142 = tpu.memref_slice %arg9[%add3A_74, %dma_wait3A_141] : memref<8192x16xf32, #tpu.memory_space<hbm>> -> memref<128x16xf32, #tpu.memory_space<hbm>>
      tpu.wait_dma2 semaphore(%run_scoped3A : memref<!tpu.dma_semaphore, #tpu.memory_space<semaphore_mem>>) src(%arg14 : memref<128x16xf32, #tpu.memory_space<vmem>>) dst(%dma_wait3A_142 : memref<128x16xf32, #tpu.memory_space<hbm>>)
      tpu.yield
    }) : () -> ()
    %mul3A_103 = arith.constant 256 : i32
    %mul3A_104 = arith.muli %add3A, %mul3A_103 : i32
    %add3A_105 = arith.constant 128 : i32
    %add3A_106 = arith.addi %mul3A_104, %add3A_105 : i32
    %dma_start3A_107 = arith.constant 1 : i32
    %dma_start3A_108 = arith.constant 0 : i32
    %dma_start3A_109 = tpu.memref_slice %arg11[%dma_start3A_107, %dma_start3A_108] : memref<2x128xi32, #tpu.memory_space<vmem>> -> memref<1x128xi32, #tpu.memory_space<vmem>>
    %dma_start3A_110 = tpu.memref_squeeze %dma_start3A_109 : memref<1x128xi32, #tpu.memory_space<vmem>> -> memref<128xi32, #tpu.memory_space<vmem>>
    %dma_start3A_111 = arith.constant 0 : i32
    %dma_start3A_112 = arith.constant 0 : i32
    %dma_start3A_113 = tpu.memref_slice %arg5[%dma_start3A_111, %dma_start3A_112] : memref<10112x32xf32, #tpu.memory_space<hbm>> -> memref<10112x32xf32, #tpu.memory_space<hbm>>
    tpu.enqueue_indirect_dma source(%dma_start3A_113 : memref<10112x32xf32, #tpu.memory_space<hbm>>) target(%arg13 : memref<128x32xf32, #tpu.memory_space<vmem>>) offsets(%dma_start3A_110 : memref<128xi32, #tpu.memory_space<vmem>>) semaphore(%arg15 : memref<!tpu.dma_semaphore, #tpu.memory_space<semaphore_mem>>)
    %dma_wait3A_114 = arith.constant 1 : i32
    %dma_wait3A_115 = arith.constant 0 : i32
    %dma_wait3A_116 = tpu.memref_slice %arg11[%dma_wait3A_114, %dma_wait3A_115] : memref<2x128xi32, #tpu.memory_space<vmem>> -> memref<1x128xi32, #tpu.memory_space<vmem>>
    %dma_wait3A_117 = tpu.memref_squeeze %dma_wait3A_116 : memref<1x128xi32, #tpu.memory_space<vmem>> -> memref<128xi32, #tpu.memory_space<vmem>>
    %dma_wait3A_118 = arith.constant 0 : i32
    %dma_wait3A_119 = arith.constant 0 : i32
    %dma_wait3A_120 = tpu.memref_slice %arg5[%dma_wait3A_118, %dma_wait3A_119] : memref<10112x32xf32, #tpu.memory_space<hbm>> -> memref<10112x32xf32, #tpu.memory_space<hbm>>
    tpu.wait_indirect_dma semaphore(%arg15 : memref<!tpu.dma_semaphore, #tpu.memory_space<semaphore_mem>>) src(%dma_wait3A_120 : memref<10112x32xf32, #tpu.memory_space<hbm>>) dst(%arg13 : memref<128x32xf32, #tpu.memory_space<vmem>>)
    "tpu.region"() ({
      %run_scoped3A = tpu.sem_alloc : memref<!tpu.dma_semaphore, #tpu.memory_space<semaphore_mem>>
      %dma_start3A_135 = arith.constant 0 : i32
      %dma_start3A_136 = tpu.memref_slice %arg8[%add3A_106, %dma_start3A_135] : memref<8192x32xf32, #tpu.memory_space<hbm>> -> memref<128x32xf32, #tpu.memory_space<hbm>>
      %dma_start3A_137 = arith.constant 0 : i32
      %dma_start3A_138 = tpu.memref_slice %arg8[%add3A_106, %dma_start3A_137] : memref<8192x32xf32, #tpu.memory_space<hbm>> -> memref<128x32xf32, #tpu.memory_space<hbm>>
      tpu.enqueue_dma source(%arg13 : memref<128x32xf32, #tpu.memory_space<vmem>>) target(%dma_start3A_138 : memref<128x32xf32, #tpu.memory_space<hbm>>) target_semaphore(%run_scoped3A : memref<!tpu.dma_semaphore, #tpu.memory_space<semaphore_mem>>)
      %dma_wait3A_139 = arith.constant 0 : i32
      %dma_wait3A_140 = tpu.memref_slice %arg8[%add3A_106, %dma_wait3A_139] : memref<8192x32xf32, #tpu.memory_space<hbm>> -> memref<128x32xf32, #tpu.memory_space<hbm>>
      %dma_wait3A_141 = arith.constant 0 : i32
      %dma_wait3A_142 = tpu.memref_slice %arg8[%add3A_106, %dma_wait3A_141] : memref<8192x32xf32, #tpu.memory_space<hbm>> -> memref<128x32xf32, #tpu.memory_space<hbm>>
      tpu.wait_dma2 semaphore(%run_scoped3A : memref<!tpu.dma_semaphore, #tpu.memory_space<semaphore_mem>>) src(%arg13 : memref<128x32xf32, #tpu.memory_space<vmem>>) dst(%dma_wait3A_142 : memref<128x32xf32, #tpu.memory_space<hbm>>)
      tpu.yield
    }) : () -> ()
    %dma_start3A_121 = arith.constant 1 : i32
    %dma_start3A_122 = arith.constant 0 : i32
    %dma_start3A_123 = tpu.memref_slice %arg11[%dma_start3A_121, %dma_start3A_122] : memref<2x128xi32, #tpu.memory_space<vmem>> -> memref<1x128xi32, #tpu.memory_space<vmem>>
    %dma_start3A_124 = tpu.memref_squeeze %dma_start3A_123 : memref<1x128xi32, #tpu.memory_space<vmem>> -> memref<128xi32, #tpu.memory_space<vmem>>
    %dma_start3A_125 = arith.constant 0 : i32
    %dma_start3A_126 = arith.constant 0 : i32
    %dma_start3A_127 = tpu.memref_slice %arg6[%dma_start3A_125, %dma_start3A_126] : memref<10112x16xf32, #tpu.memory_space<hbm>> -> memref<10112x16xf32, #tpu.memory_space<hbm>>
    tpu.enqueue_indirect_dma source(%dma_start3A_127 : memref<10112x16xf32, #tpu.memory_space<hbm>>) target(%arg14 : memref<128x16xf32, #tpu.memory_space<vmem>>) offsets(%dma_start3A_124 : memref<128xi32, #tpu.memory_space<vmem>>) semaphore(%arg15 : memref<!tpu.dma_semaphore, #tpu.memory_space<semaphore_mem>>)
    %dma_wait3A_128 = arith.constant 1 : i32
    %dma_wait3A_129 = arith.constant 0 : i32
    %dma_wait3A_130 = tpu.memref_slice %arg11[%dma_wait3A_128, %dma_wait3A_129] : memref<2x128xi32, #tpu.memory_space<vmem>> -> memref<1x128xi32, #tpu.memory_space<vmem>>
    %dma_wait3A_131 = tpu.memref_squeeze %dma_wait3A_130 : memref<1x128xi32, #tpu.memory_space<vmem>> -> memref<128xi32, #tpu.memory_space<vmem>>
    %dma_wait3A_132 = arith.constant 0 : i32
    %dma_wait3A_133 = arith.constant 0 : i32
    %dma_wait3A_134 = tpu.memref_slice %arg6[%dma_wait3A_132, %dma_wait3A_133] : memref<10112x16xf32, #tpu.memory_space<hbm>> -> memref<10112x16xf32, #tpu.memory_space<hbm>>
    tpu.wait_indirect_dma semaphore(%arg15 : memref<!tpu.dma_semaphore, #tpu.memory_space<semaphore_mem>>) src(%dma_wait3A_134 : memref<10112x16xf32, #tpu.memory_space<hbm>>) dst(%arg14 : memref<128x16xf32, #tpu.memory_space<vmem>>)
    "tpu.region"() ({
      %run_scoped3A = tpu.sem_alloc : memref<!tpu.dma_semaphore, #tpu.memory_space<semaphore_mem>>
      %dma_start3A_135 = arith.constant 0 : i32
      %dma_start3A_136 = tpu.memref_slice %arg9[%add3A_106, %dma_start3A_135] : memref<8192x16xf32, #tpu.memory_space<hbm>> -> memref<128x16xf32, #tpu.memory_space<hbm>>
      %dma_start3A_137 = arith.constant 0 : i32
      %dma_start3A_138 = tpu.memref_slice %arg9[%add3A_106, %dma_start3A_137] : memref<8192x16xf32, #tpu.memory_space<hbm>> -> memref<128x16xf32, #tpu.memory_space<hbm>>
      tpu.enqueue_dma source(%arg14 : memref<128x16xf32, #tpu.memory_space<vmem>>) target(%dma_start3A_138 : memref<128x16xf32, #tpu.memory_space<hbm>>) target_semaphore(%run_scoped3A : memref<!tpu.dma_semaphore, #tpu.memory_space<semaphore_mem>>)
      %dma_wait3A_139 = arith.constant 0 : i32
      %dma_wait3A_140 = tpu.memref_slice %arg9[%add3A_106, %dma_wait3A_139] : memref<8192x16xf32, #tpu.memory_space<hbm>> -> memref<128x16xf32, #tpu.memory_space<hbm>>
      %dma_wait3A_141 = arith.constant 0 : i32
      %dma_wait3A_142 = tpu.memref_slice %arg9[%add3A_106, %dma_wait3A_141] : memref<8192x16xf32, #tpu.memory_space<hbm>> -> memref<128x16xf32, #tpu.memory_space<hbm>>
      tpu.wait_dma2 semaphore(%run_scoped3A : memref<!tpu.dma_semaphore, #tpu.memory_space<semaphore_mem>>) src(%arg14 : memref<128x16xf32, #tpu.memory_space<vmem>>) dst(%dma_wait3A_142 : memref<128x16xf32, #tpu.memory_space<hbm>>)
      tpu.yield
    }) : () -> ()
    return
  }
}

#map = affine_map<(d0, d1) -> (0, 0, 0)>
#map1 = affine_map<(d0, d1) -> (0, 0)>
module attributes {stable_mosaic.version = 14 : i64} {
  func.func @_agg(%arg0: i32, %arg1: i32, %arg2: memref<32x80x128xi32, #tpu.memory_space<hbm>>, %arg3: memref<32x80x128xi32, #tpu.memory_space<hbm>>, %arg4: memref<10112x64xf32, #tpu.memory_space<hbm>>, %arg5: memref<632x64xf32, #tpu.memory_space<hbm>>, %arg6: memref<2x10112x64xf32, #tpu.memory_space<hbm>>, %arg7: memref<80x128xi32, #tpu.memory_space<vmem>>, %arg8: memref<80x128xi32, #tpu.memory_space<vmem>>, %arg9: memref<128x64xf32, #tpu.memory_space<vmem>>, %arg10: memref<128x64xf32, #tpu.memory_space<vmem>>, %arg11: memref<128x64xf32, #tpu.memory_space<vmem>>, %arg12: memref<128x64xf32, #tpu.memory_space<vmem>>, %arg13: memref<128x64xf32, #tpu.memory_space<vmem>>, %arg14: memref<128x64xf32, #tpu.memory_space<vmem>>, %arg15: memref<128x64xf32, #tpu.memory_space<vmem>>, %arg16: memref<128x64xf32, #tpu.memory_space<vmem>>, %arg17: memref<10112x64xf32, #tpu.memory_space<vmem_shared>>, %arg18: memref<!tpu.dma_semaphore, #tpu.memory_space<semaphore_mem>>, %arg19: memref<!tpu.dma_semaphore, #tpu.memory_space<semaphore_mem>>, %arg20: memref<!tpu.dma_semaphore, #tpu.memory_space<semaphore_mem>>, %arg21: memref<!tpu.dma_semaphore, #tpu.memory_space<semaphore_mem>>, %arg22: memref<!tpu.dma_semaphore, #tpu.memory_space<semaphore_mem>>, %arg23: memref<!tpu.dma_semaphore, #tpu.memory_space<semaphore_mem>>, %arg24: memref<!tpu.dma_semaphore, #tpu.memory_space<semaphore_mem>>, %arg25: memref<!tpu.dma_semaphore, #tpu.memory_space<semaphore_mem>>, %arg26: memref<!tpu.dma_semaphore, #tpu.memory_space<semaphore_mem>>, %arg27: memref<!tpu.dma_semaphore, #tpu.memory_space<semaphore_mem>>, %arg28: memref<!tpu.dma_semaphore, #tpu.memory_space<semaphore_mem>>, %arg29: memref<!tpu.dma_semaphore, #tpu.memory_space<semaphore_mem>>, %arg30: memref<!tpu.dma_semaphore, #tpu.memory_space<semaphore_mem>>, %arg31: memref<!tpu.dma_semaphore, #tpu.memory_space<semaphore_mem>>, %arg32: memref<!tpu.dma_semaphore, #tpu.memory_space<semaphore_mem>>, %arg33: memref<!tpu.dma_semaphore, #tpu.memory_space<semaphore_mem>>) attributes {dimension_semantics = [#tpu.dimension_semantics<core_parallel>, #tpu.dimension_semantics<subcore_parallel>], iteration_bounds = array<i64: 2, 16>, scalar_prefetch = 0 : i64, scratch_operands = 27 : i64, tpu.core_type = #tpu.core_type<sc_vector_subcore>, window_params = [{transform_indices = #map}, {transform_indices = #map}, {transform_indices = #map1}, {transform_indices = #map1}, {transform_indices = #map}]} {
    %mul3A = arith.constant 16 : i32
    %mul3A_0 = arith.muli %arg0, %mul3A : i32
    %add3A = arith.addi %mul3A_0, %arg1 : i32
    %mul3A_1 = arith.constant 632 : i32
    %mul3A_2 = arith.muli %arg1, %mul3A_1 : i32
    "tpu.region"() ({
      %run_scoped3A = tpu.sem_alloc : memref<!tpu.dma_semaphore, #tpu.memory_space<semaphore_mem>>
      %dma_start3A_233 = arith.constant 0 : i32
      %dma_start3A_234 = tpu.memref_slice %arg17[%mul3A_2, %dma_start3A_233] : memref<10112x64xf32, #tpu.memory_space<vmem_shared>> -> memref<632x64xf32, #tpu.memory_space<vmem_shared>>
      tpu.enqueue_dma source(%arg5 : memref<632x64xf32, #tpu.memory_space<hbm>>) target(%dma_start3A_234 : memref<632x64xf32, #tpu.memory_space<vmem_shared>>) target_semaphore(%run_scoped3A : memref<!tpu.dma_semaphore, #tpu.memory_space<semaphore_mem>>)
      %dma_wait3A_235 = arith.constant 0 : i32
      %dma_wait3A_236 = tpu.memref_slice %arg17[%mul3A_2, %dma_wait3A_235] : memref<10112x64xf32, #tpu.memory_space<vmem_shared>> -> memref<632x64xf32, #tpu.memory_space<vmem_shared>>
      tpu.wait_dma2 semaphore(%run_scoped3A : memref<!tpu.dma_semaphore, #tpu.memory_space<semaphore_mem>>) src(%arg5 : memref<632x64xf32, #tpu.memory_space<hbm>>) dst(%dma_wait3A_236 : memref<632x64xf32, #tpu.memory_space<vmem_shared>>)
      tpu.yield
    }) : () -> ()
    "tpu.region"() ({
      %run_scoped3A = tpu.sem_alloc : memref<!tpu.dma_semaphore, #tpu.memory_space<semaphore_mem>>
      %dma_start3A_233 = arith.constant 0 : i32
      %dma_start3A_234 = arith.constant 0 : i32
      %dma_start3A_235 = tpu.memref_slice %arg2[%add3A, %dma_start3A_233, %dma_start3A_234] : memref<32x80x128xi32, #tpu.memory_space<hbm>> -> memref<1x80x128xi32, #tpu.memory_space<hbm>>
      %dma_start3A_236 = tpu.memref_squeeze %dma_start3A_235 : memref<1x80x128xi32, #tpu.memory_space<hbm>> -> memref<80x128xi32, #tpu.memory_space<hbm>>
      %dma_start3A_237 = arith.constant 0 : i32
      %dma_start3A_238 = arith.constant 0 : i32
      %dma_start3A_239 = tpu.memref_slice %arg2[%add3A, %dma_start3A_237, %dma_start3A_238] : memref<32x80x128xi32, #tpu.memory_space<hbm>> -> memref<1x80x128xi32, #tpu.memory_space<hbm>>
      %dma_start3A_240 = tpu.memref_squeeze %dma_start3A_239 : memref<1x80x128xi32, #tpu.memory_space<hbm>> -> memref<80x128xi32, #tpu.memory_space<hbm>>
      tpu.enqueue_dma source(%dma_start3A_240 : memref<80x128xi32, #tpu.memory_space<hbm>>) target(%arg7 : memref<80x128xi32, #tpu.memory_space<vmem>>) target_semaphore(%run_scoped3A : memref<!tpu.dma_semaphore, #tpu.memory_space<semaphore_mem>>)
      %dma_wait3A_241 = arith.constant 0 : i32
      %dma_wait3A_242 = arith.constant 0 : i32
      %dma_wait3A_243 = tpu.memref_slice %arg2[%add3A, %dma_wait3A_241, %dma_wait3A_242] : memref<32x80x128xi32, #tpu.memory_space<hbm>> -> memref<1x80x128xi32, #tpu.memory_space<hbm>>
      %dma_wait3A_244 = tpu.memref_squeeze %dma_wait3A_243 : memref<1x80x128xi32, #tpu.memory_space<hbm>> -> memref<80x128xi32, #tpu.memory_space<hbm>>
      %dma_wait3A_245 = arith.constant 0 : i32
      %dma_wait3A_246 = arith.constant 0 : i32
      %dma_wait3A_247 = tpu.memref_slice %arg2[%add3A, %dma_wait3A_245, %dma_wait3A_246] : memref<32x80x128xi32, #tpu.memory_space<hbm>> -> memref<1x80x128xi32, #tpu.memory_space<hbm>>
      %dma_wait3A_248 = tpu.memref_squeeze %dma_wait3A_247 : memref<1x80x128xi32, #tpu.memory_space<hbm>> -> memref<80x128xi32, #tpu.memory_space<hbm>>
      tpu.wait_dma2 semaphore(%run_scoped3A : memref<!tpu.dma_semaphore, #tpu.memory_space<semaphore_mem>>) src(%dma_wait3A_248 : memref<80x128xi32, #tpu.memory_space<hbm>>) dst(%arg7 : memref<80x128xi32, #tpu.memory_space<vmem>>)
      tpu.yield
    }) : () -> ()
    "tpu.region"() ({
      %run_scoped3A = tpu.sem_alloc : memref<!tpu.dma_semaphore, #tpu.memory_space<semaphore_mem>>
      %dma_start3A_233 = arith.constant 0 : i32
      %dma_start3A_234 = arith.constant 0 : i32
      %dma_start3A_235 = tpu.memref_slice %arg3[%add3A, %dma_start3A_233, %dma_start3A_234] : memref<32x80x128xi32, #tpu.memory_space<hbm>> -> memref<1x80x128xi32, #tpu.memory_space<hbm>>
      %dma_start3A_236 = tpu.memref_squeeze %dma_start3A_235 : memref<1x80x128xi32, #tpu.memory_space<hbm>> -> memref<80x128xi32, #tpu.memory_space<hbm>>
      %dma_start3A_237 = arith.constant 0 : i32
      %dma_start3A_238 = arith.constant 0 : i32
      %dma_start3A_239 = tpu.memref_slice %arg3[%add3A, %dma_start3A_237, %dma_start3A_238] : memref<32x80x128xi32, #tpu.memory_space<hbm>> -> memref<1x80x128xi32, #tpu.memory_space<hbm>>
      %dma_start3A_240 = tpu.memref_squeeze %dma_start3A_239 : memref<1x80x128xi32, #tpu.memory_space<hbm>> -> memref<80x128xi32, #tpu.memory_space<hbm>>
      tpu.enqueue_dma source(%dma_start3A_240 : memref<80x128xi32, #tpu.memory_space<hbm>>) target(%arg8 : memref<80x128xi32, #tpu.memory_space<vmem>>) target_semaphore(%run_scoped3A : memref<!tpu.dma_semaphore, #tpu.memory_space<semaphore_mem>>)
      %dma_wait3A_241 = arith.constant 0 : i32
      %dma_wait3A_242 = arith.constant 0 : i32
      %dma_wait3A_243 = tpu.memref_slice %arg3[%add3A, %dma_wait3A_241, %dma_wait3A_242] : memref<32x80x128xi32, #tpu.memory_space<hbm>> -> memref<1x80x128xi32, #tpu.memory_space<hbm>>
      %dma_wait3A_244 = tpu.memref_squeeze %dma_wait3A_243 : memref<1x80x128xi32, #tpu.memory_space<hbm>> -> memref<80x128xi32, #tpu.memory_space<hbm>>
      %dma_wait3A_245 = arith.constant 0 : i32
      %dma_wait3A_246 = arith.constant 0 : i32
      %dma_wait3A_247 = tpu.memref_slice %arg3[%add3A, %dma_wait3A_245, %dma_wait3A_246] : memref<32x80x128xi32, #tpu.memory_space<hbm>> -> memref<1x80x128xi32, #tpu.memory_space<hbm>>
      %dma_wait3A_248 = tpu.memref_squeeze %dma_wait3A_247 : memref<1x80x128xi32, #tpu.memory_space<hbm>> -> memref<80x128xi32, #tpu.memory_space<hbm>>
      tpu.wait_dma2 semaphore(%run_scoped3A : memref<!tpu.dma_semaphore, #tpu.memory_space<semaphore_mem>>) src(%dma_wait3A_248 : memref<80x128xi32, #tpu.memory_space<hbm>>) dst(%arg8 : memref<80x128xi32, #tpu.memory_space<vmem>>)
      tpu.yield
    }) : () -> ()
    %barrier3A = arith.constant 0 : index
    tpu.barrier barrier_id(%barrier3A)
    %dma_start3A = arith.constant 0 : i32
    %dma_start3A_3 = arith.constant 0 : i32
    %dma_start3A_4 = tpu.memref_slice %arg7[%dma_start3A, %dma_start3A_3] : memref<80x128xi32, #tpu.memory_space<vmem>> -> memref<1x128xi32, #tpu.memory_space<vmem>>
    %dma_start3A_5 = tpu.memref_squeeze %dma_start3A_4 : memref<1x128xi32, #tpu.memory_space<vmem>> -> memref<128xi32, #tpu.memory_space<vmem>>
    %dma_start3A_6 = arith.constant 0 : i32
    %dma_start3A_7 = arith.constant 0 : i32
    %dma_start3A_8 = tpu.memref_slice %arg4[%dma_start3A_6, %dma_start3A_7] : memref<10112x64xf32, #tpu.memory_space<hbm>> -> memref<10112x64xf32, #tpu.memory_space<hbm>>
    tpu.enqueue_indirect_dma source(%dma_start3A_8 : memref<10112x64xf32, #tpu.memory_space<hbm>>) target(%arg9 : memref<128x64xf32, #tpu.memory_space<vmem>>) offsets(%dma_start3A_5 : memref<128xi32, #tpu.memory_space<vmem>>) semaphore(%arg18 : memref<!tpu.dma_semaphore, #tpu.memory_space<semaphore_mem>>)
    %dma_start3A_9 = arith.constant 1 : i32
    %dma_start3A_10 = arith.constant 0 : i32
    %dma_start3A_11 = tpu.memref_slice %arg7[%dma_start3A_9, %dma_start3A_10] : memref<80x128xi32, #tpu.memory_space<vmem>> -> memref<1x128xi32, #tpu.memory_space<vmem>>
    %dma_start3A_12 = tpu.memref_squeeze %dma_start3A_11 : memref<1x128xi32, #tpu.memory_space<vmem>> -> memref<128xi32, #tpu.memory_space<vmem>>
    %dma_start3A_13 = arith.constant 0 : i32
    %dma_start3A_14 = arith.constant 0 : i32
    %dma_start3A_15 = tpu.memref_slice %arg4[%dma_start3A_13, %dma_start3A_14] : memref<10112x64xf32, #tpu.memory_space<hbm>> -> memref<10112x64xf32, #tpu.memory_space<hbm>>
    tpu.enqueue_indirect_dma source(%dma_start3A_15 : memref<10112x64xf32, #tpu.memory_space<hbm>>) target(%arg10 : memref<128x64xf32, #tpu.memory_space<vmem>>) offsets(%dma_start3A_12 : memref<128xi32, #tpu.memory_space<vmem>>) semaphore(%arg19 : memref<!tpu.dma_semaphore, #tpu.memory_space<semaphore_mem>>)
    %dma_start3A_16 = arith.constant 2 : i32
    %dma_start3A_17 = arith.constant 0 : i32
    %dma_start3A_18 = tpu.memref_slice %arg7[%dma_start3A_16, %dma_start3A_17] : memref<80x128xi32, #tpu.memory_space<vmem>> -> memref<1x128xi32, #tpu.memory_space<vmem>>
    %dma_start3A_19 = tpu.memref_squeeze %dma_start3A_18 : memref<1x128xi32, #tpu.memory_space<vmem>> -> memref<128xi32, #tpu.memory_space<vmem>>
    %dma_start3A_20 = arith.constant 0 : i32
    %dma_start3A_21 = arith.constant 0 : i32
    %dma_start3A_22 = tpu.memref_slice %arg4[%dma_start3A_20, %dma_start3A_21] : memref<10112x64xf32, #tpu.memory_space<hbm>> -> memref<10112x64xf32, #tpu.memory_space<hbm>>
    tpu.enqueue_indirect_dma source(%dma_start3A_22 : memref<10112x64xf32, #tpu.memory_space<hbm>>) target(%arg11 : memref<128x64xf32, #tpu.memory_space<vmem>>) offsets(%dma_start3A_19 : memref<128xi32, #tpu.memory_space<vmem>>) semaphore(%arg20 : memref<!tpu.dma_semaphore, #tpu.memory_space<semaphore_mem>>)
    %dma_start3A_23 = arith.constant 3 : i32
    %dma_start3A_24 = arith.constant 0 : i32
    %dma_start3A_25 = tpu.memref_slice %arg7[%dma_start3A_23, %dma_start3A_24] : memref<80x128xi32, #tpu.memory_space<vmem>> -> memref<1x128xi32, #tpu.memory_space<vmem>>
    %dma_start3A_26 = tpu.memref_squeeze %dma_start3A_25 : memref<1x128xi32, #tpu.memory_space<vmem>> -> memref<128xi32, #tpu.memory_space<vmem>>
    %dma_start3A_27 = arith.constant 0 : i32
    %dma_start3A_28 = arith.constant 0 : i32
    %dma_start3A_29 = tpu.memref_slice %arg4[%dma_start3A_27, %dma_start3A_28] : memref<10112x64xf32, #tpu.memory_space<hbm>> -> memref<10112x64xf32, #tpu.memory_space<hbm>>
    tpu.enqueue_indirect_dma source(%dma_start3A_29 : memref<10112x64xf32, #tpu.memory_space<hbm>>) target(%arg12 : memref<128x64xf32, #tpu.memory_space<vmem>>) offsets(%dma_start3A_26 : memref<128xi32, #tpu.memory_space<vmem>>) semaphore(%arg21 : memref<!tpu.dma_semaphore, #tpu.memory_space<semaphore_mem>>)
    %dma_start3A_30 = arith.constant 4 : i32
    %dma_start3A_31 = arith.constant 0 : i32
    %dma_start3A_32 = tpu.memref_slice %arg7[%dma_start3A_30, %dma_start3A_31] : memref<80x128xi32, #tpu.memory_space<vmem>> -> memref<1x128xi32, #tpu.memory_space<vmem>>
    %dma_start3A_33 = tpu.memref_squeeze %dma_start3A_32 : memref<1x128xi32, #tpu.memory_space<vmem>> -> memref<128xi32, #tpu.memory_space<vmem>>
    %dma_start3A_34 = arith.constant 0 : i32
    %dma_start3A_35 = arith.constant 0 : i32
    %dma_start3A_36 = tpu.memref_slice %arg4[%dma_start3A_34, %dma_start3A_35] : memref<10112x64xf32, #tpu.memory_space<hbm>> -> memref<10112x64xf32, #tpu.memory_space<hbm>>
    tpu.enqueue_indirect_dma source(%dma_start3A_36 : memref<10112x64xf32, #tpu.memory_space<hbm>>) target(%arg13 : memref<128x64xf32, #tpu.memory_space<vmem>>) offsets(%dma_start3A_33 : memref<128xi32, #tpu.memory_space<vmem>>) semaphore(%arg22 : memref<!tpu.dma_semaphore, #tpu.memory_space<semaphore_mem>>)
    %dma_start3A_37 = arith.constant 5 : i32
    %dma_start3A_38 = arith.constant 0 : i32
    %dma_start3A_39 = tpu.memref_slice %arg7[%dma_start3A_37, %dma_start3A_38] : memref<80x128xi32, #tpu.memory_space<vmem>> -> memref<1x128xi32, #tpu.memory_space<vmem>>
    %dma_start3A_40 = tpu.memref_squeeze %dma_start3A_39 : memref<1x128xi32, #tpu.memory_space<vmem>> -> memref<128xi32, #tpu.memory_space<vmem>>
    %dma_start3A_41 = arith.constant 0 : i32
    %dma_start3A_42 = arith.constant 0 : i32
    %dma_start3A_43 = tpu.memref_slice %arg4[%dma_start3A_41, %dma_start3A_42] : memref<10112x64xf32, #tpu.memory_space<hbm>> -> memref<10112x64xf32, #tpu.memory_space<hbm>>
    tpu.enqueue_indirect_dma source(%dma_start3A_43 : memref<10112x64xf32, #tpu.memory_space<hbm>>) target(%arg14 : memref<128x64xf32, #tpu.memory_space<vmem>>) offsets(%dma_start3A_40 : memref<128xi32, #tpu.memory_space<vmem>>) semaphore(%arg23 : memref<!tpu.dma_semaphore, #tpu.memory_space<semaphore_mem>>)
    %dma_start3A_44 = arith.constant 6 : i32
    %dma_start3A_45 = arith.constant 0 : i32
    %dma_start3A_46 = tpu.memref_slice %arg7[%dma_start3A_44, %dma_start3A_45] : memref<80x128xi32, #tpu.memory_space<vmem>> -> memref<1x128xi32, #tpu.memory_space<vmem>>
    %dma_start3A_47 = tpu.memref_squeeze %dma_start3A_46 : memref<1x128xi32, #tpu.memory_space<vmem>> -> memref<128xi32, #tpu.memory_space<vmem>>
    %dma_start3A_48 = arith.constant 0 : i32
    %dma_start3A_49 = arith.constant 0 : i32
    %dma_start3A_50 = tpu.memref_slice %arg4[%dma_start3A_48, %dma_start3A_49] : memref<10112x64xf32, #tpu.memory_space<hbm>> -> memref<10112x64xf32, #tpu.memory_space<hbm>>
    tpu.enqueue_indirect_dma source(%dma_start3A_50 : memref<10112x64xf32, #tpu.memory_space<hbm>>) target(%arg15 : memref<128x64xf32, #tpu.memory_space<vmem>>) offsets(%dma_start3A_47 : memref<128xi32, #tpu.memory_space<vmem>>) semaphore(%arg24 : memref<!tpu.dma_semaphore, #tpu.memory_space<semaphore_mem>>)
    %dma_start3A_51 = arith.constant 7 : i32
    %dma_start3A_52 = arith.constant 0 : i32
    %dma_start3A_53 = tpu.memref_slice %arg7[%dma_start3A_51, %dma_start3A_52] : memref<80x128xi32, #tpu.memory_space<vmem>> -> memref<1x128xi32, #tpu.memory_space<vmem>>
    %dma_start3A_54 = tpu.memref_squeeze %dma_start3A_53 : memref<1x128xi32, #tpu.memory_space<vmem>> -> memref<128xi32, #tpu.memory_space<vmem>>
    %dma_start3A_55 = arith.constant 0 : i32
    %dma_start3A_56 = arith.constant 0 : i32
    %dma_start3A_57 = tpu.memref_slice %arg4[%dma_start3A_55, %dma_start3A_56] : memref<10112x64xf32, #tpu.memory_space<hbm>> -> memref<10112x64xf32, #tpu.memory_space<hbm>>
    tpu.enqueue_indirect_dma source(%dma_start3A_57 : memref<10112x64xf32, #tpu.memory_space<hbm>>) target(%arg16 : memref<128x64xf32, #tpu.memory_space<vmem>>) offsets(%dma_start3A_54 : memref<128xi32, #tpu.memory_space<vmem>>) semaphore(%arg25 : memref<!tpu.dma_semaphore, #tpu.memory_space<semaphore_mem>>)
    %scan3A = arith.constant 0 : i32
    %scan3A_58 = arith.constant 0 : i32
    %scan3A_59 = arith.constant 9 : i32
    %scan3A_60 = arith.addi %scan3A_58, %scan3A_59 : i32
    %scan3A_61 = arith.constant 1 : i32
    scf.for %scan3A_233 = %scan3A_58 to %scan3A_60 step %scan3A_61  : i32 {
      %mul3A_234 = arith.constant 8 : i32
      %mul3A_235 = arith.muli %scan3A_233, %mul3A_234 : i32
      %dma_wait3A_236 = arith.constant 0 : i32
      %dma_wait3A_237 = arith.constant 0 : i32
      %dma_wait3A_238 = tpu.memref_slice %arg7[%dma_wait3A_236, %dma_wait3A_237] : memref<80x128xi32, #tpu.memory_space<vmem>> -> memref<1x128xi32, #tpu.memory_space<vmem>>
      %dma_wait3A_239 = tpu.memref_squeeze %dma_wait3A_238 : memref<1x128xi32, #tpu.memory_space<vmem>> -> memref<128xi32, #tpu.memory_space<vmem>>
      %dma_wait3A_240 = arith.constant 0 : i32
      %dma_wait3A_241 = arith.constant 0 : i32
      %dma_wait3A_242 = tpu.memref_slice %arg4[%dma_wait3A_240, %dma_wait3A_241] : memref<10112x64xf32, #tpu.memory_space<hbm>> -> memref<10112x64xf32, #tpu.memory_space<hbm>>
      tpu.wait_indirect_dma semaphore(%arg18 : memref<!tpu.dma_semaphore, #tpu.memory_space<semaphore_mem>>) src(%dma_wait3A_242 : memref<10112x64xf32, #tpu.memory_space<hbm>>) dst(%arg9 : memref<128x64xf32, #tpu.memory_space<vmem>>)
      %add3A_243 = arith.constant 0 : i32
      %add3A_244 = arith.addi %mul3A_235, %add3A_243 : i32
      %dma_start3A_245 = arith.constant 0 : i32
      %dma_start3A_246 = tpu.memref_slice %arg8[%add3A_244, %dma_start3A_245] : memref<80x128xi32, #tpu.memory_space<vmem>> -> memref<1x128xi32, #tpu.memory_space<vmem>>
      %dma_start3A_247 = tpu.memref_squeeze %dma_start3A_246 : memref<1x128xi32, #tpu.memory_space<vmem>> -> memref<128xi32, #tpu.memory_space<vmem>>
      %dma_start3A_248 = arith.constant 0 : i32
      %dma_start3A_249 = arith.constant 0 : i32
      %dma_start3A_250 = tpu.memref_slice %arg17[%dma_start3A_248, %dma_start3A_249] : memref<10112x64xf32, #tpu.memory_space<vmem_shared>> -> memref<10112x64xf32, #tpu.memory_space<vmem_shared>>
      tpu.enqueue_indirect_dma source(%arg9 : memref<128x64xf32, #tpu.memory_space<vmem>>) target(%dma_start3A_250 : memref<10112x64xf32, #tpu.memory_space<vmem_shared>>) offsets(%dma_start3A_247 : memref<128xi32, #tpu.memory_space<vmem>>) semaphore(%arg26 : memref<!tpu.dma_semaphore, #tpu.memory_space<semaphore_mem>>) {add = true}
      %dma_wait3A_251 = arith.constant 0 : i32
      %dma_wait3A_252 = arith.constant 0 : i32
      %dma_wait3A_253 = tpu.memref_slice %arg7[%dma_wait3A_251, %dma_wait3A_252] : memref<80x128xi32, #tpu.memory_space<vmem>> -> memref<1x128xi32, #tpu.memory_space<vmem>>
      %dma_wait3A_254 = tpu.memref_squeeze %dma_wait3A_253 : memref<1x128xi32, #tpu.memory_space<vmem>> -> memref<128xi32, #tpu.memory_space<vmem>>
      %dma_wait3A_255 = arith.constant 0 : i32
      %dma_wait3A_256 = arith.constant 0 : i32
      %dma_wait3A_257 = tpu.memref_slice %arg4[%dma_wait3A_255, %dma_wait3A_256] : memref<10112x64xf32, #tpu.memory_space<hbm>> -> memref<10112x64xf32, #tpu.memory_space<hbm>>
      tpu.wait_indirect_dma semaphore(%arg19 : memref<!tpu.dma_semaphore, #tpu.memory_space<semaphore_mem>>) src(%dma_wait3A_257 : memref<10112x64xf32, #tpu.memory_space<hbm>>) dst(%arg10 : memref<128x64xf32, #tpu.memory_space<vmem>>)
      %add3A_258 = arith.constant 1 : i32
      %add3A_259 = arith.addi %mul3A_235, %add3A_258 : i32
      %dma_start3A_260 = arith.constant 0 : i32
      %dma_start3A_261 = tpu.memref_slice %arg8[%add3A_259, %dma_start3A_260] : memref<80x128xi32, #tpu.memory_space<vmem>> -> memref<1x128xi32, #tpu.memory_space<vmem>>
      %dma_start3A_262 = tpu.memref_squeeze %dma_start3A_261 : memref<1x128xi32, #tpu.memory_space<vmem>> -> memref<128xi32, #tpu.memory_space<vmem>>
      %dma_start3A_263 = arith.constant 0 : i32
      %dma_start3A_264 = arith.constant 0 : i32
      %dma_start3A_265 = tpu.memref_slice %arg17[%dma_start3A_263, %dma_start3A_264] : memref<10112x64xf32, #tpu.memory_space<vmem_shared>> -> memref<10112x64xf32, #tpu.memory_space<vmem_shared>>
      tpu.enqueue_indirect_dma source(%arg10 : memref<128x64xf32, #tpu.memory_space<vmem>>) target(%dma_start3A_265 : memref<10112x64xf32, #tpu.memory_space<vmem_shared>>) offsets(%dma_start3A_262 : memref<128xi32, #tpu.memory_space<vmem>>) semaphore(%arg27 : memref<!tpu.dma_semaphore, #tpu.memory_space<semaphore_mem>>) {add = true}
      %dma_wait3A_266 = arith.constant 0 : i32
      %dma_wait3A_267 = arith.constant 0 : i32
      %dma_wait3A_268 = tpu.memref_slice %arg7[%dma_wait3A_266, %dma_wait3A_267] : memref<80x128xi32, #tpu.memory_space<vmem>> -> memref<1x128xi32, #tpu.memory_space<vmem>>
      %dma_wait3A_269 = tpu.memref_squeeze %dma_wait3A_268 : memref<1x128xi32, #tpu.memory_space<vmem>> -> memref<128xi32, #tpu.memory_space<vmem>>
      %dma_wait3A_270 = arith.constant 0 : i32
      %dma_wait3A_271 = arith.constant 0 : i32
      %dma_wait3A_272 = tpu.memref_slice %arg4[%dma_wait3A_270, %dma_wait3A_271] : memref<10112x64xf32, #tpu.memory_space<hbm>> -> memref<10112x64xf32, #tpu.memory_space<hbm>>
      tpu.wait_indirect_dma semaphore(%arg20 : memref<!tpu.dma_semaphore, #tpu.memory_space<semaphore_mem>>) src(%dma_wait3A_272 : memref<10112x64xf32, #tpu.memory_space<hbm>>) dst(%arg11 : memref<128x64xf32, #tpu.memory_space<vmem>>)
      %add3A_273 = arith.constant 2 : i32
      %add3A_274 = arith.addi %mul3A_235, %add3A_273 : i32
      %dma_start3A_275 = arith.constant 0 : i32
      %dma_start3A_276 = tpu.memref_slice %arg8[%add3A_274, %dma_start3A_275] : memref<80x128xi32, #tpu.memory_space<vmem>> -> memref<1x128xi32, #tpu.memory_space<vmem>>
      %dma_start3A_277 = tpu.memref_squeeze %dma_start3A_276 : memref<1x128xi32, #tpu.memory_space<vmem>> -> memref<128xi32, #tpu.memory_space<vmem>>
      %dma_start3A_278 = arith.constant 0 : i32
      %dma_start3A_279 = arith.constant 0 : i32
      %dma_start3A_280 = tpu.memref_slice %arg17[%dma_start3A_278, %dma_start3A_279] : memref<10112x64xf32, #tpu.memory_space<vmem_shared>> -> memref<10112x64xf32, #tpu.memory_space<vmem_shared>>
      tpu.enqueue_indirect_dma source(%arg11 : memref<128x64xf32, #tpu.memory_space<vmem>>) target(%dma_start3A_280 : memref<10112x64xf32, #tpu.memory_space<vmem_shared>>) offsets(%dma_start3A_277 : memref<128xi32, #tpu.memory_space<vmem>>) semaphore(%arg28 : memref<!tpu.dma_semaphore, #tpu.memory_space<semaphore_mem>>) {add = true}
      %dma_wait3A_281 = arith.constant 0 : i32
      %dma_wait3A_282 = arith.constant 0 : i32
      %dma_wait3A_283 = tpu.memref_slice %arg7[%dma_wait3A_281, %dma_wait3A_282] : memref<80x128xi32, #tpu.memory_space<vmem>> -> memref<1x128xi32, #tpu.memory_space<vmem>>
      %dma_wait3A_284 = tpu.memref_squeeze %dma_wait3A_283 : memref<1x128xi32, #tpu.memory_space<vmem>> -> memref<128xi32, #tpu.memory_space<vmem>>
      %dma_wait3A_285 = arith.constant 0 : i32
      %dma_wait3A_286 = arith.constant 0 : i32
      %dma_wait3A_287 = tpu.memref_slice %arg4[%dma_wait3A_285, %dma_wait3A_286] : memref<10112x64xf32, #tpu.memory_space<hbm>> -> memref<10112x64xf32, #tpu.memory_space<hbm>>
      tpu.wait_indirect_dma semaphore(%arg21 : memref<!tpu.dma_semaphore, #tpu.memory_space<semaphore_mem>>) src(%dma_wait3A_287 : memref<10112x64xf32, #tpu.memory_space<hbm>>) dst(%arg12 : memref<128x64xf32, #tpu.memory_space<vmem>>)
      %add3A_288 = arith.constant 3 : i32
      %add3A_289 = arith.addi %mul3A_235, %add3A_288 : i32
      %dma_start3A_290 = arith.constant 0 : i32
      %dma_start3A_291 = tpu.memref_slice %arg8[%add3A_289, %dma_start3A_290] : memref<80x128xi32, #tpu.memory_space<vmem>> -> memref<1x128xi32, #tpu.memory_space<vmem>>
      %dma_start3A_292 = tpu.memref_squeeze %dma_start3A_291 : memref<1x128xi32, #tpu.memory_space<vmem>> -> memref<128xi32, #tpu.memory_space<vmem>>
      %dma_start3A_293 = arith.constant 0 : i32
      %dma_start3A_294 = arith.constant 0 : i32
      %dma_start3A_295 = tpu.memref_slice %arg17[%dma_start3A_293, %dma_start3A_294] : memref<10112x64xf32, #tpu.memory_space<vmem_shared>> -> memref<10112x64xf32, #tpu.memory_space<vmem_shared>>
      tpu.enqueue_indirect_dma source(%arg12 : memref<128x64xf32, #tpu.memory_space<vmem>>) target(%dma_start3A_295 : memref<10112x64xf32, #tpu.memory_space<vmem_shared>>) offsets(%dma_start3A_292 : memref<128xi32, #tpu.memory_space<vmem>>) semaphore(%arg29 : memref<!tpu.dma_semaphore, #tpu.memory_space<semaphore_mem>>) {add = true}
      %dma_wait3A_296 = arith.constant 0 : i32
      %dma_wait3A_297 = arith.constant 0 : i32
      %dma_wait3A_298 = tpu.memref_slice %arg7[%dma_wait3A_296, %dma_wait3A_297] : memref<80x128xi32, #tpu.memory_space<vmem>> -> memref<1x128xi32, #tpu.memory_space<vmem>>
      %dma_wait3A_299 = tpu.memref_squeeze %dma_wait3A_298 : memref<1x128xi32, #tpu.memory_space<vmem>> -> memref<128xi32, #tpu.memory_space<vmem>>
      %dma_wait3A_300 = arith.constant 0 : i32
      %dma_wait3A_301 = arith.constant 0 : i32
      %dma_wait3A_302 = tpu.memref_slice %arg4[%dma_wait3A_300, %dma_wait3A_301] : memref<10112x64xf32, #tpu.memory_space<hbm>> -> memref<10112x64xf32, #tpu.memory_space<hbm>>
      tpu.wait_indirect_dma semaphore(%arg22 : memref<!tpu.dma_semaphore, #tpu.memory_space<semaphore_mem>>) src(%dma_wait3A_302 : memref<10112x64xf32, #tpu.memory_space<hbm>>) dst(%arg13 : memref<128x64xf32, #tpu.memory_space<vmem>>)
      %add3A_303 = arith.constant 4 : i32
      %add3A_304 = arith.addi %mul3A_235, %add3A_303 : i32
      %dma_start3A_305 = arith.constant 0 : i32
      %dma_start3A_306 = tpu.memref_slice %arg8[%add3A_304, %dma_start3A_305] : memref<80x128xi32, #tpu.memory_space<vmem>> -> memref<1x128xi32, #tpu.memory_space<vmem>>
      %dma_start3A_307 = tpu.memref_squeeze %dma_start3A_306 : memref<1x128xi32, #tpu.memory_space<vmem>> -> memref<128xi32, #tpu.memory_space<vmem>>
      %dma_start3A_308 = arith.constant 0 : i32
      %dma_start3A_309 = arith.constant 0 : i32
      %dma_start3A_310 = tpu.memref_slice %arg17[%dma_start3A_308, %dma_start3A_309] : memref<10112x64xf32, #tpu.memory_space<vmem_shared>> -> memref<10112x64xf32, #tpu.memory_space<vmem_shared>>
      tpu.enqueue_indirect_dma source(%arg13 : memref<128x64xf32, #tpu.memory_space<vmem>>) target(%dma_start3A_310 : memref<10112x64xf32, #tpu.memory_space<vmem_shared>>) offsets(%dma_start3A_307 : memref<128xi32, #tpu.memory_space<vmem>>) semaphore(%arg30 : memref<!tpu.dma_semaphore, #tpu.memory_space<semaphore_mem>>) {add = true}
      %dma_wait3A_311 = arith.constant 0 : i32
      %dma_wait3A_312 = arith.constant 0 : i32
      %dma_wait3A_313 = tpu.memref_slice %arg7[%dma_wait3A_311, %dma_wait3A_312] : memref<80x128xi32, #tpu.memory_space<vmem>> -> memref<1x128xi32, #tpu.memory_space<vmem>>
      %dma_wait3A_314 = tpu.memref_squeeze %dma_wait3A_313 : memref<1x128xi32, #tpu.memory_space<vmem>> -> memref<128xi32, #tpu.memory_space<vmem>>
      %dma_wait3A_315 = arith.constant 0 : i32
      %dma_wait3A_316 = arith.constant 0 : i32
      %dma_wait3A_317 = tpu.memref_slice %arg4[%dma_wait3A_315, %dma_wait3A_316] : memref<10112x64xf32, #tpu.memory_space<hbm>> -> memref<10112x64xf32, #tpu.memory_space<hbm>>
      tpu.wait_indirect_dma semaphore(%arg23 : memref<!tpu.dma_semaphore, #tpu.memory_space<semaphore_mem>>) src(%dma_wait3A_317 : memref<10112x64xf32, #tpu.memory_space<hbm>>) dst(%arg14 : memref<128x64xf32, #tpu.memory_space<vmem>>)
      %add3A_318 = arith.constant 5 : i32
      %add3A_319 = arith.addi %mul3A_235, %add3A_318 : i32
      %dma_start3A_320 = arith.constant 0 : i32
      %dma_start3A_321 = tpu.memref_slice %arg8[%add3A_319, %dma_start3A_320] : memref<80x128xi32, #tpu.memory_space<vmem>> -> memref<1x128xi32, #tpu.memory_space<vmem>>
      %dma_start3A_322 = tpu.memref_squeeze %dma_start3A_321 : memref<1x128xi32, #tpu.memory_space<vmem>> -> memref<128xi32, #tpu.memory_space<vmem>>
      %dma_start3A_323 = arith.constant 0 : i32
      %dma_start3A_324 = arith.constant 0 : i32
      %dma_start3A_325 = tpu.memref_slice %arg17[%dma_start3A_323, %dma_start3A_324] : memref<10112x64xf32, #tpu.memory_space<vmem_shared>> -> memref<10112x64xf32, #tpu.memory_space<vmem_shared>>
      tpu.enqueue_indirect_dma source(%arg14 : memref<128x64xf32, #tpu.memory_space<vmem>>) target(%dma_start3A_325 : memref<10112x64xf32, #tpu.memory_space<vmem_shared>>) offsets(%dma_start3A_322 : memref<128xi32, #tpu.memory_space<vmem>>) semaphore(%arg31 : memref<!tpu.dma_semaphore, #tpu.memory_space<semaphore_mem>>) {add = true}
      %dma_wait3A_326 = arith.constant 0 : i32
      %dma_wait3A_327 = arith.constant 0 : i32
      %dma_wait3A_328 = tpu.memref_slice %arg7[%dma_wait3A_326, %dma_wait3A_327] : memref<80x128xi32, #tpu.memory_space<vmem>> -> memref<1x128xi32, #tpu.memory_space<vmem>>
      %dma_wait3A_329 = tpu.memref_squeeze %dma_wait3A_328 : memref<1x128xi32, #tpu.memory_space<vmem>> -> memref<128xi32, #tpu.memory_space<vmem>>
      %dma_wait3A_330 = arith.constant 0 : i32
      %dma_wait3A_331 = arith.constant 0 : i32
      %dma_wait3A_332 = tpu.memref_slice %arg4[%dma_wait3A_330, %dma_wait3A_331] : memref<10112x64xf32, #tpu.memory_space<hbm>> -> memref<10112x64xf32, #tpu.memory_space<hbm>>
      tpu.wait_indirect_dma semaphore(%arg24 : memref<!tpu.dma_semaphore, #tpu.memory_space<semaphore_mem>>) src(%dma_wait3A_332 : memref<10112x64xf32, #tpu.memory_space<hbm>>) dst(%arg15 : memref<128x64xf32, #tpu.memory_space<vmem>>)
      %add3A_333 = arith.constant 6 : i32
      %add3A_334 = arith.addi %mul3A_235, %add3A_333 : i32
      %dma_start3A_335 = arith.constant 0 : i32
      %dma_start3A_336 = tpu.memref_slice %arg8[%add3A_334, %dma_start3A_335] : memref<80x128xi32, #tpu.memory_space<vmem>> -> memref<1x128xi32, #tpu.memory_space<vmem>>
      %dma_start3A_337 = tpu.memref_squeeze %dma_start3A_336 : memref<1x128xi32, #tpu.memory_space<vmem>> -> memref<128xi32, #tpu.memory_space<vmem>>
      %dma_start3A_338 = arith.constant 0 : i32
      %dma_start3A_339 = arith.constant 0 : i32
      %dma_start3A_340 = tpu.memref_slice %arg17[%dma_start3A_338, %dma_start3A_339] : memref<10112x64xf32, #tpu.memory_space<vmem_shared>> -> memref<10112x64xf32, #tpu.memory_space<vmem_shared>>
      tpu.enqueue_indirect_dma source(%arg15 : memref<128x64xf32, #tpu.memory_space<vmem>>) target(%dma_start3A_340 : memref<10112x64xf32, #tpu.memory_space<vmem_shared>>) offsets(%dma_start3A_337 : memref<128xi32, #tpu.memory_space<vmem>>) semaphore(%arg32 : memref<!tpu.dma_semaphore, #tpu.memory_space<semaphore_mem>>) {add = true}
      %dma_wait3A_341 = arith.constant 0 : i32
      %dma_wait3A_342 = arith.constant 0 : i32
      %dma_wait3A_343 = tpu.memref_slice %arg7[%dma_wait3A_341, %dma_wait3A_342] : memref<80x128xi32, #tpu.memory_space<vmem>> -> memref<1x128xi32, #tpu.memory_space<vmem>>
      %dma_wait3A_344 = tpu.memref_squeeze %dma_wait3A_343 : memref<1x128xi32, #tpu.memory_space<vmem>> -> memref<128xi32, #tpu.memory_space<vmem>>
      %dma_wait3A_345 = arith.constant 0 : i32
      %dma_wait3A_346 = arith.constant 0 : i32
      %dma_wait3A_347 = tpu.memref_slice %arg4[%dma_wait3A_345, %dma_wait3A_346] : memref<10112x64xf32, #tpu.memory_space<hbm>> -> memref<10112x64xf32, #tpu.memory_space<hbm>>
      tpu.wait_indirect_dma semaphore(%arg25 : memref<!tpu.dma_semaphore, #tpu.memory_space<semaphore_mem>>) src(%dma_wait3A_347 : memref<10112x64xf32, #tpu.memory_space<hbm>>) dst(%arg16 : memref<128x64xf32, #tpu.memory_space<vmem>>)
      %add3A_348 = arith.constant 7 : i32
      %add3A_349 = arith.addi %mul3A_235, %add3A_348 : i32
      %dma_start3A_350 = arith.constant 0 : i32
      %dma_start3A_351 = tpu.memref_slice %arg8[%add3A_349, %dma_start3A_350] : memref<80x128xi32, #tpu.memory_space<vmem>> -> memref<1x128xi32, #tpu.memory_space<vmem>>
      %dma_start3A_352 = tpu.memref_squeeze %dma_start3A_351 : memref<1x128xi32, #tpu.memory_space<vmem>> -> memref<128xi32, #tpu.memory_space<vmem>>
      %dma_start3A_353 = arith.constant 0 : i32
      %dma_start3A_354 = arith.constant 0 : i32
      %dma_start3A_355 = tpu.memref_slice %arg17[%dma_start3A_353, %dma_start3A_354] : memref<10112x64xf32, #tpu.memory_space<vmem_shared>> -> memref<10112x64xf32, #tpu.memory_space<vmem_shared>>
      tpu.enqueue_indirect_dma source(%arg16 : memref<128x64xf32, #tpu.memory_space<vmem>>) target(%dma_start3A_355 : memref<10112x64xf32, #tpu.memory_space<vmem_shared>>) offsets(%dma_start3A_352 : memref<128xi32, #tpu.memory_space<vmem>>) semaphore(%arg33 : memref<!tpu.dma_semaphore, #tpu.memory_space<semaphore_mem>>) {add = true}
      %dma_wait3A_356 = arith.constant 0 : i32
      %dma_wait3A_357 = arith.constant 0 : i32
      %dma_wait3A_358 = tpu.memref_slice %arg8[%dma_wait3A_356, %dma_wait3A_357] : memref<80x128xi32, #tpu.memory_space<vmem>> -> memref<1x128xi32, #tpu.memory_space<vmem>>
      %dma_wait3A_359 = tpu.memref_squeeze %dma_wait3A_358 : memref<1x128xi32, #tpu.memory_space<vmem>> -> memref<128xi32, #tpu.memory_space<vmem>>
      %dma_wait3A_360 = arith.constant 0 : i32
      %dma_wait3A_361 = arith.constant 0 : i32
      %dma_wait3A_362 = tpu.memref_slice %arg17[%dma_wait3A_360, %dma_wait3A_361] : memref<10112x64xf32, #tpu.memory_space<vmem_shared>> -> memref<10112x64xf32, #tpu.memory_space<vmem_shared>>
      tpu.wait_indirect_dma semaphore(%arg26 : memref<!tpu.dma_semaphore, #tpu.memory_space<semaphore_mem>>) src(%arg9 : memref<128x64xf32, #tpu.memory_space<vmem>>) dst(%dma_wait3A_362 : memref<10112x64xf32, #tpu.memory_space<vmem_shared>>)
      %add3A_363 = arith.constant 8 : i32
      %add3A_364 = arith.addi %mul3A_235, %add3A_363 : i32
      %add3A_365 = arith.constant 0 : i32
      %add3A_366 = arith.addi %add3A_364, %add3A_365 : i32
      %dma_start3A_367 = arith.constant 0 : i32
      %dma_start3A_368 = tpu.memref_slice %arg7[%add3A_366, %dma_start3A_367] : memref<80x128xi32, #tpu.memory_space<vmem>> -> memref<1x128xi32, #tpu.memory_space<vmem>>
      %dma_start3A_369 = tpu.memref_squeeze %dma_start3A_368 : memref<1x128xi32, #tpu.memory_space<vmem>> -> memref<128xi32, #tpu.memory_space<vmem>>
      %dma_start3A_370 = arith.constant 0 : i32
      %dma_start3A_371 = arith.constant 0 : i32
      %dma_start3A_372 = tpu.memref_slice %arg4[%dma_start3A_370, %dma_start3A_371] : memref<10112x64xf32, #tpu.memory_space<hbm>> -> memref<10112x64xf32, #tpu.memory_space<hbm>>
      tpu.enqueue_indirect_dma source(%dma_start3A_372 : memref<10112x64xf32, #tpu.memory_space<hbm>>) target(%arg9 : memref<128x64xf32, #tpu.memory_space<vmem>>) offsets(%dma_start3A_369 : memref<128xi32, #tpu.memory_space<vmem>>) semaphore(%arg18 : memref<!tpu.dma_semaphore, #tpu.memory_space<semaphore_mem>>)
      %dma_wait3A_373 = arith.constant 0 : i32
      %dma_wait3A_374 = arith.constant 0 : i32
      %dma_wait3A_375 = tpu.memref_slice %arg8[%dma_wait3A_373, %dma_wait3A_374] : memref<80x128xi32, #tpu.memory_space<vmem>> -> memref<1x128xi32, #tpu.memory_space<vmem>>
      %dma_wait3A_376 = tpu.memref_squeeze %dma_wait3A_375 : memref<1x128xi32, #tpu.memory_space<vmem>> -> memref<128xi32, #tpu.memory_space<vmem>>
      %dma_wait3A_377 = arith.constant 0 : i32
      %dma_wait3A_378 = arith.constant 0 : i32
      %dma_wait3A_379 = tpu.memref_slice %arg17[%dma_wait3A_377, %dma_wait3A_378] : memref<10112x64xf32, #tpu.memory_space<vmem_shared>> -> memref<10112x64xf32, #tpu.memory_space<vmem_shared>>
      tpu.wait_indirect_dma semaphore(%arg27 : memref<!tpu.dma_semaphore, #tpu.memory_space<semaphore_mem>>) src(%arg10 : memref<128x64xf32, #tpu.memory_space<vmem>>) dst(%dma_wait3A_379 : memref<10112x64xf32, #tpu.memory_space<vmem_shared>>)
      %add3A_380 = arith.constant 8 : i32
      %add3A_381 = arith.addi %mul3A_235, %add3A_380 : i32
      %add3A_382 = arith.constant 1 : i32
      %add3A_383 = arith.addi %add3A_381, %add3A_382 : i32
      %dma_start3A_384 = arith.constant 0 : i32
      %dma_start3A_385 = tpu.memref_slice %arg7[%add3A_383, %dma_start3A_384] : memref<80x128xi32, #tpu.memory_space<vmem>> -> memref<1x128xi32, #tpu.memory_space<vmem>>
      %dma_start3A_386 = tpu.memref_squeeze %dma_start3A_385 : memref<1x128xi32, #tpu.memory_space<vmem>> -> memref<128xi32, #tpu.memory_space<vmem>>
      %dma_start3A_387 = arith.constant 0 : i32
      %dma_start3A_388 = arith.constant 0 : i32
      %dma_start3A_389 = tpu.memref_slice %arg4[%dma_start3A_387, %dma_start3A_388] : memref<10112x64xf32, #tpu.memory_space<hbm>> -> memref<10112x64xf32, #tpu.memory_space<hbm>>
      tpu.enqueue_indirect_dma source(%dma_start3A_389 : memref<10112x64xf32, #tpu.memory_space<hbm>>) target(%arg10 : memref<128x64xf32, #tpu.memory_space<vmem>>) offsets(%dma_start3A_386 : memref<128xi32, #tpu.memory_space<vmem>>) semaphore(%arg19 : memref<!tpu.dma_semaphore, #tpu.memory_space<semaphore_mem>>)
      %dma_wait3A_390 = arith.constant 0 : i32
      %dma_wait3A_391 = arith.constant 0 : i32
      %dma_wait3A_392 = tpu.memref_slice %arg8[%dma_wait3A_390, %dma_wait3A_391] : memref<80x128xi32, #tpu.memory_space<vmem>> -> memref<1x128xi32, #tpu.memory_space<vmem>>
      %dma_wait3A_393 = tpu.memref_squeeze %dma_wait3A_392 : memref<1x128xi32, #tpu.memory_space<vmem>> -> memref<128xi32, #tpu.memory_space<vmem>>
      %dma_wait3A_394 = arith.constant 0 : i32
      %dma_wait3A_395 = arith.constant 0 : i32
      %dma_wait3A_396 = tpu.memref_slice %arg17[%dma_wait3A_394, %dma_wait3A_395] : memref<10112x64xf32, #tpu.memory_space<vmem_shared>> -> memref<10112x64xf32, #tpu.memory_space<vmem_shared>>
      tpu.wait_indirect_dma semaphore(%arg28 : memref<!tpu.dma_semaphore, #tpu.memory_space<semaphore_mem>>) src(%arg11 : memref<128x64xf32, #tpu.memory_space<vmem>>) dst(%dma_wait3A_396 : memref<10112x64xf32, #tpu.memory_space<vmem_shared>>)
      %add3A_397 = arith.constant 8 : i32
      %add3A_398 = arith.addi %mul3A_235, %add3A_397 : i32
      %add3A_399 = arith.constant 2 : i32
      %add3A_400 = arith.addi %add3A_398, %add3A_399 : i32
      %dma_start3A_401 = arith.constant 0 : i32
      %dma_start3A_402 = tpu.memref_slice %arg7[%add3A_400, %dma_start3A_401] : memref<80x128xi32, #tpu.memory_space<vmem>> -> memref<1x128xi32, #tpu.memory_space<vmem>>
      %dma_start3A_403 = tpu.memref_squeeze %dma_start3A_402 : memref<1x128xi32, #tpu.memory_space<vmem>> -> memref<128xi32, #tpu.memory_space<vmem>>
      %dma_start3A_404 = arith.constant 0 : i32
      %dma_start3A_405 = arith.constant 0 : i32
      %dma_start3A_406 = tpu.memref_slice %arg4[%dma_start3A_404, %dma_start3A_405] : memref<10112x64xf32, #tpu.memory_space<hbm>> -> memref<10112x64xf32, #tpu.memory_space<hbm>>
      tpu.enqueue_indirect_dma source(%dma_start3A_406 : memref<10112x64xf32, #tpu.memory_space<hbm>>) target(%arg11 : memref<128x64xf32, #tpu.memory_space<vmem>>) offsets(%dma_start3A_403 : memref<128xi32, #tpu.memory_space<vmem>>) semaphore(%arg20 : memref<!tpu.dma_semaphore, #tpu.memory_space<semaphore_mem>>)
      %dma_wait3A_407 = arith.constant 0 : i32
      %dma_wait3A_408 = arith.constant 0 : i32
      %dma_wait3A_409 = tpu.memref_slice %arg8[%dma_wait3A_407, %dma_wait3A_408] : memref<80x128xi32, #tpu.memory_space<vmem>> -> memref<1x128xi32, #tpu.memory_space<vmem>>
      %dma_wait3A_410 = tpu.memref_squeeze %dma_wait3A_409 : memref<1x128xi32, #tpu.memory_space<vmem>> -> memref<128xi32, #tpu.memory_space<vmem>>
      %dma_wait3A_411 = arith.constant 0 : i32
      %dma_wait3A_412 = arith.constant 0 : i32
      %dma_wait3A_413 = tpu.memref_slice %arg17[%dma_wait3A_411, %dma_wait3A_412] : memref<10112x64xf32, #tpu.memory_space<vmem_shared>> -> memref<10112x64xf32, #tpu.memory_space<vmem_shared>>
      tpu.wait_indirect_dma semaphore(%arg29 : memref<!tpu.dma_semaphore, #tpu.memory_space<semaphore_mem>>) src(%arg12 : memref<128x64xf32, #tpu.memory_space<vmem>>) dst(%dma_wait3A_413 : memref<10112x64xf32, #tpu.memory_space<vmem_shared>>)
      %add3A_414 = arith.constant 8 : i32
      %add3A_415 = arith.addi %mul3A_235, %add3A_414 : i32
      %add3A_416 = arith.constant 3 : i32
      %add3A_417 = arith.addi %add3A_415, %add3A_416 : i32
      %dma_start3A_418 = arith.constant 0 : i32
      %dma_start3A_419 = tpu.memref_slice %arg7[%add3A_417, %dma_start3A_418] : memref<80x128xi32, #tpu.memory_space<vmem>> -> memref<1x128xi32, #tpu.memory_space<vmem>>
      %dma_start3A_420 = tpu.memref_squeeze %dma_start3A_419 : memref<1x128xi32, #tpu.memory_space<vmem>> -> memref<128xi32, #tpu.memory_space<vmem>>
      %dma_start3A_421 = arith.constant 0 : i32
      %dma_start3A_422 = arith.constant 0 : i32
      %dma_start3A_423 = tpu.memref_slice %arg4[%dma_start3A_421, %dma_start3A_422] : memref<10112x64xf32, #tpu.memory_space<hbm>> -> memref<10112x64xf32, #tpu.memory_space<hbm>>
      tpu.enqueue_indirect_dma source(%dma_start3A_423 : memref<10112x64xf32, #tpu.memory_space<hbm>>) target(%arg12 : memref<128x64xf32, #tpu.memory_space<vmem>>) offsets(%dma_start3A_420 : memref<128xi32, #tpu.memory_space<vmem>>) semaphore(%arg21 : memref<!tpu.dma_semaphore, #tpu.memory_space<semaphore_mem>>)
      %dma_wait3A_424 = arith.constant 0 : i32
      %dma_wait3A_425 = arith.constant 0 : i32
      %dma_wait3A_426 = tpu.memref_slice %arg8[%dma_wait3A_424, %dma_wait3A_425] : memref<80x128xi32, #tpu.memory_space<vmem>> -> memref<1x128xi32, #tpu.memory_space<vmem>>
      %dma_wait3A_427 = tpu.memref_squeeze %dma_wait3A_426 : memref<1x128xi32, #tpu.memory_space<vmem>> -> memref<128xi32, #tpu.memory_space<vmem>>
      %dma_wait3A_428 = arith.constant 0 : i32
      %dma_wait3A_429 = arith.constant 0 : i32
      %dma_wait3A_430 = tpu.memref_slice %arg17[%dma_wait3A_428, %dma_wait3A_429] : memref<10112x64xf32, #tpu.memory_space<vmem_shared>> -> memref<10112x64xf32, #tpu.memory_space<vmem_shared>>
      tpu.wait_indirect_dma semaphore(%arg30 : memref<!tpu.dma_semaphore, #tpu.memory_space<semaphore_mem>>) src(%arg13 : memref<128x64xf32, #tpu.memory_space<vmem>>) dst(%dma_wait3A_430 : memref<10112x64xf32, #tpu.memory_space<vmem_shared>>)
      %add3A_431 = arith.constant 8 : i32
      %add3A_432 = arith.addi %mul3A_235, %add3A_431 : i32
      %add3A_433 = arith.constant 4 : i32
      %add3A_434 = arith.addi %add3A_432, %add3A_433 : i32
      %dma_start3A_435 = arith.constant 0 : i32
      %dma_start3A_436 = tpu.memref_slice %arg7[%add3A_434, %dma_start3A_435] : memref<80x128xi32, #tpu.memory_space<vmem>> -> memref<1x128xi32, #tpu.memory_space<vmem>>
      %dma_start3A_437 = tpu.memref_squeeze %dma_start3A_436 : memref<1x128xi32, #tpu.memory_space<vmem>> -> memref<128xi32, #tpu.memory_space<vmem>>
      %dma_start3A_438 = arith.constant 0 : i32
      %dma_start3A_439 = arith.constant 0 : i32
      %dma_start3A_440 = tpu.memref_slice %arg4[%dma_start3A_438, %dma_start3A_439] : memref<10112x64xf32, #tpu.memory_space<hbm>> -> memref<10112x64xf32, #tpu.memory_space<hbm>>
      tpu.enqueue_indirect_dma source(%dma_start3A_440 : memref<10112x64xf32, #tpu.memory_space<hbm>>) target(%arg13 : memref<128x64xf32, #tpu.memory_space<vmem>>) offsets(%dma_start3A_437 : memref<128xi32, #tpu.memory_space<vmem>>) semaphore(%arg22 : memref<!tpu.dma_semaphore, #tpu.memory_space<semaphore_mem>>)
      %dma_wait3A_441 = arith.constant 0 : i32
      %dma_wait3A_442 = arith.constant 0 : i32
      %dma_wait3A_443 = tpu.memref_slice %arg8[%dma_wait3A_441, %dma_wait3A_442] : memref<80x128xi32, #tpu.memory_space<vmem>> -> memref<1x128xi32, #tpu.memory_space<vmem>>
      %dma_wait3A_444 = tpu.memref_squeeze %dma_wait3A_443 : memref<1x128xi32, #tpu.memory_space<vmem>> -> memref<128xi32, #tpu.memory_space<vmem>>
      %dma_wait3A_445 = arith.constant 0 : i32
      %dma_wait3A_446 = arith.constant 0 : i32
      %dma_wait3A_447 = tpu.memref_slice %arg17[%dma_wait3A_445, %dma_wait3A_446] : memref<10112x64xf32, #tpu.memory_space<vmem_shared>> -> memref<10112x64xf32, #tpu.memory_space<vmem_shared>>
      tpu.wait_indirect_dma semaphore(%arg31 : memref<!tpu.dma_semaphore, #tpu.memory_space<semaphore_mem>>) src(%arg14 : memref<128x64xf32, #tpu.memory_space<vmem>>) dst(%dma_wait3A_447 : memref<10112x64xf32, #tpu.memory_space<vmem_shared>>)
      %add3A_448 = arith.constant 8 : i32
      %add3A_449 = arith.addi %mul3A_235, %add3A_448 : i32
      %add3A_450 = arith.constant 5 : i32
      %add3A_451 = arith.addi %add3A_449, %add3A_450 : i32
      %dma_start3A_452 = arith.constant 0 : i32
      %dma_start3A_453 = tpu.memref_slice %arg7[%add3A_451, %dma_start3A_452] : memref<80x128xi32, #tpu.memory_space<vmem>> -> memref<1x128xi32, #tpu.memory_space<vmem>>
      %dma_start3A_454 = tpu.memref_squeeze %dma_start3A_453 : memref<1x128xi32, #tpu.memory_space<vmem>> -> memref<128xi32, #tpu.memory_space<vmem>>
      %dma_start3A_455 = arith.constant 0 : i32
      %dma_start3A_456 = arith.constant 0 : i32
      %dma_start3A_457 = tpu.memref_slice %arg4[%dma_start3A_455, %dma_start3A_456] : memref<10112x64xf32, #tpu.memory_space<hbm>> -> memref<10112x64xf32, #tpu.memory_space<hbm>>
      tpu.enqueue_indirect_dma source(%dma_start3A_457 : memref<10112x64xf32, #tpu.memory_space<hbm>>) target(%arg14 : memref<128x64xf32, #tpu.memory_space<vmem>>) offsets(%dma_start3A_454 : memref<128xi32, #tpu.memory_space<vmem>>) semaphore(%arg23 : memref<!tpu.dma_semaphore, #tpu.memory_space<semaphore_mem>>)
      %dma_wait3A_458 = arith.constant 0 : i32
      %dma_wait3A_459 = arith.constant 0 : i32
      %dma_wait3A_460 = tpu.memref_slice %arg8[%dma_wait3A_458, %dma_wait3A_459] : memref<80x128xi32, #tpu.memory_space<vmem>> -> memref<1x128xi32, #tpu.memory_space<vmem>>
      %dma_wait3A_461 = tpu.memref_squeeze %dma_wait3A_460 : memref<1x128xi32, #tpu.memory_space<vmem>> -> memref<128xi32, #tpu.memory_space<vmem>>
      %dma_wait3A_462 = arith.constant 0 : i32
      %dma_wait3A_463 = arith.constant 0 : i32
      %dma_wait3A_464 = tpu.memref_slice %arg17[%dma_wait3A_462, %dma_wait3A_463] : memref<10112x64xf32, #tpu.memory_space<vmem_shared>> -> memref<10112x64xf32, #tpu.memory_space<vmem_shared>>
      tpu.wait_indirect_dma semaphore(%arg32 : memref<!tpu.dma_semaphore, #tpu.memory_space<semaphore_mem>>) src(%arg15 : memref<128x64xf32, #tpu.memory_space<vmem>>) dst(%dma_wait3A_464 : memref<10112x64xf32, #tpu.memory_space<vmem_shared>>)
      %add3A_465 = arith.constant 8 : i32
      %add3A_466 = arith.addi %mul3A_235, %add3A_465 : i32
      %add3A_467 = arith.constant 6 : i32
      %add3A_468 = arith.addi %add3A_466, %add3A_467 : i32
      %dma_start3A_469 = arith.constant 0 : i32
      %dma_start3A_470 = tpu.memref_slice %arg7[%add3A_468, %dma_start3A_469] : memref<80x128xi32, #tpu.memory_space<vmem>> -> memref<1x128xi32, #tpu.memory_space<vmem>>
      %dma_start3A_471 = tpu.memref_squeeze %dma_start3A_470 : memref<1x128xi32, #tpu.memory_space<vmem>> -> memref<128xi32, #tpu.memory_space<vmem>>
      %dma_start3A_472 = arith.constant 0 : i32
      %dma_start3A_473 = arith.constant 0 : i32
      %dma_start3A_474 = tpu.memref_slice %arg4[%dma_start3A_472, %dma_start3A_473] : memref<10112x64xf32, #tpu.memory_space<hbm>> -> memref<10112x64xf32, #tpu.memory_space<hbm>>
      tpu.enqueue_indirect_dma source(%dma_start3A_474 : memref<10112x64xf32, #tpu.memory_space<hbm>>) target(%arg15 : memref<128x64xf32, #tpu.memory_space<vmem>>) offsets(%dma_start3A_471 : memref<128xi32, #tpu.memory_space<vmem>>) semaphore(%arg24 : memref<!tpu.dma_semaphore, #tpu.memory_space<semaphore_mem>>)
      %dma_wait3A_475 = arith.constant 0 : i32
      %dma_wait3A_476 = arith.constant 0 : i32
      %dma_wait3A_477 = tpu.memref_slice %arg8[%dma_wait3A_475, %dma_wait3A_476] : memref<80x128xi32, #tpu.memory_space<vmem>> -> memref<1x128xi32, #tpu.memory_space<vmem>>
      %dma_wait3A_478 = tpu.memref_squeeze %dma_wait3A_477 : memref<1x128xi32, #tpu.memory_space<vmem>> -> memref<128xi32, #tpu.memory_space<vmem>>
      %dma_wait3A_479 = arith.constant 0 : i32
      %dma_wait3A_480 = arith.constant 0 : i32
      %dma_wait3A_481 = tpu.memref_slice %arg17[%dma_wait3A_479, %dma_wait3A_480] : memref<10112x64xf32, #tpu.memory_space<vmem_shared>> -> memref<10112x64xf32, #tpu.memory_space<vmem_shared>>
      tpu.wait_indirect_dma semaphore(%arg33 : memref<!tpu.dma_semaphore, #tpu.memory_space<semaphore_mem>>) src(%arg16 : memref<128x64xf32, #tpu.memory_space<vmem>>) dst(%dma_wait3A_481 : memref<10112x64xf32, #tpu.memory_space<vmem_shared>>)
      %add3A_482 = arith.constant 8 : i32
      %add3A_483 = arith.addi %mul3A_235, %add3A_482 : i32
      %add3A_484 = arith.constant 7 : i32
      %add3A_485 = arith.addi %add3A_483, %add3A_484 : i32
      %dma_start3A_486 = arith.constant 0 : i32
      %dma_start3A_487 = tpu.memref_slice %arg7[%add3A_485, %dma_start3A_486] : memref<80x128xi32, #tpu.memory_space<vmem>> -> memref<1x128xi32, #tpu.memory_space<vmem>>
      %dma_start3A_488 = tpu.memref_squeeze %dma_start3A_487 : memref<1x128xi32, #tpu.memory_space<vmem>> -> memref<128xi32, #tpu.memory_space<vmem>>
      %dma_start3A_489 = arith.constant 0 : i32
      %dma_start3A_490 = arith.constant 0 : i32
      %dma_start3A_491 = tpu.memref_slice %arg4[%dma_start3A_489, %dma_start3A_490] : memref<10112x64xf32, #tpu.memory_space<hbm>> -> memref<10112x64xf32, #tpu.memory_space<hbm>>
      tpu.enqueue_indirect_dma source(%dma_start3A_491 : memref<10112x64xf32, #tpu.memory_space<hbm>>) target(%arg16 : memref<128x64xf32, #tpu.memory_space<vmem>>) offsets(%dma_start3A_488 : memref<128xi32, #tpu.memory_space<vmem>>) semaphore(%arg25 : memref<!tpu.dma_semaphore, #tpu.memory_space<semaphore_mem>>)
    }
    %scan3A_62 = arith.constant 9 : i32
    %dma_wait3A = arith.constant 0 : i32
    %dma_wait3A_63 = arith.constant 0 : i32
    %dma_wait3A_64 = tpu.memref_slice %arg7[%dma_wait3A, %dma_wait3A_63] : memref<80x128xi32, #tpu.memory_space<vmem>> -> memref<1x128xi32, #tpu.memory_space<vmem>>
    %dma_wait3A_65 = tpu.memref_squeeze %dma_wait3A_64 : memref<1x128xi32, #tpu.memory_space<vmem>> -> memref<128xi32, #tpu.memory_space<vmem>>
    %dma_wait3A_66 = arith.constant 0 : i32
    %dma_wait3A_67 = arith.constant 0 : i32
    %dma_wait3A_68 = tpu.memref_slice %arg4[%dma_wait3A_66, %dma_wait3A_67] : memref<10112x64xf32, #tpu.memory_space<hbm>> -> memref<10112x64xf32, #tpu.memory_space<hbm>>
    tpu.wait_indirect_dma semaphore(%arg18 : memref<!tpu.dma_semaphore, #tpu.memory_space<semaphore_mem>>) src(%dma_wait3A_68 : memref<10112x64xf32, #tpu.memory_space<hbm>>) dst(%arg9 : memref<128x64xf32, #tpu.memory_space<vmem>>)
    %dma_start3A_69 = arith.constant 72 : i32
    %dma_start3A_70 = arith.constant 0 : i32
    %dma_start3A_71 = tpu.memref_slice %arg8[%dma_start3A_69, %dma_start3A_70] : memref<80x128xi32, #tpu.memory_space<vmem>> -> memref<1x128xi32, #tpu.memory_space<vmem>>
    %dma_start3A_72 = tpu.memref_squeeze %dma_start3A_71 : memref<1x128xi32, #tpu.memory_space<vmem>> -> memref<128xi32, #tpu.memory_space<vmem>>
    %dma_start3A_73 = arith.constant 0 : i32
    %dma_start3A_74 = arith.constant 0 : i32
    %dma_start3A_75 = tpu.memref_slice %arg17[%dma_start3A_73, %dma_start3A_74] : memref<10112x64xf32, #tpu.memory_space<vmem_shared>> -> memref<10112x64xf32, #tpu.memory_space<vmem_shared>>
    tpu.enqueue_indirect_dma source(%arg9 : memref<128x64xf32, #tpu.memory_space<vmem>>) target(%dma_start3A_75 : memref<10112x64xf32, #tpu.memory_space<vmem_shared>>) offsets(%dma_start3A_72 : memref<128xi32, #tpu.memory_space<vmem>>) semaphore(%arg26 : memref<!tpu.dma_semaphore, #tpu.memory_space<semaphore_mem>>) {add = true}
    %dma_wait3A_76 = arith.constant 0 : i32
    %dma_wait3A_77 = arith.constant 0 : i32
    %dma_wait3A_78 = tpu.memref_slice %arg7[%dma_wait3A_76, %dma_wait3A_77] : memref<80x128xi32, #tpu.memory_space<vmem>> -> memref<1x128xi32, #tpu.memory_space<vmem>>
    %dma_wait3A_79 = tpu.memref_squeeze %dma_wait3A_78 : memref<1x128xi32, #tpu.memory_space<vmem>> -> memref<128xi32, #tpu.memory_space<vmem>>
    %dma_wait3A_80 = arith.constant 0 : i32
    %dma_wait3A_81 = arith.constant 0 : i32
    %dma_wait3A_82 = tpu.memref_slice %arg4[%dma_wait3A_80, %dma_wait3A_81] : memref<10112x64xf32, #tpu.memory_space<hbm>> -> memref<10112x64xf32, #tpu.memory_space<hbm>>
    tpu.wait_indirect_dma semaphore(%arg19 : memref<!tpu.dma_semaphore, #tpu.memory_space<semaphore_mem>>) src(%dma_wait3A_82 : memref<10112x64xf32, #tpu.memory_space<hbm>>) dst(%arg10 : memref<128x64xf32, #tpu.memory_space<vmem>>)
    %dma_start3A_83 = arith.constant 73 : i32
    %dma_start3A_84 = arith.constant 0 : i32
    %dma_start3A_85 = tpu.memref_slice %arg8[%dma_start3A_83, %dma_start3A_84] : memref<80x128xi32, #tpu.memory_space<vmem>> -> memref<1x128xi32, #tpu.memory_space<vmem>>
    %dma_start3A_86 = tpu.memref_squeeze %dma_start3A_85 : memref<1x128xi32, #tpu.memory_space<vmem>> -> memref<128xi32, #tpu.memory_space<vmem>>
    %dma_start3A_87 = arith.constant 0 : i32
    %dma_start3A_88 = arith.constant 0 : i32
    %dma_start3A_89 = tpu.memref_slice %arg17[%dma_start3A_87, %dma_start3A_88] : memref<10112x64xf32, #tpu.memory_space<vmem_shared>> -> memref<10112x64xf32, #tpu.memory_space<vmem_shared>>
    tpu.enqueue_indirect_dma source(%arg10 : memref<128x64xf32, #tpu.memory_space<vmem>>) target(%dma_start3A_89 : memref<10112x64xf32, #tpu.memory_space<vmem_shared>>) offsets(%dma_start3A_86 : memref<128xi32, #tpu.memory_space<vmem>>) semaphore(%arg27 : memref<!tpu.dma_semaphore, #tpu.memory_space<semaphore_mem>>) {add = true}
    %dma_wait3A_90 = arith.constant 0 : i32
    %dma_wait3A_91 = arith.constant 0 : i32
    %dma_wait3A_92 = tpu.memref_slice %arg7[%dma_wait3A_90, %dma_wait3A_91] : memref<80x128xi32, #tpu.memory_space<vmem>> -> memref<1x128xi32, #tpu.memory_space<vmem>>
    %dma_wait3A_93 = tpu.memref_squeeze %dma_wait3A_92 : memref<1x128xi32, #tpu.memory_space<vmem>> -> memref<128xi32, #tpu.memory_space<vmem>>
    %dma_wait3A_94 = arith.constant 0 : i32
    %dma_wait3A_95 = arith.constant 0 : i32
    %dma_wait3A_96 = tpu.memref_slice %arg4[%dma_wait3A_94, %dma_wait3A_95] : memref<10112x64xf32, #tpu.memory_space<hbm>> -> memref<10112x64xf32, #tpu.memory_space<hbm>>
    tpu.wait_indirect_dma semaphore(%arg20 : memref<!tpu.dma_semaphore, #tpu.memory_space<semaphore_mem>>) src(%dma_wait3A_96 : memref<10112x64xf32, #tpu.memory_space<hbm>>) dst(%arg11 : memref<128x64xf32, #tpu.memory_space<vmem>>)
    %dma_start3A_97 = arith.constant 74 : i32
    %dma_start3A_98 = arith.constant 0 : i32
    %dma_start3A_99 = tpu.memref_slice %arg8[%dma_start3A_97, %dma_start3A_98] : memref<80x128xi32, #tpu.memory_space<vmem>> -> memref<1x128xi32, #tpu.memory_space<vmem>>
    %dma_start3A_100 = tpu.memref_squeeze %dma_start3A_99 : memref<1x128xi32, #tpu.memory_space<vmem>> -> memref<128xi32, #tpu.memory_space<vmem>>
    %dma_start3A_101 = arith.constant 0 : i32
    %dma_start3A_102 = arith.constant 0 : i32
    %dma_start3A_103 = tpu.memref_slice %arg17[%dma_start3A_101, %dma_start3A_102] : memref<10112x64xf32, #tpu.memory_space<vmem_shared>> -> memref<10112x64xf32, #tpu.memory_space<vmem_shared>>
    tpu.enqueue_indirect_dma source(%arg11 : memref<128x64xf32, #tpu.memory_space<vmem>>) target(%dma_start3A_103 : memref<10112x64xf32, #tpu.memory_space<vmem_shared>>) offsets(%dma_start3A_100 : memref<128xi32, #tpu.memory_space<vmem>>) semaphore(%arg28 : memref<!tpu.dma_semaphore, #tpu.memory_space<semaphore_mem>>) {add = true}
    %dma_wait3A_104 = arith.constant 0 : i32
    %dma_wait3A_105 = arith.constant 0 : i32
    %dma_wait3A_106 = tpu.memref_slice %arg7[%dma_wait3A_104, %dma_wait3A_105] : memref<80x128xi32, #tpu.memory_space<vmem>> -> memref<1x128xi32, #tpu.memory_space<vmem>>
    %dma_wait3A_107 = tpu.memref_squeeze %dma_wait3A_106 : memref<1x128xi32, #tpu.memory_space<vmem>> -> memref<128xi32, #tpu.memory_space<vmem>>
    %dma_wait3A_108 = arith.constant 0 : i32
    %dma_wait3A_109 = arith.constant 0 : i32
    %dma_wait3A_110 = tpu.memref_slice %arg4[%dma_wait3A_108, %dma_wait3A_109] : memref<10112x64xf32, #tpu.memory_space<hbm>> -> memref<10112x64xf32, #tpu.memory_space<hbm>>
    tpu.wait_indirect_dma semaphore(%arg21 : memref<!tpu.dma_semaphore, #tpu.memory_space<semaphore_mem>>) src(%dma_wait3A_110 : memref<10112x64xf32, #tpu.memory_space<hbm>>) dst(%arg12 : memref<128x64xf32, #tpu.memory_space<vmem>>)
    %dma_start3A_111 = arith.constant 75 : i32
    %dma_start3A_112 = arith.constant 0 : i32
    %dma_start3A_113 = tpu.memref_slice %arg8[%dma_start3A_111, %dma_start3A_112] : memref<80x128xi32, #tpu.memory_space<vmem>> -> memref<1x128xi32, #tpu.memory_space<vmem>>
    %dma_start3A_114 = tpu.memref_squeeze %dma_start3A_113 : memref<1x128xi32, #tpu.memory_space<vmem>> -> memref<128xi32, #tpu.memory_space<vmem>>
    %dma_start3A_115 = arith.constant 0 : i32
    %dma_start3A_116 = arith.constant 0 : i32
    %dma_start3A_117 = tpu.memref_slice %arg17[%dma_start3A_115, %dma_start3A_116] : memref<10112x64xf32, #tpu.memory_space<vmem_shared>> -> memref<10112x64xf32, #tpu.memory_space<vmem_shared>>
    tpu.enqueue_indirect_dma source(%arg12 : memref<128x64xf32, #tpu.memory_space<vmem>>) target(%dma_start3A_117 : memref<10112x64xf32, #tpu.memory_space<vmem_shared>>) offsets(%dma_start3A_114 : memref<128xi32, #tpu.memory_space<vmem>>) semaphore(%arg29 : memref<!tpu.dma_semaphore, #tpu.memory_space<semaphore_mem>>) {add = true}
    %dma_wait3A_118 = arith.constant 0 : i32
    %dma_wait3A_119 = arith.constant 0 : i32
    %dma_wait3A_120 = tpu.memref_slice %arg7[%dma_wait3A_118, %dma_wait3A_119] : memref<80x128xi32, #tpu.memory_space<vmem>> -> memref<1x128xi32, #tpu.memory_space<vmem>>
    %dma_wait3A_121 = tpu.memref_squeeze %dma_wait3A_120 : memref<1x128xi32, #tpu.memory_space<vmem>> -> memref<128xi32, #tpu.memory_space<vmem>>
    %dma_wait3A_122 = arith.constant 0 : i32
    %dma_wait3A_123 = arith.constant 0 : i32
    %dma_wait3A_124 = tpu.memref_slice %arg4[%dma_wait3A_122, %dma_wait3A_123] : memref<10112x64xf32, #tpu.memory_space<hbm>> -> memref<10112x64xf32, #tpu.memory_space<hbm>>
    tpu.wait_indirect_dma semaphore(%arg22 : memref<!tpu.dma_semaphore, #tpu.memory_space<semaphore_mem>>) src(%dma_wait3A_124 : memref<10112x64xf32, #tpu.memory_space<hbm>>) dst(%arg13 : memref<128x64xf32, #tpu.memory_space<vmem>>)
    %dma_start3A_125 = arith.constant 76 : i32
    %dma_start3A_126 = arith.constant 0 : i32
    %dma_start3A_127 = tpu.memref_slice %arg8[%dma_start3A_125, %dma_start3A_126] : memref<80x128xi32, #tpu.memory_space<vmem>> -> memref<1x128xi32, #tpu.memory_space<vmem>>
    %dma_start3A_128 = tpu.memref_squeeze %dma_start3A_127 : memref<1x128xi32, #tpu.memory_space<vmem>> -> memref<128xi32, #tpu.memory_space<vmem>>
    %dma_start3A_129 = arith.constant 0 : i32
    %dma_start3A_130 = arith.constant 0 : i32
    %dma_start3A_131 = tpu.memref_slice %arg17[%dma_start3A_129, %dma_start3A_130] : memref<10112x64xf32, #tpu.memory_space<vmem_shared>> -> memref<10112x64xf32, #tpu.memory_space<vmem_shared>>
    tpu.enqueue_indirect_dma source(%arg13 : memref<128x64xf32, #tpu.memory_space<vmem>>) target(%dma_start3A_131 : memref<10112x64xf32, #tpu.memory_space<vmem_shared>>) offsets(%dma_start3A_128 : memref<128xi32, #tpu.memory_space<vmem>>) semaphore(%arg30 : memref<!tpu.dma_semaphore, #tpu.memory_space<semaphore_mem>>) {add = true}
    %dma_wait3A_132 = arith.constant 0 : i32
    %dma_wait3A_133 = arith.constant 0 : i32
    %dma_wait3A_134 = tpu.memref_slice %arg7[%dma_wait3A_132, %dma_wait3A_133] : memref<80x128xi32, #tpu.memory_space<vmem>> -> memref<1x128xi32, #tpu.memory_space<vmem>>
    %dma_wait3A_135 = tpu.memref_squeeze %dma_wait3A_134 : memref<1x128xi32, #tpu.memory_space<vmem>> -> memref<128xi32, #tpu.memory_space<vmem>>
    %dma_wait3A_136 = arith.constant 0 : i32
    %dma_wait3A_137 = arith.constant 0 : i32
    %dma_wait3A_138 = tpu.memref_slice %arg4[%dma_wait3A_136, %dma_wait3A_137] : memref<10112x64xf32, #tpu.memory_space<hbm>> -> memref<10112x64xf32, #tpu.memory_space<hbm>>
    tpu.wait_indirect_dma semaphore(%arg23 : memref<!tpu.dma_semaphore, #tpu.memory_space<semaphore_mem>>) src(%dma_wait3A_138 : memref<10112x64xf32, #tpu.memory_space<hbm>>) dst(%arg14 : memref<128x64xf32, #tpu.memory_space<vmem>>)
    %dma_start3A_139 = arith.constant 77 : i32
    %dma_start3A_140 = arith.constant 0 : i32
    %dma_start3A_141 = tpu.memref_slice %arg8[%dma_start3A_139, %dma_start3A_140] : memref<80x128xi32, #tpu.memory_space<vmem>> -> memref<1x128xi32, #tpu.memory_space<vmem>>
    %dma_start3A_142 = tpu.memref_squeeze %dma_start3A_141 : memref<1x128xi32, #tpu.memory_space<vmem>> -> memref<128xi32, #tpu.memory_space<vmem>>
    %dma_start3A_143 = arith.constant 0 : i32
    %dma_start3A_144 = arith.constant 0 : i32
    %dma_start3A_145 = tpu.memref_slice %arg17[%dma_start3A_143, %dma_start3A_144] : memref<10112x64xf32, #tpu.memory_space<vmem_shared>> -> memref<10112x64xf32, #tpu.memory_space<vmem_shared>>
    tpu.enqueue_indirect_dma source(%arg14 : memref<128x64xf32, #tpu.memory_space<vmem>>) target(%dma_start3A_145 : memref<10112x64xf32, #tpu.memory_space<vmem_shared>>) offsets(%dma_start3A_142 : memref<128xi32, #tpu.memory_space<vmem>>) semaphore(%arg31 : memref<!tpu.dma_semaphore, #tpu.memory_space<semaphore_mem>>) {add = true}
    %dma_wait3A_146 = arith.constant 0 : i32
    %dma_wait3A_147 = arith.constant 0 : i32
    %dma_wait3A_148 = tpu.memref_slice %arg7[%dma_wait3A_146, %dma_wait3A_147] : memref<80x128xi32, #tpu.memory_space<vmem>> -> memref<1x128xi32, #tpu.memory_space<vmem>>
    %dma_wait3A_149 = tpu.memref_squeeze %dma_wait3A_148 : memref<1x128xi32, #tpu.memory_space<vmem>> -> memref<128xi32, #tpu.memory_space<vmem>>
    %dma_wait3A_150 = arith.constant 0 : i32
    %dma_wait3A_151 = arith.constant 0 : i32
    %dma_wait3A_152 = tpu.memref_slice %arg4[%dma_wait3A_150, %dma_wait3A_151] : memref<10112x64xf32, #tpu.memory_space<hbm>> -> memref<10112x64xf32, #tpu.memory_space<hbm>>
    tpu.wait_indirect_dma semaphore(%arg24 : memref<!tpu.dma_semaphore, #tpu.memory_space<semaphore_mem>>) src(%dma_wait3A_152 : memref<10112x64xf32, #tpu.memory_space<hbm>>) dst(%arg15 : memref<128x64xf32, #tpu.memory_space<vmem>>)
    %dma_start3A_153 = arith.constant 78 : i32
    %dma_start3A_154 = arith.constant 0 : i32
    %dma_start3A_155 = tpu.memref_slice %arg8[%dma_start3A_153, %dma_start3A_154] : memref<80x128xi32, #tpu.memory_space<vmem>> -> memref<1x128xi32, #tpu.memory_space<vmem>>
    %dma_start3A_156 = tpu.memref_squeeze %dma_start3A_155 : memref<1x128xi32, #tpu.memory_space<vmem>> -> memref<128xi32, #tpu.memory_space<vmem>>
    %dma_start3A_157 = arith.constant 0 : i32
    %dma_start3A_158 = arith.constant 0 : i32
    %dma_start3A_159 = tpu.memref_slice %arg17[%dma_start3A_157, %dma_start3A_158] : memref<10112x64xf32, #tpu.memory_space<vmem_shared>> -> memref<10112x64xf32, #tpu.memory_space<vmem_shared>>
    tpu.enqueue_indirect_dma source(%arg15 : memref<128x64xf32, #tpu.memory_space<vmem>>) target(%dma_start3A_159 : memref<10112x64xf32, #tpu.memory_space<vmem_shared>>) offsets(%dma_start3A_156 : memref<128xi32, #tpu.memory_space<vmem>>) semaphore(%arg32 : memref<!tpu.dma_semaphore, #tpu.memory_space<semaphore_mem>>) {add = true}
    %dma_wait3A_160 = arith.constant 0 : i32
    %dma_wait3A_161 = arith.constant 0 : i32
    %dma_wait3A_162 = tpu.memref_slice %arg7[%dma_wait3A_160, %dma_wait3A_161] : memref<80x128xi32, #tpu.memory_space<vmem>> -> memref<1x128xi32, #tpu.memory_space<vmem>>
    %dma_wait3A_163 = tpu.memref_squeeze %dma_wait3A_162 : memref<1x128xi32, #tpu.memory_space<vmem>> -> memref<128xi32, #tpu.memory_space<vmem>>
    %dma_wait3A_164 = arith.constant 0 : i32
    %dma_wait3A_165 = arith.constant 0 : i32
    %dma_wait3A_166 = tpu.memref_slice %arg4[%dma_wait3A_164, %dma_wait3A_165] : memref<10112x64xf32, #tpu.memory_space<hbm>> -> memref<10112x64xf32, #tpu.memory_space<hbm>>
    tpu.wait_indirect_dma semaphore(%arg25 : memref<!tpu.dma_semaphore, #tpu.memory_space<semaphore_mem>>) src(%dma_wait3A_166 : memref<10112x64xf32, #tpu.memory_space<hbm>>) dst(%arg16 : memref<128x64xf32, #tpu.memory_space<vmem>>)
    %dma_start3A_167 = arith.constant 79 : i32
    %dma_start3A_168 = arith.constant 0 : i32
    %dma_start3A_169 = tpu.memref_slice %arg8[%dma_start3A_167, %dma_start3A_168] : memref<80x128xi32, #tpu.memory_space<vmem>> -> memref<1x128xi32, #tpu.memory_space<vmem>>
    %dma_start3A_170 = tpu.memref_squeeze %dma_start3A_169 : memref<1x128xi32, #tpu.memory_space<vmem>> -> memref<128xi32, #tpu.memory_space<vmem>>
    %dma_start3A_171 = arith.constant 0 : i32
    %dma_start3A_172 = arith.constant 0 : i32
    %dma_start3A_173 = tpu.memref_slice %arg17[%dma_start3A_171, %dma_start3A_172] : memref<10112x64xf32, #tpu.memory_space<vmem_shared>> -> memref<10112x64xf32, #tpu.memory_space<vmem_shared>>
    tpu.enqueue_indirect_dma source(%arg16 : memref<128x64xf32, #tpu.memory_space<vmem>>) target(%dma_start3A_173 : memref<10112x64xf32, #tpu.memory_space<vmem_shared>>) offsets(%dma_start3A_170 : memref<128xi32, #tpu.memory_space<vmem>>) semaphore(%arg33 : memref<!tpu.dma_semaphore, #tpu.memory_space<semaphore_mem>>) {add = true}
    %dma_wait3A_174 = arith.constant 0 : i32
    %dma_wait3A_175 = arith.constant 0 : i32
    %dma_wait3A_176 = tpu.memref_slice %arg8[%dma_wait3A_174, %dma_wait3A_175] : memref<80x128xi32, #tpu.memory_space<vmem>> -> memref<1x128xi32, #tpu.memory_space<vmem>>
    %dma_wait3A_177 = tpu.memref_squeeze %dma_wait3A_176 : memref<1x128xi32, #tpu.memory_space<vmem>> -> memref<128xi32, #tpu.memory_space<vmem>>
    %dma_wait3A_178 = arith.constant 0 : i32
    %dma_wait3A_179 = arith.constant 0 : i32
    %dma_wait3A_180 = tpu.memref_slice %arg17[%dma_wait3A_178, %dma_wait3A_179] : memref<10112x64xf32, #tpu.memory_space<vmem_shared>> -> memref<10112x64xf32, #tpu.memory_space<vmem_shared>>
    tpu.wait_indirect_dma semaphore(%arg26 : memref<!tpu.dma_semaphore, #tpu.memory_space<semaphore_mem>>) src(%arg9 : memref<128x64xf32, #tpu.memory_space<vmem>>) dst(%dma_wait3A_180 : memref<10112x64xf32, #tpu.memory_space<vmem_shared>>)
    %dma_wait3A_181 = arith.constant 0 : i32
    %dma_wait3A_182 = arith.constant 0 : i32
    %dma_wait3A_183 = tpu.memref_slice %arg8[%dma_wait3A_181, %dma_wait3A_182] : memref<80x128xi32, #tpu.memory_space<vmem>> -> memref<1x128xi32, #tpu.memory_space<vmem>>
    %dma_wait3A_184 = tpu.memref_squeeze %dma_wait3A_183 : memref<1x128xi32, #tpu.memory_space<vmem>> -> memref<128xi32, #tpu.memory_space<vmem>>
    %dma_wait3A_185 = arith.constant 0 : i32
    %dma_wait3A_186 = arith.constant 0 : i32
    %dma_wait3A_187 = tpu.memref_slice %arg17[%dma_wait3A_185, %dma_wait3A_186] : memref<10112x64xf32, #tpu.memory_space<vmem_shared>> -> memref<10112x64xf32, #tpu.memory_space<vmem_shared>>
    tpu.wait_indirect_dma semaphore(%arg27 : memref<!tpu.dma_semaphore, #tpu.memory_space<semaphore_mem>>) src(%arg10 : memref<128x64xf32, #tpu.memory_space<vmem>>) dst(%dma_wait3A_187 : memref<10112x64xf32, #tpu.memory_space<vmem_shared>>)
    %dma_wait3A_188 = arith.constant 0 : i32
    %dma_wait3A_189 = arith.constant 0 : i32
    %dma_wait3A_190 = tpu.memref_slice %arg8[%dma_wait3A_188, %dma_wait3A_189] : memref<80x128xi32, #tpu.memory_space<vmem>> -> memref<1x128xi32, #tpu.memory_space<vmem>>
    %dma_wait3A_191 = tpu.memref_squeeze %dma_wait3A_190 : memref<1x128xi32, #tpu.memory_space<vmem>> -> memref<128xi32, #tpu.memory_space<vmem>>
    %dma_wait3A_192 = arith.constant 0 : i32
    %dma_wait3A_193 = arith.constant 0 : i32
    %dma_wait3A_194 = tpu.memref_slice %arg17[%dma_wait3A_192, %dma_wait3A_193] : memref<10112x64xf32, #tpu.memory_space<vmem_shared>> -> memref<10112x64xf32, #tpu.memory_space<vmem_shared>>
    tpu.wait_indirect_dma semaphore(%arg28 : memref<!tpu.dma_semaphore, #tpu.memory_space<semaphore_mem>>) src(%arg11 : memref<128x64xf32, #tpu.memory_space<vmem>>) dst(%dma_wait3A_194 : memref<10112x64xf32, #tpu.memory_space<vmem_shared>>)
    %dma_wait3A_195 = arith.constant 0 : i32
    %dma_wait3A_196 = arith.constant 0 : i32
    %dma_wait3A_197 = tpu.memref_slice %arg8[%dma_wait3A_195, %dma_wait3A_196] : memref<80x128xi32, #tpu.memory_space<vmem>> -> memref<1x128xi32, #tpu.memory_space<vmem>>
    %dma_wait3A_198 = tpu.memref_squeeze %dma_wait3A_197 : memref<1x128xi32, #tpu.memory_space<vmem>> -> memref<128xi32, #tpu.memory_space<vmem>>
    %dma_wait3A_199 = arith.constant 0 : i32
    %dma_wait3A_200 = arith.constant 0 : i32
    %dma_wait3A_201 = tpu.memref_slice %arg17[%dma_wait3A_199, %dma_wait3A_200] : memref<10112x64xf32, #tpu.memory_space<vmem_shared>> -> memref<10112x64xf32, #tpu.memory_space<vmem_shared>>
    tpu.wait_indirect_dma semaphore(%arg29 : memref<!tpu.dma_semaphore, #tpu.memory_space<semaphore_mem>>) src(%arg12 : memref<128x64xf32, #tpu.memory_space<vmem>>) dst(%dma_wait3A_201 : memref<10112x64xf32, #tpu.memory_space<vmem_shared>>)
    %dma_wait3A_202 = arith.constant 0 : i32
    %dma_wait3A_203 = arith.constant 0 : i32
    %dma_wait3A_204 = tpu.memref_slice %arg8[%dma_wait3A_202, %dma_wait3A_203] : memref<80x128xi32, #tpu.memory_space<vmem>> -> memref<1x128xi32, #tpu.memory_space<vmem>>
    %dma_wait3A_205 = tpu.memref_squeeze %dma_wait3A_204 : memref<1x128xi32, #tpu.memory_space<vmem>> -> memref<128xi32, #tpu.memory_space<vmem>>
    %dma_wait3A_206 = arith.constant 0 : i32
    %dma_wait3A_207 = arith.constant 0 : i32
    %dma_wait3A_208 = tpu.memref_slice %arg17[%dma_wait3A_206, %dma_wait3A_207] : memref<10112x64xf32, #tpu.memory_space<vmem_shared>> -> memref<10112x64xf32, #tpu.memory_space<vmem_shared>>
    tpu.wait_indirect_dma semaphore(%arg30 : memref<!tpu.dma_semaphore, #tpu.memory_space<semaphore_mem>>) src(%arg13 : memref<128x64xf32, #tpu.memory_space<vmem>>) dst(%dma_wait3A_208 : memref<10112x64xf32, #tpu.memory_space<vmem_shared>>)
    %dma_wait3A_209 = arith.constant 0 : i32
    %dma_wait3A_210 = arith.constant 0 : i32
    %dma_wait3A_211 = tpu.memref_slice %arg8[%dma_wait3A_209, %dma_wait3A_210] : memref<80x128xi32, #tpu.memory_space<vmem>> -> memref<1x128xi32, #tpu.memory_space<vmem>>
    %dma_wait3A_212 = tpu.memref_squeeze %dma_wait3A_211 : memref<1x128xi32, #tpu.memory_space<vmem>> -> memref<128xi32, #tpu.memory_space<vmem>>
    %dma_wait3A_213 = arith.constant 0 : i32
    %dma_wait3A_214 = arith.constant 0 : i32
    %dma_wait3A_215 = tpu.memref_slice %arg17[%dma_wait3A_213, %dma_wait3A_214] : memref<10112x64xf32, #tpu.memory_space<vmem_shared>> -> memref<10112x64xf32, #tpu.memory_space<vmem_shared>>
    tpu.wait_indirect_dma semaphore(%arg31 : memref<!tpu.dma_semaphore, #tpu.memory_space<semaphore_mem>>) src(%arg14 : memref<128x64xf32, #tpu.memory_space<vmem>>) dst(%dma_wait3A_215 : memref<10112x64xf32, #tpu.memory_space<vmem_shared>>)
    %dma_wait3A_216 = arith.constant 0 : i32
    %dma_wait3A_217 = arith.constant 0 : i32
    %dma_wait3A_218 = tpu.memref_slice %arg8[%dma_wait3A_216, %dma_wait3A_217] : memref<80x128xi32, #tpu.memory_space<vmem>> -> memref<1x128xi32, #tpu.memory_space<vmem>>
    %dma_wait3A_219 = tpu.memref_squeeze %dma_wait3A_218 : memref<1x128xi32, #tpu.memory_space<vmem>> -> memref<128xi32, #tpu.memory_space<vmem>>
    %dma_wait3A_220 = arith.constant 0 : i32
    %dma_wait3A_221 = arith.constant 0 : i32
    %dma_wait3A_222 = tpu.memref_slice %arg17[%dma_wait3A_220, %dma_wait3A_221] : memref<10112x64xf32, #tpu.memory_space<vmem_shared>> -> memref<10112x64xf32, #tpu.memory_space<vmem_shared>>
    tpu.wait_indirect_dma semaphore(%arg32 : memref<!tpu.dma_semaphore, #tpu.memory_space<semaphore_mem>>) src(%arg15 : memref<128x64xf32, #tpu.memory_space<vmem>>) dst(%dma_wait3A_222 : memref<10112x64xf32, #tpu.memory_space<vmem_shared>>)
    %dma_wait3A_223 = arith.constant 0 : i32
    %dma_wait3A_224 = arith.constant 0 : i32
    %dma_wait3A_225 = tpu.memref_slice %arg8[%dma_wait3A_223, %dma_wait3A_224] : memref<80x128xi32, #tpu.memory_space<vmem>> -> memref<1x128xi32, #tpu.memory_space<vmem>>
    %dma_wait3A_226 = tpu.memref_squeeze %dma_wait3A_225 : memref<1x128xi32, #tpu.memory_space<vmem>> -> memref<128xi32, #tpu.memory_space<vmem>>
    %dma_wait3A_227 = arith.constant 0 : i32
    %dma_wait3A_228 = arith.constant 0 : i32
    %dma_wait3A_229 = tpu.memref_slice %arg17[%dma_wait3A_227, %dma_wait3A_228] : memref<10112x64xf32, #tpu.memory_space<vmem_shared>> -> memref<10112x64xf32, #tpu.memory_space<vmem_shared>>
    tpu.wait_indirect_dma semaphore(%arg33 : memref<!tpu.dma_semaphore, #tpu.memory_space<semaphore_mem>>) src(%arg16 : memref<128x64xf32, #tpu.memory_space<vmem>>) dst(%dma_wait3A_229 : memref<10112x64xf32, #tpu.memory_space<vmem_shared>>)
    %barrier3A_230 = arith.constant 0 : index
    tpu.barrier barrier_id(%barrier3A_230)
    %mul3A_231 = arith.constant 632 : i32
    %mul3A_232 = arith.muli %arg1, %mul3A_231 : i32
    "tpu.region"() ({
      %run_scoped3A = tpu.sem_alloc : memref<!tpu.dma_semaphore, #tpu.memory_space<semaphore_mem>>
      %dma_start3A_233 = arith.constant 0 : i32
      %dma_start3A_234 = tpu.memref_slice %arg6[%arg0, %mul3A_232, %dma_start3A_233] : memref<2x10112x64xf32, #tpu.memory_space<hbm>> -> memref<1x632x64xf32, #tpu.memory_space<hbm>>
      %dma_start3A_235 = tpu.memref_squeeze %dma_start3A_234 : memref<1x632x64xf32, #tpu.memory_space<hbm>> -> memref<632x64xf32, #tpu.memory_space<hbm>>
      %dma_start3A_236 = arith.constant 0 : i32
      %dma_start3A_237 = tpu.memref_slice %arg17[%mul3A_232, %dma_start3A_236] : memref<10112x64xf32, #tpu.memory_space<vmem_shared>> -> memref<632x64xf32, #tpu.memory_space<vmem_shared>>
      tpu.enqueue_dma source(%dma_start3A_237 : memref<632x64xf32, #tpu.memory_space<vmem_shared>>) target(%dma_start3A_235 : memref<632x64xf32, #tpu.memory_space<hbm>>) target_semaphore(%run_scoped3A : memref<!tpu.dma_semaphore, #tpu.memory_space<semaphore_mem>>)
      %dma_wait3A_238 = arith.constant 0 : i32
      %dma_wait3A_239 = tpu.memref_slice %arg6[%arg0, %mul3A_232, %dma_wait3A_238] : memref<2x10112x64xf32, #tpu.memory_space<hbm>> -> memref<1x632x64xf32, #tpu.memory_space<hbm>>
      %dma_wait3A_240 = tpu.memref_squeeze %dma_wait3A_239 : memref<1x632x64xf32, #tpu.memory_space<hbm>> -> memref<632x64xf32, #tpu.memory_space<hbm>>
      %dma_wait3A_241 = arith.constant 0 : i32
      %dma_wait3A_242 = tpu.memref_slice %arg17[%mul3A_232, %dma_wait3A_241] : memref<10112x64xf32, #tpu.memory_space<vmem_shared>> -> memref<632x64xf32, #tpu.memory_space<vmem_shared>>
      tpu.wait_dma2 semaphore(%run_scoped3A : memref<!tpu.dma_semaphore, #tpu.memory_space<semaphore_mem>>) src(%dma_wait3A_242 : memref<632x64xf32, #tpu.memory_space<vmem_shared>>) dst(%dma_wait3A_240 : memref<632x64xf32, #tpu.memory_space<hbm>>)
      tpu.yield
    }) : () -> ()
    return
  }
}

module attributes {stable_mosaic.version = 14 : i64} {
  func.func @_mm1_body(%arg0: i32, %arg1: memref<1024x128xf32, #tpu.memory_space<vmem>>, %arg2: memref<128x64xf32, #tpu.memory_space<vmem>>, %arg3: memref<2x1024x16xf32, #tpu.memory_space<vmem>>, %arg4: memref<1024x64xf32, #tpu.memory_space<vmem>>, %arg5: memref<1024x16xf32, #tpu.memory_space<vmem>>) attributes {dimension_semantics = [#tpu.dimension_semantics<arbitrary>], iteration_bounds = array<i64: 10>, scalar_prefetch = 0 : i64, scratch_operands = 0 : i64, tpu.core_type = #tpu.core_type<tc>, window_params = [{transform_indices = @transform_0, window_bounds = array<i64: 1024, 128>}, {pipeline_mode = #tpu.pipeline_mode<synchronous>, transform_indices = @transform_1, window_bounds = array<i64: 128, 64>}, {transform_indices = @transform_2, window_bounds = array<i64: 2, 1024, 16>}, {transform_indices = @transform_3, window_bounds = array<i64: 1024, 64>}, {transform_indices = @transform_4, window_bounds = array<i64: 1024, 16>}]} {
    %get3A = arith.constant 0 : index
    %get3A_0 = arith.constant 0 : index
    %get3A_1 = arith.constant 0 : index
    %get3A_2 = vector.load %arg3[%get3A, %get3A_0, %get3A_1] : memref<2x1024x16xf32, #tpu.memory_space<vmem>>, vector<1x1024x16xf32>
    %get3A_3 = vector.shape_cast %get3A_2 : vector<1x1024x16xf32> to vector<1024x16xf32>
    %add3A = arith.constant 1.000000e+00 : f32
    %add3A_4 = vector.broadcast %add3A : f32 to vector<1024x16xf32>
    %add3A_5 = arith.addf %add3A_4, %get3A_3 : vector<1024x16xf32>
    %get3A_6 = arith.constant 1 : index
    %get3A_7 = arith.constant 0 : index
    %get3A_8 = arith.constant 0 : index
    %get3A_9 = vector.load %arg3[%get3A_6, %get3A_7, %get3A_8] : memref<2x1024x16xf32, #tpu.memory_space<vmem>>, vector<1x1024x16xf32>
    %get3A_10 = vector.shape_cast %get3A_9 : vector<1x1024x16xf32> to vector<1024x16xf32>
    %add3A_11 = arith.addf %add3A_5, %get3A_10 : vector<1024x16xf32>
    %rsqrt3A = math.rsqrt %add3A_11 : vector<1024x16xf32>
    %swap3A = arith.constant 0 : index
    %swap3A_12 = arith.constant 0 : index
    %swap3A_13 = vector.load %arg5[%swap3A, %swap3A_12] : memref<1024x16xf32, #tpu.memory_space<vmem>>, vector<1024x16xf32>
    tpu.vector_store %arg5[%swap3A, %swap3A_12], %rsqrt3A {strides = array<i32>} : memref<1024x16xf32, #tpu.memory_space<vmem>>, vector<1024x16xf32>,
    %get3A_14 = arith.constant 0 : index
    %get3A_15 = arith.constant 0 : index
    %get3A_16 = vector.load %arg1[%get3A_14, %get3A_15] : memref<1024x128xf32, #tpu.memory_space<vmem>>, vector<1024x128xf32>
    %get3A_17 = arith.constant 0 : index
    %get3A_18 = arith.constant 0 : index
    %get3A_19 = vector.load %arg2[%get3A_17, %get3A_18] : memref<128x64xf32, #tpu.memory_space<vmem>>, vector<128x64xf32>
    %dot_general3A = arith.constant dense<0.000000e+00> : vector<1024x64xf32>
    %dot_general3A_20 = tpu.matmul %get3A_16, %get3A_19, %dot_general3A {dimension_numbers = #tpu.dot_dimension_numbers<[1], [0], [0], [1], [0, 0, 1, 1], [], []>, transpose_lhs_hint = false} : vector<1024x128xf32>, vector<128x64xf32>, vector<1024x64xf32> -> vector<1024x64xf32>
    %slice3A = vector.extract_strided_slice %rsqrt3A {offsets = [0, 0], sizes = [1024, 1], strides = [1, 1]} : vector<1024x16xf32> to vector<1024x1xf32>
    %mul3A = vector.broadcast %slice3A : vector<1024x1xf32> to vector<1024x64xf32>
    %mul3A_21 = arith.mulf %dot_general3A_20, %mul3A : vector<1024x64xf32>
    %swap3A_22 = arith.constant 0 : index
    %swap3A_23 = arith.constant 0 : index
    %swap3A_24 = vector.load %arg4[%swap3A_22, %swap3A_23] : memref<1024x64xf32, #tpu.memory_space<vmem>>, vector<1024x64xf32>
    tpu.vector_store %arg4[%swap3A_22, %swap3A_23], %mul3A_21 {strides = array<i32>} : memref<1024x64xf32, #tpu.memory_space<vmem>>, vector<1024x64xf32>,
    return
  }
  func.func @transform_0(%arg0: i32) -> (i32, i32) {
    %c0_i32 = arith.constant 0 : i32
    %c0_i32_0 = arith.constant 0 : i32
    return %arg0, %c0_i32 : i32, i32
  }
  func.func @transform_1(%arg0: i32) -> (i32, i32) {
    %c0_i32 = arith.constant 0 : i32
    %c0_i32_0 = arith.constant 0 : i32
    %c0_i32_1 = arith.constant 0 : i32
    return %c0_i32, %c0_i32_0 : i32, i32
  }
  func.func @transform_2(%arg0: i32) -> (i32, i32, i32) {
    %c0_i32 = arith.constant 0 : i32
    %c0_i32_0 = arith.constant 0 : i32
    %c0_i32_1 = arith.constant 0 : i32
    return %c0_i32, %arg0, %c0_i32_0 : i32, i32, i32
  }
  func.func @transform_3(%arg0: i32) -> (i32, i32) {
    %c0_i32 = arith.constant 0 : i32
    %c0_i32_0 = arith.constant 0 : i32
    return %arg0, %c0_i32 : i32, i32
  }
  func.func @transform_4(%arg0: i32) -> (i32, i32) {
    %c0_i32 = arith.constant 0 : i32
    %c0_i32_0 = arith.constant 0 : i32
    return %arg0, %c0_i32 : i32, i32
  }
}

module attributes {stable_mosaic.version = 14 : i64} {
  func.func @_mm2_body(%arg0: i32, %arg1: memref<2x1024x64xf32, #tpu.memory_space<vmem>>, %arg2: memref<1024x64xf32, #tpu.memory_space<vmem>>, %arg3: memref<1024x16xf32, #tpu.memory_space<vmem>>, %arg4: memref<64x32xf32, #tpu.memory_space<vmem>>, %arg5: memref<1x64xf32, #tpu.memory_space<vmem>>, %arg6: memref<1024x32xf32, #tpu.memory_space<vmem>>) attributes {dimension_semantics = [#tpu.dimension_semantics<arbitrary>], iteration_bounds = array<i64: 10>, scalar_prefetch = 0 : i64, scratch_operands = 0 : i64, tpu.core_type = #tpu.core_type<tc>, window_params = [{transform_indices = @transform_0, window_bounds = array<i64: 2, 1024, 64>}, {transform_indices = @transform_1, window_bounds = array<i64: 1024, 64>}, {transform_indices = @transform_2, window_bounds = array<i64: 1024, 16>}, {pipeline_mode = #tpu.pipeline_mode<synchronous>, transform_indices = @transform_3, window_bounds = array<i64: 64, 32>}, {pipeline_mode = #tpu.pipeline_mode<synchronous>, transform_indices = @transform_4, window_bounds = array<i64: 1, 64>}, {transform_indices = @transform_5, window_bounds = array<i64: 1024, 32>}]} {
    %get3A = arith.constant 0 : index
    %get3A_0 = arith.constant 0 : index
    %get3A_1 = vector.load %arg3[%get3A, %get3A_0] : memref<1024x16xf32, #tpu.memory_space<vmem>>, vector<1024x1xf32>
    %get3A_2 = arith.constant 0 : index
    %get3A_3 = arith.constant 0 : index
    %get3A_4 = arith.constant 0 : index
    %get3A_5 = vector.load %arg1[%get3A_2, %get3A_3, %get3A_4] : memref<2x1024x64xf32, #tpu.memory_space<vmem>>, vector<1x1024x64xf32>
    %get3A_6 = vector.shape_cast %get3A_5 : vector<1x1024x64xf32> to vector<1024x64xf32>
    %get3A_7 = arith.constant 1 : index
    %get3A_8 = arith.constant 0 : index
    %get3A_9 = arith.constant 0 : index
    %get3A_10 = vector.load %arg1[%get3A_7, %get3A_8, %get3A_9] : memref<2x1024x64xf32, #tpu.memory_space<vmem>>, vector<1x1024x64xf32>
    %get3A_11 = vector.shape_cast %get3A_10 : vector<1x1024x64xf32> to vector<1024x64xf32>
    %add3A = arith.addf %get3A_6, %get3A_11 : vector<1024x64xf32>
    %get3A_12 = arith.constant 0 : index
    %get3A_13 = arith.constant 0 : index
    %get3A_14 = vector.load %arg2[%get3A_12, %get3A_13] : memref<1024x64xf32, #tpu.memory_space<vmem>>, vector<1024x64xf32>
    %add3A_15 = arith.addf %add3A, %get3A_14 : vector<1024x64xf32>
    %mul3A = vector.broadcast %get3A_1 : vector<1024x1xf32> to vector<1024x64xf32>
    %mul3A_16 = arith.mulf %add3A_15, %mul3A : vector<1024x64xf32>
    %get3A_17 = arith.constant 0 : index
    %get3A_18 = arith.constant 0 : index
    %get3A_19 = vector.load %arg5[%get3A_17, %get3A_18] : memref<1x64xf32, #tpu.memory_space<vmem>>, vector<1x64xf32>
    %add3A_20 = vector.broadcast %get3A_19 : vector<1x64xf32> to vector<1024x64xf32>
    %add3A_21 = arith.addf %mul3A_16, %add3A_20 : vector<1024x64xf32>
    %max3A = arith.constant 0.000000e+00 : f32
    %max3A_22 = vector.broadcast %max3A : f32 to vector<1024x64xf32>
    %max3A_23 = arith.maximumf %add3A_21, %max3A_22 : vector<1024x64xf32>
    %get3A_24 = arith.constant 0 : index
    %get3A_25 = arith.constant 0 : index
    %get3A_26 = vector.load %arg4[%get3A_24, %get3A_25] : memref<64x32xf32, #tpu.memory_space<vmem>>, vector<64x32xf32>
    %dot_general3A = arith.constant dense<0.000000e+00> : vector<1024x32xf32>
    %dot_general3A_27 = tpu.matmul %max3A_23, %get3A_26, %dot_general3A {dimension_numbers = #tpu.dot_dimension_numbers<[1], [0], [0], [1], [0, 0, 1, 1], [], []>, transpose_lhs_hint = false} : vector<1024x64xf32>, vector<64x32xf32>, vector<1024x32xf32> -> vector<1024x32xf32>
    %mul3A_28 = vector.broadcast %get3A_1 : vector<1024x1xf32> to vector<1024x32xf32>
    %mul3A_29 = arith.mulf %dot_general3A_27, %mul3A_28 : vector<1024x32xf32>
    %swap3A = arith.constant 0 : index
    %swap3A_30 = arith.constant 0 : index
    %swap3A_31 = vector.load %arg6[%swap3A, %swap3A_30] : memref<1024x32xf32, #tpu.memory_space<vmem>>, vector<1024x32xf32>
    tpu.vector_store %arg6[%swap3A, %swap3A_30], %mul3A_29 {strides = array<i32>} : memref<1024x32xf32, #tpu.memory_space<vmem>>, vector<1024x32xf32>,
    return
  }
  func.func @transform_0(%arg0: i32) -> (i32, i32, i32) {
    %c0_i32 = arith.constant 0 : i32
    %c0_i32_0 = arith.constant 0 : i32
    %c0_i32_1 = arith.constant 0 : i32
    return %c0_i32, %arg0, %c0_i32_0 : i32, i32, i32
  }
  func.func @transform_1(%arg0: i32) -> (i32, i32) {
    %c0_i32 = arith.constant 0 : i32
    %c0_i32_0 = arith.constant 0 : i32
    return %arg0, %c0_i32 : i32, i32
  }
  func.func @transform_2(%arg0: i32) -> (i32, i32) {
    %c0_i32 = arith.constant 0 : i32
    %c0_i32_0 = arith.constant 0 : i32
    return %arg0, %c0_i32 : i32, i32
  }
  func.func @transform_3(%arg0: i32) -> (i32, i32) {
    %c0_i32 = arith.constant 0 : i32
    %c0_i32_0 = arith.constant 0 : i32
    %c0_i32_1 = arith.constant 0 : i32
    return %c0_i32, %c0_i32_0 : i32, i32
  }
  func.func @transform_4(%arg0: i32) -> (i32, i32) {
    %c0_i32 = arith.constant 0 : i32
    %c0_i32_0 = arith.constant 0 : i32
    %c0_i32_1 = arith.constant 0 : i32
    return %c0_i32, %c0_i32_0 : i32, i32
  }
  func.func @transform_5(%arg0: i32) -> (i32, i32) {
    %c0_i32 = arith.constant 0 : i32
    %c0_i32_0 = arith.constant 0 : i32
    return %arg0, %c0_i32 : i32, i32
  }
}

module attributes {stable_mosaic.version = 14 : i64} {
  func.func @_dec_body(%arg0: memref<16384x32xf32, #tpu.memory_space<vmem>>, %arg1: memref<8192x32xf32, #tpu.memory_space<vmem>>, %arg2: memref<8192x16xf32, #tpu.memory_space<vmem>>, %arg3: memref<4096x16xf32, #tpu.memory_space<vmem>>, %arg4: memref<1x32xf32, #tpu.memory_space<vmem>>, %arg5: memref<32x16xf32, #tpu.memory_space<vmem>>, %arg6: memref<1x16xf32, #tpu.memory_space<vmem>>, %arg7: memref<32x16xf32, #tpu.memory_space<vmem>>, %arg8: memref<1x16xf32, #tpu.memory_space<vmem>>, %arg9: memref<16x32xf32, #tpu.memory_space<vmem>>, %arg10: memref<1x32xf32, #tpu.memory_space<vmem>>, %arg11: memref<32x64xf32, #tpu.memory_space<vmem>>, %arg12: memref<1x64xf32, #tpu.memory_space<vmem>>, %arg13: memref<64x128xf32, #tpu.memory_space<vmem>>, %arg14: memref<1x128xf32, #tpu.memory_space<vmem>>, %arg15: memref<16x8xf32, #tpu.memory_space<vmem>>, %arg16: memref<1x8xf32, #tpu.memory_space<vmem>>, %arg17: memref<8x2xf32, #tpu.memory_space<vmem>>, %arg18: memref<1x2xf32, #tpu.memory_space<vmem>>, %arg19: memref<16x8xf32, #tpu.memory_space<vmem>>, %arg20: memref<1x8xf32, #tpu.memory_space<vmem>>, %arg21: memref<8x2xf32, #tpu.memory_space<vmem>>, %arg22: memref<1x2xf32, #tpu.memory_space<vmem>>, %arg23: memref<4096x128xf32, #tpu.memory_space<vmem>>, %arg24: memref<4096x2xf32, #tpu.memory_space<vmem>>, %arg25: memref<4096x2xf32, #tpu.memory_space<vmem>>, %arg26: memref<4096x16xf32, #tpu.memory_space<vmem>>, %arg27: memref<4096x16xf32, #tpu.memory_space<vmem>>) attributes {dimension_semantics = [], scalar_prefetch = 0 : i64, scratch_operands = 0 : i64, tpu.core_type = #tpu.core_type<tc>} {
    %get3A = arith.constant 0 : index
    %get3A_0 = arith.constant 0 : index
    %get3A_1 = vector.load %arg0[%get3A, %get3A_0] : memref<16384x32xf32, #tpu.memory_space<vmem>>, vector<16384x32xf32>
    %slice3A = vector.extract_strided_slice %get3A_1 {offsets = [0, 0], sizes = [8192, 32], strides = [1, 1]} : vector<16384x32xf32> to vector<8192x32xf32>
    %slice3A_2 = vector.extract_strided_slice %get3A_1 {offsets = [8192, 0], sizes = [8192, 32], strides = [1, 1]} : vector<16384x32xf32> to vector<8192x32xf32>
    %add3A = arith.addf %slice3A, %slice3A_2 : vector<8192x32xf32>
    %get3A_3 = arith.constant 0 : index
    %get3A_4 = arith.constant 0 : index
    %get3A_5 = vector.load %arg1[%get3A_3, %get3A_4] : memref<8192x32xf32, #tpu.memory_space<vmem>>, vector<8192x32xf32>
    %add3A_6 = arith.addf %add3A, %get3A_5 : vector<8192x32xf32>
    %get3A_7 = arith.constant 0 : index
    %get3A_8 = arith.constant 0 : index
    %get3A_9 = vector.load %arg2[%get3A_7, %get3A_8] : memref<8192x16xf32, #tpu.memory_space<vmem>>, vector<8192x1xf32>
    %mul3A = vector.broadcast %get3A_9 : vector<8192x1xf32> to vector<8192x32xf32>
    %mul3A_10 = arith.mulf %add3A_6, %mul3A : vector<8192x32xf32>
    %get3A_11 = arith.constant 0 : index
    %get3A_12 = arith.constant 0 : index
    %get3A_13 = vector.load %arg4[%get3A_11, %get3A_12] : memref<1x32xf32, #tpu.memory_space<vmem>>, vector<1x32xf32>
    %add3A_14 = vector.broadcast %get3A_13 : vector<1x32xf32> to vector<8192x32xf32>
    %add3A_15 = arith.addf %mul3A_10, %add3A_14 : vector<8192x32xf32>
    %max3A = arith.constant 0.000000e+00 : f32
    %max3A_16 = vector.broadcast %max3A : f32 to vector<8192x32xf32>
    %max3A_17 = arith.maximumf %add3A_15, %max3A_16 : vector<8192x32xf32>
    %slice3A_18 = vector.extract_strided_slice %max3A_17 {offsets = [0, 0], sizes = [4096, 32], strides = [1, 1]} : vector<8192x32xf32> to vector<4096x32xf32>
    %slice3A_19 = vector.extract_strided_slice %max3A_17 {offsets = [4096, 0], sizes = [4096, 32], strides = [1, 1]} : vector<8192x32xf32> to vector<4096x32xf32>
    %add3A_20 = arith.addf %slice3A_18, %slice3A_19 : vector<4096x32xf32>
    %get3A_21 = arith.constant 0 : index
    %get3A_22 = arith.constant 0 : index
    %get3A_23 = vector.load %arg5[%get3A_21, %get3A_22] : memref<32x16xf32, #tpu.memory_space<vmem>>, vector<32x16xf32>
    %dot_general3A = arith.constant dense<0.000000e+00> : vector<4096x16xf32>
    %dot_general3A_24 = tpu.matmul %add3A_20, %get3A_23, %dot_general3A {dimension_numbers = #tpu.dot_dimension_numbers<[1], [0], [0], [1], [0, 0, 1, 1], [], []>, transpose_lhs_hint = false} : vector<4096x32xf32>, vector<32x16xf32>, vector<4096x16xf32> -> vector<4096x16xf32>
    %get3A_25 = arith.constant 0 : index
    %get3A_26 = arith.constant 0 : index
    %get3A_27 = vector.load %arg6[%get3A_25, %get3A_26] : memref<1x16xf32, #tpu.memory_space<vmem>>, vector<1x16xf32>
    %add3A_28 = vector.broadcast %get3A_27 : vector<1x16xf32> to vector<4096x16xf32>
    %add3A_29 = arith.addf %dot_general3A_24, %add3A_28 : vector<4096x16xf32>
    %get3A_30 = arith.constant 0 : index
    %get3A_31 = arith.constant 0 : index
    %get3A_32 = vector.load %arg7[%get3A_30, %get3A_31] : memref<32x16xf32, #tpu.memory_space<vmem>>, vector<32x16xf32>
    %dot_general3A_33 = arith.constant dense<0.000000e+00> : vector<4096x16xf32>
    %dot_general3A_34 = tpu.matmul %add3A_20, %get3A_32, %dot_general3A_33 {dimension_numbers = #tpu.dot_dimension_numbers<[1], [0], [0], [1], [0, 0, 1, 1], [], []>, transpose_lhs_hint = false} : vector<4096x32xf32>, vector<32x16xf32>, vector<4096x16xf32> -> vector<4096x16xf32>
    %get3A_35 = arith.constant 0 : index
    %get3A_36 = arith.constant 0 : index
    %get3A_37 = vector.load %arg8[%get3A_35, %get3A_36] : memref<1x16xf32, #tpu.memory_space<vmem>>, vector<1x16xf32>
    %add3A_38 = vector.broadcast %get3A_37 : vector<1x16xf32> to vector<4096x16xf32>
    %add3A_39 = arith.addf %dot_general3A_34, %add3A_38 : vector<4096x16xf32>
    %swap3A = arith.constant 0 : index
    %swap3A_40 = arith.constant 0 : index
    %swap3A_41 = vector.load %arg26[%swap3A, %swap3A_40] : memref<4096x16xf32, #tpu.memory_space<vmem>>, vector<4096x16xf32>
    tpu.vector_store %arg26[%swap3A, %swap3A_40], %add3A_29 {strides = array<i32>} : memref<4096x16xf32, #tpu.memory_space<vmem>>, vector<4096x16xf32>,
    %swap3A_42 = arith.constant 0 : index
    %swap3A_43 = arith.constant 0 : index
    %swap3A_44 = vector.load %arg27[%swap3A_42, %swap3A_43] : memref<4096x16xf32, #tpu.memory_space<vmem>>, vector<4096x16xf32>
    tpu.vector_store %arg27[%swap3A_42, %swap3A_43], %add3A_39 {strides = array<i32>} : memref<4096x16xf32, #tpu.memory_space<vmem>>, vector<4096x16xf32>,
    %get3A_45 = arith.constant 0 : index
    %get3A_46 = arith.constant 0 : index
    %get3A_47 = vector.load %arg3[%get3A_45, %get3A_46] : memref<4096x16xf32, #tpu.memory_space<vmem>>, vector<4096x16xf32>
    %exp3A = math.exp %add3A_39 : vector<4096x16xf32>
    %mul3A_48 = arith.mulf %get3A_47, %exp3A : vector<4096x16xf32>
    %add3A_49 = arith.addf %add3A_29, %mul3A_48 : vector<4096x16xf32>
    %get3A_50 = arith.constant 0 : index
    %get3A_51 = arith.constant 0 : index
    %get3A_52 = vector.load %arg9[%get3A_50, %get3A_51] : memref<16x32xf32, #tpu.memory_space<vmem>>, vector<16x32xf32>
    %dot_general3A_53 = arith.constant dense<0.000000e+00> : vector<4096x32xf32>
    %dot_general3A_54 = tpu.matmul %add3A_49, %get3A_52, %dot_general3A_53 {dimension_numbers = #tpu.dot_dimension_numbers<[1], [0], [0], [1], [0, 0, 1, 1], [], []>, transpose_lhs_hint = false} : vector<4096x16xf32>, vector<16x32xf32>, vector<4096x32xf32> -> vector<4096x32xf32>
    %get3A_55 = arith.constant 0 : index
    %get3A_56 = arith.constant 0 : index
    %get3A_57 = vector.load %arg10[%get3A_55, %get3A_56] : memref<1x32xf32, #tpu.memory_space<vmem>>, vector<1x32xf32>
    %add3A_58 = vector.broadcast %get3A_57 : vector<1x32xf32> to vector<4096x32xf32>
    %add3A_59 = arith.addf %dot_general3A_54, %add3A_58 : vector<4096x32xf32>
    %max3A_60 = arith.constant 0.000000e+00 : f32
    %max3A_61 = vector.broadcast %max3A_60 : f32 to vector<4096x32xf32>
    %max3A_62 = arith.maximumf %add3A_59, %max3A_61 : vector<4096x32xf32>
    %get3A_63 = arith.constant 0 : index
    %get3A_64 = arith.constant 0 : index
    %get3A_65 = vector.load %arg11[%get3A_63, %get3A_64] : memref<32x64xf32, #tpu.memory_space<vmem>>, vector<32x64xf32>
    %dot_general3A_66 = arith.constant dense<0.000000e+00> : vector<4096x64xf32>
    %dot_general3A_67 = tpu.matmul %max3A_62, %get3A_65, %dot_general3A_66 {dimension_numbers = #tpu.dot_dimension_numbers<[1], [0], [0], [1], [0, 0, 1, 1], [], []>, transpose_lhs_hint = false} : vector<4096x32xf32>, vector<32x64xf32>, vector<4096x64xf32> -> vector<4096x64xf32>
    %get3A_68 = arith.constant 0 : index
    %get3A_69 = arith.constant 0 : index
    %get3A_70 = vector.load %arg12[%get3A_68, %get3A_69] : memref<1x64xf32, #tpu.memory_space<vmem>>, vector<1x64xf32>
    %add3A_71 = vector.broadcast %get3A_70 : vector<1x64xf32> to vector<4096x64xf32>
    %add3A_72 = arith.addf %dot_general3A_67, %add3A_71 : vector<4096x64xf32>
    %max3A_73 = arith.constant 0.000000e+00 : f32
    %max3A_74 = vector.broadcast %max3A_73 : f32 to vector<4096x64xf32>
    %max3A_75 = arith.maximumf %add3A_72, %max3A_74 : vector<4096x64xf32>
    %get3A_76 = arith.constant 0 : index
    %get3A_77 = arith.constant 0 : index
    %get3A_78 = vector.load %arg13[%get3A_76, %get3A_77] : memref<64x128xf32, #tpu.memory_space<vmem>>, vector<64x128xf32>
    %dot_general3A_79 = arith.constant dense<0.000000e+00> : vector<4096x128xf32>
    %dot_general3A_80 = tpu.matmul %max3A_75, %get3A_78, %dot_general3A_79 {dimension_numbers = #tpu.dot_dimension_numbers<[1], [0], [0], [1], [0, 0, 1, 1], [], []>, transpose_lhs_hint = false} : vector<4096x64xf32>, vector<64x128xf32>, vector<4096x128xf32> -> vector<4096x128xf32>
    %get3A_81 = arith.constant 0 : index
    %get3A_82 = arith.constant 0 : index
    %get3A_83 = vector.load %arg14[%get3A_81, %get3A_82] : memref<1x128xf32, #tpu.memory_space<vmem>>, vector<1x128xf32>
    %add3A_84 = vector.broadcast %get3A_83 : vector<1x128xf32> to vector<4096x128xf32>
    %add3A_85 = arith.addf %dot_general3A_80, %add3A_84 : vector<4096x128xf32>
    %swap3A_86 = arith.constant 0 : index
    %swap3A_87 = arith.constant 0 : index
    %swap3A_88 = vector.load %arg23[%swap3A_86, %swap3A_87] : memref<4096x128xf32, #tpu.memory_space<vmem>>, vector<4096x128xf32>
    tpu.vector_store %arg23[%swap3A_86, %swap3A_87], %add3A_85 {strides = array<i32>} : memref<4096x128xf32, #tpu.memory_space<vmem>>, vector<4096x128xf32>,
    %get3A_89 = arith.constant 0 : index
    %get3A_90 = arith.constant 0 : index
    %get3A_91 = vector.load %arg15[%get3A_89, %get3A_90] : memref<16x8xf32, #tpu.memory_space<vmem>>, vector<16x8xf32>
    %dot_general3A_92 = arith.constant dense<0.000000e+00> : vector<4096x8xf32>
    %dot_general3A_93 = tpu.matmul %add3A_49, %get3A_91, %dot_general3A_92 {dimension_numbers = #tpu.dot_dimension_numbers<[1], [0], [0], [1], [0, 0, 1, 1], [], []>, transpose_lhs_hint = false} : vector<4096x16xf32>, vector<16x8xf32>, vector<4096x8xf32> -> vector<4096x8xf32>
    %get3A_94 = arith.constant 0 : index
    %get3A_95 = arith.constant 0 : index
    %get3A_96 = vector.load %arg16[%get3A_94, %get3A_95] : memref<1x8xf32, #tpu.memory_space<vmem>>, vector<1x8xf32>
    %add3A_97 = vector.broadcast %get3A_96 : vector<1x8xf32> to vector<4096x8xf32>
    %add3A_98 = arith.addf %dot_general3A_93, %add3A_97 : vector<4096x8xf32>
    %max3A_99 = arith.constant 0.000000e+00 : f32
    %max3A_100 = vector.broadcast %max3A_99 : f32 to vector<4096x8xf32>
    %max3A_101 = arith.maximumf %add3A_98, %max3A_100 : vector<4096x8xf32>
    %get3A_102 = arith.constant 0 : index
    %get3A_103 = arith.constant 0 : index
    %get3A_104 = vector.load %arg17[%get3A_102, %get3A_103] : memref<8x2xf32, #tpu.memory_space<vmem>>, vector<8x2xf32>
    %dot_general3A_105 = arith.constant dense<0.000000e+00> : vector<4096x2xf32>
    %dot_general3A_106 = tpu.matmul %max3A_101, %get3A_104, %dot_general3A_105 {dimension_numbers = #tpu.dot_dimension_numbers<[1], [0], [0], [1], [0, 0, 1, 1], [], []>, transpose_lhs_hint = false} : vector<4096x8xf32>, vector<8x2xf32>, vector<4096x2xf32> -> vector<4096x2xf32>
    %get3A_107 = arith.constant 0 : index
    %get3A_108 = arith.constant 0 : index
    %get3A_109 = vector.load %arg18[%get3A_107, %get3A_108] : memref<1x2xf32, #tpu.memory_space<vmem>>, vector<1x2xf32>
    %add3A_110 = vector.broadcast %get3A_109 : vector<1x2xf32> to vector<4096x2xf32>
    %add3A_111 = arith.addf %dot_general3A_106, %add3A_110 : vector<4096x2xf32>
    %reduce_max3A = arith.constant dense<0xFF800000> : vector<4096xf32>
    %reduce_max3A_112 = vector.multi_reduction <maximumf>, %add3A_111, %reduce_max3A [1] : vector<4096x2xf32> to vector<4096xf32>
    %broadcast_in_dim3A = vector.shape_cast %reduce_max3A_112 : vector<4096xf32> to vector<4096x1xf32>
    %sub3A = vector.broadcast %broadcast_in_dim3A : vector<4096x1xf32> to vector<4096x2xf32>
    %sub3A_113 = arith.subf %add3A_111, %sub3A : vector<4096x2xf32>
    %exp3A_114 = math.exp %sub3A_113 : vector<4096x2xf32>
    %reduce_sum3A = arith.constant dense<0.000000e+00> : vector<4096xf32>
    %reduce_sum3A_115 = vector.multi_reduction <add>, %exp3A_114, %reduce_sum3A [1] : vector<4096x2xf32> to vector<4096xf32>
    %broadcast_in_dim3A_116 = vector.shape_cast %reduce_sum3A_115 : vector<4096xf32> to vector<4096x1xf32>
    %div3A = vector.broadcast %broadcast_in_dim3A_116 : vector<4096x1xf32> to vector<4096x2xf32>
    %div3A_117 = arith.divf %exp3A_114, %div3A : vector<4096x2xf32>
    %swap3A_118 = arith.constant 0 : index
    %swap3A_119 = arith.constant 0 : index
    %swap3A_120 = vector.load %arg24[%swap3A_118, %swap3A_119] : memref<4096x2xf32, #tpu.memory_space<vmem>>, vector<4096x2xf32>
    tpu.vector_store %arg24[%swap3A_118, %swap3A_119], %div3A_117 {strides = array<i32>} : memref<4096x2xf32, #tpu.memory_space<vmem>>, vector<4096x2xf32>,
    %get3A_121 = arith.constant 0 : index
    %get3A_122 = arith.constant 0 : index
    %get3A_123 = vector.load %arg19[%get3A_121, %get3A_122] : memref<16x8xf32, #tpu.memory_space<vmem>>, vector<16x8xf32>
    %dot_general3A_124 = arith.constant dense<0.000000e+00> : vector<4096x8xf32>
    %dot_general3A_125 = tpu.matmul %add3A_49, %get3A_123, %dot_general3A_124 {dimension_numbers = #tpu.dot_dimension_numbers<[1], [0], [0], [1], [0, 0, 1, 1], [], []>, transpose_lhs_hint = false} : vector<4096x16xf32>, vector<16x8xf32>, vector<4096x8xf32> -> vector<4096x8xf32>
    %get3A_126 = arith.constant 0 : index
    %get3A_127 = arith.constant 0 : index
    %get3A_128 = vector.load %arg20[%get3A_126, %get3A_127] : memref<1x8xf32, #tpu.memory_space<vmem>>, vector<1x8xf32>
    %add3A_129 = vector.broadcast %get3A_128 : vector<1x8xf32> to vector<4096x8xf32>
    %add3A_130 = arith.addf %dot_general3A_125, %add3A_129 : vector<4096x8xf32>
    %max3A_131 = arith.constant 0.000000e+00 : f32
    %max3A_132 = vector.broadcast %max3A_131 : f32 to vector<4096x8xf32>
    %max3A_133 = arith.maximumf %add3A_130, %max3A_132 : vector<4096x8xf32>
    %get3A_134 = arith.constant 0 : index
    %get3A_135 = arith.constant 0 : index
    %get3A_136 = vector.load %arg21[%get3A_134, %get3A_135] : memref<8x2xf32, #tpu.memory_space<vmem>>, vector<8x2xf32>
    %dot_general3A_137 = arith.constant dense<0.000000e+00> : vector<4096x2xf32>
    %dot_general3A_138 = tpu.matmul %max3A_133, %get3A_136, %dot_general3A_137 {dimension_numbers = #tpu.dot_dimension_numbers<[1], [0], [0], [1], [0, 0, 1, 1], [], []>, transpose_lhs_hint = false} : vector<4096x8xf32>, vector<8x2xf32>, vector<4096x2xf32> -> vector<4096x2xf32>
    %get3A_139 = arith.constant 0 : index
    %get3A_140 = arith.constant 0 : index
    %get3A_141 = vector.load %arg22[%get3A_139, %get3A_140] : memref<1x2xf32, #tpu.memory_space<vmem>>, vector<1x2xf32>
    %add3A_142 = vector.broadcast %get3A_141 : vector<1x2xf32> to vector<4096x2xf32>
    %add3A_143 = arith.addf %dot_general3A_138, %add3A_142 : vector<4096x2xf32>
    %reduce_max3A_144 = arith.constant dense<0xFF800000> : vector<4096xf32>
    %reduce_max3A_145 = vector.multi_reduction <maximumf>, %add3A_143, %reduce_max3A_144 [1] : vector<4096x2xf32> to vector<4096xf32>
    %broadcast_in_dim3A_146 = vector.shape_cast %reduce_max3A_145 : vector<4096xf32> to vector<4096x1xf32>
    %sub3A_147 = vector.broadcast %broadcast_in_dim3A_146 : vector<4096x1xf32> to vector<4096x2xf32>
    %sub3A_148 = arith.subf %add3A_143, %sub3A_147 : vector<4096x2xf32>
    %exp3A_149 = math.exp %sub3A_148 : vector<4096x2xf32>
    %reduce_sum3A_150 = arith.constant dense<0.000000e+00> : vector<4096xf32>
    %reduce_sum3A_151 = vector.multi_reduction <add>, %exp3A_149, %reduce_sum3A_150 [1] : vector<4096x2xf32> to vector<4096xf32>
    %broadcast_in_dim3A_152 = vector.shape_cast %reduce_sum3A_151 : vector<4096xf32> to vector<4096x1xf32>
    %div3A_153 = vector.broadcast %broadcast_in_dim3A_152 : vector<4096x1xf32> to vector<4096x2xf32>
    %div3A_154 = arith.divf %exp3A_149, %div3A_153 : vector<4096x2xf32>
    %swap3A_155 = arith.constant 0 : index
    %swap3A_156 = arith.constant 0 : index
    %swap3A_157 = vector.load %arg25[%swap3A_155, %swap3A_156] : memref<4096x2xf32, #tpu.memory_space<vmem>>, vector<4096x2xf32>
    tpu.vector_store %arg25[%swap3A_155, %swap3A_156], %div3A_154 {strides = array<i32>} : memref<4096x2xf32, #tpu.memory_space<vmem>>, vector<4096x2xf32>,
    return
  }
}

</mosaic_0001>

<sc_bundles>
// kernel: kernel.12.cloned.1.call-start
scs
__scs_entry_jumppad:
0x0: {  	(pc) =	sbr.rel $0x88, $3  }
0x1: {  	(tag) =	ssettag $0x0;
	lr =	simm.s32 $0x1  }
0x2: {  	[smem:$0x3F88] =	sst lr;
	_ =	strace $0xD0000000  }
0x3: {  	_ = 	snop  }
0x4: {  	_ = 	snop  }
0x5: {  	_ = 	snop  }
0x6: {  	_ = 	snop  }
0x7: {  	_ = 	snop  }
__scs_overlays_trampoline_lowered:
0x8: {  	[smem:$0x3F97] =	sst s0  }
0x9: {  	[smem:$0x3F98] =	sst s1  }
0xa: {  	[smem:$0x3F99] =	sst s2  }
0xb: {  	[smem:$0x3F9A] =	sst s3  }
0xc: {  	[smem:$0x3F9B] =	sst s4  }
0xd: {  	[smem:$0x3F9C] =	sst s5  }
0xe: {  	[smem:$0x3F9D] =	sst s6  }
0xf: {  	[smem:$0x3F9E] =	sst s7  }
0x10: {  	[smem:$0x3F9F] =	sst s8  }
0x11: {  	[smem:$0x3FA0] =	sst s9;
	s0 =	simm.s32 @!p0 $0x0  }
0x12: {  	s1 =	sld [smem:$0x3F86];
	s0 =	simm.s32 @p0 $0x1  }
0x13: {  	[smem:$0x3FA1] =	sst s0;
	s0 =	simm.s32 @!p1 $0x0  }
0x14: {  	s2 =	sld [smem:$0x3F85];
	s0 =	simm.s32 @p1 $0x1  }
0x15: {  	[smem:$0x3FA2] =	sst s0;
	s0 =	simm.s32 @!p2 $0x0  }
0x16: {  	s3 =	sld [smem:$0x3FDB];
	s0 =	simm.s32 @p2 $0x1  }
0x17: {  	s4 =	simm.s32 $0x1BF5;
	[smem:$0x3FA4] =	sst s0  }
0x18: {  	s0 =	sld [smem:$0x3F87];
	_ =	swait.ge [sflag:s4], $0x0  }
0x19: {  	s7 =	sld [smem:$0x3F88]  }
0x1a: {  	s8 =	sadd.s32 $0xFFFFE003, lr  }
0x1b: {  	s9 =	sadd.s32 $0xFFFFFEF7, lr;
	s5 =	simm.s32 $0xFFFFFFFF;
	p2 =	slt.u32 s8, $0xFFFFF086  }
0x1c: {  	p1 =	slt.u32 s9, $0xF7A;
	s5 =	simm.s32 @!p2 $0x0  }
0x1d: {  	s5 =	simm.s32 @p1 $0x1;
	p0 =	seq.s32 s7, s2  }
0x1e: {  	s7 =	smul.u32 @!p0 $0xF7A, s2;
	p2 =	seq.s32 @!p0 s5, $0x0  }
0x1f: {  	s9 =	smul.u32 $0xF7A, s1;
	s8 =	simm.s32 @!p0 $0x1BF5;
	p2 =	por !p2, p0  }
0x20: {  	[sflag:s8] =	ssyncset.s32 @!p0 $0xFFFFF086;
	s6 =	sadd.s32 @!p0 s3, s7;
	s7 =	simm.s32 @!p0 $0x108  }
0x21: {  	s3 =	sadd.s32 s3, s9;
	s6 =	sadd.s32 @!p0 $0x88, s6;
	s7 =	simm.s32 @p2 $0x1082  }
0x22: {  	[simem:s7], [sflag:s8] =	dma.local @!p0 [hbm:s6], $0xF7A  }
0x23: {  	s9 =	sor.u32 $0xD0000000, s2;
	s6 =	simm.s32 $0x108;
	_ =	swait.ge @!p0 [sflag:s8], $0x0  }
0x24: {  	s3 =	sadd.s32 $0x88, s3;
	s6 =	simm.s32 @!p1 $0x1082;
	[sflag:s4] =	ssyncset.s32 $0xFFFFF086  }
0x25: {  	[simem:s6], [sflag:s4] =	dma.local [hbm:s3], $0xF7A  }
0x26: {  	[smem:$0x3F88] =	sst s1;
	(tag) =	ssettag s2;
	_ =	strace s9  }
0x27: {  	s1 =	sld [smem:$0x3F98]  }
0x28: {  	s2 =	sld [smem:$0x3F99]  }
0x29: {  	s4 =	sld [smem:$0x3F9B]  }
0x2a: {  	p0 =	seq.s32 s5, $0x0;
	s5 =	sld [smem:$0x3F9C]  }
0x2b: {  	s6 =	sld [smem:$0x3F9D]  }
0x2c: {  	s7 =	sld [smem:$0x3F9E]  }
0x2d: {  	s3 =	simm.s32 $0x108;
	s8 =	sld [smem:$0x3F9F]  }
0x2e: {  	s3 =	simm.s32 @!p0 $0x1082;
	s9 =	sld [smem:$0x3FA0]  }
0x2f: {  	lr =	sadd.s32 s0, s3;
	s0 =	sld [smem:$0x3F97]  }
0x30: {  	s3 =	sld [smem:$0x3F9A]  }
0x31: {  	[smem:$0x3FA3] =	sst s10  }
0x32: {  	s10 =	sld [smem:$0x3FA1];
	_ =	sdelay $0x3  }
0x33: {  	p0 =	seq.s32 s10, $0x1;
	s10 =	sld [smem:$0x3FA3];
	_ =	sdelay $0x3  }
0x34: {  	[smem:$0x3FA3] =	sst s10  }
0x35: {  	s10 =	sld [smem:$0x3FA2];
	_ =	sdelay $0x3  }
0x36: {  	p1 =	seq.s32 s10, $0x1;
	s10 =	sld [smem:$0x3FA3];
	_ =	sdelay $0x3  }
0x37: {  	[smem:$0x3FA3] =	sst s10  }
0x38: {  	s10 =	sld [smem:$0x3FA4]  }
0x39: {  	_ = 	snop;
	(pc) =	sbr.ind lr, $3  }
0x3a: {  	_ = 	snop  }
0x3b: {  	_ = 	snop  }
0x3c: {  	p2 =	seq.s32 s10, $0x1;
	s10 =	sld [smem:$0x3FA3]  }
0x3d: {  	_ =	shalt  }
0x3e: {  	_ =	shalt  }
0x3f: {  	_ =	shalt  }
0x40: {  	_ =	shalt  }
0x41: {  	_ =	shalt  }
0x42: {  	_ =	shalt  }
0x43: {  	_ =	shalt  }
0x44: {  	_ =	shalt  }
0x45: {  	_ =	shalt  }
0x46: {  	_ =	shalt  }
0x47: {  	_ =	shalt  }
0x48: {  	_ =	shalt  }
0x49: {  	_ =	shalt  }
0x4a: {  	_ =	shalt  }
0x4b: {  	_ =	shalt  }
0x4c: {  	_ =	shalt  }
0x4d: {  	_ =	shalt  }
0x4e: {  	_ =	shalt  }
0x4f: {  	_ =	shalt  }
0x50: {  	_ =	shalt  }
0x51: {  	_ =	shalt  }
0x52: {  	_ =	shalt  }
0x53: {  	_ =	shalt  }
0x54: {  	_ =	shalt  }
0x55: {  	_ =	shalt  }
0x56: {  	_ =	shalt  }
0x57: {  	_ =	shalt  }
0x58: {  	_ =	shalt  }
0x59: {  	_ =	shalt  }
0x5a: {  	_ =	shalt  }
0x5b: {  	_ =	shalt  }
0x5c: {  	_ =	shalt  }
0x5d: {  	_ =	shalt  }
0x5e: {  	_ =	shalt  }
0x5f: {  	_ =	shalt  }
0x60: {  	_ =	shalt  }
0x61: {  	_ =	shalt  }
0x62: {  	_ =	shalt  }
0x63: {  	_ =	shalt  }
0x64: {  	_ =	shalt  }
0x65: {  	_ =	shalt  }
0x66: {  	_ =	shalt  }
0x67: {  	_ =	shalt  }
0x68: {  	_ =	shalt  }
0x69: {  	_ =	shalt  }
0x6a: {  	_ =	shalt  }
0x6b: {  	_ =	shalt  }
0x6c: {  	_ =	shalt  }
0x6d: {  	_ =	shalt  }
0x6e: {  	_ =	shalt  }
0x6f: {  	_ =	shalt  }
0x70: {  	_ =	shalt  }
0x71: {  	_ =	shalt  }
0x72: {  	_ =	shalt  }
0x73: {  	_ =	shalt  }
0x74: {  	_ =	shalt  }
0x75: {  	_ =	shalt  }
0x76: {  	_ =	shalt  }
0x77: {  	_ =	shalt  }
0x78: {  	_ =	shalt  }
0x79: {  	_ =	shalt  }
0x7a: {  	_ =	shalt  }
0x7b: {  	_ =	shalt  }
0x7c: {  	_ =	shalt  }
0x7d: {  	_ =	shalt  }
0x7e: {  	_ =	shalt  }
0x7f: {  	_ =	shalt  }
0x80: {  	_ =	shalt  }
0x81: {  	_ =	shalt  }
0x82: {  	_ =	shalt  }
0x83: {  	_ =	shalt  }
0x84: {  	_ =	shalt  }
0x85: {  	_ =	shalt  }
0x86: {  	_ =	shalt  }
0x87: {  	_ =	shalt  }
.Lfunc_end0:
.L_simem_size_0:
called_computation.1_lowered:
.L_overlay_start_0:
0x88: {  	s2 =	sld [smem:$0x3FD9]  }
0x89: {  	s3 =	sld [smem:$0x3FFE];
	_ =	sdelay $0x1  }
0x8a: {  	s1 =	srdreg.scid  }
0x8b: {  	s0 =	sand.u32 $0x1, s1  }
0x8c: {  	s14 =	sshll.u32 s0, $0xA;
	s2 =	sadd.s32 s3, s2  }
0x8d: {  	s2 =	sadd.s32 s2, s14  }
0x8e: {  	[smem:$0x3FAF] =	sst s2  }
0x8f: {  	_ = 	snop  }
0x90: {  	s2 =	sld [smem:$0x3FD0];
	_ =	sdelay $0x2  }
0x91: {  	s15 =	simm.s32 $0xA;
	s4 =	simm.s32 $0x10  }
0x92: {  	[smem:s4], [sflag:s15] =	dma.local [hbm:s2], $0x1  }
0x93: {  	_ =	swait.eq [sflag:s15], $0x1  }
0x94: {  	[sflag:s15] =	ssyncset.done $0x0  }
0x95: {  	s16 =	sld [smem:$0x10];
	[sflag:s15] =	ssyncadd.s32 $0xFFFFFFFF  }
0x96: {  	s17 =	sld [smem:$0x14];
	(tm) =	ssettm $0x1  }
0x97: {  	s18 =	sld [smem:$0x3FFB];
	_ =	sdelay $0x3  }
0x98: {  	_ =	strace s18  }
0x99: {  	s4 =	sld [smem:$0x3FFC];
	_ =	sdelay $0x3  }
0x9a: {  	_ =	strace s4  }
0x9b: {  	s4 =	sld [smem:$0x3FFD];
	_ =	sdelay $0x3  }
0x9c: {  	_ =	strace s4  }
0x9d: {  	_ =	strace $0x8FFFFFFF  }
0x9e: {  	s19 =	sld [smem:$0x3FDB];
	_ =	sdelay $0x1  }
0x9f: {  	s5 =	simm.s32 $_scs_section_size  }
0xa0: {  	s6 =	simm.s32 $_size__tile_overlayer_lowered;
	s7 =	simm.s32 $_tile_overlayer_lowered  }
0xa1: {  	s22 =	simm.s32 $0x1BFF;
	s21 =	sshll.u32 s7, $0x1;
	s4 =	sadd.s32 s5, s19  }
0xa2: {  	s8 =	simm.s32 $0x0;
	s20 =	sshll.u32 s6, $0x1;
	s6 =	sadd.s32 s21, s4  }
0xa3: {  	[timem:s8], [sflag:s22] =	dma.local [hbm:s6], s20  }
0xa4: {  	_ =	swait.ge [sflag:s22], s20  }
0xa5: {  	s5 =	ssub.s32 $0x0, s20;
	[sflag:s22] =	ssyncset.done $0x0  }
0xa6: {  	[sflag:s22] =	ssyncadd.s32 s5;
	_ =	sdelay $0x1  }
0xa7: {  	s23 =	simm.s32 $0x1B8B  }
0xa8: {  	_ =	swait.ge [sflag:s23], $0x1  }
0xa9: {  	[sflag:s23] =	ssyncset.done $0x0  }
0xaa: {  	s25 =	simm.s32 $0x1B8E;
	s24 =	sld [smem:$0x3FFE];
	[sflag:s23] =	ssyncadd.s32 $0xFFFFFFFF  }
0xab: {  	s26 =	simm.s32 $execute0_lowered;
	[smem:$0x3FD2] =	sst s25  }
0xac: {  	s6 =	sshll.u32 s26, $0x1;
	_ =	strace $0x80000049;
	[dreg:$0x1] =	wrdreg $0xFFFFFFFF  }
0xad: {  	s28 =	simm.s32 $_size_execute0_lowered;
	s4 =	sadd.s32 s4, s6;
	[dreg:$0x0] =	wrdreg $0x0  }
0xae: {  	s6 =	sshll.u32 s28, $0x1;
	[dreg:$0x2] =	wrdreg s4  }
0xaf: {  	[dreg:$0x3] =	wrdreg s6  }
0xb0: {  	[dreg:$0x4] =	wrdreg $0xC0  }
0xb1: {  	_ =	task [dreg:s8], $0x5FFFF  }
0xb2: {  	[dreg:$0x1] =	wrdreg $0xFFFFFFFF  }
0xb3: {  	[dreg:$0x0] =	wrdreg $0x60  }
0xb4: {  	[dreg:$0x2] =	wrdreg s16  }
0xb5: {  	[dreg:$0x3] =	wrdreg s24  }
0xb6: {  	[dreg:$0x4] =	wrdreg s17  }
0xb7: {  	[dreg:$0x5] =	wrdreg $0x150000  }
0xb8: {  	[dreg:$0x6] =	wrdreg $0x9  }
0xb9: {  	_ =	task.clear_ibuf [dreg:s8], $0x7FFFF;
	_ =	strace $0x90000049  }
0xba: {  	s29 =	simm.s32 $0x9;
	_ =	strace $0x8000004B  }
0xbb: {  	_ =	swait.ge [sflag:s29], $0x1  }
0xbc: {  	[sflag:s29] =	ssyncadd.s32 $0xFFFFFFFF  }
0xbd: {  	_ =	strace $0x9000004B  }
0xbe: {  	_ =	sfence  }
0xbf: {  	s30 =	sld [smem:$0x0];
	_ =	sdelay $0x2  }
0xc0: {  	s31 =	sshll.u32 s1, $0xD;
	s1 =	sshrl.u32 s1, $0x2  }
0xc1: {  	s3 =	sand.u32 $0x4000, s31;
	s1 =	sadd.s32 s1, s30  }
0xc2: {  	s0 =	sor.u32 s3, s0;
	s1 =	sshll.u32 s1, $0x11  }
0xc3: {  	s0 =	sor.u32 s1, s0  }
0xc4: {  	s0 =	sadd.s32 $0x8F2B, s0  }
0xc5: {  	[sflag:s0] =	ssyncadd.remote.s32 $0x1  }
0xc6: {  	_ =	sfence.sel $0xFFFF  }
0xc7: {  	[dreg:$0x0] =	wrdreg $0xFFFFFFFF;
	(pc) =	sbr.abs _section_cstart, $3  }
0xc8: {  	[dreg:$0x1] =	wrdreg $0xFFFFFFFF  }
0xc9: {  	_ =	task.clear_ibuf [dreg:s8], $0x2FFFF;
	_ =	strace $0x9FFFFFFF  }
0xca: {  	(tm) =	ssettm $0x7FFFFFFF  }
0xcb: {  	_ =	shalt  }
tec
execute0_lowered:
.L_overlay_start_1:
0x0: {  	(tag) =	ssettag $0x1  }
0x1: {  	s0 =	rddreg [dreg:$0x0]  }
0x2: {  	s1 =	rddreg [dreg:$0x1];
	s2 =	srdreg.scid  }
0x3: {  	s3 =	rddreg [dreg:$0x3];
	s9 =	stileid.u32;
	s7 =	simm.s32 $0x0  }
0x4: {  	s14 =	simm.s32 $0x80;
	s15 =	simm.s32 $0x5000;
	s16 =	simm.s32 $0x7000  }
0x5: {  	s18 =	simm.s32 $0x9000;
	s20 =	simm.s32 $0xB000;
	s22 =	simm.s32 $0xD000  }
0x6: {  	s29 =	simm.s32 $0x13000;
	s30 =	simm.s32 $0x1;
	s31 =	simm.s32 $0x2  }
0x7: {  	s13 =	simm.s32 $0x6;
	s17 =	simm.s32 $0x7;
	s19 =	simm.s32 $0x8  }
0x8: {  	s21 =	simm.s32 $0x9;
	s28 =	simm.s32 $0xC;
	s10 =	simm.s32 $0x10  }
0x9: {  	s2 =	sand.u32 $0x1, s2;
	s6 =	smul.u32 $0x9E00, s9;
	[smem:$0x7FF] =	sst s7  }
0xa: {  	s25 =	sshll.u32 s9, $0x6;
	s7 =	simm.s32 $0xD;
	s4 =	sshll.u32 s2, $0x4  }
0xb: {  	s5 =	smul.u32 $0x9E000, s2;
	_ =	strace $0x8000004A;
	s2 =	ssub.s32 $0x2, s2  }
0xc: {  	s11 =	sor.u32 $0x1C11, s25;
	s25 =	simm.s32 $0xB;
	s4 =	sor.u32 s9, s4  }
0xd: {  	s24 =	sshrl.u32 s2, $0x1;
	s9 =	simm.s32 $0xF;
	[dreg:$0x5] =	wrdreg s11  }
0xe: {  	s4 =	smul.u32 $0x500, s4;
	s5 =	sadd.s32 s6, s5;
	s2 =	ssub.s32 s2, s24  }
0xf: {  	s6 =	sadd.s32 s6, s3;
	s24 =	simm.s32 $0xF000;
	s8 =	sshrl.u32 s5, $0x3  }
0x10: {  	s5 =	sadd.s32 $0xF000, s1;
	s12 =	sshrl.u32 s6, $0x3;
	s6 =	simm.s32 $0x0  }
0x11: {  	s23 =	sadd.s32 s4, s1;
	s1 =	sadd.s32 s8, s1;
	[dreg:$0xb] =	wrdreg s6  }
0x12: {  	s0 =	sadd.s32 s0, s4;
	s4 =	smax.u32 s2, $0x1;
	[dreg:$0xa] =	wrdreg s12  }
0x13: {  	s2 =	simm.s32 $0x5;
	s8 =	simm.s32 $0xE;
	[dreg:$0x6] =	wrdreg s0  }
0x14: {  	s26 =	sadd.s32 $0x5000, s23;
	s1 =	sadd.s32 $0x22C00, s1;
	[dreg:$0x9] =	wrdreg s4  }
0x15: {  	s0 =	simm.s32 $0x3;
	s23 =	simm.s32 $0xA;
	[dreg:$0x7] =	wrdreg s26  }
0x16: {  	[dreg:$0x8] =	wrdreg s1;
	s26 =	simm.s32 $0x11000;
	s1 =	simm.s32 $0x4  }
.LBB2_1:
0x17: {  	s4 =	simm.s32 $0x11;
	s6 =	rddreg [dreg:$0x2]  }
0x18: {  	[spmem:s12], [sflag:s11] =	dma.local [hbm:s6], $0x13C0  }
0x19: {  	_ =	swait.ge [sflag:s4], $0x13C0  }
0x1a: {  	[sflag:s4] =	ssyncset.done $0x0  }
0x1b: {  	s6 =	simm.s32 $0x0;
	s12 =	rddreg [dreg:$0x6];
	[sflag:s4] =	ssyncadd.s32 $0xFFFFEC40  }
0x1c: {  	[tilespmem:s6], [sflag:$0x11] =	stream.linear.gather [hbm4b:s12+s6], $0x2800, $0x38;
	[tilespmem:$0x1EE00] =	vst v63  }
0x1d: {  	_ =	swait.ge [sflag:s4], $0x2800  }
0x1e: {  	[sflag:s4] =	ssyncset.done $0x0  }
0x1f: {  	s12 =	simm.s32 $0x2800;
	s11 =	rddreg [dreg:$0x7];
	[sflag:s4] =	ssyncadd.s32 $0xFFFFD800  }
0x20: {  	[tilespmem:s12], [sflag:$0x11] =	stream.linear.gather [hbm4b:s11+s6], $0x2800, $0x38;
	[tilespmem:$0x1EE00] =	vst v63  }
0x21: {  	_ =	swait.ge [sflag:s4], $0x2800  }
0x22: {  	[sflag:s4] =	ssyncset.done $0x0  }
0x23: {  	[sflag:s4] =	ssyncadd.s32 $0xFFFFD800  }
0x24: {  	[bflag:$0x0] =	sbarrier.arrive $0xFFFF  }
0x25: {  	[tilespmem:s15], [sflag:$0x1] =	stream.indirect.gather [hbm4b:s5+s14], $0x40, s6, s14, $0xb8;
	[tilespmem:$0x1EE00] =	vst v63  }
0x26: {  	_ = 	snop  }
0x27: {  	[tilespmem:s16], [sflag:$0x2] =	stream.indirect.gather [hbm4b:s5+s14], $0x40, s14, s14, $0xb8;
	[tilespmem:$0x1EE00] =	vst v63  }
0x28: {  	s6 =	simm.s32 $0x100  }
0x29: {  	[tilespmem:s18], [sflag:$0x3] =	stream.indirect.gather [hbm4b:s5+s14], $0x40, s6, s14, $0xb8;
	[tilespmem:$0x1EE00] =	vst v63  }
0x2a: {  	s11 =	simm.s32 $0x180  }
0x2b: {  	[tilespmem:s20], [sflag:$0x4] =	stream.indirect.gather [hbm4b:s5+s14], $0x40, s11, s14, $0xb8;
	[tilespmem:$0x1EE00] =	vst v63  }
0x2c: {  	s12 =	simm.s32 $0x200  }
0x2d: {  	[tilespmem:s22], [sflag:$0x5] =	stream.indirect.gather [hbm4b:s5+s14], $0x40, s12, s14, $0xb8;
	[tilespmem:$0x1EE00] =	vst v63  }
0x2e: {  	s6 =	simm.s32 $0x280  }
0x2f: {  	[tilespmem:s24], [sflag:$0x6] =	stream.indirect.gather [hbm4b:s5+s14], $0x40, s6, s14, $0xb8;
	[tilespmem:$0x1EE00] =	vst v63  }
0x30: {  	s11 =	simm.s32 $0x300  }
0x31: {  	[tilespmem:s26], [sflag:$0x7] =	stream.indirect.gather [hbm4b:s5+s14], $0x40, s11, s14, $0xb8;
	[tilespmem:$0x1EE00] =	vst v63  }
0x32: {  	s12 =	simm.s32 $0x380  }
0x33: {  	[tilespmem:s29], [sflag:$0x8] =	stream.indirect.gather [hbm4b:s5+s14], $0x40, s12, s14, $0xb8;
	[tilespmem:$0x1EE00] =	vst v63  }
0x34: {  	_ =	swait.ge [sflag:s30], $0x2000  }
0x35: {  	[sflag:s30] =	ssyncset.done $0x0  }
0x36: {  	s4 =	simm.s32 $0x2800;
	[sflag:s30] =	ssyncadd.s32 $0xFFFFE000  }
0x37: {  	[spmem:s3] =	stream.indirect.scatter.add.f32 [tilespmem:s15], [sflag:$0x9], $0x40, s4, s14, $0xb8;
	[tilespmem:$0x1EE00] =	vst v63  }
0x38: {  	_ =	swait.ge [sflag:s31], $0x2000  }
0x39: {  	[sflag:s31] =	ssyncset.done $0x0  }
0x3a: {  	s11 =	simm.s32 $0x2880;
	[sflag:s31] =	ssyncadd.s32 $0xFFFFE000  }
0x3b: {  	[spmem:s3] =	stream.indirect.scatter.add.f32 [tilespmem:s16], [sflag:$0xA], $0x40, s11, s14, $0xb8;
	[tilespmem:$0x1EE00] =	vst v63  }
0x3c: {  	_ =	swait.ge [sflag:s0], $0x2000  }
0x3d: {  	[sflag:s0] =	ssyncset.done $0x0  }
0x3e: {  	s12 =	simm.s32 $0x2900;
	[sflag:s0] =	ssyncadd.s32 $0xFFFFE000  }
0x3f: {  	[spmem:s3] =	stream.indirect.scatter.add.f32 [tilespmem:s18], [sflag:$0xB], $0x40, s12, s14, $0xb8;
	[tilespmem:$0x1EE00] =	vst v63  }
0x40: {  	_ =	swait.ge [sflag:s1], $0x2000  }
0x41: {  	[sflag:s1] =	ssyncset.done $0x0  }
0x42: {  	s4 =	simm.s32 $0x2980;
	[sflag:s1] =	ssyncadd.s32 $0xFFFFE000  }
0x43: {  	[spmem:s3] =	stream.indirect.scatter.add.f32 [tilespmem:s20], [sflag:$0xC], $0x40, s4, s14, $0xb8;
	[tilespmem:$0x1EE00] =	vst v63  }
0x44: {  	_ =	swait.ge [sflag:s2], $0x2000  }
0x45: {  	[sflag:s2] =	ssyncset.done $0x0  }
0x46: {  	s11 =	simm.s32 $0x2A00;
	[sflag:s2] =	ssyncadd.s32 $0xFFFFE000  }
0x47: {  	[spmem:s3] =	stream.indirect.scatter.add.f32 [tilespmem:s22], [sflag:$0xD], $0x40, s11, s14, $0xb8;
	[tilespmem:$0x1EE00] =	vst v63  }
0x48: {  	_ =	swait.ge [sflag:s13], $0x2000  }
0x49: {  	[sflag:s13] =	ssyncset.done $0x0  }
0x4a: {  	s12 =	simm.s32 $0x2A80;
	[sflag:s13] =	ssyncadd.s32 $0xFFFFE000  }
0x4b: {  	[spmem:s3] =	stream.indirect.scatter.add.f32 [tilespmem:s24], [sflag:$0xE], $0x40, s12, s14, $0xb8;
	[tilespmem:$0x1EE00] =	vst v63  }
0x4c: {  	_ =	swait.ge [sflag:s17], $0x2000  }
0x4d: {  	[sflag:s17] =	ssyncset.done $0x0  }
0x4e: {  	s4 =	simm.s32 $0x2B00;
	[sflag:s17] =	ssyncadd.s32 $0xFFFFE000  }
0x4f: {  	[spmem:s3] =	stream.indirect.scatter.add.f32 [tilespmem:s26], [sflag:$0xF], $0x40, s4, s14, $0xb8;
	[tilespmem:$0x1EE00] =	vst v63  }
0x50: {  	_ =	swait.ge [sflag:s19], $0x2000  }
0x51: {  	[sflag:s19] =	ssyncset.done $0x0  }
0x52: {  	s11 =	simm.s32 $0x2B80;
	[sflag:s19] =	ssyncadd.s32 $0xFFFFE000  }
0x53: {  	[spmem:s3] =	stream.indirect.scatter.add.f32 [tilespmem:s29], [sflag:$0x10], $0x40, s11, s14, $0xb8;
	[tilespmem:$0x1EE00] =	vst v63  }
0x54: {  	_ =	swait.ge [sflag:s21], $0x2000  }
0x55: {  	[sflag:s21] =	ssyncset.done $0x0  }
0x56: {  	s12 =	simm.s32 $0x400;
	[sflag:s21] =	ssyncadd.s32 $0xFFFFE000  }
0x57: {  	[tilespmem:s15], [sflag:$0x1] =	stream.indirect.gather [hbm4b:s5+s14], $0x40, s12, s14, $0xb8;
	[tilespmem:$0x1EE00] =	vst v63  }
0x58: {  	_ =	swait.ge [sflag:s23], $0x2000  }
0x59: {  	[sflag:s23] =	ssyncset.done $0x0  }
0x5a: {  	s4 =	simm.s32 $0x480;
	[sflag:s23] =	ssyncadd.s32 $0xFFFFE000  }
0x5b: {  	[tilespmem:s16], [sflag:$0x2] =	stream.indirect.gather [hbm4b:s5+s14], $0x40, s4, s14, $0xb8;
	[tilespmem:$0x1EE00] =	vst v63  }
0x5c: {  	_ =	swait.ge [sflag:s25], $0x2000  }
0x5d: {  	[sflag:s25] =	ssyncset.done $0x0  }
0x5e: {  	s11 =	simm.s32 $0x500;
	[sflag:s25] =	ssyncadd.s32 $0xFFFFE000  }
0x5f: {  	[tilespmem:s18], [sflag:$0x3] =	stream.indirect.gather [hbm4b:s5+s14], $0x40, s11, s14, $0xb8;
	[tilespmem:$0x1EE00] =	vst v63  }
0x60: {  	_ =	swait.ge [sflag:s28], $0x2000  }
0x61: {  	[sflag:s28] =	ssyncset.done $0x0  }
0x62: {  	s12 =	simm.s32 $0x580;
	[sflag:s28] =	ssyncadd.s32 $0xFFFFE000  }
0x63: {  	[tilespmem:s20], [sflag:$0x4] =	stream.indirect.gather [hbm4b:s5+s14], $0x40, s12, s14, $0xb8;
	[tilespmem:$0x1EE00] =	vst v63  }
0x64: {  	_ =	swait.ge [sflag:s7], $0x2000  }
0x65: {  	[sflag:s7] =	ssyncset.done $0x0  }
0x66: {  	s4 =	simm.s32 $0x600;
	[sflag:s7] =	ssyncadd.s32 $0xFFFFE000  }
0x67: {  	[tilespmem:s22], [sflag:$0x5] =	stream.indirect.gather [hbm4b:s5+s14], $0x40, s4, s14, $0xb8;
	[tilespmem:$0x1EE00] =	vst v63  }
0x68: {  	_ =	swait.ge [sflag:s8], $0x2000  }
0x69: {  	[sflag:s8] =	ssyncset.done $0x0  }
0x6a: {  	s11 =	simm.s32 $0x680;
	[sflag:s8] =	ssyncadd.s32 $0xFFFFE000  }
0x6b: {  	[tilespmem:s24], [sflag:$0x6] =	stream.indirect.gather [hbm4b:s5+s14], $0x40, s11, s14, $0xb8;
	[tilespmem:$0x1EE00] =	vst v63  }
0x6c: {  	_ =	swait.ge [sflag:s9], $0x2000  }
0x6d: {  	[sflag:s9] =	ssyncset.done $0x0  }
0x6e: {  	s12 =	simm.s32 $0x700;
	[sflag:s9] =	ssyncadd.s32 $0xFFFFE000  }
0x6f: {  	[tilespmem:s26], [sflag:$0x7] =	stream.indirect.gather [hbm4b:s5+s14], $0x40, s12, s14, $0xb8;
	[tilespmem:$0x1EE00] =	vst v63  }
0x70: {  	_ =	swait.ge [sflag:s10], $0x2000  }
0x71: {  	[sflag:s10] =	ssyncset.done $0x0  }
0x72: {  	s6 =	simm.s32 $0x1000;
	s11 =	simm.s32 $0x780;
	[sflag:s10] =	ssyncadd.s32 $0xFFFFE000  }
.LBB2_2:
0x73: {  	[tilespmem:s29], [sflag:$0x8] =	stream.indirect.gather [hbm4b:s5+s14], $0x40, s11, s14, $0xb8;
	[tilespmem:$0x1EE00] =	vst v63  }
0x74: {  	s11 =	smov.u32 s6  }
0x75: {  	p0 =	sne.s32 s6, $0x8000;
	s6 =	sadd.s32 $0x1000, s6;
	_ =	swait.ge [sflag:s30], $0x2000  }
0x76: {  	s11 =	sshra.s32 s11, $0x2;
	[sflag:s30] =	ssyncset.done $0x0  }
0x77: {  	s12 =	sadd.s32 $0x2800, s11;
	[sflag:s30] =	ssyncadd.s32 $0xFFFFE000  }
0x78: {  	[spmem:s3] =	stream.indirect.scatter.add.f32 [tilespmem:s15], [sflag:$0x9], $0x40, s12, s14, $0xb8;
	[tilespmem:$0x1EE00] =	vst v63  }
0x79: {  	_ =	swait.ge [sflag:s31], $0x2000  }
0x7a: {  	[sflag:s31] =	ssyncset.done $0x0  }
0x7b: {  	s12 =	sadd.s32 $0x2880, s11;
	[sflag:s31] =	ssyncadd.s32 $0xFFFFE000  }
0x7c: {  	[spmem:s3] =	stream.indirect.scatter.add.f32 [tilespmem:s16], [sflag:$0xA], $0x40, s12, s14, $0xb8;
	[tilespmem:$0x1EE00] =	vst v63  }
0x7d: {  	_ =	swait.ge [sflag:s0], $0x2000  }
0x7e: {  	[sflag:s0] =	ssyncset.done $0x0  }
0x7f: {  	s12 =	sadd.s32 $0x2900, s11;
	[sflag:s0] =	ssyncadd.s32 $0xFFFFE000  }
0x80: {  	[spmem:s3] =	stream.indirect.scatter.add.f32 [tilespmem:s18], [sflag:$0xB], $0x40, s12, s14, $0xb8;
	[tilespmem:$0x1EE00] =	vst v63  }
0x81: {  	_ =	swait.ge [sflag:s1], $0x2000  }
0x82: {  	[sflag:s1] =	ssyncset.done $0x0  }
0x83: {  	s12 =	sadd.s32 $0x2980, s11;
	[sflag:s1] =	ssyncadd.s32 $0xFFFFE000  }
0x84: {  	[spmem:s3] =	stream.indirect.scatter.add.f32 [tilespmem:s20], [sflag:$0xC], $0x40, s12, s14, $0xb8;
	[tilespmem:$0x1EE00] =	vst v63  }
0x85: {  	_ =	swait.ge [sflag:s2], $0x2000  }
0x86: {  	[sflag:s2] =	ssyncset.done $0x0  }
0x87: {  	s12 =	sadd.s32 $0x2A00, s11;
	[sflag:s2] =	ssyncadd.s32 $0xFFFFE000  }
0x88: {  	[spmem:s3] =	stream.indirect.scatter.add.f32 [tilespmem:s22], [sflag:$0xD], $0x40, s12, s14, $0xb8;
	[tilespmem:$0x1EE00] =	vst v63  }
0x89: {  	_ =	swait.ge [sflag:s13], $0x2000  }
0x8a: {  	[sflag:s13] =	ssyncset.done $0x0  }
0x8b: {  	s12 =	sadd.s32 $0x2A80, s11;
	[sflag:s13] =	ssyncadd.s32 $0xFFFFE000  }
0x8c: {  	[spmem:s3] =	stream.indirect.scatter.add.f32 [tilespmem:s24], [sflag:$0xE], $0x40, s12, s14, $0xb8;
	[tilespmem:$0x1EE00] =	vst v63  }
0x8d: {  	_ =	swait.ge [sflag:s17], $0x2000  }
0x8e: {  	[sflag:s17] =	ssyncset.done $0x0  }
0x8f: {  	s12 =	sadd.s32 $0x2B00, s11;
	[sflag:s17] =	ssyncadd.s32 $0xFFFFE000  }
0x90: {  	[spmem:s3] =	stream.indirect.scatter.add.f32 [tilespmem:s26], [sflag:$0xF], $0x40, s12, s14, $0xb8;
	[tilespmem:$0x1EE00] =	vst v63  }
0x91: {  	_ =	swait.ge [sflag:s19], $0x2000  }
0x92: {  	[sflag:s19] =	ssyncset.done $0x0  }
0x93: {  	s12 =	sadd.s32 $0x2B80, s11;
	[sflag:s19] =	ssyncadd.s32 $0xFFFFE000  }
0x94: {  	[spmem:s3] =	stream.indirect.scatter.add.f32 [tilespmem:s29], [sflag:$0x10], $0x40, s12, s14, $0xb8;
	[tilespmem:$0x1EE00] =	vst v63  }
0x95: {  	_ =	swait.ge [sflag:s21], $0x2000  }
0x96: {  	[sflag:s21] =	ssyncset.done $0x0  }
0x97: {  	s12 =	sadd.s32 $0x400, s11;
	[sflag:s21] =	ssyncadd.s32 $0xFFFFE000  }
0x98: {  	[tilespmem:s15], [sflag:$0x1] =	stream.indirect.gather [hbm4b:s5+s14], $0x40, s12, s14, $0xb8;
	[tilespmem:$0x1EE00] =	vst v63  }
0x99: {  	_ =	swait.ge [sflag:s23], $0x2000  }
0x9a: {  	[sflag:s23] =	ssyncset.done $0x0  }
0x9b: {  	s12 =	sadd.s32 $0x480, s11;
	[sflag:s23] =	ssyncadd.s32 $0xFFFFE000  }
0x9c: {  	[tilespmem:s16], [sflag:$0x2] =	stream.indirect.gather [hbm4b:s5+s14], $0x40, s12, s14, $0xb8;
	[tilespmem:$0x1EE00] =	vst v63  }
0x9d: {  	_ =	swait.ge [sflag:s25], $0x2000  }
0x9e: {  	[sflag:s25] =	ssyncset.done $0x0  }
0x9f: {  	s12 =	sadd.s32 $0x500, s11;
	[sflag:s25] =	ssyncadd.s32 $0xFFFFE000  }
0xa0: {  	[tilespmem:s18], [sflag:$0x3] =	stream.indirect.gather [hbm4b:s5+s14], $0x40, s12, s14, $0xb8;
	[tilespmem:$0x1EE00] =	vst v63  }
0xa1: {  	_ =	swait.ge [sflag:s28], $0x2000  }
0xa2: {  	[sflag:s28] =	ssyncset.done $0x0  }
0xa3: {  	s12 =	sadd.s32 $0x580, s11;
	[sflag:s28] =	ssyncadd.s32 $0xFFFFE000  }
0xa4: {  	[tilespmem:s20], [sflag:$0x4] =	stream.indirect.gather [hbm4b:s5+s14], $0x40, s12, s14, $0xb8;
	[tilespmem:$0x1EE00] =	vst v63  }
0xa5: {  	_ =	swait.ge [sflag:s7], $0x2000  }
0xa6: {  	[sflag:s7] =	ssyncset.done $0x0  }
0xa7: {  	s12 =	sadd.s32 $0x600, s11;
	[sflag:s7] =	ssyncadd.s32 $0xFFFFE000  }
0xa8: {  	[tilespmem:s22], [sflag:$0x5] =	stream.indirect.gather [hbm4b:s5+s14], $0x40, s12, s14, $0xb8;
	[tilespmem:$0x1EE00] =	vst v63  }
0xa9: {  	_ =	swait.ge [sflag:s8], $0x2000  }
0xaa: {  	[sflag:s8] =	ssyncset.done $0x0  }
0xab: {  	s12 =	sadd.s32 $0x680, s11;
	[sflag:s8] =	ssyncadd.s32 $0xFFFFE000  }
0xac: {  	[tilespmem:s24], [sflag:$0x6] =	stream.indirect.gather [hbm4b:s5+s14], $0x40, s12, s14, $0xb8;
	[tilespmem:$0x1EE00] =	vst v63  }
0xad: {  	_ =	swait.ge [sflag:s9], $0x2000  }
0xae: {  	[sflag:s9] =	ssyncset.done $0x0  }
.Ltmp0:
0xaf: {  	s12 =	sadd.s32 $0x700, s11;
	[sflag:s9] =	ssyncadd.s32 $0xFFFFE000;
	(pc) =	sbr.rel @p0 .LBB2_2-.Ltmp0, $4  }
0xb0: {  	[tilespmem:s26], [sflag:$0x7] =	stream.indirect.gather [hbm4b:s5+s14], $0x40, s12, s14, $0xb8;
	[tilespmem:$0x1EE00] =	vst v63  }
0xb1: {  	_ =	swait.ge [sflag:s10], $0x2000  }
0xb2: {  	[sflag:s10] =	ssyncset.done $0x0  }
0xb3: {  	s11 =	sadd.s32 $0x780, s11;
	[sflag:s10] =	ssyncadd.s32 $0xFFFFE000  }
0xb4: {  	[tilespmem:s29], [sflag:$0x8] =	stream.indirect.gather [hbm4b:s5+s14], $0x40, s11, s14, $0xb8;
	[tilespmem:$0x1EE00] =	vst v63  }
0xb5: {  	_ =	swait.ge [sflag:s30], $0x2000  }
0xb6: {  	[sflag:s30] =	ssyncset.done $0x0  }
0xb7: {  	s4 =	simm.s32 $0x4C00;
	[sflag:s30] =	ssyncadd.s32 $0xFFFFE000  }
0xb8: {  	[spmem:s3] =	stream.indirect.scatter.add.f32 [tilespmem:s15], [sflag:$0x9], $0x40, s4, s14, $0xb8;
	[tilespmem:$0x1EE00] =	vst v63  }
0xb9: {  	_ =	swait.ge [sflag:s31], $0x2000  }
0xba: {  	[sflag:s31] =	ssyncset.done $0x0  }
0xbb: {  	s12 =	simm.s32 $0x4C80;
	[sflag:s31] =	ssyncadd.s32 $0xFFFFE000  }
0xbc: {  	[spmem:s3] =	stream.indirect.scatter.add.f32 [tilespmem:s16], [sflag:$0xA], $0x40, s12, s14, $0xb8;
	[tilespmem:$0x1EE00] =	vst v63  }
0xbd: {  	_ =	swait.ge [sflag:s0], $0x2000  }
0xbe: {  	[sflag:s0] =	ssyncset.done $0x0  }
0xbf: {  	s6 =	simm.s32 $0x4D00;
	[sflag:s0] =	ssyncadd.s32 $0xFFFFE000  }
0xc0: {  	[spmem:s3] =	stream.indirect.scatter.add.f32 [tilespmem:s18], [sflag:$0xB], $0x40, s6, s14, $0xb8;
	[tilespmem:$0x1EE00] =	vst v63  }
0xc1: {  	_ =	swait.ge [sflag:s1], $0x2000  }
0xc2: {  	[sflag:s1] =	ssyncset.done $0x0  }
0xc3: {  	s11 =	simm.s32 $0x4D80;
	[sflag:s1] =	ssyncadd.s32 $0xFFFFE000  }
0xc4: {  	[spmem:s3] =	stream.indirect.scatter.add.f32 [tilespmem:s20], [sflag:$0xC], $0x40, s11, s14, $0xb8;
	[tilespmem:$0x1EE00] =	vst v63  }
0xc5: {  	_ =	swait.ge [sflag:s2], $0x2000  }
0xc6: {  	[sflag:s2] =	ssyncset.done $0x0  }
0xc7: {  	s12 =	simm.s32 $0x4E00;
	[sflag:s2] =	ssyncadd.s32 $0xFFFFE000  }
0xc8: {  	[spmem:s3] =	stream.indirect.scatter.add.f32 [tilespmem:s22], [sflag:$0xD], $0x40, s12, s14, $0xb8;
	[tilespmem:$0x1EE00] =	vst v63  }
0xc9: {  	_ =	swait.ge [sflag:s13], $0x2000  }
0xca: {  	[sflag:s13] =	ssyncset.done $0x0  }
0xcb: {  	s6 =	simm.s32 $0x4E80;
	[sflag:s13] =	ssyncadd.s32 $0xFFFFE000  }
0xcc: {  	[spmem:s3] =	stream.indirect.scatter.add.f32 [tilespmem:s24], [sflag:$0xE], $0x40, s6, s14, $0xb8;
	[tilespmem:$0x1EE00] =	vst v63  }
0xcd: {  	_ =	swait.ge [sflag:s17], $0x2000  }
0xce: {  	[sflag:s17] =	ssyncset.done $0x0  }
0xcf: {  	s11 =	simm.s32 $0x4F00;
	[sflag:s17] =	ssyncadd.s32 $0xFFFFE000  }
0xd0: {  	[spmem:s3] =	stream.indirect.scatter.add.f32 [tilespmem:s26], [sflag:$0xF], $0x40, s11, s14, $0xb8;
	[tilespmem:$0x1EE00] =	vst v63  }
0xd1: {  	_ =	swait.ge [sflag:s19], $0x2000  }
0xd2: {  	[sflag:s19] =	ssyncset.done $0x0  }
0xd3: {  	s12 =	simm.s32 $0x4F80;
	[sflag:s19] =	ssyncadd.s32 $0xFFFFE000  }
0xd4: {  	[spmem:s3] =	stream.indirect.scatter.add.f32 [tilespmem:s29], [sflag:$0x10], $0x40, s12, s14, $0xb8;
	[tilespmem:$0x1EE00] =	vst v63  }
0xd5: {  	_ =	swait.ge [sflag:s21], $0x2000  }
0xd6: {  	[sflag:s21] =	ssyncset.done $0x0  }
0xd7: {  	[sflag:s21] =	ssyncadd.s32 $0xFFFFE000  }
0xd8: {  	_ =	swait.ge [sflag:s23], $0x2000  }
0xd9: {  	[sflag:s23] =	ssyncset.done $0x0  }
0xda: {  	[sflag:s23] =	ssyncadd.s32 $0xFFFFE000  }
0xdb: {  	_ =	swait.ge [sflag:s25], $0x2000  }
0xdc: {  	[sflag:s25] =	ssyncset.done $0x0  }
0xdd: {  	[sflag:s25] =	ssyncadd.s32 $0xFFFFE000  }
0xde: {  	_ =	swait.ge [sflag:s28], $0x2000  }
0xdf: {  	[sflag:s28] =	ssyncset.done $0x0  }
0xe0: {  	[sflag:s28] =	ssyncadd.s32 $0xFFFFE000  }
0xe1: {  	_ =	swait.ge [sflag:s7], $0x2000  }
0xe2: {  	[sflag:s7] =	ssyncset.done $0x0  }
0xe3: {  	[sflag:s7] =	ssyncadd.s32 $0xFFFFE000  }
0xe4: {  	_ =	swait.ge [sflag:s8], $0x2000  }
0xe5: {  	[sflag:s8] =	ssyncset.done $0x0  }
0xe6: {  	[sflag:s8] =	ssyncadd.s32 $0xFFFFE000  }
0xe7: {  	_ =	swait.ge [sflag:s9], $0x2000  }
0xe8: {  	[sflag:s9] =	ssyncset.done $0x0  }
0xe9: {  	[sflag:s9] =	ssyncadd.s32 $0xFFFFE000  }
0xea: {  	_ =	swait.ge [sflag:s10], $0x2000  }
0xeb: {  	[sflag:s10] =	ssyncset.done $0x0  }
0xec: {  	[sflag:s10] =	ssyncadd.s32 $0xFFFFE000  }
0xed: {  	[bflag:$0x0] =	sbarrier.arrive $0xFFFF  }
0xee: {  	s11 =	rddreg [dreg:$0x5]  }
0xef: {  	s6 =	rddreg [dreg:$0x8]  }
0xf0: {  	s12 =	rddreg [dreg:$0xa]  }
0xf1: {  	[hbm:s6], [sflag:s11] =	dma.local [spmem:s12], $0x13C0  }
0xf2: {  	s6 =	simm.s32 $0x11  }
0xf3: {  	_ =	swait.ge [sflag:s6], $0x13C0  }
0xf4: {  	s4 =	rddreg [dreg:$0xb]  }
0xf5: {  	[sflag:s6] =	ssyncset.done $0x0;
	s6 =	rddreg [dreg:$0x9];
	s4 =	sadd.s32 $0x1, s4  }
0xf6: {  	p0 =	sne.s32 s4, s6  }
.Ltmp1:
0xf7: {  	_ = 	snop;
	(pc) =	sbr.rel @p0 .LBB2_1-.Ltmp1, $3  }
0xf8: {  	_ =	sdelay $0x1  }
0xf9: {  	s6 =	simm.s32 $0x11  }
0xfa: {  	[dreg:$0xb] =	wrdreg s4;
	[sflag:s6] =	ssyncadd.s32 $0xFFFFEC40  }
0xfb: {  	_ =	sfence.sel $0x180000  }
0xfc: {  	[bflag:$0x0] =	sbarrier.arrive $0xFFFF  }
0xfd: {  	_ =	strace $0x9000004A  }
0xfe: {  	s0 =	stileid.u32;
	[bflag:$0x2] =	sbarrier.arrive $0xFFFF  }
0xff: {  	p0 =	sne.s32 s0, $0x0;
	s0 =	rddreg [dreg:$0x4]  }
0x100: {  	s0 =	sadd.s32 @!p0 $0x100000, s0  }
0x101: {  	[sflag:s0] =	ssyncadd.tile.s32 @!p0 $0x1;
	_ =	shalt  }
.Lfunc_end2:
_tile_overlayer_lowered:
.L_overlay_start_2:
0x102: {  	(tag) =	ssettag $0x2  }
0x103: {  	s0 =	rddreg [dreg:$0x0];
	s2 =	stileid.u32  }
0x104: {  	s1 =	rddreg [dreg:$0x1];
	p0 =	sne.s32 s2, $0x0  }
0x105: {  	s3 =	rddreg [dreg:$0x2];
	[bflag:$0x3] =	sbarrier.arrive $0xFFFF;
	s2 =	simm.s32 @!p0 $0x1C11  }
0x106: {  	[timem:s3], [sflag:s2] =	dma.local @!p0 [hbm:s0], s1  }
0x107: {  	s0 =	simm.s32 @!p0 $0x11  }
0x108: {  	_ =	swait.ge @!p0 [sflag:s0], s1  }
0x109: {  	s1 =	ssub.s32 @!p0 $0x0, s1;
	[sflag:s0] =	ssyncset.done @!p0 $0x0  }
0x10a: {  	[sflag:s0] =	ssyncadd.s32 @!p0 s1  }
0x10b: {  	[bflag:$0x3] =	sbarrier.arrive $0xFFFF  }
0x10c: {  	_ =	shalt  }

// kernel: kernel.15.cloned.1.call-start
scs
__scs_entry_jumppad:
0x0: {  	(pc) =	sbr.rel $0x88, $3  }
0x1: {  	(tag) =	ssettag $0x0;
	lr =	simm.s32 $0x1  }
0x2: {  	[smem:$0x3F88] =	sst lr;
	_ =	strace $0xD0000000  }
0x3: {  	_ = 	snop  }
0x4: {  	_ = 	snop  }
0x5: {  	_ = 	snop  }
0x6: {  	_ = 	snop  }
0x7: {  	_ = 	snop  }
__scs_overlays_trampoline_lowered:
0x8: {  	[smem:$0x3F97] =	sst s0  }
0x9: {  	[smem:$0x3F98] =	sst s1  }
0xa: {  	[smem:$0x3F99] =	sst s2  }
0xb: {  	[smem:$0x3F9A] =	sst s3  }
0xc: {  	[smem:$0x3F9B] =	sst s4  }
0xd: {  	[smem:$0x3F9C] =	sst s5  }
0xe: {  	[smem:$0x3F9D] =	sst s6  }
0xf: {  	[smem:$0x3F9E] =	sst s7  }
0x10: {  	[smem:$0x3F9F] =	sst s8  }
0x11: {  	[smem:$0x3FA0] =	sst s9;
	s0 =	simm.s32 @!p0 $0x0  }
0x12: {  	s1 =	sld [smem:$0x3F86];
	s0 =	simm.s32 @p0 $0x1  }
0x13: {  	[smem:$0x3FA1] =	sst s0;
	s0 =	simm.s32 @!p1 $0x0  }
0x14: {  	s2 =	sld [smem:$0x3F85];
	s0 =	simm.s32 @p1 $0x1  }
0x15: {  	[smem:$0x3FA2] =	sst s0;
	s0 =	simm.s32 @!p2 $0x0  }
0x16: {  	s3 =	sld [smem:$0x3FDB];
	s0 =	simm.s32 @p2 $0x1  }
0x17: {  	s4 =	simm.s32 $0x1BF5;
	[smem:$0x3FA4] =	sst s0  }
0x18: {  	s0 =	sld [smem:$0x3F87];
	_ =	swait.ge [sflag:s4], $0x0  }
0x19: {  	s7 =	sld [smem:$0x3F88]  }
0x1a: {  	s8 =	sadd.s32 $0xFFFFE003, lr  }
0x1b: {  	s9 =	sadd.s32 $0xFFFFFEF7, lr;
	s5 =	simm.s32 $0xFFFFFFFF;
	p2 =	slt.u32 s8, $0xFFFFF086  }
0x1c: {  	p1 =	slt.u32 s9, $0xF7A;
	s5 =	simm.s32 @!p2 $0x0  }
0x1d: {  	s5 =	simm.s32 @p1 $0x1;
	p0 =	seq.s32 s7, s2  }
0x1e: {  	s7 =	smul.u32 @!p0 $0xF7A, s2;
	p2 =	seq.s32 @!p0 s5, $0x0  }
0x1f: {  	s9 =	smul.u32 $0xF7A, s1;
	s8 =	simm.s32 @!p0 $0x1BF5;
	p2 =	por !p2, p0  }
0x20: {  	[sflag:s8] =	ssyncset.s32 @!p0 $0xFFFFF086;
	s6 =	sadd.s32 @!p0 s3, s7;
	s7 =	simm.s32 @!p0 $0x108  }
0x21: {  	s3 =	sadd.s32 s3, s9;
	s6 =	sadd.s32 @!p0 $0x88, s6;
	s7 =	simm.s32 @p2 $0x1082  }
0x22: {  	[simem:s7], [sflag:s8] =	dma.local @!p0 [hbm:s6], $0xF7A  }
0x23: {  	s9 =	sor.u32 $0xD0000000, s2;
	s6 =	simm.s32 $0x108;
	_ =	swait.ge @!p0 [sflag:s8], $0x0  }
0x24: {  	s3 =	sadd.s32 $0x88, s3;
	s6 =	simm.s32 @!p1 $0x1082;
	[sflag:s4] =	ssyncset.s32 $0xFFFFF086  }
0x25: {  	[simem:s6], [sflag:s4] =	dma.local [hbm:s3], $0xF7A  }
0x26: {  	[smem:$0x3F88] =	sst s1;
	(tag) =	ssettag s2;
	_ =	strace s9  }
0x27: {  	s1 =	sld [smem:$0x3F98]  }
0x28: {  	s2 =	sld [smem:$0x3F99]  }
0x29: {  	s4 =	sld [smem:$0x3F9B]  }
0x2a: {  	p0 =	seq.s32 s5, $0x0;
	s5 =	sld [smem:$0x3F9C]  }
0x2b: {  	s6 =	sld [smem:$0x3F9D]  }
0x2c: {  	s7 =	sld [smem:$0x3F9E]  }
0x2d: {  	s3 =	simm.s32 $0x108;
	s8 =	sld [smem:$0x3F9F]  }
0x2e: {  	s3 =	simm.s32 @!p0 $0x1082;
	s9 =	sld [smem:$0x3FA0]  }
0x2f: {  	lr =	sadd.s32 s0, s3;
	s0 =	sld [smem:$0x3F97]  }
0x30: {  	s3 =	sld [smem:$0x3F9A]  }
0x31: {  	[smem:$0x3FA3] =	sst s10  }
0x32: {  	s10 =	sld [smem:$0x3FA1];
	_ =	sdelay $0x3  }
0x33: {  	p0 =	seq.s32 s10, $0x1;
	s10 =	sld [smem:$0x3FA3];
	_ =	sdelay $0x3  }
0x34: {  	[smem:$0x3FA3] =	sst s10  }
0x35: {  	s10 =	sld [smem:$0x3FA2];
	_ =	sdelay $0x3  }
0x36: {  	p1 =	seq.s32 s10, $0x1;
	s10 =	sld [smem:$0x3FA3];
	_ =	sdelay $0x3  }
0x37: {  	[smem:$0x3FA3] =	sst s10  }
0x38: {  	s10 =	sld [smem:$0x3FA4]  }
0x39: {  	_ = 	snop;
	(pc) =	sbr.ind lr, $3  }
0x3a: {  	_ = 	snop  }
0x3b: {  	_ = 	snop  }
0x3c: {  	p2 =	seq.s32 s10, $0x1;
	s10 =	sld [smem:$0x3FA3]  }
0x3d: {  	_ =	shalt  }
0x3e: {  	_ =	shalt  }
0x3f: {  	_ =	shalt  }
0x40: {  	_ =	shalt  }
0x41: {  	_ =	shalt  }
0x42: {  	_ =	shalt  }
0x43: {  	_ =	shalt  }
0x44: {  	_ =	shalt  }
0x45: {  	_ =	shalt  }
0x46: {  	_ =	shalt  }
0x47: {  	_ =	shalt  }
0x48: {  	_ =	shalt  }
0x49: {  	_ =	shalt  }
0x4a: {  	_ =	shalt  }
0x4b: {  	_ =	shalt  }
0x4c: {  	_ =	shalt  }
0x4d: {  	_ =	shalt  }
0x4e: {  	_ =	shalt  }
0x4f: {  	_ =	shalt  }
0x50: {  	_ =	shalt  }
0x51: {  	_ =	shalt  }
0x52: {  	_ =	shalt  }
0x53: {  	_ =	shalt  }
0x54: {  	_ =	shalt  }
0x55: {  	_ =	shalt  }
0x56: {  	_ =	shalt  }
0x57: {  	_ =	shalt  }
0x58: {  	_ =	shalt  }
0x59: {  	_ =	shalt  }
0x5a: {  	_ =	shalt  }
0x5b: {  	_ =	shalt  }
0x5c: {  	_ =	shalt  }
0x5d: {  	_ =	shalt  }
0x5e: {  	_ =	shalt  }
0x5f: {  	_ =	shalt  }
0x60: {  	_ =	shalt  }
0x61: {  	_ =	shalt  }
0x62: {  	_ =	shalt  }
0x63: {  	_ =	shalt  }
0x64: {  	_ =	shalt  }
0x65: {  	_ =	shalt  }
0x66: {  	_ =	shalt  }
0x67: {  	_ =	shalt  }
0x68: {  	_ =	shalt  }
0x69: {  	_ =	shalt  }
0x6a: {  	_ =	shalt  }
0x6b: {  	_ =	shalt  }
0x6c: {  	_ =	shalt  }
0x6d: {  	_ =	shalt  }
0x6e: {  	_ =	shalt  }
0x6f: {  	_ =	shalt  }
0x70: {  	_ =	shalt  }
0x71: {  	_ =	shalt  }
0x72: {  	_ =	shalt  }
0x73: {  	_ =	shalt  }
0x74: {  	_ =	shalt  }
0x75: {  	_ =	shalt  }
0x76: {  	_ =	shalt  }
0x77: {  	_ =	shalt  }
0x78: {  	_ =	shalt  }
0x79: {  	_ =	shalt  }
0x7a: {  	_ =	shalt  }
0x7b: {  	_ =	shalt  }
0x7c: {  	_ =	shalt  }
0x7d: {  	_ =	shalt  }
0x7e: {  	_ =	shalt  }
0x7f: {  	_ =	shalt  }
0x80: {  	_ =	shalt  }
0x81: {  	_ =	shalt  }
0x82: {  	_ =	shalt  }
0x83: {  	_ =	shalt  }
0x84: {  	_ =	shalt  }
0x85: {  	_ =	shalt  }
0x86: {  	_ =	shalt  }
0x87: {  	_ =	shalt  }
.Lfunc_end0:
.L_simem_size_0:
called_computation.2_lowered:
.L_overlay_start_0:
0x88: {  	s2 =	sld [smem:$0x3FD9]  }
0x89: {  	s3 =	sld [smem:$0x3FFE];
	_ =	sdelay $0x1  }
0x8a: {  	s1 =	srdreg.scid  }
0x8b: {  	s0 =	sand.u32 $0x1, s1  }
0x8c: {  	s14 =	sshll.u32 s0, $0xA;
	s2 =	sadd.s32 s3, s2  }
0x8d: {  	s2 =	sadd.s32 s2, s14  }
0x8e: {  	[smem:$0x3FAF] =	sst s2  }
0x8f: {  	_ = 	snop  }
0x90: {  	s2 =	sld [smem:$0x3FD0];
	_ =	sdelay $0x2  }
0x91: {  	s15 =	simm.s32 $0xA;
	s4 =	simm.s32 $0x10  }
0x92: {  	[smem:s4], [sflag:s15] =	dma.local [hbm:s2], $0x1  }
0x93: {  	_ =	swait.eq [sflag:s15], $0x1  }
0x94: {  	[sflag:s15] =	ssyncset.done $0x0  }
0x95: {  	s16 =	sld [smem:$0x10];
	[sflag:s15] =	ssyncadd.s32 $0xFFFFFFFF  }
0x96: {  	s17 =	sld [smem:$0x14];
	(tm) =	ssettm $0x1  }
0x97: {  	s18 =	sld [smem:$0x3FFB];
	_ =	sdelay $0x3  }
0x98: {  	_ =	strace s18  }
0x99: {  	s4 =	sld [smem:$0x3FFC];
	_ =	sdelay $0x3  }
0x9a: {  	_ =	strace s4  }
0x9b: {  	s4 =	sld [smem:$0x3FFD];
	_ =	sdelay $0x3  }
0x9c: {  	_ =	strace s4  }
0x9d: {  	_ =	strace $0x8FFFFFFF  }
0x9e: {  	s19 =	sld [smem:$0x3FDB];
	_ =	sdelay $0x1  }
0x9f: {  	s5 =	simm.s32 $_scs_section_size  }
0xa0: {  	s6 =	simm.s32 $_size__tile_overlayer_lowered;
	s7 =	simm.s32 $_tile_overlayer_lowered  }
0xa1: {  	s22 =	simm.s32 $0x1BFF;
	s21 =	sshll.u32 s7, $0x1;
	s4 =	sadd.s32 s5, s19  }
0xa2: {  	s8 =	simm.s32 $0x0;
	s20 =	sshll.u32 s6, $0x1;
	s6 =	sadd.s32 s21, s4  }
0xa3: {  	[timem:s8], [sflag:s22] =	dma.local [hbm:s6], s20  }
0xa4: {  	_ =	swait.ge [sflag:s22], s20  }
0xa5: {  	s5 =	ssub.s32 $0x0, s20;
	[sflag:s22] =	ssyncset.done $0x0  }
0xa6: {  	[sflag:s22] =	ssyncadd.s32 s5;
	_ =	sdelay $0x1  }
0xa7: {  	s23 =	simm.s32 $0x1B8B  }
0xa8: {  	_ =	swait.ge [sflag:s23], $0x1  }
0xa9: {  	[sflag:s23] =	ssyncset.done $0x0  }
0xaa: {  	s25 =	simm.s32 $0x1B8E;
	s24 =	sld [smem:$0x3FFE];
	[sflag:s23] =	ssyncadd.s32 $0xFFFFFFFF  }
0xab: {  	s26 =	simm.s32 $execute0_lowered;
	[smem:$0x3FD2] =	sst s25  }
0xac: {  	s6 =	sshll.u32 s26, $0x1;
	_ =	strace $0x8000004C;
	[dreg:$0x1] =	wrdreg $0xFFFFFFFF  }
0xad: {  	s28 =	simm.s32 $_size_execute0_lowered;
	s4 =	sadd.s32 s4, s6;
	[dreg:$0x0] =	wrdreg $0x0  }
0xae: {  	s6 =	sshll.u32 s28, $0x1;
	[dreg:$0x2] =	wrdreg s4  }
0xaf: {  	[dreg:$0x3] =	wrdreg s6  }
0xb0: {  	[dreg:$0x4] =	wrdreg $0xC0  }
0xb1: {  	_ =	task [dreg:s8], $0x5FFFF  }
0xb2: {  	[dreg:$0x1] =	wrdreg $0xFFFFFFFF  }
0xb3: {  	[dreg:$0x0] =	wrdreg $0x60  }
0xb4: {  	[dreg:$0x2] =	wrdreg s16  }
0xb5: {  	[dreg:$0x3] =	wrdreg s24  }
0xb6: {  	[dreg:$0x4] =	wrdreg s17  }
0xb7: {  	[dreg:$0x5] =	wrdreg $0xD0000  }
0xb8: {  	[dreg:$0x6] =	wrdreg $0x9  }
0xb9: {  	_ =	task.clear_ibuf [dreg:s8], $0x7FFFF;
	_ =	strace $0x9000004C  }
0xba: {  	s29 =	simm.s32 $0x9;
	_ =	strace $0x8000004E  }
0xbb: {  	_ =	swait.ge [sflag:s29], $0x1  }
0xbc: {  	[sflag:s29] =	ssyncadd.s32 $0xFFFFFFFF  }
0xbd: {  	_ =	strace $0x9000004E  }
0xbe: {  	_ =	sfence  }
0xbf: {  	s30 =	sld [smem:$0x0];
	_ =	sdelay $0x2  }
0xc0: {  	s31 =	sshll.u32 s1, $0xD;
	s1 =	sshrl.u32 s1, $0x2  }
0xc1: {  	s3 =	sand.u32 $0x4000, s31;
	s1 =	sadd.s32 s1, s30  }
0xc2: {  	s0 =	sor.u32 s3, s0;
	s1 =	sshll.u32 s1, $0x11  }
0xc3: {  	s0 =	sor.u32 s1, s0  }
0xc4: {  	s0 =	sadd.s32 $0x8F2B, s0  }
0xc5: {  	[sflag:s0] =	ssyncadd.remote.s32 $0x1  }
0xc6: {  	_ =	sfence.sel $0xFFFF  }
0xc7: {  	[dreg:$0x0] =	wrdreg $0xFFFFFFFF;
	(pc) =	sbr.abs _section_cstart, $3  }
0xc8: {  	[dreg:$0x1] =	wrdreg $0xFFFFFFFF  }
0xc9: {  	_ =	task.clear_ibuf [dreg:s8], $0x2FFFF;
	_ =	strace $0x9FFFFFFF  }
0xca: {  	(tm) =	ssettm $0x7FFFFFFF  }
0xcb: {  	_ =	shalt  }
tec
execute0_lowered:
.L_overlay_start_1:
0x0: {  	(tag) =	ssettag $0x1  }
0x1: {  	s0 =	rddreg [dreg:$0x0]  }
0x2: {  	s1 =	rddreg [dreg:$0x1];
	s2 =	srdreg.scid  }
0x3: {  	s3 =	rddreg [dreg:$0x3];
	s9 =	stileid.u32;
	s7 =	simm.s32 $0x0  }
0x4: {  	s14 =	simm.s32 $0x80;
	s15 =	simm.s32 $0x5000;
	s16 =	simm.s32 $0x6000  }
0x5: {  	s18 =	simm.s32 $0x7000;
	s20 =	simm.s32 $0x8000;
	s22 =	simm.s32 $0x9000  }
0x6: {  	s29 =	simm.s32 $0xC000;
	s30 =	simm.s32 $0x1;
	s31 =	simm.s32 $0x2  }
0x7: {  	s13 =	simm.s32 $0x6;
	s17 =	simm.s32 $0x7;
	s19 =	simm.s32 $0x8  }
0x8: {  	s21 =	simm.s32 $0x9;
	s28 =	simm.s32 $0xC;
	s10 =	simm.s32 $0x10  }
0x9: {  	s2 =	sand.u32 $0x1, s2;
	s6 =	smul.u32 $0x4F00, s9;
	[smem:$0x7FF] =	sst s7  }
0xa: {  	s25 =	sshll.u32 s9, $0x6;
	s7 =	simm.s32 $0xD;
	s4 =	sshll.u32 s2, $0x4  }
0xb: {  	s5 =	smul.u32 $0x4F000, s2;
	_ =	strace $0x8000004D;
	s2 =	ssub.s32 $0x2, s2  }
0xc: {  	s11 =	sor.u32 $0x1C11, s25;
	s25 =	simm.s32 $0xB;
	s4 =	sor.u32 s9, s4  }
0xd: {  	s24 =	sshrl.u32 s2, $0x1;
	s9 =	simm.s32 $0xF;
	[dreg:$0x5] =	wrdreg s11  }
0xe: {  	s4 =	smul.u32 $0x500, s4;
	s5 =	sadd.s32 s6, s5;
	s2 =	ssub.s32 s2, s24  }
0xf: {  	s6 =	sadd.s32 s6, s3;
	s24 =	simm.s32 $0xA000;
	s8 =	sshrl.u32 s5, $0x3  }
0x10: {  	s5 =	sadd.s32 $0xF000, s1;
	s12 =	sshrl.u32 s6, $0x3;
	s6 =	simm.s32 $0x0  }
0x11: {  	s23 =	sadd.s32 s4, s1;
	s1 =	sadd.s32 s8, s1;
	[dreg:$0xb] =	wrdreg s6  }
0x12: {  	s0 =	sadd.s32 s0, s4;
	s4 =	smax.u32 s2, $0x1;
	[dreg:$0xa] =	wrdreg s12  }
0x13: {  	s2 =	simm.s32 $0x5;
	s8 =	simm.s32 $0xE;
	[dreg:$0x6] =	wrdreg s0  }
0x14: {  	s26 =	sadd.s32 $0x5000, s23;
	s1 =	sadd.s32 $0x18E00, s1;
	[dreg:$0x9] =	wrdreg s4  }
0x15: {  	s0 =	simm.s32 $0x3;
	s23 =	simm.s32 $0xA;
	[dreg:$0x7] =	wrdreg s26  }
0x16: {  	[dreg:$0x8] =	wrdreg s1;
	s26 =	simm.s32 $0xB000;
	s1 =	simm.s32 $0x4  }
.LBB2_1:
0x17: {  	s4 =	simm.s32 $0x11;
	s6 =	rddreg [dreg:$0x2]  }
0x18: {  	[spmem:s12], [sflag:s11] =	dma.local [hbm:s6], $0x9E0  }
0x19: {  	_ =	swait.ge [sflag:s4], $0x9E0  }
0x1a: {  	[sflag:s4] =	ssyncset.done $0x0  }
0x1b: {  	s6 =	simm.s32 $0x0;
	s12 =	rddreg [dreg:$0x6];
	[sflag:s4] =	ssyncadd.s32 $0xFFFFF620  }
0x1c: {  	[tilespmem:s6], [sflag:$0x11] =	stream.linear.gather [hbm4b:s12+s6], $0x2800, $0x38;
	[tilespmem:$0x11F00] =	vst v63  }
0x1d: {  	_ =	swait.ge [sflag:s4], $0x2800  }
0x1e: {  	[sflag:s4] =	ssyncset.done $0x0  }
0x1f: {  	s12 =	simm.s32 $0x2800;
	s11 =	rddreg [dreg:$0x7];
	[sflag:s4] =	ssyncadd.s32 $0xFFFFD800  }
0x20: {  	[tilespmem:s12], [sflag:$0x11] =	stream.linear.gather [hbm4b:s11+s6], $0x2800, $0x38;
	[tilespmem:$0x11F00] =	vst v63  }
0x21: {  	_ =	swait.ge [sflag:s4], $0x2800  }
0x22: {  	[sflag:s4] =	ssyncset.done $0x0  }
0x23: {  	[sflag:s4] =	ssyncadd.s32 $0xFFFFD800  }
0x24: {  	[bflag:$0x0] =	sbarrier.arrive $0xFFFF  }
0x25: {  	[tilespmem:s15], [sflag:$0x1] =	stream.indirect.gather [hbm4b:s5+s14], $0x20, s6, s14, $0xb8;
	[tilespmem:$0x11F00] =	vst v63  }
0x26: {  	_ = 	snop  }
0x27: {  	[tilespmem:s16], [sflag:$0x2] =	stream.indirect.gather [hbm4b:s5+s14], $0x20, s14, s14, $0xb8;
	[tilespmem:$0x11F00] =	vst v63  }
0x28: {  	s6 =	simm.s32 $0x100  }
0x29: {  	[tilespmem:s18], [sflag:$0x3] =	stream.indirect.gather [hbm4b:s5+s14], $0x20, s6, s14, $0xb8;
	[tilespmem:$0x11F00] =	vst v63  }
0x2a: {  	s11 =	simm.s32 $0x180  }
0x2b: {  	[tilespmem:s20], [sflag:$0x4] =	stream.indirect.gather [hbm4b:s5+s14], $0x20, s11, s14, $0xb8;
	[tilespmem:$0x11F00] =	vst v63  }
0x2c: {  	s12 =	simm.s32 $0x200  }
0x2d: {  	[tilespmem:s22], [sflag:$0x5] =	stream.indirect.gather [hbm4b:s5+s14], $0x20, s12, s14, $0xb8;
	[tilespmem:$0x11F00] =	vst v63  }
0x2e: {  	s6 =	simm.s32 $0x280  }
0x2f: {  	[tilespmem:s24], [sflag:$0x6] =	stream.indirect.gather [hbm4b:s5+s14], $0x20, s6, s14, $0xb8;
	[tilespmem:$0x11F00] =	vst v63  }
0x30: {  	s11 =	simm.s32 $0x300  }
0x31: {  	[tilespmem:s26], [sflag:$0x7] =	stream.indirect.gather [hbm4b:s5+s14], $0x20, s11, s14, $0xb8;
	[tilespmem:$0x11F00] =	vst v63  }
0x32: {  	s12 =	simm.s32 $0x380  }
0x33: {  	[tilespmem:s29], [sflag:$0x8] =	stream.indirect.gather [hbm4b:s5+s14], $0x20, s12, s14, $0xb8;
	[tilespmem:$0x11F00] =	vst v63  }
0x34: {  	_ =	swait.ge [sflag:s30], $0x1000  }
0x35: {  	[sflag:s30] =	ssyncset.done $0x0  }
0x36: {  	s4 =	simm.s32 $0x2800;
	[sflag:s30] =	ssyncadd.s32 $0xFFFFF000  }
0x37: {  	[spmem:s3] =	stream.indirect.scatter.add.f32 [tilespmem:s15], [sflag:$0x9], $0x20, s4, s14, $0xb8;
	[tilespmem:$0x11F00] =	vst v63  }
0x38: {  	_ =	swait.ge [sflag:s31], $0x1000  }
0x39: {  	[sflag:s31] =	ssyncset.done $0x0  }
0x3a: {  	s11 =	simm.s32 $0x2880;
	[sflag:s31] =	ssyncadd.s32 $0xFFFFF000  }
0x3b: {  	[spmem:s3] =	stream.indirect.scatter.add.f32 [tilespmem:s16], [sflag:$0xA], $0x20, s11, s14, $0xb8;
	[tilespmem:$0x11F00] =	vst v63  }
0x3c: {  	_ =	swait.ge [sflag:s0], $0x1000  }
0x3d: {  	[sflag:s0] =	ssyncset.done $0x0  }
0x3e: {  	s12 =	simm.s32 $0x2900;
	[sflag:s0] =	ssyncadd.s32 $0xFFFFF000  }
0x3f: {  	[spmem:s3] =	stream.indirect.scatter.add.f32 [tilespmem:s18], [sflag:$0xB], $0x20, s12, s14, $0xb8;
	[tilespmem:$0x11F00] =	vst v63  }
0x40: {  	_ =	swait.ge [sflag:s1], $0x1000  }
0x41: {  	[sflag:s1] =	ssyncset.done $0x0  }
0x42: {  	s4 =	simm.s32 $0x2980;
	[sflag:s1] =	ssyncadd.s32 $0xFFFFF000  }
0x43: {  	[spmem:s3] =	stream.indirect.scatter.add.f32 [tilespmem:s20], [sflag:$0xC], $0x20, s4, s14, $0xb8;
	[tilespmem:$0x11F00] =	vst v63  }
0x44: {  	_ =	swait.ge [sflag:s2], $0x1000  }
0x45: {  	[sflag:s2] =	ssyncset.done $0x0  }
0x46: {  	s11 =	simm.s32 $0x2A00;
	[sflag:s2] =	ssyncadd.s32 $0xFFFFF000  }
0x47: {  	[spmem:s3] =	stream.indirect.scatter.add.f32 [tilespmem:s22], [sflag:$0xD], $0x20, s11, s14, $0xb8;
	[tilespmem:$0x11F00] =	vst v63  }
0x48: {  	_ =	swait.ge [sflag:s13], $0x1000  }
0x49: {  	[sflag:s13] =	ssyncset.done $0x0  }
0x4a: {  	s12 =	simm.s32 $0x2A80;
	[sflag:s13] =	ssyncadd.s32 $0xFFFFF000  }
0x4b: {  	[spmem:s3] =	stream.indirect.scatter.add.f32 [tilespmem:s24], [sflag:$0xE], $0x20, s12, s14, $0xb8;
	[tilespmem:$0x11F00] =	vst v63  }
0x4c: {  	_ =	swait.ge [sflag:s17], $0x1000  }
0x4d: {  	[sflag:s17] =	ssyncset.done $0x0  }
0x4e: {  	s4 =	simm.s32 $0x2B00;
	[sflag:s17] =	ssyncadd.s32 $0xFFFFF000  }
0x4f: {  	[spmem:s3] =	stream.indirect.scatter.add.f32 [tilespmem:s26], [sflag:$0xF], $0x20, s4, s14, $0xb8;
	[tilespmem:$0x11F00] =	vst v63  }
0x50: {  	_ =	swait.ge [sflag:s19], $0x1000  }
0x51: {  	[sflag:s19] =	ssyncset.done $0x0  }
0x52: {  	s11 =	simm.s32 $0x2B80;
	[sflag:s19] =	ssyncadd.s32 $0xFFFFF000  }
0x53: {  	[spmem:s3] =	stream.indirect.scatter.add.f32 [tilespmem:s29], [sflag:$0x10], $0x20, s11, s14, $0xb8;
	[tilespmem:$0x11F00] =	vst v63  }
0x54: {  	_ =	swait.ge [sflag:s21], $0x1000  }
0x55: {  	[sflag:s21] =	ssyncset.done $0x0  }
0x56: {  	s12 =	simm.s32 $0x400;
	[sflag:s21] =	ssyncadd.s32 $0xFFFFF000  }
0x57: {  	[tilespmem:s15], [sflag:$0x1] =	stream.indirect.gather [hbm4b:s5+s14], $0x20, s12, s14, $0xb8;
	[tilespmem:$0x11F00] =	vst v63  }
0x58: {  	_ =	swait.ge [sflag:s23], $0x1000  }
0x59: {  	[sflag:s23] =	ssyncset.done $0x0  }
0x5a: {  	s4 =	simm.s32 $0x480;
	[sflag:s23] =	ssyncadd.s32 $0xFFFFF000  }
0x5b: {  	[tilespmem:s16], [sflag:$0x2] =	stream.indirect.gather [hbm4b:s5+s14], $0x20, s4, s14, $0xb8;
	[tilespmem:$0x11F00] =	vst v63  }
0x5c: {  	_ =	swait.ge [sflag:s25], $0x1000  }
0x5d: {  	[sflag:s25] =	ssyncset.done $0x0  }
0x5e: {  	s11 =	simm.s32 $0x500;
	[sflag:s25] =	ssyncadd.s32 $0xFFFFF000  }
0x5f: {  	[tilespmem:s18], [sflag:$0x3] =	stream.indirect.gather [hbm4b:s5+s14], $0x20, s11, s14, $0xb8;
	[tilespmem:$0x11F00] =	vst v63  }
0x60: {  	_ =	swait.ge [sflag:s28], $0x1000  }
0x61: {  	[sflag:s28] =	ssyncset.done $0x0  }
0x62: {  	s12 =	simm.s32 $0x580;
	[sflag:s28] =	ssyncadd.s32 $0xFFFFF000  }
0x63: {  	[tilespmem:s20], [sflag:$0x4] =	stream.indirect.gather [hbm4b:s5+s14], $0x20, s12, s14, $0xb8;
	[tilespmem:$0x11F00] =	vst v63  }
0x64: {  	_ =	swait.ge [sflag:s7], $0x1000  }
0x65: {  	[sflag:s7] =	ssyncset.done $0x0  }
0x66: {  	s4 =	simm.s32 $0x600;
	[sflag:s7] =	ssyncadd.s32 $0xFFFFF000  }
0x67: {  	[tilespmem:s22], [sflag:$0x5] =	stream.indirect.gather [hbm4b:s5+s14], $0x20, s4, s14, $0xb8;
	[tilespmem:$0x11F00] =	vst v63  }
0x68: {  	_ =	swait.ge [sflag:s8], $0x1000  }
0x69: {  	[sflag:s8] =	ssyncset.done $0x0  }
0x6a: {  	s11 =	simm.s32 $0x680;
	[sflag:s8] =	ssyncadd.s32 $0xFFFFF000  }
0x6b: {  	[tilespmem:s24], [sflag:$0x6] =	stream.indirect.gather [hbm4b:s5+s14], $0x20, s11, s14, $0xb8;
	[tilespmem:$0x11F00] =	vst v63  }
0x6c: {  	_ =	swait.ge [sflag:s9], $0x1000  }
0x6d: {  	[sflag:s9] =	ssyncset.done $0x0  }
0x6e: {  	s12 =	simm.s32 $0x700;
	[sflag:s9] =	ssyncadd.s32 $0xFFFFF000  }
0x6f: {  	[tilespmem:s26], [sflag:$0x7] =	stream.indirect.gather [hbm4b:s5+s14], $0x20, s12, s14, $0xb8;
	[tilespmem:$0x11F00] =	vst v63  }
0x70: {  	_ =	swait.ge [sflag:s10], $0x1000  }
0x71: {  	[sflag:s10] =	ssyncset.done $0x0  }
0x72: {  	s6 =	simm.s32 $0x1000;
	s11 =	simm.s32 $0x780;
	[sflag:s10] =	ssyncadd.s32 $0xFFFFF000  }
.LBB2_2:
0x73: {  	[tilespmem:s29], [sflag:$0x8] =	stream.indirect.gather [hbm4b:s5+s14], $0x20, s11, s14, $0xb8;
	[tilespmem:$0x11F00] =	vst v63  }
0x74: {  	s11 =	smov.u32 s6  }
0x75: {  	p0 =	sne.s32 s6, $0x8000;
	s6 =	sadd.s32 $0x1000, s6;
	_ =	swait.ge [sflag:s30], $0x1000  }
0x76: {  	s11 =	sshra.s32 s11, $0x2;
	[sflag:s30] =	ssyncset.done $0x0  }
0x77: {  	s12 =	sadd.s32 $0x2800, s11;
	[sflag:s30] =	ssyncadd.s32 $0xFFFFF000  }
0x78: {  	[spmem:s3] =	stream.indirect.scatter.add.f32 [tilespmem:s15], [sflag:$0x9], $0x20, s12, s14, $0xb8;
	[tilespmem:$0x11F00] =	vst v63  }
0x79: {  	_ =	swait.ge [sflag:s31], $0x1000  }
0x7a: {  	[sflag:s31] =	ssyncset.done $0x0  }
0x7b: {  	s12 =	sadd.s32 $0x2880, s11;
	[sflag:s31] =	ssyncadd.s32 $0xFFFFF000  }
0x7c: {  	[spmem:s3] =	stream.indirect.scatter.add.f32 [tilespmem:s16], [sflag:$0xA], $0x20, s12, s14, $0xb8;
	[tilespmem:$0x11F00] =	vst v63  }
0x7d: {  	_ =	swait.ge [sflag:s0], $0x1000  }
0x7e: {  	[sflag:s0] =	ssyncset.done $0x0  }
0x7f: {  	s12 =	sadd.s32 $0x2900, s11;
	[sflag:s0] =	ssyncadd.s32 $0xFFFFF000  }
0x80: {  	[spmem:s3] =	stream.indirect.scatter.add.f32 [tilespmem:s18], [sflag:$0xB], $0x20, s12, s14, $0xb8;
	[tilespmem:$0x11F00] =	vst v63  }
0x81: {  	_ =	swait.ge [sflag:s1], $0x1000  }
0x82: {  	[sflag:s1] =	ssyncset.done $0x0  }
0x83: {  	s12 =	sadd.s32 $0x2980, s11;
	[sflag:s1] =	ssyncadd.s32 $0xFFFFF000  }
0x84: {  	[spmem:s3] =	stream.indirect.scatter.add.f32 [tilespmem:s20], [sflag:$0xC], $0x20, s12, s14, $0xb8;
	[tilespmem:$0x11F00] =	vst v63  }
0x85: {  	_ =	swait.ge [sflag:s2], $0x1000  }
0x86: {  	[sflag:s2] =	ssyncset.done $0x0  }
0x87: {  	s12 =	sadd.s32 $0x2A00, s11;
	[sflag:s2] =	ssyncadd.s32 $0xFFFFF000  }
0x88: {  	[spmem:s3] =	stream.indirect.scatter.add.f32 [tilespmem:s22], [sflag:$0xD], $0x20, s12, s14, $0xb8;
	[tilespmem:$0x11F00] =	vst v63  }
0x89: {  	_ =	swait.ge [sflag:s13], $0x1000  }
0x8a: {  	[sflag:s13] =	ssyncset.done $0x0  }
0x8b: {  	s12 =	sadd.s32 $0x2A80, s11;
	[sflag:s13] =	ssyncadd.s32 $0xFFFFF000  }
0x8c: {  	[spmem:s3] =	stream.indirect.scatter.add.f32 [tilespmem:s24], [sflag:$0xE], $0x20, s12, s14, $0xb8;
	[tilespmem:$0x11F00] =	vst v63  }
0x8d: {  	_ =	swait.ge [sflag:s17], $0x1000  }
0x8e: {  	[sflag:s17] =	ssyncset.done $0x0  }
0x8f: {  	s12 =	sadd.s32 $0x2B00, s11;
	[sflag:s17] =	ssyncadd.s32 $0xFFFFF000  }
0x90: {  	[spmem:s3] =	stream.indirect.scatter.add.f32 [tilespmem:s26], [sflag:$0xF], $0x20, s12, s14, $0xb8;
	[tilespmem:$0x11F00] =	vst v63  }
0x91: {  	_ =	swait.ge [sflag:s19], $0x1000  }
0x92: {  	[sflag:s19] =	ssyncset.done $0x0  }
0x93: {  	s12 =	sadd.s32 $0x2B80, s11;
	[sflag:s19] =	ssyncadd.s32 $0xFFFFF000  }
0x94: {  	[spmem:s3] =	stream.indirect.scatter.add.f32 [tilespmem:s29], [sflag:$0x10], $0x20, s12, s14, $0xb8;
	[tilespmem:$0x11F00] =	vst v63  }
0x95: {  	_ =	swait.ge [sflag:s21], $0x1000  }
0x96: {  	[sflag:s21] =	ssyncset.done $0x0  }
0x97: {  	s12 =	sadd.s32 $0x400, s11;
	[sflag:s21] =	ssyncadd.s32 $0xFFFFF000  }
0x98: {  	[tilespmem:s15], [sflag:$0x1] =	stream.indirect.gather [hbm4b:s5+s14], $0x20, s12, s14, $0xb8;
	[tilespmem:$0x11F00] =	vst v63  }
0x99: {  	_ =	swait.ge [sflag:s23], $0x1000  }
0x9a: {  	[sflag:s23] =	ssyncset.done $0x0  }
0x9b: {  	s12 =	sadd.s32 $0x480, s11;
	[sflag:s23] =	ssyncadd.s32 $0xFFFFF000  }
0x9c: {  	[tilespmem:s16], [sflag:$0x2] =	stream.indirect.gather [hbm4b:s5+s14], $0x20, s12, s14, $0xb8;
	[tilespmem:$0x11F00] =	vst v63  }
0x9d: {  	_ =	swait.ge [sflag:s25], $0x1000  }
0x9e: {  	[sflag:s25] =	ssyncset.done $0x0  }
0x9f: {  	s12 =	sadd.s32 $0x500, s11;
	[sflag:s25] =	ssyncadd.s32 $0xFFFFF000  }
0xa0: {  	[tilespmem:s18], [sflag:$0x3] =	stream.indirect.gather [hbm4b:s5+s14], $0x20, s12, s14, $0xb8;
	[tilespmem:$0x11F00] =	vst v63  }
0xa1: {  	_ =	swait.ge [sflag:s28], $0x1000  }
0xa2: {  	[sflag:s28] =	ssyncset.done $0x0  }
0xa3: {  	s12 =	sadd.s32 $0x580, s11;
	[sflag:s28] =	ssyncadd.s32 $0xFFFFF000  }
0xa4: {  	[tilespmem:s20], [sflag:$0x4] =	stream.indirect.gather [hbm4b:s5+s14], $0x20, s12, s14, $0xb8;
	[tilespmem:$0x11F00] =	vst v63  }
0xa5: {  	_ =	swait.ge [sflag:s7], $0x1000  }
0xa6: {  	[sflag:s7] =	ssyncset.done $0x0  }
0xa7: {  	s12 =	sadd.s32 $0x600, s11;
	[sflag:s7] =	ssyncadd.s32 $0xFFFFF000  }
0xa8: {  	[tilespmem:s22], [sflag:$0x5] =	stream.indirect.gather [hbm4b:s5+s14], $0x20, s12, s14, $0xb8;
	[tilespmem:$0x11F00] =	vst v63  }
0xa9: {  	_ =	swait.ge [sflag:s8], $0x1000  }
0xaa: {  	[sflag:s8] =	ssyncset.done $0x0  }
0xab: {  	s12 =	sadd.s32 $0x680, s11;
	[sflag:s8] =	ssyncadd.s32 $0xFFFFF000  }
0xac: {  	[tilespmem:s24], [sflag:$0x6] =	stream.indirect.gather [hbm4b:s5+s14], $0x20, s12, s14, $0xb8;
	[tilespmem:$0x11F00] =	vst v63  }
0xad: {  	_ =	swait.ge [sflag:s9], $0x1000  }
0xae: {  	[sflag:s9] =	ssyncset.done $0x0  }
.Ltmp0:
0xaf: {  	s12 =	sadd.s32 $0x700, s11;
	[sflag:s9] =	ssyncadd.s32 $0xFFFFF000;
	(pc) =	sbr.rel @p0 .LBB2_2-.Ltmp0, $4  }
0xb0: {  	[tilespmem:s26], [sflag:$0x7] =	stream.indirect.gather [hbm4b:s5+s14], $0x20, s12, s14, $0xb8;
	[tilespmem:$0x11F00] =	vst v63  }
0xb1: {  	_ =	swait.ge [sflag:s10], $0x1000  }
0xb2: {  	[sflag:s10] =	ssyncset.done $0x0  }
0xb3: {  	s11 =	sadd.s32 $0x780, s11;
	[sflag:s10] =	ssyncadd.s32 $0xFFFFF000  }
0xb4: {  	[tilespmem:s29], [sflag:$0x8] =	stream.indirect.gather [hbm4b:s5+s14], $0x20, s11, s14, $0xb8;
	[tilespmem:$0x11F00] =	vst v63  }
0xb5: {  	_ =	swait.ge [sflag:s30], $0x1000  }
0xb6: {  	[sflag:s30] =	ssyncset.done $0x0  }
0xb7: {  	s4 =	simm.s32 $0x4C00;
	[sflag:s30] =	ssyncadd.s32 $0xFFFFF000  }
0xb8: {  	[spmem:s3] =	stream.indirect.scatter.add.f32 [tilespmem:s15], [sflag:$0x9], $0x20, s4, s14, $0xb8;
	[tilespmem:$0x11F00] =	vst v63  }
0xb9: {  	_ =	swait.ge [sflag:s31], $0x1000  }
0xba: {  	[sflag:s31] =	ssyncset.done $0x0  }
0xbb: {  	s12 =	simm.s32 $0x4C80;
	[sflag:s31] =	ssyncadd.s32 $0xFFFFF000  }
0xbc: {  	[spmem:s3] =	stream.indirect.scatter.add.f32 [tilespmem:s16], [sflag:$0xA], $0x20, s12, s14, $0xb8;
	[tilespmem:$0x11F00] =	vst v63  }
0xbd: {  	_ =	swait.ge [sflag:s0], $0x1000  }
0xbe: {  	[sflag:s0] =	ssyncset.done $0x0  }
0xbf: {  	s6 =	simm.s32 $0x4D00;
	[sflag:s0] =	ssyncadd.s32 $0xFFFFF000  }
0xc0: {  	[spmem:s3] =	stream.indirect.scatter.add.f32 [tilespmem:s18], [sflag:$0xB], $0x20, s6, s14, $0xb8;
	[tilespmem:$0x11F00] =	vst v63  }
0xc1: {  	_ =	swait.ge [sflag:s1], $0x1000  }
0xc2: {  	[sflag:s1] =	ssyncset.done $0x0  }
0xc3: {  	s11 =	simm.s32 $0x4D80;
	[sflag:s1] =	ssyncadd.s32 $0xFFFFF000  }
0xc4: {  	[spmem:s3] =	stream.indirect.scatter.add.f32 [tilespmem:s20], [sflag:$0xC], $0x20, s11, s14, $0xb8;
	[tilespmem:$0x11F00] =	vst v63  }
0xc5: {  	_ =	swait.ge [sflag:s2], $0x1000  }
0xc6: {  	[sflag:s2] =	ssyncset.done $0x0  }
0xc7: {  	s12 =	simm.s32 $0x4E00;
	[sflag:s2] =	ssyncadd.s32 $0xFFFFF000  }
0xc8: {  	[spmem:s3] =	stream.indirect.scatter.add.f32 [tilespmem:s22], [sflag:$0xD], $0x20, s12, s14, $0xb8;
	[tilespmem:$0x11F00] =	vst v63  }
0xc9: {  	_ =	swait.ge [sflag:s13], $0x1000  }
0xca: {  	[sflag:s13] =	ssyncset.done $0x0  }
0xcb: {  	s6 =	simm.s32 $0x4E80;
	[sflag:s13] =	ssyncadd.s32 $0xFFFFF000  }
0xcc: {  	[spmem:s3] =	stream.indirect.scatter.add.f32 [tilespmem:s24], [sflag:$0xE], $0x20, s6, s14, $0xb8;
	[tilespmem:$0x11F00] =	vst v63  }
0xcd: {  	_ =	swait.ge [sflag:s17], $0x1000  }
0xce: {  	[sflag:s17] =	ssyncset.done $0x0  }
0xcf: {  	s11 =	simm.s32 $0x4F00;
	[sflag:s17] =	ssyncadd.s32 $0xFFFFF000  }
0xd0: {  	[spmem:s3] =	stream.indirect.scatter.add.f32 [tilespmem:s26], [sflag:$0xF], $0x20, s11, s14, $0xb8;
	[tilespmem:$0x11F00] =	vst v63  }
0xd1: {  	_ =	swait.ge [sflag:s19], $0x1000  }
0xd2: {  	[sflag:s19] =	ssyncset.done $0x0  }
0xd3: {  	s12 =	simm.s32 $0x4F80;
	[sflag:s19] =	ssyncadd.s32 $0xFFFFF000  }
0xd4: {  	[spmem:s3] =	stream.indirect.scatter.add.f32 [tilespmem:s29], [sflag:$0x10], $0x20, s12, s14, $0xb8;
	[tilespmem:$0x11F00] =	vst v63  }
0xd5: {  	_ =	swait.ge [sflag:s21], $0x1000  }
0xd6: {  	[sflag:s21] =	ssyncset.done $0x0  }
0xd7: {  	[sflag:s21] =	ssyncadd.s32 $0xFFFFF000  }
0xd8: {  	_ =	swait.ge [sflag:s23], $0x1000  }
0xd9: {  	[sflag:s23] =	ssyncset.done $0x0  }
0xda: {  	[sflag:s23] =	ssyncadd.s32 $0xFFFFF000  }
0xdb: {  	_ =	swait.ge [sflag:s25], $0x1000  }
0xdc: {  	[sflag:s25] =	ssyncset.done $0x0  }
0xdd: {  	[sflag:s25] =	ssyncadd.s32 $0xFFFFF000  }
0xde: {  	_ =	swait.ge [sflag:s28], $0x1000  }
0xdf: {  	[sflag:s28] =	ssyncset.done $0x0  }
0xe0: {  	[sflag:s28] =	ssyncadd.s32 $0xFFFFF000  }
0xe1: {  	_ =	swait.ge [sflag:s7], $0x1000  }
0xe2: {  	[sflag:s7] =	ssyncset.done $0x0  }
0xe3: {  	[sflag:s7] =	ssyncadd.s32 $0xFFFFF000  }
0xe4: {  	_ =	swait.ge [sflag:s8], $0x1000  }
0xe5: {  	[sflag:s8] =	ssyncset.done $0x0  }
0xe6: {  	[sflag:s8] =	ssyncadd.s32 $0xFFFFF000  }
0xe7: {  	_ =	swait.ge [sflag:s9], $0x1000  }
0xe8: {  	[sflag:s9] =	ssyncset.done $0x0  }
0xe9: {  	[sflag:s9] =	ssyncadd.s32 $0xFFFFF000  }
0xea: {  	_ =	swait.ge [sflag:s10], $0x1000  }
0xeb: {  	[sflag:s10] =	ssyncset.done $0x0  }
0xec: {  	[sflag:s10] =	ssyncadd.s32 $0xFFFFF000  }
0xed: {  	[bflag:$0x0] =	sbarrier.arrive $0xFFFF  }
0xee: {  	s11 =	rddreg [dreg:$0x5]  }
0xef: {  	s6 =	rddreg [dreg:$0x8]  }
0xf0: {  	s12 =	rddreg [dreg:$0xa]  }
0xf1: {  	[hbm:s6], [sflag:s11] =	dma.local [spmem:s12], $0x9E0  }
0xf2: {  	s6 =	simm.s32 $0x11  }
0xf3: {  	_ =	swait.ge [sflag:s6], $0x9E0  }
0xf4: {  	s4 =	rddreg [dreg:$0xb]  }
0xf5: {  	[sflag:s6] =	ssyncset.done $0x0;
	s6 =	rddreg [dreg:$0x9];
	s4 =	sadd.s32 $0x1, s4  }
0xf6: {  	p0 =	sne.s32 s4, s6  }
.Ltmp1:
0xf7: {  	_ = 	snop;
	(pc) =	sbr.rel @p0 .LBB2_1-.Ltmp1, $3  }
0xf8: {  	_ =	sdelay $0x1  }
0xf9: {  	s6 =	simm.s32 $0x11  }
0xfa: {  	[dreg:$0xb] =	wrdreg s4;
	[sflag:s6] =	ssyncadd.s32 $0xFFFFF620  }
0xfb: {  	_ =	sfence.sel $0x180000  }
0xfc: {  	[bflag:$0x0] =	sbarrier.arrive $0xFFFF  }
0xfd: {  	_ =	strace $0x9000004D  }
0xfe: {  	s0 =	stileid.u32;
	[bflag:$0x2] =	sbarrier.arrive $0xFFFF  }
0xff: {  	p0 =	sne.s32 s0, $0x0;
	s0 =	rddreg [dreg:$0x4]  }
0x100: {  	s0 =	sadd.s32 @!p0 $0x100000, s0  }
0x101: {  	[sflag:s0] =	ssyncadd.tile.s32 @!p0 $0x1;
	_ =	shalt  }
.Lfunc_end2:
_tile_overlayer_lowered:
.L_overlay_start_2:
0x102: {  	(tag) =	ssettag $0x2  }
0x103: {  	s0 =	rddreg [dreg:$0x0];
	s2 =	stileid.u32  }
0x104: {  	s1 =	rddreg [dreg:$0x1];
	p0 =	sne.s32 s2, $0x0  }
0x105: {  	s3 =	rddreg [dreg:$0x2];
	[bflag:$0x3] =	sbarrier.arrive $0xFFFF;
	s2 =	simm.s32 @!p0 $0x1C11  }
0x106: {  	[timem:s3], [sflag:s2] =	dma.local @!p0 [hbm:s0], s1  }
0x107: {  	s0 =	simm.s32 @!p0 $0x11  }
0x108: {  	_ =	swait.ge @!p0 [sflag:s0], s1  }
0x109: {  	s1 =	ssub.s32 @!p0 $0x0, s1;
	[sflag:s0] =	ssyncset.done @!p0 $0x0  }
0x10a: {  	[sflag:s0] =	ssyncadd.s32 @!p0 s1  }
0x10b: {  	[bflag:$0x3] =	sbarrier.arrive $0xFFFF  }
0x10c: {  	_ =	shalt  }

// kernel: kernel.18.cloned.1.call-start
scs
__scs_entry_jumppad:
0x0: {  	(pc) =	sbr.rel $0x88, $3  }
0x1: {  	(tag) =	ssettag $0x0;
	lr =	simm.s32 $0x1  }
0x2: {  	[smem:$0x3F88] =	sst lr;
	_ =	strace $0xD0000000  }
0x3: {  	_ = 	snop  }
0x4: {  	_ = 	snop  }
0x5: {  	_ = 	snop  }
0x6: {  	_ = 	snop  }
0x7: {  	_ = 	snop  }
__scs_overlays_trampoline_lowered:
0x8: {  	[smem:$0x3F97] =	sst s0  }
0x9: {  	[smem:$0x3F98] =	sst s1  }
0xa: {  	[smem:$0x3F99] =	sst s2  }
0xb: {  	[smem:$0x3F9A] =	sst s3  }
0xc: {  	[smem:$0x3F9B] =	sst s4  }
0xd: {  	[smem:$0x3F9C] =	sst s5  }
0xe: {  	[smem:$0x3F9D] =	sst s6  }
0xf: {  	[smem:$0x3F9E] =	sst s7  }
0x10: {  	[smem:$0x3F9F] =	sst s8  }
0x11: {  	[smem:$0x3FA0] =	sst s9;
	s0 =	simm.s32 @!p0 $0x0  }
0x12: {  	s1 =	sld [smem:$0x3F86];
	s0 =	simm.s32 @p0 $0x1  }
0x13: {  	[smem:$0x3FA1] =	sst s0;
	s0 =	simm.s32 @!p1 $0x0  }
0x14: {  	s2 =	sld [smem:$0x3F85];
	s0 =	simm.s32 @p1 $0x1  }
0x15: {  	[smem:$0x3FA2] =	sst s0;
	s0 =	simm.s32 @!p2 $0x0  }
0x16: {  	s3 =	sld [smem:$0x3FDB];
	s0 =	simm.s32 @p2 $0x1  }
0x17: {  	s4 =	simm.s32 $0x1BF5;
	[smem:$0x3FA4] =	sst s0  }
0x18: {  	s0 =	sld [smem:$0x3F87];
	_ =	swait.ge [sflag:s4], $0x0  }
0x19: {  	s7 =	sld [smem:$0x3F88]  }
0x1a: {  	s8 =	sadd.s32 $0xFFFFE003, lr  }
0x1b: {  	s9 =	sadd.s32 $0xFFFFFEF7, lr;
	s5 =	simm.s32 $0xFFFFFFFF;
	p2 =	slt.u32 s8, $0xFFFFF086  }
0x1c: {  	p1 =	slt.u32 s9, $0xF7A;
	s5 =	simm.s32 @!p2 $0x0  }
0x1d: {  	s5 =	simm.s32 @p1 $0x1;
	p0 =	seq.s32 s7, s2  }
0x1e: {  	s7 =	smul.u32 @!p0 $0xF7A, s2;
	p2 =	seq.s32 @!p0 s5, $0x0  }
0x1f: {  	s9 =	smul.u32 $0xF7A, s1;
	s8 =	simm.s32 @!p0 $0x1BF5;
	p2 =	por !p2, p0  }
0x20: {  	[sflag:s8] =	ssyncset.s32 @!p0 $0xFFFFF086;
	s6 =	sadd.s32 @!p0 s3, s7;
	s7 =	simm.s32 @!p0 $0x108  }
0x21: {  	s3 =	sadd.s32 s3, s9;
	s6 =	sadd.s32 @!p0 $0x88, s6;
	s7 =	simm.s32 @p2 $0x1082  }
0x22: {  	[simem:s7], [sflag:s8] =	dma.local @!p0 [hbm:s6], $0xF7A  }
0x23: {  	s9 =	sor.u32 $0xD0000000, s2;
	s6 =	simm.s32 $0x108;
	_ =	swait.ge @!p0 [sflag:s8], $0x0  }
0x24: {  	s3 =	sadd.s32 $0x88, s3;
	s6 =	simm.s32 @!p1 $0x1082;
	[sflag:s4] =	ssyncset.s32 $0xFFFFF086  }
0x25: {  	[simem:s6], [sflag:s4] =	dma.local [hbm:s3], $0xF7A  }
0x26: {  	[smem:$0x3F88] =	sst s1;
	(tag) =	ssettag s2;
	_ =	strace s9  }
0x27: {  	s1 =	sld [smem:$0x3F98]  }
0x28: {  	s2 =	sld [smem:$0x3F99]  }
0x29: {  	s4 =	sld [smem:$0x3F9B]  }
0x2a: {  	p0 =	seq.s32 s5, $0x0;
	s5 =	sld [smem:$0x3F9C]  }
0x2b: {  	s6 =	sld [smem:$0x3F9D]  }
0x2c: {  	s7 =	sld [smem:$0x3F9E]  }
0x2d: {  	s3 =	simm.s32 $0x108;
	s8 =	sld [smem:$0x3F9F]  }
0x2e: {  	s3 =	simm.s32 @!p0 $0x1082;
	s9 =	sld [smem:$0x3FA0]  }
0x2f: {  	lr =	sadd.s32 s0, s3;
	s0 =	sld [smem:$0x3F97]  }
0x30: {  	s3 =	sld [smem:$0x3F9A]  }
0x31: {  	[smem:$0x3FA3] =	sst s10  }
0x32: {  	s10 =	sld [smem:$0x3FA1];
	_ =	sdelay $0x3  }
0x33: {  	p0 =	seq.s32 s10, $0x1;
	s10 =	sld [smem:$0x3FA3];
	_ =	sdelay $0x3  }
0x34: {  	[smem:$0x3FA3] =	sst s10  }
0x35: {  	s10 =	sld [smem:$0x3FA2];
	_ =	sdelay $0x3  }
0x36: {  	p1 =	seq.s32 s10, $0x1;
	s10 =	sld [smem:$0x3FA3];
	_ =	sdelay $0x3  }
0x37: {  	[smem:$0x3FA3] =	sst s10  }
0x38: {  	s10 =	sld [smem:$0x3FA4]  }
0x39: {  	_ = 	snop;
	(pc) =	sbr.ind lr, $3  }
0x3a: {  	_ = 	snop  }
0x3b: {  	_ = 	snop  }
0x3c: {  	p2 =	seq.s32 s10, $0x1;
	s10 =	sld [smem:$0x3FA3]  }
0x3d: {  	_ =	shalt  }
0x3e: {  	_ =	shalt  }
0x3f: {  	_ =	shalt  }
0x40: {  	_ =	shalt  }
0x41: {  	_ =	shalt  }
0x42: {  	_ =	shalt  }
0x43: {  	_ =	shalt  }
0x44: {  	_ =	shalt  }
0x45: {  	_ =	shalt  }
0x46: {  	_ =	shalt  }
0x47: {  	_ =	shalt  }
0x48: {  	_ =	shalt  }
0x49: {  	_ =	shalt  }
0x4a: {  	_ =	shalt  }
0x4b: {  	_ =	shalt  }
0x4c: {  	_ =	shalt  }
0x4d: {  	_ =	shalt  }
0x4e: {  	_ =	shalt  }
0x4f: {  	_ =	shalt  }
0x50: {  	_ =	shalt  }
0x51: {  	_ =	shalt  }
0x52: {  	_ =	shalt  }
0x53: {  	_ =	shalt  }
0x54: {  	_ =	shalt  }
0x55: {  	_ =	shalt  }
0x56: {  	_ =	shalt  }
0x57: {  	_ =	shalt  }
0x58: {  	_ =	shalt  }
0x59: {  	_ =	shalt  }
0x5a: {  	_ =	shalt  }
0x5b: {  	_ =	shalt  }
0x5c: {  	_ =	shalt  }
0x5d: {  	_ =	shalt  }
0x5e: {  	_ =	shalt  }
0x5f: {  	_ =	shalt  }
0x60: {  	_ =	shalt  }
0x61: {  	_ =	shalt  }
0x62: {  	_ =	shalt  }
0x63: {  	_ =	shalt  }
0x64: {  	_ =	shalt  }
0x65: {  	_ =	shalt  }
0x66: {  	_ =	shalt  }
0x67: {  	_ =	shalt  }
0x68: {  	_ =	shalt  }
0x69: {  	_ =	shalt  }
0x6a: {  	_ =	shalt  }
0x6b: {  	_ =	shalt  }
0x6c: {  	_ =	shalt  }
0x6d: {  	_ =	shalt  }
0x6e: {  	_ =	shalt  }
0x6f: {  	_ =	shalt  }
0x70: {  	_ =	shalt  }
0x71: {  	_ =	shalt  }
0x72: {  	_ =	shalt  }
0x73: {  	_ =	shalt  }
0x74: {  	_ =	shalt  }
0x75: {  	_ =	shalt  }
0x76: {  	_ =	shalt  }
0x77: {  	_ =	shalt  }
0x78: {  	_ =	shalt  }
0x79: {  	_ =	shalt  }
0x7a: {  	_ =	shalt  }
0x7b: {  	_ =	shalt  }
0x7c: {  	_ =	shalt  }
0x7d: {  	_ =	shalt  }
0x7e: {  	_ =	shalt  }
0x7f: {  	_ =	shalt  }
0x80: {  	_ =	shalt  }
0x81: {  	_ =	shalt  }
0x82: {  	_ =	shalt  }
0x83: {  	_ =	shalt  }
0x84: {  	_ =	shalt  }
0x85: {  	_ =	shalt  }
0x86: {  	_ =	shalt  }
0x87: {  	_ =	shalt  }
.Lfunc_end0:
.L_simem_size_0:
called_computation.3_lowered:
.L_overlay_start_0:
0x88: {  	s2 =	sld [smem:$0x3FD9]  }
0x89: {  	s3 =	sld [smem:$0x3FFE];
	_ =	sdelay $0x1  }
0x8a: {  	s1 =	srdreg.scid  }
0x8b: {  	s0 =	sand.u32 $0x1, s1  }
0x8c: {  	s14 =	sshll.u32 s0, $0xA;
	s2 =	sadd.s32 s3, s2  }
0x8d: {  	s2 =	sadd.s32 s2, s14  }
0x8e: {  	[smem:$0x3FAF] =	sst s2  }
0x8f: {  	_ = 	snop  }
0x90: {  	s2 =	sld [smem:$0x3FD0];
	_ =	sdelay $0x2  }
0x91: {  	s15 =	simm.s32 $0xA;
	s4 =	simm.s32 $0x10  }
0x92: {  	[smem:s4], [sflag:s15] =	dma.local [hbm:s2], $0x1  }
0x93: {  	_ =	swait.eq [sflag:s15], $0x1  }
0x94: {  	s16 =	sld [smem:$0x10];
	[sflag:s15] =	ssyncset.done $0x0  }
0x95: {  	s17 =	sld [smem:$0x12];
	[sflag:s15] =	ssyncadd.s32 $0xFFFFFFFF  }
0x96: {  	s18 =	sld [smem:$0x13];
	(tm) =	ssettm $0x1  }
0x97: {  	s5 =	sld [smem:$0x3FFB];
	_ =	sdelay $0x3  }
0x98: {  	_ =	strace s5  }
0x99: {  	s5 =	sld [smem:$0x3FFC];
	_ =	sdelay $0x3  }
0x9a: {  	_ =	strace s5  }
0x9b: {  	s5 =	sld [smem:$0x3FFD];
	_ =	sdelay $0x3  }
0x9c: {  	_ =	strace s5  }
0x9d: {  	_ =	strace $0x8FFFFFFF  }
0x9e: {  	s19 =	sld [smem:$0x3FDB];
	_ =	sdelay $0x1  }
0x9f: {  	s6 =	simm.s32 $_scs_section_size  }
0xa0: {  	s7 =	simm.s32 $_size__tile_overlayer_lowered;
	s8 =	simm.s32 $_tile_overlayer_lowered  }
0xa1: {  	s22 =	simm.s32 $0x1BFF;
	s21 =	sshll.u32 s8, $0x1;
	s5 =	sadd.s32 s6, s19  }
0xa2: {  	s9 =	simm.s32 $0x0;
	s20 =	sshll.u32 s7, $0x1;
	s7 =	sadd.s32 s21, s5  }
0xa3: {  	[timem:s9], [sflag:s22] =	dma.local [hbm:s7], s20  }
0xa4: {  	_ =	swait.ge [sflag:s22], s20  }
0xa5: {  	s6 =	ssub.s32 $0x0, s20;
	[sflag:s22] =	ssyncset.done $0x0  }
0xa6: {  	[sflag:s22] =	ssyncadd.s32 s6;
	_ =	sdelay $0x1  }
0xa7: {  	s23 =	simm.s32 $0x1B8B  }
0xa8: {  	_ =	swait.ge [sflag:s23], $0x1  }
0xa9: {  	[sflag:s23] =	ssyncset.done $0x0  }
0xaa: {  	s25 =	simm.s32 $0x1B8E;
	s24 =	sld [smem:$0x3FFE];
	[sflag:s23] =	ssyncadd.s32 $0xFFFFFFFF  }
0xab: {  	s26 =	simm.s32 $execute0_lowered;
	[smem:$0x3FD2] =	sst s25  }
0xac: {  	s7 =	sshll.u32 s26, $0x1;
	_ =	strace $0x8000004F;
	[dreg:$0x1] =	wrdreg $0xFFFFFFFF  }
0xad: {  	s28 =	simm.s32 $_size_execute0_lowered;
	s5 =	sadd.s32 s5, s7;
	[dreg:$0x0] =	wrdreg $0x0  }
0xae: {  	s7 =	sshll.u32 s28, $0x1;
	[dreg:$0x2] =	wrdreg s5  }
0xaf: {  	[dreg:$0x3] =	wrdreg s7  }
0xb0: {  	[dreg:$0x4] =	wrdreg $0xC0  }
0xb1: {  	_ =	task [dreg:s9], $0x5FFFF  }
0xb2: {  	[dreg:$0x1] =	wrdreg $0xFFFFFFFF  }
0xb3: {  	[dreg:$0x0] =	wrdreg $0x60  }
0xb4: {  	[dreg:$0x2] =	wrdreg s18  }
0xb5: {  	[dreg:$0x3] =	wrdreg s17  }
0xb6: {  	[dreg:$0x4] =	wrdreg s24  }
0xb7: {  	[dreg:$0x5] =	wrdreg s16  }
0xb8: {  	[dreg:$0x6] =	wrdreg $0x9  }
0xb9: {  	_ =	task.clear_ibuf [dreg:s9], $0x7FFFF;
	_ =	strace $0x9000004F  }
0xba: {  	s29 =	simm.s32 $0x9;
	_ =	strace $0x80000051  }
0xbb: {  	_ =	swait.ge [sflag:s29], $0x1  }
0xbc: {  	[sflag:s29] =	ssyncadd.s32 $0xFFFFFFFF  }
0xbd: {  	_ =	strace $0x90000051  }
0xbe: {  	_ =	sfence  }
0xbf: {  	s30 =	sld [smem:$0x0];
	_ =	sdelay $0x2  }
0xc0: {  	s31 =	sshll.u32 s1, $0xD;
	s1 =	sshrl.u32 s1, $0x2  }
0xc1: {  	s3 =	sand.u32 $0x4000, s31;
	s1 =	sadd.s32 s1, s30  }
0xc2: {  	s0 =	sor.u32 s3, s0;
	s1 =	sshll.u32 s1, $0x11  }
0xc3: {  	s0 =	sor.u32 s1, s0  }
0xc4: {  	s0 =	sadd.s32 $0x8F2B, s0  }
0xc5: {  	[sflag:s0] =	ssyncadd.remote.s32 $0x1  }
0xc6: {  	_ =	sfence.sel $0xFFFF  }
0xc7: {  	[dreg:$0x0] =	wrdreg $0xFFFFFFFF;
	(pc) =	sbr.abs _section_cstart, $3  }
0xc8: {  	[dreg:$0x1] =	wrdreg $0xFFFFFFFF  }
0xc9: {  	_ =	task.clear_ibuf [dreg:s9], $0x2FFFF;
	_ =	strace $0x9FFFFFFF  }
0xca: {  	(tm) =	ssettm $0x7FFFFFFF  }
0xcb: {  	_ =	shalt  }
tec
execute0_lowered:
.L_overlay_start_1:
0x0: {  	(tag) =	ssettag $0x1  }
0x1: {  	s3 =	rddreg [dreg:$0x0]  }
0x2: {  	s5 =	rddreg [dreg:$0x1];
	s0 =	srdreg.scid  }
0x3: {  	s22 =	rddreg [dreg:$0x2];
	s25 =	sand.u32 $0x1, s0  }
0x4: {  	s11 =	rddreg [dreg:$0x3];
	s1 =	stileid.u32;
	s4 =	sshll.u32 s25, $0x4  }
0x5: {  	s2 =	simm.s32 $0x0;
	s0 =	rddreg [dreg:$0x4];
	s23 =	sor.u32 s1, s4  }
0x6: {  	[smem:$0x7FF] =	sst s2;
	s4 =	sshll.u32 s23, $0x6  }
0x7: {  	_ =	strace $0x80000050;
	s4 =	sadd.s32 s3, s4;
	s3 =	simm.s32 $0x2  }
0x8: {  	[tilespmem:s2], [sflag:$0x2] =	stream.linear.gather [hbm4b:s4+s2], $0x200, $0x38;
	[tilespmem:$0x2B00] =	vst v63  }
0x9: {  	_ =	swait.ge [sflag:s3], $0x200  }
0xa: {  	s6 =	sshll.u32 s23, $0x5;
	[sflag:s3] =	ssyncset.done $0x0  }
0xb: {  	s5 =	sadd.s32 s5, s6;
	s6 =	simm.s32 $0x200;
	[sflag:s3] =	ssyncadd.s32 $0xFFFFFE00  }
0xc: {  	[tilespmem:s6], [sflag:$0x2] =	stream.linear.gather [hbm4b:s5+s2], $0x100, $0x38;
	[tilespmem:$0x2B00] =	vst v63  }
0xd: {  	_ =	swait.ge [sflag:s3], $0x100  }
0xe: {  	s8 =	simm.s32 $0x80;
	s9 =	simm.s32 $0x300;
	[sflag:s3] =	ssyncset.done $0x0  }
0xf: {  	s10 =	simm.s32 $0x1;
	s7 =	sadd.s32 $0x18E00, s22;
	[sflag:s3] =	ssyncadd.s32 $0xFFFFFF00  }
0x10: {  	[tilespmem:s9], [sflag:$0x1] =	stream.indirect.gather [hbm4b:s7+s8], $0x20, s2, s8, $0xb8;
	[tilespmem:$0x2B00] =	vst v63  }
0x11: {  	_ =	swait.ge [sflag:s10], $0x1000  }
0x12: {  	s12 =	sshll.u32 s23, $0xB;
	[sflag:s10] =	ssyncset.done $0x0  }
0x13: {  	s11 =	sadd.s32 s11, s12;
	[sflag:s10] =	ssyncadd.s32 $0xFFFFF000  }
0x14: {  	[hbm4b:s11+s2] =	stream.linear.scatter [tilespmem:s9], [sflag:$0x2], $0x1000, $0x38;
	[tilespmem:$0x2B00] =	vst v63  }
0x15: {  	_ =	swait.ge [sflag:s3], $0x1000  }
0x16: {  	[sflag:s3] =	ssyncset.done $0x0  }
0x17: {  	[sflag:s3] =	ssyncadd.s32 $0xFFFFF000  }
0x18: {  	[tilespmem:s9], [sflag:$0x1] =	stream.indirect.gather [hbm4b:s7+s8], $0x20, s8, s8, $0xb8;
	[tilespmem:$0x2B00] =	vst v63  }
0x19: {  	_ =	swait.ge [sflag:s10], $0x1000  }
0x1a: {  	[sflag:s10] =	ssyncset.done $0x0  }
0x1b: {  	s12 =	sadd.s32 $0x200, s11;
	[sflag:s10] =	ssyncadd.s32 $0xFFFFF000  }
0x1c: {  	[hbm4b:s12+s2] =	stream.linear.scatter [tilespmem:s9], [sflag:$0x2], $0x1000, $0x38;
	[tilespmem:$0x2B00] =	vst v63  }
0x1d: {  	_ =	swait.ge [sflag:s3], $0x1000  }
0x1e: {  	[sflag:s3] =	ssyncset.done $0x0  }
0x1f: {  	s13 =	simm.s32 $0x100;
	[sflag:s3] =	ssyncadd.s32 $0xFFFFF000  }
0x20: {  	[tilespmem:s9], [sflag:$0x1] =	stream.indirect.gather [hbm4b:s7+s8], $0x20, s13, s8, $0xb8;
	[tilespmem:$0x2B00] =	vst v63  }
0x21: {  	_ =	swait.ge [sflag:s10], $0x1000  }
0x22: {  	[sflag:s10] =	ssyncset.done $0x0  }
0x23: {  	s14 =	sadd.s32 $0x400, s11;
	[sflag:s10] =	ssyncadd.s32 $0xFFFFF000  }
0x24: {  	[hbm4b:s14+s2] =	stream.linear.scatter [tilespmem:s9], [sflag:$0x2], $0x1000, $0x38;
	[tilespmem:$0x2B00] =	vst v63  }
0x25: {  	_ =	swait.ge [sflag:s3], $0x1000  }
0x26: {  	[sflag:s3] =	ssyncset.done $0x0  }
0x27: {  	s15 =	simm.s32 $0x180;
	[sflag:s3] =	ssyncadd.s32 $0xFFFFF000  }
0x28: {  	[tilespmem:s9], [sflag:$0x1] =	stream.indirect.gather [hbm4b:s7+s8], $0x20, s15, s8, $0xb8;
	[tilespmem:$0x2B00] =	vst v63  }
0x29: {  	_ =	swait.ge [sflag:s10], $0x1000  }
0x2a: {  	[sflag:s10] =	ssyncset.done $0x0  }
0x2b: {  	s16 =	sadd.s32 $0x600, s11;
	[sflag:s10] =	ssyncadd.s32 $0xFFFFF000  }
0x2c: {  	[hbm4b:s16+s2] =	stream.linear.scatter [tilespmem:s9], [sflag:$0x2], $0x1000, $0x38;
	[tilespmem:$0x2B00] =	vst v63  }
0x2d: {  	_ =	swait.ge [sflag:s3], $0x1000  }
0x2e: {  	[sflag:s3] =	ssyncset.done $0x0  }
0x2f: {  	s18 =	simm.s32 $0x1300;
	s17 =	sadd.s32 $0xF000, s22;
	[sflag:s3] =	ssyncadd.s32 $0xFFFFF000  }
0x30: {  	[tilespmem:s18], [sflag:$0x1] =	stream.indirect.gather [hbm4b:s17+s8], $0x20, s6, s8, $0xb8;
	[tilespmem:$0x2B00] =	vst v63  }
0x31: {  	_ =	swait.ge [sflag:s10], $0x1000  }
0x32: {  	s24 =	sadd.s32 $0x31A00, s22;
	s19 =	sshll.u32 s23, $0xA;
	[sflag:s10] =	ssyncset.done $0x0  }
0x33: {  	s19 =	sadd.s32 s24, s19;
	[sflag:s10] =	ssyncadd.s32 $0xFFFFF000  }
0x34: {  	[hbm4b:s19+s2] =	stream.linear.scatter [tilespmem:s18], [sflag:$0x2], $0x1000, $0x38;
	[tilespmem:$0x2B00] =	vst v63  }
0x35: {  	_ =	swait.ge [sflag:s3], $0x1000  }
0x36: {  	[sflag:s3] =	ssyncset.done $0x0  }
0x37: {  	s21 =	simm.s32 $0x2300;
	s20 =	sadd.s32 $0x2CA00, s22;
	[sflag:s3] =	ssyncadd.s32 $0xFFFFF000  }
0x38: {  	[tilespmem:s21], [sflag:$0x1] =	stream.indirect.gather [hbm4b:s20+s8], $0x10, s6, s8, $0xb8;
	[tilespmem:$0x2B00] =	vst v63  }
0x39: {  	_ =	swait.ge [sflag:s10], $0x800  }
0x3a: {  	s26 =	sadd.s32 $0x5000, s22;
	s30 =	sshll.u32 s23, $0x9;
	[sflag:s10] =	ssyncset.done $0x0  }
0x3b: {  	s22 =	sadd.s32 s26, s30;
	[sflag:s10] =	ssyncadd.s32 $0xFFFFF800  }
0x3c: {  	[hbm4b:s22+s2] =	stream.linear.scatter [tilespmem:s21], [sflag:$0x2], $0x800, $0x38;
	[tilespmem:$0x2B00] =	vst v63  }
0x3d: {  	_ =	swait.ge [sflag:s3], $0x800  }
0x3e: {  	[sflag:s3] =	ssyncset.done $0x0  }
0x3f: {  	s28 =	sshll.u32 s23, $0x8;
	s23 =	simm.s32 $0x280;
	[sflag:s3] =	ssyncadd.s32 $0xFFFFF800  }
0x40: {  	[tilespmem:s18], [sflag:$0x1] =	stream.indirect.gather [hbm4b:s17+s8], $0x20, s23, s8, $0xb8;
	[tilespmem:$0x2B00] =	vst v63  }
0x41: {  	s28 =	sor.u32 $0x80, s28;
	_ =	swait.ge [sflag:s10], $0x1000  }
0x42: {  	s29 =	sshll.u32 s28, $0x2;
	[sflag:s10] =	ssyncset.done $0x0  }
0x43: {  	s25 =	ssub.s32 $0x2, s25;
	s24 =	sadd.s32 s24, s29;
	[sflag:s10] =	ssyncadd.s32 $0xFFFFF000  }
0x44: {  	[hbm4b:s24+s2] =	stream.linear.scatter [tilespmem:s18], [sflag:$0x2], $0x1000, $0x38;
	[tilespmem:$0x2B00] =	vst v63  }
0x45: {  	s31 =	sshrl.u32 s25, $0x1;
	_ =	swait.ge [sflag:s3], $0x1000  }
0x46: {  	s29 =	ssub.s32 s25, s31;
	[sflag:s3] =	ssyncset.done $0x0  }
0x47: {  	s31 =	smax.u32 s29, $0x1;
	[sflag:s3] =	ssyncadd.s32 $0xFFFFF000  }
0x48: {  	[tilespmem:s21], [sflag:$0x1] =	stream.indirect.gather [hbm4b:s20+s8], $0x10, s23, s8, $0xb8;
	[tilespmem:$0x2B00] =	vst v63  }
0x49: {  	p0 =	sne.s32 s31, $0x1;
	_ =	swait.ge [sflag:s10], $0x800  }
.Ltmp0:
0x4a: {  	s30 =	sshll.u32 s28, $0x1;
	[sflag:s10] =	ssyncset.done $0x0;
	(pc) =	sbr.rel @!p0 .LBB2_2-.Ltmp0, $4  }
0x4b: {  	s25 =	sadd.s32 s26, s30;
	[sflag:s10] =	ssyncadd.s32 $0xFFFFF800  }
0x4c: {  	[hbm4b:s25+s2] =	stream.linear.scatter [tilespmem:s21], [sflag:$0x2], $0x800, $0x38;
	[tilespmem:$0x2B00] =	vst v63  }
0x4d: {  	_ =	swait.ge [sflag:s3], $0x800  }
0x4e: {  	s26 =	sadd.s32 $0xFFFFFFFF, s31;
	[sflag:s3] =	ssyncset.done $0x0  }
.LBB2_1:
0x4f: {  	p0 =	sne.s32 s26, $0x1;
	s26 =	sadd.s32 $0xFFFFFFFF, s26;
	[sflag:s3] =	ssyncadd.s32 $0xFFFFF800  }
0x50: {  	[tilespmem:s2], [sflag:$0x2] =	stream.linear.gather [hbm4b:s4+s2], $0x200, $0x38;
	[tilespmem:$0x2B00] =	vst v63  }
0x51: {  	_ =	swait.ge [sflag:s3], $0x200  }
0x52: {  	[sflag:s3] =	ssyncset.done $0x0  }
0x53: {  	[sflag:s3] =	ssyncadd.s32 $0xFFFFFE00  }
0x54: {  	[tilespmem:s6], [sflag:$0x2] =	stream.linear.gather [hbm4b:s5+s2], $0x100, $0x38;
	[tilespmem:$0x2B00] =	vst v63  }
0x55: {  	_ =	swait.ge [sflag:s3], $0x100  }
0x56: {  	[sflag:s3] =	ssyncset.done $0x0  }
0x57: {  	[sflag:s3] =	ssyncadd.s32 $0xFFFFFF00  }
0x58: {  	[tilespmem:s9], [sflag:$0x1] =	stream.indirect.gather [hbm4b:s7+s8], $0x20, s2, s8, $0xb8;
	[tilespmem:$0x2B00] =	vst v63  }
0x59: {  	_ =	swait.ge [sflag:s10], $0x1000  }
0x5a: {  	[sflag:s10] =	ssyncset.done $0x0  }
0x5b: {  	[sflag:s10] =	ssyncadd.s32 $0xFFFFF000  }
0x5c: {  	[hbm4b:s11+s2] =	stream.linear.scatter [tilespmem:s9], [sflag:$0x2], $0x1000, $0x38;
	[tilespmem:$0x2B00] =	vst v63  }
0x5d: {  	_ =	swait.ge [sflag:s3], $0x1000  }
0x5e: {  	[sflag:s3] =	ssyncset.done $0x0  }
0x5f: {  	[sflag:s3] =	ssyncadd.s32 $0xFFFFF000  }
0x60: {  	[tilespmem:s9], [sflag:$0x1] =	stream.indirect.gather [hbm4b:s7+s8], $0x20, s8, s8, $0xb8;
	[tilespmem:$0x2B00] =	vst v63  }
0x61: {  	_ =	swait.ge [sflag:s10], $0x1000  }
0x62: {  	[sflag:s10] =	ssyncset.done $0x0  }
0x63: {  	[sflag:s10] =	ssyncadd.s32 $0xFFFFF000  }
0x64: {  	[hbm4b:s12+s2] =	stream.linear.scatter [tilespmem:s9], [sflag:$0x2], $0x1000, $0x38;
	[tilespmem:$0x2B00] =	vst v63  }
0x65: {  	_ =	swait.ge [sflag:s3], $0x1000  }
0x66: {  	[sflag:s3] =	ssyncset.done $0x0  }
0x67: {  	[sflag:s3] =	ssyncadd.s32 $0xFFFFF000  }
0x68: {  	[tilespmem:s9], [sflag:$0x1] =	stream.indirect.gather [hbm4b:s7+s8], $0x20, s13, s8, $0xb8;
	[tilespmem:$0x2B00] =	vst v63  }
0x69: {  	_ =	swait.ge [sflag:s10], $0x1000  }
0x6a: {  	[sflag:s10] =	ssyncset.done $0x0  }
0x6b: {  	[sflag:s10] =	ssyncadd.s32 $0xFFFFF000  }
0x6c: {  	[hbm4b:s14+s2] =	stream.linear.scatter [tilespmem:s9], [sflag:$0x2], $0x1000, $0x38;
	[tilespmem:$0x2B00] =	vst v63  }
0x6d: {  	_ =	swait.ge [sflag:s3], $0x1000  }
0x6e: {  	[sflag:s3] =	ssyncset.done $0x0  }
0x6f: {  	[sflag:s3] =	ssyncadd.s32 $0xFFFFF000  }
0x70: {  	[tilespmem:s9], [sflag:$0x1] =	stream.indirect.gather [hbm4b:s7+s8], $0x20, s15, s8, $0xb8;
	[tilespmem:$0x2B00] =	vst v63  }
0x71: {  	_ =	swait.ge [sflag:s10], $0x1000  }
0x72: {  	[sflag:s10] =	ssyncset.done $0x0  }
0x73: {  	[sflag:s10] =	ssyncadd.s32 $0xFFFFF000  }
0x74: {  	[hbm4b:s16+s2] =	stream.linear.scatter [tilespmem:s9], [sflag:$0x2], $0x1000, $0x38;
	[tilespmem:$0x2B00] =	vst v63  }
0x75: {  	_ =	swait.ge [sflag:s3], $0x1000  }
0x76: {  	[sflag:s3] =	ssyncset.done $0x0  }
0x77: {  	[sflag:s3] =	ssyncadd.s32 $0xFFFFF000  }
0x78: {  	[tilespmem:s18], [sflag:$0x1] =	stream.indirect.gather [hbm4b:s17+s8], $0x20, s6, s8, $0xb8;
	[tilespmem:$0x2B00] =	vst v63  }
0x79: {  	_ =	swait.ge [sflag:s10], $0x1000  }
0x7a: {  	[sflag:s10] =	ssyncset.done $0x0  }
0x7b: {  	[sflag:s10] =	ssyncadd.s32 $0xFFFFF000  }
0x7c: {  	[hbm4b:s19+s2] =	stream.linear.scatter [tilespmem:s18], [sflag:$0x2], $0x1000, $0x38;
	[tilespmem:$0x2B00] =	vst v63  }
0x7d: {  	_ =	swait.ge [sflag:s3], $0x1000  }
0x7e: {  	[sflag:s3] =	ssyncset.done $0x0  }
0x7f: {  	[sflag:s3] =	ssyncadd.s32 $0xFFFFF000  }
0x80: {  	[tilespmem:s21], [sflag:$0x1] =	stream.indirect.gather [hbm4b:s20+s8], $0x10, s6, s8, $0xb8;
	[tilespmem:$0x2B00] =	vst v63  }
0x81: {  	_ =	swait.ge [sflag:s10], $0x800  }
0x82: {  	[sflag:s10] =	ssyncset.done $0x0  }
0x83: {  	[sflag:s10] =	ssyncadd.s32 $0xFFFFF800  }
0x84: {  	[hbm4b:s22+s2] =	stream.linear.scatter [tilespmem:s21], [sflag:$0x2], $0x800, $0x38;
	[tilespmem:$0x2B00] =	vst v63  }
0x85: {  	_ =	swait.ge [sflag:s3], $0x800  }
0x86: {  	[sflag:s3] =	ssyncset.done $0x0  }
0x87: {  	[sflag:s3] =	ssyncadd.s32 $0xFFFFF800  }
0x88: {  	[tilespmem:s18], [sflag:$0x1] =	stream.indirect.gather [hbm4b:s17+s8], $0x20, s23, s8, $0xb8;
	[tilespmem:$0x2B00] =	vst v63  }
0x89: {  	_ =	swait.ge [sflag:s10], $0x1000  }
0x8a: {  	[sflag:s10] =	ssyncset.done $0x0  }
0x8b: {  	[sflag:s10] =	ssyncadd.s32 $0xFFFFF000  }
0x8c: {  	[hbm4b:s24+s2] =	stream.linear.scatter [tilespmem:s18], [sflag:$0x2], $0x1000, $0x38;
	[tilespmem:$0x2B00] =	vst v63  }
0x8d: {  	_ =	swait.ge [sflag:s3], $0x1000  }
0x8e: {  	[sflag:s3] =	ssyncset.done $0x0  }
0x8f: {  	[sflag:s3] =	ssyncadd.s32 $0xFFFFF000  }
0x90: {  	[tilespmem:s21], [sflag:$0x1] =	stream.indirect.gather [hbm4b:s20+s8], $0x10, s23, s8, $0xb8;
	[tilespmem:$0x2B00] =	vst v63  }
0x91: {  	_ =	swait.ge [sflag:s10], $0x800  }
.Ltmp1:
0x92: {  	[sflag:s10] =	ssyncset.done $0x0;
	(pc) =	sbr.rel @p0 .LBB2_1-.Ltmp1, $4  }
0x93: {  	[sflag:s10] =	ssyncadd.s32 $0xFFFFF800  }
0x94: {  	[hbm4b:s25+s2] =	stream.linear.scatter [tilespmem:s21], [sflag:$0x2], $0x800, $0x38;
	[tilespmem:$0x2B00] =	vst v63  }
0x95: {  	_ =	swait.ge [sflag:s3], $0x800  }
0x96: {  	[sflag:s3] =	ssyncset.done $0x0  }
.LBB2_2:
0x97: {  	[sflag:s3] =	ssyncadd.s32 $0xFFFFF800  }
0x98: {  	_ =	sfence.sel $0x180000  }
0x99: {  	[bflag:$0x0] =	sbarrier.arrive $0xFFFF  }
0x9a: {  	p0 =	sne.s32 s1, $0x0;
	_ =	strace $0x90000050  }
0x9b: {  	s0 =	sadd.s32 @!p0 $0x100000, s0;
	[bflag:$0x2] =	sbarrier.arrive $0xFFFF  }
0x9c: {  	[sflag:s0] =	ssyncadd.tile.s32 @!p0 $0x1;
	_ =	shalt  }
.Lfunc_end2:
_tile_overlayer_lowered:
.L_overlay_start_2:
0x9d: {  	(tag) =	ssettag $0x2  }
0x9e: {  	s0 =	rddreg [dreg:$0x0];
	s2 =	stileid.u32  }
0x9f: {  	s1 =	rddreg [dreg:$0x1];
	p0 =	sne.s32 s2, $0x0  }
0xa0: {  	s3 =	rddreg [dreg:$0x2];
	[bflag:$0x3] =	sbarrier.arrive $0xFFFF;
	s2 =	simm.s32 @!p0 $0x1C02  }
0xa1: {  	[timem:s3], [sflag:s2] =	dma.local @!p0 [hbm:s0], s1  }
0xa2: {  	s0 =	simm.s32 @!p0 $0x2  }
0xa3: {  	_ =	swait.ge @!p0 [sflag:s0], s1  }
0xa4: {  	s1 =	ssub.s32 @!p0 $0x0, s1;
	[sflag:s0] =	ssyncset.done @!p0 $0x0  }
0xa5: {  	[sflag:s0] =	ssyncadd.s32 @!p0 s1  }
0xa6: {  	[bflag:$0x3] =	sbarrier.arrive $0xFFFF  }
0xa7: {  	_ =	shalt  }

// kernel: kernel.9.cloned.1.call-start
scs
__scs_entry_jumppad:
0x0: {  	(pc) =	sbr.rel $0x88, $3  }
0x1: {  	(tag) =	ssettag $0x0;
	lr =	simm.s32 $0x1  }
0x2: {  	[smem:$0x3F88] =	sst lr;
	_ =	strace $0xD0000000  }
0x3: {  	_ = 	snop  }
0x4: {  	_ = 	snop  }
0x5: {  	_ = 	snop  }
0x6: {  	_ = 	snop  }
0x7: {  	_ = 	snop  }
__scs_overlays_trampoline_lowered:
0x8: {  	[smem:$0x3F97] =	sst s0  }
0x9: {  	[smem:$0x3F98] =	sst s1  }
0xa: {  	[smem:$0x3F99] =	sst s2  }
0xb: {  	[smem:$0x3F9A] =	sst s3  }
0xc: {  	[smem:$0x3F9B] =	sst s4  }
0xd: {  	[smem:$0x3F9C] =	sst s5  }
0xe: {  	[smem:$0x3F9D] =	sst s6  }
0xf: {  	[smem:$0x3F9E] =	sst s7  }
0x10: {  	[smem:$0x3F9F] =	sst s8  }
0x11: {  	[smem:$0x3FA0] =	sst s9;
	s0 =	simm.s32 @!p0 $0x0  }
0x12: {  	s1 =	sld [smem:$0x3F86];
	s0 =	simm.s32 @p0 $0x1  }
0x13: {  	[smem:$0x3FA1] =	sst s0;
	s0 =	simm.s32 @!p1 $0x0  }
0x14: {  	s2 =	sld [smem:$0x3F85];
	s0 =	simm.s32 @p1 $0x1  }
0x15: {  	[smem:$0x3FA2] =	sst s0;
	s0 =	simm.s32 @!p2 $0x0  }
0x16: {  	s3 =	sld [smem:$0x3FDB];
	s0 =	simm.s32 @p2 $0x1  }
0x17: {  	s4 =	simm.s32 $0x1BF5;
	[smem:$0x3FA4] =	sst s0  }
0x18: {  	s0 =	sld [smem:$0x3F87];
	_ =	swait.ge [sflag:s4], $0x0  }
0x19: {  	s7 =	sld [smem:$0x3F88]  }
0x1a: {  	s8 =	sadd.s32 $0xFFFFE003, lr  }
0x1b: {  	s9 =	sadd.s32 $0xFFFFFEF7, lr;
	s5 =	simm.s32 $0xFFFFFFFF;
	p2 =	slt.u32 s8, $0xFFFFF086  }
0x1c: {  	p1 =	slt.u32 s9, $0xF7A;
	s5 =	simm.s32 @!p2 $0x0  }
0x1d: {  	s5 =	simm.s32 @p1 $0x1;
	p0 =	seq.s32 s7, s2  }
0x1e: {  	s7 =	smul.u32 @!p0 $0xF7A, s2;
	p2 =	seq.s32 @!p0 s5, $0x0  }
0x1f: {  	s9 =	smul.u32 $0xF7A, s1;
	s8 =	simm.s32 @!p0 $0x1BF5;
	p2 =	por !p2, p0  }
0x20: {  	[sflag:s8] =	ssyncset.s32 @!p0 $0xFFFFF086;
	s6 =	sadd.s32 @!p0 s3, s7;
	s7 =	simm.s32 @!p0 $0x108  }
0x21: {  	s3 =	sadd.s32 s3, s9;
	s6 =	sadd.s32 @!p0 $0x88, s6;
	s7 =	simm.s32 @p2 $0x1082  }
0x22: {  	[simem:s7], [sflag:s8] =	dma.local @!p0 [hbm:s6], $0xF7A  }
0x23: {  	s9 =	sor.u32 $0xD0000000, s2;
	s6 =	simm.s32 $0x108;
	_ =	swait.ge @!p0 [sflag:s8], $0x0  }
0x24: {  	s3 =	sadd.s32 $0x88, s3;
	s6 =	simm.s32 @!p1 $0x1082;
	[sflag:s4] =	ssyncset.s32 $0xFFFFF086  }
0x25: {  	[simem:s6], [sflag:s4] =	dma.local [hbm:s3], $0xF7A  }
0x26: {  	[smem:$0x3F88] =	sst s1;
	(tag) =	ssettag s2;
	_ =	strace s9  }
0x27: {  	s1 =	sld [smem:$0x3F98]  }
0x28: {  	s2 =	sld [smem:$0x3F99]  }
0x29: {  	s4 =	sld [smem:$0x3F9B]  }
0x2a: {  	p0 =	seq.s32 s5, $0x0;
	s5 =	sld [smem:$0x3F9C]  }
0x2b: {  	s6 =	sld [smem:$0x3F9D]  }
0x2c: {  	s7 =	sld [smem:$0x3F9E]  }
0x2d: {  	s3 =	simm.s32 $0x108;
	s8 =	sld [smem:$0x3F9F]  }
0x2e: {  	s3 =	simm.s32 @!p0 $0x1082;
	s9 =	sld [smem:$0x3FA0]  }
0x2f: {  	lr =	sadd.s32 s0, s3;
	s0 =	sld [smem:$0x3F97]  }
0x30: {  	s3 =	sld [smem:$0x3F9A]  }
0x31: {  	[smem:$0x3FA3] =	sst s10  }
0x32: {  	s10 =	sld [smem:$0x3FA1];
	_ =	sdelay $0x3  }
0x33: {  	p0 =	seq.s32 s10, $0x1;
	s10 =	sld [smem:$0x3FA3];
	_ =	sdelay $0x3  }
0x34: {  	[smem:$0x3FA3] =	sst s10  }
0x35: {  	s10 =	sld [smem:$0x3FA2];
	_ =	sdelay $0x3  }
0x36: {  	p1 =	seq.s32 s10, $0x1;
	s10 =	sld [smem:$0x3FA3];
	_ =	sdelay $0x3  }
0x37: {  	[smem:$0x3FA3] =	sst s10  }
0x38: {  	s10 =	sld [smem:$0x3FA4]  }
0x39: {  	_ = 	snop;
	(pc) =	sbr.ind lr, $3  }
0x3a: {  	_ = 	snop  }
0x3b: {  	_ = 	snop  }
0x3c: {  	p2 =	seq.s32 s10, $0x1;
	s10 =	sld [smem:$0x3FA3]  }
0x3d: {  	_ =	shalt  }
0x3e: {  	_ =	shalt  }
0x3f: {  	_ =	shalt  }
0x40: {  	_ =	shalt  }
0x41: {  	_ =	shalt  }
0x42: {  	_ =	shalt  }
0x43: {  	_ =	shalt  }
0x44: {  	_ =	shalt  }
0x45: {  	_ =	shalt  }
0x46: {  	_ =	shalt  }
0x47: {  	_ =	shalt  }
0x48: {  	_ =	shalt  }
0x49: {  	_ =	shalt  }
0x4a: {  	_ =	shalt  }
0x4b: {  	_ =	shalt  }
0x4c: {  	_ =	shalt  }
0x4d: {  	_ =	shalt  }
0x4e: {  	_ =	shalt  }
0x4f: {  	_ =	shalt  }
0x50: {  	_ =	shalt  }
0x51: {  	_ =	shalt  }
0x52: {  	_ =	shalt  }
0x53: {  	_ =	shalt  }
0x54: {  	_ =	shalt  }
0x55: {  	_ =	shalt  }
0x56: {  	_ =	shalt  }
0x57: {  	_ =	shalt  }
0x58: {  	_ =	shalt  }
0x59: {  	_ =	shalt  }
0x5a: {  	_ =	shalt  }
0x5b: {  	_ =	shalt  }
0x5c: {  	_ =	shalt  }
0x5d: {  	_ =	shalt  }
0x5e: {  	_ =	shalt  }
0x5f: {  	_ =	shalt  }
0x60: {  	_ =	shalt  }
0x61: {  	_ =	shalt  }
0x62: {  	_ =	shalt  }
0x63: {  	_ =	shalt  }
0x64: {  	_ =	shalt  }
0x65: {  	_ =	shalt  }
0x66: {  	_ =	shalt  }
0x67: {  	_ =	shalt  }
0x68: {  	_ =	shalt  }
0x69: {  	_ =	shalt  }
0x6a: {  	_ =	shalt  }
0x6b: {  	_ =	shalt  }
0x6c: {  	_ =	shalt  }
0x6d: {  	_ =	shalt  }
0x6e: {  	_ =	shalt  }
0x6f: {  	_ =	shalt  }
0x70: {  	_ =	shalt  }
0x71: {  	_ =	shalt  }
0x72: {  	_ =	shalt  }
0x73: {  	_ =	shalt  }
0x74: {  	_ =	shalt  }
0x75: {  	_ =	shalt  }
0x76: {  	_ =	shalt  }
0x77: {  	_ =	shalt  }
0x78: {  	_ =	shalt  }
0x79: {  	_ =	shalt  }
0x7a: {  	_ =	shalt  }
0x7b: {  	_ =	shalt  }
0x7c: {  	_ =	shalt  }
0x7d: {  	_ =	shalt  }
0x7e: {  	_ =	shalt  }
0x7f: {  	_ =	shalt  }
0x80: {  	_ =	shalt  }
0x81: {  	_ =	shalt  }
0x82: {  	_ =	shalt  }
0x83: {  	_ =	shalt  }
0x84: {  	_ =	shalt  }
0x85: {  	_ =	shalt  }
0x86: {  	_ =	shalt  }
0x87: {  	_ =	shalt  }
.Lfunc_end0:
.L_simem_size_0:
called_computation_lowered:
.L_overlay_start_0:
0x88: {  	s2 =	sld [smem:$0x3FD9]  }
0x89: {  	s3 =	sld [smem:$0x3FFE];
	_ =	sdelay $0x1  }
0x8a: {  	s1 =	srdreg.scid  }
0x8b: {  	s0 =	sand.u32 $0x1, s1  }
0x8c: {  	s14 =	sshll.u32 s0, $0xA;
	s2 =	sadd.s32 s3, s2  }
0x8d: {  	s2 =	sadd.s32 s2, s14  }
0x8e: {  	[smem:$0x3FAF] =	sst s2  }
0x8f: {  	_ = 	snop  }
0x90: {  	s2 =	sld [smem:$0x3FD0];
	_ =	sdelay $0x2  }
0x91: {  	s15 =	simm.s32 $0xA;
	s4 =	simm.s32 $0x10  }
0x92: {  	[smem:s4], [sflag:s15] =	dma.local [hbm:s2], $0x1  }
0x93: {  	_ =	swait.eq [sflag:s15], $0x1  }
0x94: {  	[sflag:s15] =	ssyncset.done $0x0  }
0x95: {  	s16 =	sld [smem:$0x12];
	[sflag:s15] =	ssyncadd.s32 $0xFFFFFFFF  }
0x96: {  	s17 =	sld [smem:$0x14];
	(tm) =	ssettm $0x1  }
0x97: {  	s18 =	sld [smem:$0x3FFB];
	_ =	sdelay $0x3  }
0x98: {  	_ =	strace s18  }
0x99: {  	s4 =	sld [smem:$0x3FFC];
	_ =	sdelay $0x3  }
0x9a: {  	_ =	strace s4  }
0x9b: {  	s4 =	sld [smem:$0x3FFD];
	_ =	sdelay $0x3  }
0x9c: {  	_ =	strace s4  }
0x9d: {  	_ =	strace $0x8FFFFFFF  }
0x9e: {  	s19 =	sld [smem:$0x3FDB];
	_ =	sdelay $0x1  }
0x9f: {  	s5 =	simm.s32 $_scs_section_size  }
0xa0: {  	s6 =	simm.s32 $_size__tile_overlayer_lowered;
	s7 =	simm.s32 $_tile_overlayer_lowered  }
0xa1: {  	s22 =	simm.s32 $0x1BFF;
	s21 =	sshll.u32 s7, $0x1;
	s4 =	sadd.s32 s5, s19  }
0xa2: {  	s8 =	simm.s32 $0x0;
	s20 =	sshll.u32 s6, $0x1;
	s6 =	sadd.s32 s21, s4  }
0xa3: {  	[timem:s8], [sflag:s22] =	dma.local [hbm:s6], s20  }
0xa4: {  	_ =	swait.ge [sflag:s22], s20  }
0xa5: {  	s5 =	ssub.s32 $0x0, s20;
	[sflag:s22] =	ssyncset.done $0x0  }
0xa6: {  	[sflag:s22] =	ssyncadd.s32 s5;
	_ =	sdelay $0x1  }
0xa7: {  	s23 =	simm.s32 $0x1B8B  }
0xa8: {  	_ =	swait.ge [sflag:s23], $0x1  }
0xa9: {  	[sflag:s23] =	ssyncset.done $0x0  }
0xaa: {  	s25 =	simm.s32 $0x1B8E;
	s24 =	sld [smem:$0x3FFE];
	[sflag:s23] =	ssyncadd.s32 $0xFFFFFFFF  }
0xab: {  	s26 =	simm.s32 $execute0_lowered;
	[smem:$0x3FD2] =	sst s25  }
0xac: {  	s6 =	sshll.u32 s26, $0x1;
	_ =	strace $0x80000046;
	[dreg:$0x1] =	wrdreg $0xFFFFFFFF  }
0xad: {  	s28 =	simm.s32 $_size_execute0_lowered;
	s4 =	sadd.s32 s4, s6;
	[dreg:$0x0] =	wrdreg $0x0  }
0xae: {  	s6 =	sshll.u32 s28, $0x1;
	[dreg:$0x2] =	wrdreg s4  }
0xaf: {  	[dreg:$0x3] =	wrdreg s6  }
0xb0: {  	[dreg:$0x4] =	wrdreg $0xC0  }
0xb1: {  	_ =	task [dreg:s8], $0x5FFFF  }
0xb2: {  	[dreg:$0x1] =	wrdreg $0xFFFFFFFF  }
0xb3: {  	[dreg:$0x0] =	wrdreg $0x60  }
0xb4: {  	[dreg:$0x2] =	wrdreg s24  }
0xb5: {  	[dreg:$0x3] =	wrdreg s16  }
0xb6: {  	[dreg:$0x4] =	wrdreg s17  }
0xb7: {  	[dreg:$0x5] =	wrdreg $0x30000  }
0xb8: {  	[dreg:$0x6] =	wrdreg $0x9  }
0xb9: {  	_ =	task.clear_ibuf [dreg:s8], $0x7FFFF;
	_ =	strace $0x90000046  }
0xba: {  	s29 =	simm.s32 $0x9;
	_ =	strace $0x80000048  }
0xbb: {  	_ =	swait.ge [sflag:s29], $0x1  }
0xbc: {  	[sflag:s29] =	ssyncadd.s32 $0xFFFFFFFF  }
0xbd: {  	_ =	strace $0x90000048  }
0xbe: {  	_ =	sfence  }
0xbf: {  	s30 =	sld [smem:$0x0];
	_ =	sdelay $0x2  }
0xc0: {  	s31 =	sshll.u32 s1, $0xD;
	s1 =	sshrl.u32 s1, $0x2  }
0xc1: {  	s3 =	sand.u32 $0x4000, s31;
	s1 =	sadd.s32 s1, s30  }
0xc2: {  	s0 =	sor.u32 s3, s0;
	s1 =	sshll.u32 s1, $0x11  }
0xc3: {  	s0 =	sor.u32 s1, s0  }
0xc4: {  	s0 =	sadd.s32 $0x8F2B, s0  }
0xc5: {  	[sflag:s0] =	ssyncadd.remote.s32 $0x1  }
0xc6: {  	_ =	sfence.sel $0xFFFF  }
0xc7: {  	[dreg:$0x0] =	wrdreg $0xFFFFFFFF;
	(pc) =	sbr.abs _section_cstart, $3  }
0xc8: {  	[dreg:$0x1] =	wrdreg $0xFFFFFFFF  }
0xc9: {  	_ =	task.clear_ibuf [dreg:s8], $0x2FFFF;
	_ =	strace $0x9FFFFFFF  }
0xca: {  	(tm) =	ssettm $0x7FFFFFFF  }
0xcb: {  	_ =	shalt  }
tec
execute0_lowered:
.L_overlay_start_1:
0x0: {  	(tag) =	ssettag $0x1  }
0x1: {  	s6 =	rddreg [dreg:$0x0]  }
0x2: {  	s1 =	rddreg [dreg:$0x1]  }
0x3: {  	s2 =	srdreg.scid;
	s3 =	rddreg [dreg:$0x2]  }
0x4: {  	s0 =	stileid.u32;
	s4 =	rddreg [dreg:$0x3];
	s5 =	simm.s32 $0x0  }
0x5: {  	s13 =	simm.s32 $0x80;
	s7 =	sand.u32 $0x1, s2;
	s2 =	rddreg [dreg:$0x4]  }
0x6: {  	s14 =	simm.s32 $0x0;
	s8 =	smul.u32 $0x2780, s0;
	[smem:$0x7FF] =	sst s5  }
0x7: {  	s31 =	sshll.u32 s0, $0x6;
	s9 =	sshll.u32 s7, $0x4;
	s10 =	smul.u32 $0x27800, s7  }
0x8: {  	_ =	strace $0x80000047;
	s7 =	ssub.s32 $0x2, s7;
	s9 =	sor.u32 s0, s9  }
0x9: {  	s30 =	sshrl.u32 s7, $0x1;
	s9 =	smul.u32 $0x500, s9;
	s10 =	sadd.s32 s8, s10  }
0xa: {  	s12 =	sadd.s32 s8, s4;
	s11 =	ssub.s32 s7, s30;
	s10 =	sshrl.u32 s10, $0x3  }
0xb: {  	s9 =	sadd.s32 s9, s6;
	s10 =	sadd.s32 s10, s6;
	s6 =	sor.u32 $0x1C01, s31  }
0xc: {  	s7 =	sadd.s32 $0x5000, s9;
	s8 =	sadd.s32 $0xF000, s10;
	s9 =	smax.u32 s11, $0x1  }
0xd: {  	s10 =	sshrl.u32 s12, $0x3;
	s11 =	simm.s32 $0x1;
	s12 =	simm.s32 $0x2800  }
.LBB2_1:
0xe: {  	[spmem:s10], [sflag:s6] =	dma.local [hbm:s3], $0x4F0  }
0xf: {  	_ =	swait.ge [sflag:s11], $0x4F0  }
0x10: {  	[sflag:s11] =	ssyncset.done $0x0  }
0x11: {  	[sflag:s11] =	ssyncadd.s32 $0xFFFFFB10  }
0x12: {  	[tilespmem:s12], [sflag:$0x1] =	stream.linear.gather [hbm4b:s1+s5], $0x800, $0x38;
	[tilespmem:$0x5780] =	vst v63  }
0x13: {  	_ =	swait.ge [sflag:s11], $0x800  }
0x14: {  	[sflag:s11] =	ssyncset.done $0x0  }
0x15: {  	[sflag:s11] =	ssyncadd.s32 $0xFFFFF800  }
0x16: {  	[tilespmem:s5], [sflag:$0x1] =	stream.linear.gather [hbm4b:s7+s5], $0x2800, $0x38;
	[tilespmem:$0x5780] =	vst v63  }
0x17: {  	_ =	swait.ge [sflag:s11], $0x2800  }
0x18: {  	[sflag:s11] =	ssyncset.done $0x0  }
0x19: {  	[sflag:s11] =	ssyncadd.s32 $0xFFFFD800  }
0x1a: {  	s15 =	simm.s32 $0x0;
	[bflag:$0x0] =	sbarrier.arrive $0xFFFF  }
0x1b: {  	[spmem:s4] =	stream.indirect.scatter.add.f32 [tilespmem:s12], [sflag:$0x1], $0x10, s15, s13, $0xb8;
	[tilespmem:$0x5780] =	vst v63  }
0x1c: {  	_ =	swait.ge [sflag:s11], $0x800  }
0x1d: {  	s15 =	simm.s32 $0x200;
	[sflag:s11] =	ssyncset.done $0x0  }
.LBB2_2:
0x1e: {  	s16 =	sshra.s32 s15, $0x2;
	[sflag:s11] =	ssyncadd.s32 $0xFFFFF800;
	p0 =	sne.s32 s15, $0x9E00  }
0x1f: {  	[spmem:s4] =	stream.indirect.scatter.add.f32 [tilespmem:s12], [sflag:$0x1], $0x10, s16, s13, $0xb8;
	[tilespmem:$0x5780] =	vst v63  }
.Ltmp0:
0x20: {  	_ = 	snop;
	(pc) =	sbr.rel @p0 .LBB2_2-.Ltmp0, $4  }
0x21: {  	_ = 	snop  }
0x22: {  	s15 =	sadd.s32 $0x200, s15  }
0x23: {  	_ =	swait.ge [sflag:s11], $0x800  }
0x24: {  	[sflag:s11] =	ssyncset.done $0x0  }
0x25: {  	s14 =	sadd.s32 $0x1, s14  }
0x26: {  	[sflag:s11] =	ssyncadd.s32 $0xFFFFF800;
	p0 =	sne.s32 s14, s9  }
.Ltmp1:
0x27: {  	[bflag:$0x0] =	sbarrier.arrive $0xFFFF;
	(pc) =	sbr.rel @p0 .LBB2_1-.Ltmp1, $4  }
0x28: {  	[hbm:s8], [sflag:s6] =	dma.local [spmem:s10], $0x4F0  }
0x29: {  	_ =	swait.ge [sflag:s11], $0x4F0  }
0x2a: {  	[sflag:s11] =	ssyncset.done $0x0  }
0x2b: {  	[sflag:s11] =	ssyncadd.s32 $0xFFFFFB10  }
0x2c: {  	_ =	sfence.sel $0x180000  }
0x2d: {  	[bflag:$0x0] =	sbarrier.arrive $0xFFFF  }
0x2e: {  	p0 =	sne.s32 s0, $0x0;
	_ =	strace $0x90000047  }
0x2f: {  	s0 =	sadd.s32 @!p0 $0x100000, s2;
	[bflag:$0x2] =	sbarrier.arrive $0xFFFF  }
0x30: {  	[sflag:s0] =	ssyncadd.tile.s32 @!p0 $0x1;
	_ =	shalt  }
.Lfunc_end2:
_tile_overlayer_lowered:
.L_overlay_start_2:
0x31: {  	(tag) =	ssettag $0x2  }
0x32: {  	s0 =	rddreg [dreg:$0x0];
	s2 =	stileid.u32  }
0x33: {  	s1 =	rddreg [dreg:$0x1];
	p0 =	sne.s32 s2, $0x0  }
0x34: {  	s3 =	rddreg [dreg:$0x2];
	[bflag:$0x3] =	sbarrier.arrive $0xFFFF;
	s2 =	simm.s32 @!p0 $0x1C01  }
0x35: {  	[timem:s3], [sflag:s2] =	dma.local @!p0 [hbm:s0], s1  }
0x36: {  	s0 =	simm.s32 @!p0 $0x1  }
0x37: {  	_ =	swait.ge @!p0 [sflag:s0], s1  }
0x38: {  	s1 =	ssub.s32 @!p0 $0x0, s1;
	[sflag:s0] =	ssyncset.done @!p0 $0x0  }
0x39: {  	[sflag:s0] =	ssyncadd.s32 @!p0 s1  }
0x3a: {  	[bflag:$0x3] =	sbarrier.arrive $0xFFFF  }
0x3b: {  	_ =	shalt  }

</sc_bundles>
